<compile_context>
chip_gen: v7x
topology: tpu7x:2x2x1
jax: 0.10.2.dev20260603
libtpu: 0.0.44.dev20260713+nightly
codegen_flags: <defaults>
</compile_context>

<pallas_src>
import functools

import jax
import jax.numpy as jnp
from jax import lax
from jax.experimental import pallas as pl
from jax.experimental.pallas import tpu as pltpu
from jax.experimental.pallas import tpu_sc as plsc

NC = 2
NS = 16
NW = NC * NS
C = 128
ZC = 128
DEGW = 16


def _round_up(v, m):
    return (v + m - 1) // m * m



def _sc_degree(e_grp, n_pad):
    CH = e_grp.shape[1] - 1
    R = n_pad // NS

    mesh = plsc.VectorSubcoreMesh(
        core_axis_name="c", subcore_axis_name="s", num_cores=NC,
        num_subcores=NS)

    @functools.partial(
        pl.kernel,
        out_type=jax.ShapeDtypeStruct((NC, n_pad, DEGW), jnp.float32),
        mesh=mesh,
        scratch_types=[
            pltpu.VMEM_SHARED((n_pad, DEGW), jnp.float32),
            pltpu.VMEM((CH + 1, 2, C), jnp.int32),
            pltpu.VMEM((C, DEGW), jnp.float32),
            pltpu.VMEM((ZC, DEGW), jnp.float32),
        ],
    )
    def deg_kernel(e_hbm, out_hbm, acc_sh, e_v, ones_v, zeros_v):
        cid = lax.axis_index("c")
        sid = lax.axis_index("s")
        wid = sid * NC + cid

        def fill_ones(i, _):
            ones_v[i] = jnp.full((DEGW,), 1.0, jnp.float32)
            return 0
        lax.fori_loop(0, C, fill_ones, 0)

        def fill_zeros(i, _):
            zeros_v[i] = jnp.zeros((DEGW,), jnp.float32)
            return 0
        lax.fori_loop(0, ZC, fill_zeros, 0)

        for t in range(R // ZC):
            pltpu.sync_copy(zeros_v, acc_sh.at[pl.ds(sid * R + t * ZC, ZC)])
        plsc.subcore_barrier()

        pltpu.sync_copy(e_hbm.at[wid], e_v)

        def body(j, _):
            pltpu.sync_copy(ones_v, acc_sh.at[e_v.at[j, 1]], add=True)
            return 0
        lax.fori_loop(0, CH, body, 0)

        plsc.subcore_barrier()
        pltpu.sync_copy(acc_sh.at[pl.ds(sid * R, R)],
                        out_hbm.at[cid, pl.ds(sid * R, R)])

    return deg_kernel(e_grp)


def _sc_aggregate(g_half, e_grp):
    _, n_pad, HD = g_half.shape
    CH = e_grp.shape[1] - 1
    R = n_pad // NS
    MCH = 2 * CH + 1
    mesh = plsc.VectorSubcoreMesh(
        core_axis_name="c", subcore_axis_name="s", num_cores=NC,
        num_subcores=NS)

    @functools.partial(
        pl.kernel,
        out_type=jax.ShapeDtypeStruct((NC, n_pad, HD), jnp.float32),
        mesh=mesh,
        scratch_types=[
            pltpu.VMEM_SHARED((n_pad, HD), jnp.float32),
            pltpu.VMEM_SHARED((n_pad, HD), jnp.float32),
            pltpu.VMEM((2, 2, C), jnp.int32),
            pltpu.VMEM((2, C), jnp.int32),
            pltpu.VMEM((2, C, HD), jnp.float32),
            [pltpu.SemaphoreType.DMA] * 2,
            [pltpu.SemaphoreType.DMA] * 2,
        ],
    )
    def agg_kernel(g_hbm, e_hbm, out_hbm, acc_sh, g_sh, e_v, d_v, rows_v,
                   gsem, isem):
        cid = lax.axis_index("c")
        sid = lax.axis_index("s")

        pltpu.sync_copy(g_hbm.at[cid, pl.ds(sid * R, R)],
                        g_sh.at[pl.ds(sid * R, R)])
        for t in range(R // ZC):
            pltpu.sync_copy(g_hbm.at[cid, pl.ds(n_pad - ZC, ZC)],
                            acc_sh.at[pl.ds(sid * R + t * ZC, ZC)])
        plsc.subcore_barrier()

        def stage_idx(b, j):
            over = j >= CH
            dummy = j >= 2 * CH
            w_sel = jnp.where(dummy, 2 * sid,
                              jnp.where(over, 2 * sid + 1, 2 * sid))
            j_sel = jnp.where(dummy, CH, jnp.where(over, j - CH, j))
            pltpu.async_copy(e_hbm.at[w_sel, j_sel], e_v.at[b], isem[b])

        def wait_idx(b):
            pltpu.make_async_copy(
                e_hbm.at[0, 0], e_v.at[b], isem[b]).wait()

        def start_gather(b):
            pltpu.async_copy(g_sh.at[e_v.at[b, 0]], rows_v.at[b], gsem[b])

        def wait_gather(b):
            pltpu.make_async_copy(
                g_sh.at[e_v.at[b, 0]], rows_v.at[b], gsem[b]).wait()

        def save_dst(b):
            for t in range(C // 16):
                d_v[b, pl.ds(t * 16, 16)] = e_v[b, 1, pl.ds(t * 16, 16)]

        def scatter(b):
            pltpu.sync_copy(rows_v.at[b], acc_sh.at[d_v.at[b]], add=True)

        PAIRS = (MCH - 1) // 2
        stage_idx(0, 0)
        wait_idx(0)
        start_gather(0)
        save_dst(0)
        stage_idx(1, 1)

        def round_body(i, _):
            a = 2 * i
            wait_idx(1)
            start_gather(1)
            save_dst(1)
            wait_gather(0)
            stage_idx(0, a + 2)
            scatter(0)
            wait_idx(0)
            start_gather(0)
            save_dst(0)
            wait_gather(1)
            stage_idx(1, a + 3)
            scatter(1)
            return 0
        lax.fori_loop(0, PAIRS, round_body, 0)

        wait_gather(0)
        scatter(0)
        wait_idx(1)

        plsc.subcore_barrier()
        pltpu.sync_copy(acc_sh.at[pl.ds(sid * R, R)],
                        out_hbm.at[cid, pl.ds(sid * R, R)])

    return agg_kernel(g_half, e_grp)



_SELU_ALPHA = 1.6732632423543772848170429916717
_SELU_SCALE = 1.0507009873554804934193349852946


def _selu(x):
    return _SELU_SCALE * jnp.where(x > 0, x, _SELU_ALPHA * (jnp.exp(x) - 1.0))


def _dinv_of(deg_ref):
    d = deg_ref[0][:, 0:1] + deg_ref[1][:, 0:1] + 1.0
    return lax.rsqrt(d)


def _row_mask(n_pad, n_valid):
    rows = lax.broadcasted_iota(jnp.int32, (n_pad, 1), 0)
    return rows < n_valid


def _tc_first(x_pad, deg, W1):
    n_pad, D = x_pad.shape
    HD = D // NC

    def body(x_ref, deg_ref, w_ref, g_ref):
        dinv = _dinv_of(deg_ref)
        t = lax.dot_general(x_ref[...], w_ref[...],
                            (((1,), (1,)), ((), ())),
                            preferred_element_type=jnp.float32)
        g = dinv * t
        g_ref[0] = g[:, :HD]
        g_ref[1] = g[:, HD:]

    return pl.pallas_call(
        body,
        out_shape=jax.ShapeDtypeStruct((NC, n_pad, HD), jnp.float32),
    )(x_pad, deg, W1)


def _tc_mid(agg, g, deg, b, Wn, n_valid):
    _, n_pad, HD = g.shape

    def body(agg_ref, g_ref, deg_ref, b_ref, w_ref, o_ref):
        dinv = _dinv_of(deg_ref)
        s = jnp.concatenate([agg_ref[0] + g_ref[0], agg_ref[1] + g_ref[1]],
                            axis=1)
        y = dinv * s + b_ref[...]
        h = _selu(y)
        t = lax.dot_general(h, w_ref[...], (((1,), (1,)), ((), ())),
                            preferred_element_type=jnp.float32)
        gn = jnp.where(_row_mask(n_pad, n_valid), dinv * t, 0.0)
        o_ref[0] = gn[:, :HD]
        o_ref[1] = gn[:, HD:]

    return pl.pallas_call(
        body,
        out_shape=jax.ShapeDtypeStruct((NC, n_pad, HD), jnp.float32),
    )(agg, g, deg, b, Wn)


def _tc_last(agg, g, deg, b):
    _, n_pad, HD = g.shape
    D = NC * HD

    def body(agg_ref, g_ref, deg_ref, b_ref, o_ref):
        dinv = _dinv_of(deg_ref)
        s = jnp.concatenate([agg_ref[0] + g_ref[0], agg_ref[1] + g_ref[1]],
                            axis=1)
        y = dinv * s + b_ref[...]
        nrm = jnp.sqrt(jnp.sum(y * y, axis=1, keepdims=True))
        o_ref[...] = y / jnp.maximum(nrm, 1e-12)

    return pl.pallas_call(
        body,
        out_shape=jax.ShapeDtypeStruct((n_pad, D), jnp.float32),
    )(agg, g, deg, b)



def kernel(x, edge_index, W1, b1, W2, b2, W3, b3, W4, b4):
    N, D = x.shape
    E = edge_index.shape[1]

    n_pad = _round_up(N + 1, NS * ZC)
    e_pad = _round_up(E, NW * C)
    CH = e_pad // (NW * C)
    if CH % 2 == 0:
        CH += 1
        e_pad = NW * C * CH

    pad = jnp.full((e_pad - E,), N, jnp.int32)
    src_grp = jnp.concatenate([edge_index[0], pad]).reshape(NW, CH, C)
    dst_grp = jnp.concatenate([edge_index[1], pad]).reshape(NW, CH, C)
    e_grp = jnp.stack([src_grp, dst_grp], axis=2)
    k = jnp.arange(C, dtype=jnp.int32)
    w = jnp.arange(NW, dtype=jnp.int32)[:, None]
    span = n_pad - N - 1
    d_src = N + ((w * 37 + k) % (n_pad - N))
    d_dst = N + 1 + ((w * 53 + k * 7) % span)
    dummy = jnp.stack([d_src, d_dst], axis=1)[:, None, :, :]
    e_grp = jnp.concatenate([e_grp, dummy], axis=1)
    x_pad = jnp.pad(x, ((0, n_pad - N), (0, 0)))

    deg = _sc_degree(e_grp, n_pad)

    bs = [jnp.reshape(b, (1, D)) for b in (b1, b2, b3, b4)]
    Ws = [W1, W2, W3, W4]

    g = _tc_first(x_pad, deg, Ws[0])
    for i in range(3):
        agg = _sc_aggregate(g, e_grp)
        g = _tc_mid(agg, g, deg, bs[i], Ws[i + 1], N)
    agg = _sc_aggregate(g, e_grp)
    out = _tc_last(agg, g, deg, bs[3])
    return out[:N]

# --- scband reference (transcript-rebuilt; emitter-appended) ---
"""Pipeline reference for scband-gcn-46213848105685 (READ-ONLY COPY).

The authoritative reference and input builder live on the scoring server;
editing this copy changes nothing except your own understanding.
"""

import jax, jax.numpy as jnp
import numpy as np

N = 10000
E = 320000
D_IN = 128
H = [128, 128, 128]
D_OUT = 128


def setup_inputs(seed: int = 0) -> dict:
    key = jax.random.key(seed)
    ks = jax.random.split(key, 12)
    x = jax.random.normal(ks[0], (N, D_IN), dtype=jnp.float32)
    edge_index = jax.random.randint(ks[1], (2, E), 0, N, dtype=jnp.int32)
    dims = [(H[0], D_IN), (H[1], H[0]), (H[2], H[1]), (D_OUT, H[2])]
    inp = {"x": x, "edge_index": edge_index}
    for i, (dout, din) in enumerate(dims):
        scale = 1.0 / np.sqrt(din)
        inp[f"W{i+1}"] = jax.random.normal(ks[2 + 2 * i], (dout, din), dtype=jnp.float32) * scale
        inp[f"b{i+1}"] = jnp.zeros((dout,), dtype=jnp.float32)
    return inp


def _gcn_conv(x, edge_index, W, b):
    # GCNConv: linear -> sym-normalized aggregation with self-loops -> bias
    n = x.shape[0]
    h = x @ W.T
    loop = jnp.arange(n, dtype=edge_index.dtype)
    src = jnp.concatenate([edge_index[0], loop])
    dst = jnp.concatenate([edge_index[1], loop])
    deg = jnp.zeros((n,), dtype=h.dtype).at[dst].add(1.0)
    dinv = jnp.where(deg > 0, 1.0 / jnp.sqrt(deg), 0.0)
    norm = dinv[src] * dinv[dst]
    out = jnp.zeros_like(h).at[dst].add(norm[:, None] * h[src])
    return out + b


def _l2_normalize(x, eps=1e-12):
    nrm = jnp.sqrt(jnp.sum(x * x, axis=1, keepdims=True))
    return x / jnp.maximum(nrm, eps)


def reference(x, edge_index, W1, b1, W2, b2, W3, b3, W4, b4):
    # eval mode: dropout is identity
    h = _gcn_conv(x, edge_index, W1, b1)
    h = jax.nn.selu(h)
    h = _gcn_conv(h, edge_index, W2, b2)
    h = jax.nn.selu(h)
    h = _gcn_conv(h, edge_index, W3, b3)
    h = jax.nn.selu(h)
    h = _gcn_conv(h, edge_index, W4, b4)
    return _l2_normalize(h)

if __name__ == "__main__":
    import jax
    _d = setup_inputs()
    print(jax.jit(kernel)(*tuple(_d.values())))

</pallas_src>

<mosaic_0001>
#map = affine_map<(d0, d1) -> (0, 0, 0)>
#map1 = affine_map<(d0, d1) -> (0, 0, 0, 0)>
module attributes {stable_mosaic.version = 14 : i64} {
  func.func @agg_kernel(%arg0: i32, %arg1: i32, %arg2: memref<2x10240x64xf32, #tpu.memory_space<hbm>>, %arg3: memref<32x80x2x128xi32, #tpu.memory_space<hbm>>, %arg4: memref<2x10240x64xf32, #tpu.memory_space<hbm>>, %arg5: memref<10240x64xf32, #tpu.memory_space<vmem_shared>>, %arg6: memref<10240x64xf32, #tpu.memory_space<vmem_shared>>, %arg7: memref<2x2x128xi32, #tpu.memory_space<vmem>>, %arg8: memref<2x128xi32, #tpu.memory_space<vmem>>, %arg9: memref<2x128x64xf32, #tpu.memory_space<vmem>>, %arg10: memref<!tpu.dma_semaphore, #tpu.memory_space<semaphore_mem>>, %arg11: memref<!tpu.dma_semaphore, #tpu.memory_space<semaphore_mem>>, %arg12: memref<!tpu.dma_semaphore, #tpu.memory_space<semaphore_mem>>, %arg13: memref<!tpu.dma_semaphore, #tpu.memory_space<semaphore_mem>>) attributes {dimension_semantics = [#tpu.dimension_semantics<core_parallel>, #tpu.dimension_semantics<subcore_parallel>], iteration_bounds = array<i64: 2, 16>, scalar_prefetch = 0 : i64, scratch_operands = 9 : i64, tpu.core_type = #tpu.core_type<sc_vector_subcore>, window_params = [{transform_indices = #map}, {transform_indices = #map1}, {transform_indices = #map}]} {
    %mul3A = arith.constant 640 : i32
    %mul3A_0 = arith.muli %arg1, %mul3A : i32
    %mul3A_1 = arith.constant 640 : i32
    %mul3A_2 = arith.muli %arg1, %mul3A_1 : i32
    "tpu.region"() ({
      %run_scoped3A_268 = tpu.sem_alloc : memref<!tpu.dma_semaphore, #tpu.memory_space<semaphore_mem>>
      %dma_start3A_269 = arith.constant 0 : i32
      %dma_start3A_270 = tpu.memref_slice %arg6[%mul3A_2, %dma_start3A_269] : memref<10240x64xf32, #tpu.memory_space<vmem_shared>> -> memref<640x64xf32, #tpu.memory_space<vmem_shared>>
      %dma_start3A_271 = arith.constant 0 : i32
      %dma_start3A_272 = tpu.memref_slice %arg2[%arg0, %mul3A_0, %dma_start3A_271] : memref<2x10240x64xf32, #tpu.memory_space<hbm>> -> memref<1x640x64xf32, #tpu.memory_space<hbm>>
      %dma_start3A_273 = tpu.memref_squeeze %dma_start3A_272 : memref<1x640x64xf32, #tpu.memory_space<hbm>> -> memref<640x64xf32, #tpu.memory_space<hbm>>
      tpu.enqueue_dma source(%dma_start3A_273 : memref<640x64xf32, #tpu.memory_space<hbm>>) target(%dma_start3A_270 : memref<640x64xf32, #tpu.memory_space<vmem_shared>>) target_semaphore(%run_scoped3A_268 : memref<!tpu.dma_semaphore, #tpu.memory_space<semaphore_mem>>)
      %dma_wait3A_274 = arith.constant 0 : i32
      %dma_wait3A_275 = tpu.memref_slice %arg6[%mul3A_2, %dma_wait3A_274] : memref<10240x64xf32, #tpu.memory_space<vmem_shared>> -> memref<640x64xf32, #tpu.memory_space<vmem_shared>>
      %dma_wait3A_276 = arith.constant 0 : i32
      %dma_wait3A_277 = tpu.memref_slice %arg2[%arg0, %mul3A_0, %dma_wait3A_276] : memref<2x10240x64xf32, #tpu.memory_space<hbm>> -> memref<1x640x64xf32, #tpu.memory_space<hbm>>
      %dma_wait3A_278 = tpu.memref_squeeze %dma_wait3A_277 : memref<1x640x64xf32, #tpu.memory_space<hbm>> -> memref<640x64xf32, #tpu.memory_space<hbm>>
      tpu.wait_dma2 semaphore(%run_scoped3A_268 : memref<!tpu.dma_semaphore, #tpu.memory_space<semaphore_mem>>) src(%dma_wait3A_278 : memref<640x64xf32, #tpu.memory_space<hbm>>) dst(%dma_wait3A_275 : memref<640x64xf32, #tpu.memory_space<vmem_shared>>)
      tpu.yield
    }) : () -> ()
    %mul3A_3 = arith.constant 640 : i32
    %mul3A_4 = arith.muli %arg1, %mul3A_3 : i32
    %add3A = arith.constant 0 : i32
    %add3A_5 = arith.addi %mul3A_4, %add3A : i32
    "tpu.region"() ({
      %run_scoped3A_268 = tpu.sem_alloc : memref<!tpu.dma_semaphore, #tpu.memory_space<semaphore_mem>>
      %dma_start3A_269 = arith.constant 0 : i32
      %dma_start3A_270 = tpu.memref_slice %arg5[%add3A_5, %dma_start3A_269] : memref<10240x64xf32, #tpu.memory_space<vmem_shared>> -> memref<128x64xf32, #tpu.memory_space<vmem_shared>>
      %dma_start3A_271 = arith.constant 10112 : i32
      %dma_start3A_272 = arith.constant 0 : i32
      %dma_start3A_273 = tpu.memref_slice %arg2[%arg0, %dma_start3A_271, %dma_start3A_272] : memref<2x10240x64xf32, #tpu.memory_space<hbm>> -> memref<1x128x64xf32, #tpu.memory_space<hbm>>
      %dma_start3A_274 = tpu.memref_squeeze %dma_start3A_273 : memref<1x128x64xf32, #tpu.memory_space<hbm>> -> memref<128x64xf32, #tpu.memory_space<hbm>>
      tpu.enqueue_dma source(%dma_start3A_274 : memref<128x64xf32, #tpu.memory_space<hbm>>) target(%dma_start3A_270 : memref<128x64xf32, #tpu.memory_space<vmem_shared>>) target_semaphore(%run_scoped3A_268 : memref<!tpu.dma_semaphore, #tpu.memory_space<semaphore_mem>>)
      %dma_wait3A_275 = arith.constant 0 : i32
      %dma_wait3A_276 = tpu.memref_slice %arg5[%add3A_5, %dma_wait3A_275] : memref<10240x64xf32, #tpu.memory_space<vmem_shared>> -> memref<128x64xf32, #tpu.memory_space<vmem_shared>>
      %dma_wait3A_277 = arith.constant 10112 : i32
      %dma_wait3A_278 = arith.constant 0 : i32
      %dma_wait3A_279 = tpu.memref_slice %arg2[%arg0, %dma_wait3A_277, %dma_wait3A_278] : memref<2x10240x64xf32, #tpu.memory_space<hbm>> -> memref<1x128x64xf32, #tpu.memory_space<hbm>>
      %dma_wait3A_280 = tpu.memref_squeeze %dma_wait3A_279 : memref<1x128x64xf32, #tpu.memory_space<hbm>> -> memref<128x64xf32, #tpu.memory_space<hbm>>
      tpu.wait_dma2 semaphore(%run_scoped3A_268 : memref<!tpu.dma_semaphore, #tpu.memory_space<semaphore_mem>>) src(%dma_wait3A_280 : memref<128x64xf32, #tpu.memory_space<hbm>>) dst(%dma_wait3A_276 : memref<128x64xf32, #tpu.memory_space<vmem_shared>>)
      tpu.yield
    }) : () -> ()
    %mul3A_6 = arith.constant 640 : i32
    %mul3A_7 = arith.muli %arg1, %mul3A_6 : i32
    %add3A_8 = arith.constant 128 : i32
    %add3A_9 = arith.addi %mul3A_7, %add3A_8 : i32
    "tpu.region"() ({
      %run_scoped3A_268 = tpu.sem_alloc : memref<!tpu.dma_semaphore, #tpu.memory_space<semaphore_mem>>
      %dma_start3A_269 = arith.constant 0 : i32
      %dma_start3A_270 = tpu.memref_slice %arg5[%add3A_9, %dma_start3A_269] : memref<10240x64xf32, #tpu.memory_space<vmem_shared>> -> memref<128x64xf32, #tpu.memory_space<vmem_shared>>
      %dma_start3A_271 = arith.constant 10112 : i32
      %dma_start3A_272 = arith.constant 0 : i32
      %dma_start3A_273 = tpu.memref_slice %arg2[%arg0, %dma_start3A_271, %dma_start3A_272] : memref<2x10240x64xf32, #tpu.memory_space<hbm>> -> memref<1x128x64xf32, #tpu.memory_space<hbm>>
      %dma_start3A_274 = tpu.memref_squeeze %dma_start3A_273 : memref<1x128x64xf32, #tpu.memory_space<hbm>> -> memref<128x64xf32, #tpu.memory_space<hbm>>
      tpu.enqueue_dma source(%dma_start3A_274 : memref<128x64xf32, #tpu.memory_space<hbm>>) target(%dma_start3A_270 : memref<128x64xf32, #tpu.memory_space<vmem_shared>>) target_semaphore(%run_scoped3A_268 : memref<!tpu.dma_semaphore, #tpu.memory_space<semaphore_mem>>)
      %dma_wait3A_275 = arith.constant 0 : i32
      %dma_wait3A_276 = tpu.memref_slice %arg5[%add3A_9, %dma_wait3A_275] : memref<10240x64xf32, #tpu.memory_space<vmem_shared>> -> memref<128x64xf32, #tpu.memory_space<vmem_shared>>
      %dma_wait3A_277 = arith.constant 10112 : i32
      %dma_wait3A_278 = arith.constant 0 : i32
      %dma_wait3A_279 = tpu.memref_slice %arg2[%arg0, %dma_wait3A_277, %dma_wait3A_278] : memref<2x10240x64xf32, #tpu.memory_space<hbm>> -> memref<1x128x64xf32, #tpu.memory_space<hbm>>
      %dma_wait3A_280 = tpu.memref_squeeze %dma_wait3A_279 : memref<1x128x64xf32, #tpu.memory_space<hbm>> -> memref<128x64xf32, #tpu.memory_space<hbm>>
      tpu.wait_dma2 semaphore(%run_scoped3A_268 : memref<!tpu.dma_semaphore, #tpu.memory_space<semaphore_mem>>) src(%dma_wait3A_280 : memref<128x64xf32, #tpu.memory_space<hbm>>) dst(%dma_wait3A_276 : memref<128x64xf32, #tpu.memory_space<vmem_shared>>)
      tpu.yield
    }) : () -> ()
    %mul3A_10 = arith.constant 640 : i32
    %mul3A_11 = arith.muli %arg1, %mul3A_10 : i32
    %add3A_12 = arith.constant 256 : i32
    %add3A_13 = arith.addi %mul3A_11, %add3A_12 : i32
    "tpu.region"() ({
      %run_scoped3A_268 = tpu.sem_alloc : memref<!tpu.dma_semaphore, #tpu.memory_space<semaphore_mem>>
      %dma_start3A_269 = arith.constant 0 : i32
      %dma_start3A_270 = tpu.memref_slice %arg5[%add3A_13, %dma_start3A_269] : memref<10240x64xf32, #tpu.memory_space<vmem_shared>> -> memref<128x64xf32, #tpu.memory_space<vmem_shared>>
      %dma_start3A_271 = arith.constant 10112 : i32
      %dma_start3A_272 = arith.constant 0 : i32
      %dma_start3A_273 = tpu.memref_slice %arg2[%arg0, %dma_start3A_271, %dma_start3A_272] : memref<2x10240x64xf32, #tpu.memory_space<hbm>> -> memref<1x128x64xf32, #tpu.memory_space<hbm>>
      %dma_start3A_274 = tpu.memref_squeeze %dma_start3A_273 : memref<1x128x64xf32, #tpu.memory_space<hbm>> -> memref<128x64xf32, #tpu.memory_space<hbm>>
      tpu.enqueue_dma source(%dma_start3A_274 : memref<128x64xf32, #tpu.memory_space<hbm>>) target(%dma_start3A_270 : memref<128x64xf32, #tpu.memory_space<vmem_shared>>) target_semaphore(%run_scoped3A_268 : memref<!tpu.dma_semaphore, #tpu.memory_space<semaphore_mem>>)
      %dma_wait3A_275 = arith.constant 0 : i32
      %dma_wait3A_276 = tpu.memref_slice %arg5[%add3A_13, %dma_wait3A_275] : memref<10240x64xf32, #tpu.memory_space<vmem_shared>> -> memref<128x64xf32, #tpu.memory_space<vmem_shared>>
      %dma_wait3A_277 = arith.constant 10112 : i32
      %dma_wait3A_278 = arith.constant 0 : i32
      %dma_wait3A_279 = tpu.memref_slice %arg2[%arg0, %dma_wait3A_277, %dma_wait3A_278] : memref<2x10240x64xf32, #tpu.memory_space<hbm>> -> memref<1x128x64xf32, #tpu.memory_space<hbm>>
      %dma_wait3A_280 = tpu.memref_squeeze %dma_wait3A_279 : memref<1x128x64xf32, #tpu.memory_space<hbm>> -> memref<128x64xf32, #tpu.memory_space<hbm>>
      tpu.wait_dma2 semaphore(%run_scoped3A_268 : memref<!tpu.dma_semaphore, #tpu.memory_space<semaphore_mem>>) src(%dma_wait3A_280 : memref<128x64xf32, #tpu.memory_space<hbm>>) dst(%dma_wait3A_276 : memref<128x64xf32, #tpu.memory_space<vmem_shared>>)
      tpu.yield
    }) : () -> ()
    %mul3A_14 = arith.constant 640 : i32
    %mul3A_15 = arith.muli %arg1, %mul3A_14 : i32
    %add3A_16 = arith.constant 384 : i32
    %add3A_17 = arith.addi %mul3A_15, %add3A_16 : i32
    "tpu.region"() ({
      %run_scoped3A_268 = tpu.sem_alloc : memref<!tpu.dma_semaphore, #tpu.memory_space<semaphore_mem>>
      %dma_start3A_269 = arith.constant 0 : i32
      %dma_start3A_270 = tpu.memref_slice %arg5[%add3A_17, %dma_start3A_269] : memref<10240x64xf32, #tpu.memory_space<vmem_shared>> -> memref<128x64xf32, #tpu.memory_space<vmem_shared>>
      %dma_start3A_271 = arith.constant 10112 : i32
      %dma_start3A_272 = arith.constant 0 : i32
      %dma_start3A_273 = tpu.memref_slice %arg2[%arg0, %dma_start3A_271, %dma_start3A_272] : memref<2x10240x64xf32, #tpu.memory_space<hbm>> -> memref<1x128x64xf32, #tpu.memory_space<hbm>>
      %dma_start3A_274 = tpu.memref_squeeze %dma_start3A_273 : memref<1x128x64xf32, #tpu.memory_space<hbm>> -> memref<128x64xf32, #tpu.memory_space<hbm>>
      tpu.enqueue_dma source(%dma_start3A_274 : memref<128x64xf32, #tpu.memory_space<hbm>>) target(%dma_start3A_270 : memref<128x64xf32, #tpu.memory_space<vmem_shared>>) target_semaphore(%run_scoped3A_268 : memref<!tpu.dma_semaphore, #tpu.memory_space<semaphore_mem>>)
      %dma_wait3A_275 = arith.constant 0 : i32
      %dma_wait3A_276 = tpu.memref_slice %arg5[%add3A_17, %dma_wait3A_275] : memref<10240x64xf32, #tpu.memory_space<vmem_shared>> -> memref<128x64xf32, #tpu.memory_space<vmem_shared>>
      %dma_wait3A_277 = arith.constant 10112 : i32
      %dma_wait3A_278 = arith.constant 0 : i32
      %dma_wait3A_279 = tpu.memref_slice %arg2[%arg0, %dma_wait3A_277, %dma_wait3A_278] : memref<2x10240x64xf32, #tpu.memory_space<hbm>> -> memref<1x128x64xf32, #tpu.memory_space<hbm>>
      %dma_wait3A_280 = tpu.memref_squeeze %dma_wait3A_279 : memref<1x128x64xf32, #tpu.memory_space<hbm>> -> memref<128x64xf32, #tpu.memory_space<hbm>>
      tpu.wait_dma2 semaphore(%run_scoped3A_268 : memref<!tpu.dma_semaphore, #tpu.memory_space<semaphore_mem>>) src(%dma_wait3A_280 : memref<128x64xf32, #tpu.memory_space<hbm>>) dst(%dma_wait3A_276 : memref<128x64xf32, #tpu.memory_space<vmem_shared>>)
      tpu.yield
    }) : () -> ()
    %mul3A_18 = arith.constant 640 : i32
    %mul3A_19 = arith.muli %arg1, %mul3A_18 : i32
    %add3A_20 = arith.constant 512 : i32
    %add3A_21 = arith.addi %mul3A_19, %add3A_20 : i32
    "tpu.region"() ({
      %run_scoped3A_268 = tpu.sem_alloc : memref<!tpu.dma_semaphore, #tpu.memory_space<semaphore_mem>>
      %dma_start3A_269 = arith.constant 0 : i32
      %dma_start3A_270 = tpu.memref_slice %arg5[%add3A_21, %dma_start3A_269] : memref<10240x64xf32, #tpu.memory_space<vmem_shared>> -> memref<128x64xf32, #tpu.memory_space<vmem_shared>>
      %dma_start3A_271 = arith.constant 10112 : i32
      %dma_start3A_272 = arith.constant 0 : i32
      %dma_start3A_273 = tpu.memref_slice %arg2[%arg0, %dma_start3A_271, %dma_start3A_272] : memref<2x10240x64xf32, #tpu.memory_space<hbm>> -> memref<1x128x64xf32, #tpu.memory_space<hbm>>
      %dma_start3A_274 = tpu.memref_squeeze %dma_start3A_273 : memref<1x128x64xf32, #tpu.memory_space<hbm>> -> memref<128x64xf32, #tpu.memory_space<hbm>>
      tpu.enqueue_dma source(%dma_start3A_274 : memref<128x64xf32, #tpu.memory_space<hbm>>) target(%dma_start3A_270 : memref<128x64xf32, #tpu.memory_space<vmem_shared>>) target_semaphore(%run_scoped3A_268 : memref<!tpu.dma_semaphore, #tpu.memory_space<semaphore_mem>>)
      %dma_wait3A_275 = arith.constant 0 : i32
      %dma_wait3A_276 = tpu.memref_slice %arg5[%add3A_21, %dma_wait3A_275] : memref<10240x64xf32, #tpu.memory_space<vmem_shared>> -> memref<128x64xf32, #tpu.memory_space<vmem_shared>>
      %dma_wait3A_277 = arith.constant 10112 : i32
      %dma_wait3A_278 = arith.constant 0 : i32
      %dma_wait3A_279 = tpu.memref_slice %arg2[%arg0, %dma_wait3A_277, %dma_wait3A_278] : memref<2x10240x64xf32, #tpu.memory_space<hbm>> -> memref<1x128x64xf32, #tpu.memory_space<hbm>>
      %dma_wait3A_280 = tpu.memref_squeeze %dma_wait3A_279 : memref<1x128x64xf32, #tpu.memory_space<hbm>> -> memref<128x64xf32, #tpu.memory_space<hbm>>
      tpu.wait_dma2 semaphore(%run_scoped3A_268 : memref<!tpu.dma_semaphore, #tpu.memory_space<semaphore_mem>>) src(%dma_wait3A_280 : memref<128x64xf32, #tpu.memory_space<hbm>>) dst(%dma_wait3A_276 : memref<128x64xf32, #tpu.memory_space<vmem_shared>>)
      tpu.yield
    }) : () -> ()
    %barrier3A = arith.constant 0 : index
    tpu.barrier barrier_id(%barrier3A)
    %mul3A_22 = arith.constant 2 : i32
    %mul3A_23 = arith.muli %mul3A_22, %arg1 : i32
    %mul3A_24 = arith.constant 2 : i32
    %mul3A_25 = arith.muli %mul3A_24, %arg1 : i32
    %add3A_26 = arith.constant 1 : i32
    %add3A_27 = arith.addi %mul3A_25, %add3A_26 : i32
    %mul3A_28 = arith.constant 2 : i32
    %mul3A_29 = arith.muli %mul3A_28, %arg1 : i32
    %jit3A = arith.constant false
    %select_n3A = arith.select %jit3A, %add3A_27, %mul3A_29 : i32
    %jit3A_30 = arith.constant false
    %select_n3A_31 = arith.select %jit3A_30, %mul3A_23, %select_n3A : i32
    %jit3A_32 = arith.constant false
    %jit3A_33 = arith.constant -79 : i32
    %jit3A_34 = arith.constant 0 : i32
    %select_n3A_35 = arith.select %jit3A_32, %jit3A_33, %jit3A_34 : i32
    %jit3A_36 = arith.constant false
    %jit3A_37 = arith.constant 79 : i32
    %select_n3A_38 = arith.select %jit3A_36, %jit3A_37, %select_n3A_35 : i32
    %dma_start3A = arith.constant 0 : i32
    %dma_start3A_39 = arith.constant 0 : i32
    %dma_start3A_40 = arith.constant 0 : i32
    %dma_start3A_41 = tpu.memref_slice %arg7[%dma_start3A, %dma_start3A_39, %dma_start3A_40] : memref<2x2x128xi32, #tpu.memory_space<vmem>> -> memref<1x2x128xi32, #tpu.memory_space<vmem>>
    %dma_start3A_42 = tpu.memref_squeeze %dma_start3A_41 : memref<1x2x128xi32, #tpu.memory_space<vmem>> -> memref<2x128xi32, #tpu.memory_space<vmem>>
    %dma_start3A_43 = arith.constant 0 : i32
    %dma_start3A_44 = arith.constant 0 : i32
    %dma_start3A_45 = tpu.memref_slice %arg3[%select_n3A_31, %select_n3A_38, %dma_start3A_43, %dma_start3A_44] : memref<32x80x2x128xi32, #tpu.memory_space<hbm>> -> memref<1x1x2x128xi32, #tpu.memory_space<hbm>>
    %dma_start3A_46 = tpu.memref_squeeze %dma_start3A_45 : memref<1x1x2x128xi32, #tpu.memory_space<hbm>> -> memref<2x128xi32, #tpu.memory_space<hbm>>
    %dma_start3A_47 = arith.constant 0 : i32
    %dma_start3A_48 = arith.constant 0 : i32
    %dma_start3A_49 = tpu.memref_slice %arg7[%dma_start3A, %dma_start3A_47, %dma_start3A_48] : memref<2x2x128xi32, #tpu.memory_space<vmem>> -> memref<1x2x128xi32, #tpu.memory_space<vmem>>
    %dma_start3A_50 = tpu.memref_squeeze %dma_start3A_49 : memref<1x2x128xi32, #tpu.memory_space<vmem>> -> memref<2x128xi32, #tpu.memory_space<vmem>>
    %dma_start3A_51 = arith.constant 0 : i32
    %dma_start3A_52 = arith.constant 0 : i32
    %dma_start3A_53 = tpu.memref_slice %arg3[%select_n3A_31, %select_n3A_38, %dma_start3A_51, %dma_start3A_52] : memref<32x80x2x128xi32, #tpu.memory_space<hbm>> -> memref<1x1x2x128xi32, #tpu.memory_space<hbm>>
    %dma_start3A_54 = tpu.memref_squeeze %dma_start3A_53 : memref<1x1x2x128xi32, #tpu.memory_space<hbm>> -> memref<2x128xi32, #tpu.memory_space<hbm>>
    tpu.enqueue_dma source(%dma_start3A_54 : memref<2x128xi32, #tpu.memory_space<hbm>>) target(%dma_start3A_50 : memref<2x128xi32, #tpu.memory_space<vmem>>) target_semaphore(%arg12 : memref<!tpu.dma_semaphore, #tpu.memory_space<semaphore_mem>>)
    %dma_wait3A = arith.constant 0 : i32
    %dma_wait3A_55 = arith.constant 0 : i32
    %dma_wait3A_56 = arith.constant 0 : i32
    %dma_wait3A_57 = arith.constant 0 : i32
    %dma_wait3A_58 = arith.constant 0 : i32
    %dma_wait3A_59 = tpu.memref_slice %arg7[%dma_wait3A_56, %dma_wait3A_57, %dma_wait3A_58] : memref<2x2x128xi32, #tpu.memory_space<vmem>> -> memref<1x2x128xi32, #tpu.memory_space<vmem>>
    %dma_wait3A_60 = tpu.memref_squeeze %dma_wait3A_59 : memref<1x2x128xi32, #tpu.memory_space<vmem>> -> memref<2x128xi32, #tpu.memory_space<vmem>>
    %dma_wait3A_61 = arith.constant 0 : i32
    %dma_wait3A_62 = arith.constant 0 : i32
    %dma_wait3A_63 = tpu.memref_slice %arg3[%dma_wait3A, %dma_wait3A_55, %dma_wait3A_61, %dma_wait3A_62] : memref<32x80x2x128xi32, #tpu.memory_space<hbm>> -> memref<1x1x2x128xi32, #tpu.memory_space<hbm>>
    %dma_wait3A_64 = tpu.memref_squeeze %dma_wait3A_63 : memref<1x1x2x128xi32, #tpu.memory_space<hbm>> -> memref<2x128xi32, #tpu.memory_space<hbm>>
    %dma_wait3A_65 = arith.constant 0 : i32
    %dma_wait3A_66 = arith.constant 0 : i32
    %dma_wait3A_67 = tpu.memref_slice %arg7[%dma_wait3A_56, %dma_wait3A_65, %dma_wait3A_66] : memref<2x2x128xi32, #tpu.memory_space<vmem>> -> memref<1x2x128xi32, #tpu.memory_space<vmem>>
    %dma_wait3A_68 = tpu.memref_squeeze %dma_wait3A_67 : memref<1x2x128xi32, #tpu.memory_space<vmem>> -> memref<2x128xi32, #tpu.memory_space<vmem>>
    %dma_wait3A_69 = arith.constant 0 : i32
    %dma_wait3A_70 = arith.constant 0 : i32
    %dma_wait3A_71 = tpu.memref_slice %arg3[%dma_wait3A, %dma_wait3A_55, %dma_wait3A_69, %dma_wait3A_70] : memref<32x80x2x128xi32, #tpu.memory_space<hbm>> -> memref<1x1x2x128xi32, #tpu.memory_space<hbm>>
    %dma_wait3A_72 = tpu.memref_squeeze %dma_wait3A_71 : memref<1x1x2x128xi32, #tpu.memory_space<hbm>> -> memref<2x128xi32, #tpu.memory_space<hbm>>
    tpu.wait_dma2 semaphore(%arg12 : memref<!tpu.dma_semaphore, #tpu.memory_space<semaphore_mem>>) src(%dma_wait3A_72 : memref<2x128xi32, #tpu.memory_space<hbm>>) dst(%dma_wait3A_68 : memref<2x128xi32, #tpu.memory_space<vmem>>)
    %dma_start3A_73 = arith.constant 0 : i32
    %dma_start3A_74 = arith.constant 0 : i32
    %dma_start3A_75 = arith.constant 0 : i32
    %dma_start3A_76 = arith.constant 0 : i32
    %dma_start3A_77 = arith.constant 0 : i32
    %dma_start3A_78 = tpu.memref_slice %arg9[%dma_start3A_75, %dma_start3A_76, %dma_start3A_77] : memref<2x128x64xf32, #tpu.memory_space<vmem>> -> memref<1x128x64xf32, #tpu.memory_space<vmem>>
    %dma_start3A_79 = tpu.memref_squeeze %dma_start3A_78 : memref<1x128x64xf32, #tpu.memory_space<vmem>> -> memref<128x64xf32, #tpu.memory_space<vmem>>
    %dma_start3A_80 = arith.constant 0 : i32
    %dma_start3A_81 = tpu.memref_slice %arg7[%dma_start3A_73, %dma_start3A_74, %dma_start3A_80] : memref<2x2x128xi32, #tpu.memory_space<vmem>> -> memref<1x1x128xi32, #tpu.memory_space<vmem>>
    %dma_start3A_82 = tpu.memref_squeeze %dma_start3A_81 : memref<1x1x128xi32, #tpu.memory_space<vmem>> -> memref<128xi32, #tpu.memory_space<vmem>>
    %dma_start3A_83 = arith.constant 0 : i32
    %dma_start3A_84 = arith.constant 0 : i32
    %dma_start3A_85 = tpu.memref_slice %arg6[%dma_start3A_83, %dma_start3A_84] : memref<10240x64xf32, #tpu.memory_space<vmem_shared>> -> memref<10240x64xf32, #tpu.memory_space<vmem_shared>>
    tpu.enqueue_indirect_dma source(%dma_start3A_85 : memref<10240x64xf32, #tpu.memory_space<vmem_shared>>) target(%dma_start3A_79 : memref<128x64xf32, #tpu.memory_space<vmem>>) offsets(%dma_start3A_82 : memref<128xi32, #tpu.memory_space<vmem>>) semaphore(%arg10 : memref<!tpu.dma_semaphore, #tpu.memory_space<semaphore_mem>>)
    %get3A = arith.constant 0 : i32
    %get3A_86 = arith.constant 1 : i32
    %get3A_87 = arith.index_cast %get3A : i32 to index
    %get3A_88 = arith.index_cast %get3A_86 : i32 to index
    %get3A_89 = arith.constant 0 : index
    %get3A_90 = tpu.vector_load %arg7[%get3A_87, %get3A_88, %get3A_89] {strides = array<i32>} : memref<2x2x128xi32, #tpu.memory_space<vmem>>, vector<1x1x16xi32>,
    %get3A_91 = vector.shape_cast %get3A_90 : vector<1x1x16xi32> to vector<16xi32>
    %swap3A = arith.constant 0 : i32
    %swap3A_92 = arith.index_cast %swap3A : i32 to index
    %swap3A_93 = arith.constant 0 : index
    %swap3A_94 = tpu.vector_load %arg8[%swap3A_92, %swap3A_93] {strides = array<i32>} : memref<2x128xi32, #tpu.memory_space<vmem>>, vector<1x16xi32>,
    %swap3A_95 = vector.shape_cast %swap3A_94 : vector<1x16xi32> to vector<16xi32>
    %swap3A_96 = vector.shape_cast %get3A_91 : vector<16xi32> to vector<1x16xi32>
    tpu.vector_store %arg8[%swap3A_92, %swap3A_93], %swap3A_96 {strides = array<i32>} : memref<2x128xi32, #tpu.memory_space<vmem>>, vector<1x16xi32>,
    %get3A_97 = arith.constant 0 : i32
    %get3A_98 = arith.constant 1 : i32
    %get3A_99 = arith.index_cast %get3A_97 : i32 to index
    %get3A_100 = arith.index_cast %get3A_98 : i32 to index
    %get3A_101 = arith.constant 16 : index
    %get3A_102 = tpu.vector_load %arg7[%get3A_99, %get3A_100, %get3A_101] {strides = array<i32>} : memref<2x2x128xi32, #tpu.memory_space<vmem>>, vector<1x1x16xi32>,
    %get3A_103 = vector.shape_cast %get3A_102 : vector<1x1x16xi32> to vector<16xi32>
    %swap3A_104 = arith.constant 0 : i32
    %swap3A_105 = arith.index_cast %swap3A_104 : i32 to index
    %swap3A_106 = arith.constant 16 : index
    %swap3A_107 = tpu.vector_load %arg8[%swap3A_105, %swap3A_106] {strides = array<i32>} : memref<2x128xi32, #tpu.memory_space<vmem>>, vector<1x16xi32>,
    %swap3A_108 = vector.shape_cast %swap3A_107 : vector<1x16xi32> to vector<16xi32>
    %swap3A_109 = vector.shape_cast %get3A_103 : vector<16xi32> to vector<1x16xi32>
    tpu.vector_store %arg8[%swap3A_105, %swap3A_106], %swap3A_109 {strides = array<i32>} : memref<2x128xi32, #tpu.memory_space<vmem>>, vector<1x16xi32>,
    %get3A_110 = arith.constant 0 : i32
    %get3A_111 = arith.constant 1 : i32
    %get3A_112 = arith.index_cast %get3A_110 : i32 to index
    %get3A_113 = arith.index_cast %get3A_111 : i32 to index
    %get3A_114 = arith.constant 32 : index
    %get3A_115 = tpu.vector_load %arg7[%get3A_112, %get3A_113, %get3A_114] {strides = array<i32>} : memref<2x2x128xi32, #tpu.memory_space<vmem>>, vector<1x1x16xi32>,
    %get3A_116 = vector.shape_cast %get3A_115 : vector<1x1x16xi32> to vector<16xi32>
    %swap3A_117 = arith.constant 0 : i32
    %swap3A_118 = arith.index_cast %swap3A_117 : i32 to index
    %swap3A_119 = arith.constant 32 : index
    %swap3A_120 = tpu.vector_load %arg8[%swap3A_118, %swap3A_119] {strides = array<i32>} : memref<2x128xi32, #tpu.memory_space<vmem>>, vector<1x16xi32>,
    %swap3A_121 = vector.shape_cast %swap3A_120 : vector<1x16xi32> to vector<16xi32>
    %swap3A_122 = vector.shape_cast %get3A_116 : vector<16xi32> to vector<1x16xi32>
    tpu.vector_store %arg8[%swap3A_118, %swap3A_119], %swap3A_122 {strides = array<i32>} : memref<2x128xi32, #tpu.memory_space<vmem>>, vector<1x16xi32>,
    %get3A_123 = arith.constant 0 : i32
    %get3A_124 = arith.constant 1 : i32
    %get3A_125 = arith.index_cast %get3A_123 : i32 to index
    %get3A_126 = arith.index_cast %get3A_124 : i32 to index
    %get3A_127 = arith.constant 48 : index
    %get3A_128 = tpu.vector_load %arg7[%get3A_125, %get3A_126, %get3A_127] {strides = array<i32>} : memref<2x2x128xi32, #tpu.memory_space<vmem>>, vector<1x1x16xi32>,
    %get3A_129 = vector.shape_cast %get3A_128 : vector<1x1x16xi32> to vector<16xi32>
    %swap3A_130 = arith.constant 0 : i32
    %swap3A_131 = arith.index_cast %swap3A_130 : i32 to index
    %swap3A_132 = arith.constant 48 : index
    %swap3A_133 = tpu.vector_load %arg8[%swap3A_131, %swap3A_132] {strides = array<i32>} : memref<2x128xi32, #tpu.memory_space<vmem>>, vector<1x16xi32>,
    %swap3A_134 = vector.shape_cast %swap3A_133 : vector<1x16xi32> to vector<16xi32>
    %swap3A_135 = vector.shape_cast %get3A_129 : vector<16xi32> to vector<1x16xi32>
    tpu.vector_store %arg8[%swap3A_131, %swap3A_132], %swap3A_135 {strides = array<i32>} : memref<2x128xi32, #tpu.memory_space<vmem>>, vector<1x16xi32>,
    %get3A_136 = arith.constant 0 : i32
    %get3A_137 = arith.constant 1 : i32
    %get3A_138 = arith.index_cast %get3A_136 : i32 to index
    %get3A_139 = arith.index_cast %get3A_137 : i32 to index
    %get3A_140 = arith.constant 64 : index
    %get3A_141 = tpu.vector_load %arg7[%get3A_138, %get3A_139, %get3A_140] {strides = array<i32>} : memref<2x2x128xi32, #tpu.memory_space<vmem>>, vector<1x1x16xi32>,
    %get3A_142 = vector.shape_cast %get3A_141 : vector<1x1x16xi32> to vector<16xi32>
    %swap3A_143 = arith.constant 0 : i32
    %swap3A_144 = arith.index_cast %swap3A_143 : i32 to index
    %swap3A_145 = arith.constant 64 : index
    %swap3A_146 = tpu.vector_load %arg8[%swap3A_144, %swap3A_145] {strides = array<i32>} : memref<2x128xi32, #tpu.memory_space<vmem>>, vector<1x16xi32>,
    %swap3A_147 = vector.shape_cast %swap3A_146 : vector<1x16xi32> to vector<16xi32>
    %swap3A_148 = vector.shape_cast %get3A_142 : vector<16xi32> to vector<1x16xi32>
    tpu.vector_store %arg8[%swap3A_144, %swap3A_145], %swap3A_148 {strides = array<i32>} : memref<2x128xi32, #tpu.memory_space<vmem>>, vector<1x16xi32>,
    %get3A_149 = arith.constant 0 : i32
    %get3A_150 = arith.constant 1 : i32
    %get3A_151 = arith.index_cast %get3A_149 : i32 to index
    %get3A_152 = arith.index_cast %get3A_150 : i32 to index
    %get3A_153 = arith.constant 80 : index
    %get3A_154 = tpu.vector_load %arg7[%get3A_151, %get3A_152, %get3A_153] {strides = array<i32>} : memref<2x2x128xi32, #tpu.memory_space<vmem>>, vector<1x1x16xi32>,
    %get3A_155 = vector.shape_cast %get3A_154 : vector<1x1x16xi32> to vector<16xi32>
    %swap3A_156 = arith.constant 0 : i32
    %swap3A_157 = arith.index_cast %swap3A_156 : i32 to index
    %swap3A_158 = arith.constant 80 : index
    %swap3A_159 = tpu.vector_load %arg8[%swap3A_157, %swap3A_158] {strides = array<i32>} : memref<2x128xi32, #tpu.memory_space<vmem>>, vector<1x16xi32>,
    %swap3A_160 = vector.shape_cast %swap3A_159 : vector<1x16xi32> to vector<16xi32>
    %swap3A_161 = vector.shape_cast %get3A_155 : vector<16xi32> to vector<1x16xi32>
    tpu.vector_store %arg8[%swap3A_157, %swap3A_158], %swap3A_161 {strides = array<i32>} : memref<2x128xi32, #tpu.memory_space<vmem>>, vector<1x16xi32>,
    %get3A_162 = arith.constant 0 : i32
    %get3A_163 = arith.constant 1 : i32
    %get3A_164 = arith.index_cast %get3A_162 : i32 to index
    %get3A_165 = arith.index_cast %get3A_163 : i32 to index
    %get3A_166 = arith.constant 96 : index
    %get3A_167 = tpu.vector_load %arg7[%get3A_164, %get3A_165, %get3A_166] {strides = array<i32>} : memref<2x2x128xi32, #tpu.memory_space<vmem>>, vector<1x1x16xi32>,
    %get3A_168 = vector.shape_cast %get3A_167 : vector<1x1x16xi32> to vector<16xi32>
    %swap3A_169 = arith.constant 0 : i32
    %swap3A_170 = arith.index_cast %swap3A_169 : i32 to index
    %swap3A_171 = arith.constant 96 : index
    %swap3A_172 = tpu.vector_load %arg8[%swap3A_170, %swap3A_171] {strides = array<i32>} : memref<2x128xi32, #tpu.memory_space<vmem>>, vector<1x16xi32>,
    %swap3A_173 = vector.shape_cast %swap3A_172 : vector<1x16xi32> to vector<16xi32>
    %swap3A_174 = vector.shape_cast %get3A_168 : vector<16xi32> to vector<1x16xi32>
    tpu.vector_store %arg8[%swap3A_170, %swap3A_171], %swap3A_174 {strides = array<i32>} : memref<2x128xi32, #tpu.memory_space<vmem>>, vector<1x16xi32>,
    %get3A_175 = arith.constant 0 : i32
    %get3A_176 = arith.constant 1 : i32
    %get3A_177 = arith.index_cast %get3A_175 : i32 to index
    %get3A_178 = arith.index_cast %get3A_176 : i32 to index
    %get3A_179 = arith.constant 112 : index
    %get3A_180 = tpu.vector_load %arg7[%get3A_177, %get3A_178, %get3A_179] {strides = array<i32>} : memref<2x2x128xi32, #tpu.memory_space<vmem>>, vector<1x1x16xi32>,
    %get3A_181 = vector.shape_cast %get3A_180 : vector<1x1x16xi32> to vector<16xi32>
    %swap3A_182 = arith.constant 0 : i32
    %swap3A_183 = arith.index_cast %swap3A_182 : i32 to index
    %swap3A_184 = arith.constant 112 : index
    %swap3A_185 = tpu.vector_load %arg8[%swap3A_183, %swap3A_184] {strides = array<i32>} : memref<2x128xi32, #tpu.memory_space<vmem>>, vector<1x16xi32>,
    %swap3A_186 = vector.shape_cast %swap3A_185 : vector<1x16xi32> to vector<16xi32>
    %swap3A_187 = vector.shape_cast %get3A_181 : vector<16xi32> to vector<1x16xi32>
    tpu.vector_store %arg8[%swap3A_183, %swap3A_184], %swap3A_187 {strides = array<i32>} : memref<2x128xi32, #tpu.memory_space<vmem>>, vector<1x16xi32>,
    %mul3A_188 = arith.constant 2 : i32
    %mul3A_189 = arith.muli %mul3A_188, %arg1 : i32
    %mul3A_190 = arith.constant 2 : i32
    %mul3A_191 = arith.muli %mul3A_190, %arg1 : i32
    %add3A_192 = arith.constant 1 : i32
    %add3A_193 = arith.addi %mul3A_191, %add3A_192 : i32
    %mul3A_194 = arith.constant 2 : i32
    %mul3A_195 = arith.muli %mul3A_194, %arg1 : i32
    %jit3A_196 = arith.constant false
    %select_n3A_197 = arith.select %jit3A_196, %add3A_193, %mul3A_195 : i32
    %jit3A_198 = arith.constant false
    %select_n3A_199 = arith.select %jit3A_198, %mul3A_189, %select_n3A_197 : i32
    %jit3A_200 = arith.constant false
    %jit3A_201 = arith.constant -78 : i32
    %jit3A_202 = arith.constant 1 : i32
    %select_n3A_203 = arith.select %jit3A_200, %jit3A_201, %jit3A_202 : i32
    %jit3A_204 = arith.constant false
    %jit3A_205 = arith.constant 79 : i32
    %select_n3A_206 = arith.select %jit3A_204, %jit3A_205, %select_n3A_203 : i32
    %dma_start3A_207 = arith.constant 1 : i32
    %dma_start3A_208 = arith.constant 0 : i32
    %dma_start3A_209 = arith.constant 0 : i32
    %dma_start3A_210 = tpu.memref_slice %arg7[%dma_start3A_207, %dma_start3A_208, %dma_start3A_209] : memref<2x2x128xi32, #tpu.memory_space<vmem>> -> memref<1x2x128xi32, #tpu.memory_space<vmem>>
    %dma_start3A_211 = tpu.memref_squeeze %dma_start3A_210 : memref<1x2x128xi32, #tpu.memory_space<vmem>> -> memref<2x128xi32, #tpu.memory_space<vmem>>
    %dma_start3A_212 = arith.constant 0 : i32
    %dma_start3A_213 = arith.constant 0 : i32
    %dma_start3A_214 = tpu.memref_slice %arg3[%select_n3A_199, %select_n3A_206, %dma_start3A_212, %dma_start3A_213] : memref<32x80x2x128xi32, #tpu.memory_space<hbm>> -> memref<1x1x2x128xi32, #tpu.memory_space<hbm>>
    %dma_start3A_215 = tpu.memref_squeeze %dma_start3A_214 : memref<1x1x2x128xi32, #tpu.memory_space<hbm>> -> memref<2x128xi32, #tpu.memory_space<hbm>>
    %dma_start3A_216 = arith.constant 0 : i32
    %dma_start3A_217 = arith.constant 0 : i32
    %dma_start3A_218 = tpu.memref_slice %arg7[%dma_start3A_207, %dma_start3A_216, %dma_start3A_217] : memref<2x2x128xi32, #tpu.memory_space<vmem>> -> memref<1x2x128xi32, #tpu.memory_space<vmem>>
    %dma_start3A_219 = tpu.memref_squeeze %dma_start3A_218 : memref<1x2x128xi32, #tpu.memory_space<vmem>> -> memref<2x128xi32, #tpu.memory_space<vmem>>
    %dma_start3A_220 = arith.constant 0 : i32
    %dma_start3A_221 = arith.constant 0 : i32
    %dma_start3A_222 = tpu.memref_slice %arg3[%select_n3A_199, %select_n3A_206, %dma_start3A_220, %dma_start3A_221] : memref<32x80x2x128xi32, #tpu.memory_space<hbm>> -> memref<1x1x2x128xi32, #tpu.memory_space<hbm>>
    %dma_start3A_223 = tpu.memref_squeeze %dma_start3A_222 : memref<1x1x2x128xi32, #tpu.memory_space<hbm>> -> memref<2x128xi32, #tpu.memory_space<hbm>>
    tpu.enqueue_dma source(%dma_start3A_223 : memref<2x128xi32, #tpu.memory_space<hbm>>) target(%dma_start3A_219 : memref<2x128xi32, #tpu.memory_space<vmem>>) target_semaphore(%arg13 : memref<!tpu.dma_semaphore, #tpu.memory_space<semaphore_mem>>)
    %scan3A = arith.constant 0 : i32
    %scan3A_224 = arith.constant 0 : i32
    %scan3A_225 = arith.constant 79 : i32
    %scan3A_226 = arith.addi %scan3A_224, %scan3A_225 : i32
    %scan3A_227 = arith.constant 1 : i32
    %scan3A_228 = scf.for %scan3A_268 = %scan3A_224 to %scan3A_226 step %scan3A_227 iter_args(%scan3A_269 = %scan3A) -> (i32)  : i32 {
      %mul3A_270 = arith.constant 2 : i32
      %mul3A_271 = arith.muli %mul3A_270, %scan3A_268 : i32
      %dma_wait3A_272 = arith.constant 0 : i32
      %dma_wait3A_273 = arith.constant 0 : i32
      %dma_wait3A_274 = arith.constant 1 : i32
      %dma_wait3A_275 = arith.constant 0 : i32
      %dma_wait3A_276 = arith.constant 0 : i32
      %dma_wait3A_277 = tpu.memref_slice %arg7[%dma_wait3A_274, %dma_wait3A_275, %dma_wait3A_276] : memref<2x2x128xi32, #tpu.memory_space<vmem>> -> memref<1x2x128xi32, #tpu.memory_space<vmem>>
      %dma_wait3A_278 = tpu.memref_squeeze %dma_wait3A_277 : memref<1x2x128xi32, #tpu.memory_space<vmem>> -> memref<2x128xi32, #tpu.memory_space<vmem>>
      %dma_wait3A_279 = arith.constant 0 : i32
      %dma_wait3A_280 = arith.constant 0 : i32
      %dma_wait3A_281 = tpu.memref_slice %arg3[%dma_wait3A_272, %dma_wait3A_273, %dma_wait3A_279, %dma_wait3A_280] : memref<32x80x2x128xi32, #tpu.memory_space<hbm>> -> memref<1x1x2x128xi32, #tpu.memory_space<hbm>>
      %dma_wait3A_282 = tpu.memref_squeeze %dma_wait3A_281 : memref<1x1x2x128xi32, #tpu.memory_space<hbm>> -> memref<2x128xi32, #tpu.memory_space<hbm>>
      %dma_wait3A_283 = arith.constant 0 : i32
      %dma_wait3A_284 = arith.constant 0 : i32
      %dma_wait3A_285 = tpu.memref_slice %arg7[%dma_wait3A_274, %dma_wait3A_283, %dma_wait3A_284] : memref<2x2x128xi32, #tpu.memory_space<vmem>> -> memref<1x2x128xi32, #tpu.memory_space<vmem>>
      %dma_wait3A_286 = tpu.memref_squeeze %dma_wait3A_285 : memref<1x2x128xi32, #tpu.memory_space<vmem>> -> memref<2x128xi32, #tpu.memory_space<vmem>>
      %dma_wait3A_287 = arith.constant 0 : i32
      %dma_wait3A_288 = arith.constant 0 : i32
      %dma_wait3A_289 = tpu.memref_slice %arg3[%dma_wait3A_272, %dma_wait3A_273, %dma_wait3A_287, %dma_wait3A_288] : memref<32x80x2x128xi32, #tpu.memory_space<hbm>> -> memref<1x1x2x128xi32, #tpu.memory_space<hbm>>
      %dma_wait3A_290 = tpu.memref_squeeze %dma_wait3A_289 : memref<1x1x2x128xi32, #tpu.memory_space<hbm>> -> memref<2x128xi32, #tpu.memory_space<hbm>>
      tpu.wait_dma2 semaphore(%arg13 : memref<!tpu.dma_semaphore, #tpu.memory_space<semaphore_mem>>) src(%dma_wait3A_290 : memref<2x128xi32, #tpu.memory_space<hbm>>) dst(%dma_wait3A_286 : memref<2x128xi32, #tpu.memory_space<vmem>>)
      %dma_start3A_291 = arith.constant 1 : i32
      %dma_start3A_292 = arith.constant 0 : i32
      %dma_start3A_293 = arith.constant 1 : i32
      %dma_start3A_294 = arith.constant 0 : i32
      %dma_start3A_295 = arith.constant 0 : i32
      %dma_start3A_296 = tpu.memref_slice %arg9[%dma_start3A_293, %dma_start3A_294, %dma_start3A_295] : memref<2x128x64xf32, #tpu.memory_space<vmem>> -> memref<1x128x64xf32, #tpu.memory_space<vmem>>
      %dma_start3A_297 = tpu.memref_squeeze %dma_start3A_296 : memref<1x128x64xf32, #tpu.memory_space<vmem>> -> memref<128x64xf32, #tpu.memory_space<vmem>>
      %dma_start3A_298 = arith.constant 0 : i32
      %dma_start3A_299 = tpu.memref_slice %arg7[%dma_start3A_291, %dma_start3A_292, %dma_start3A_298] : memref<2x2x128xi32, #tpu.memory_space<vmem>> -> memref<1x1x128xi32, #tpu.memory_space<vmem>>
      %dma_start3A_300 = tpu.memref_squeeze %dma_start3A_299 : memref<1x1x128xi32, #tpu.memory_space<vmem>> -> memref<128xi32, #tpu.memory_space<vmem>>
      %dma_start3A_301 = arith.constant 0 : i32
      %dma_start3A_302 = arith.constant 0 : i32
      %dma_start3A_303 = tpu.memref_slice %arg6[%dma_start3A_301, %dma_start3A_302] : memref<10240x64xf32, #tpu.memory_space<vmem_shared>> -> memref<10240x64xf32, #tpu.memory_space<vmem_shared>>
      tpu.enqueue_indirect_dma source(%dma_start3A_303 : memref<10240x64xf32, #tpu.memory_space<vmem_shared>>) target(%dma_start3A_297 : memref<128x64xf32, #tpu.memory_space<vmem>>) offsets(%dma_start3A_300 : memref<128xi32, #tpu.memory_space<vmem>>) semaphore(%arg11 : memref<!tpu.dma_semaphore, #tpu.memory_space<semaphore_mem>>)
      %get3A_304 = arith.constant 1 : i32
      %get3A_305 = arith.constant 1 : i32
      %get3A_306 = arith.index_cast %get3A_304 : i32 to index
      %get3A_307 = arith.index_cast %get3A_305 : i32 to index
      %get3A_308 = arith.constant 0 : index
      %get3A_309 = tpu.vector_load %arg7[%get3A_306, %get3A_307, %get3A_308] {strides = array<i32>} : memref<2x2x128xi32, #tpu.memory_space<vmem>>, vector<1x1x16xi32>,
      %get3A_310 = vector.shape_cast %get3A_309 : vector<1x1x16xi32> to vector<16xi32>
      %swap3A_311 = arith.constant 1 : i32
      %swap3A_312 = arith.index_cast %swap3A_311 : i32 to index
      %swap3A_313 = arith.constant 0 : index
      %swap3A_314 = tpu.vector_load %arg8[%swap3A_312, %swap3A_313] {strides = array<i32>} : memref<2x128xi32, #tpu.memory_space<vmem>>, vector<1x16xi32>,
      %swap3A_315 = vector.shape_cast %swap3A_314 : vector<1x16xi32> to vector<16xi32>
      %swap3A_316 = vector.shape_cast %get3A_310 : vector<16xi32> to vector<1x16xi32>
      tpu.vector_store %arg8[%swap3A_312, %swap3A_313], %swap3A_316 {strides = array<i32>} : memref<2x128xi32, #tpu.memory_space<vmem>>, vector<1x16xi32>,
      %get3A_317 = arith.constant 1 : i32
      %get3A_318 = arith.constant 1 : i32
      %get3A_319 = arith.index_cast %get3A_317 : i32 to index
      %get3A_320 = arith.index_cast %get3A_318 : i32 to index
      %get3A_321 = arith.constant 16 : index
      %get3A_322 = tpu.vector_load %arg7[%get3A_319, %get3A_320, %get3A_321] {strides = array<i32>} : memref<2x2x128xi32, #tpu.memory_space<vmem>>, vector<1x1x16xi32>,
      %get3A_323 = vector.shape_cast %get3A_322 : vector<1x1x16xi32> to vector<16xi32>
      %swap3A_324 = arith.constant 1 : i32
      %swap3A_325 = arith.index_cast %swap3A_324 : i32 to index
      %swap3A_326 = arith.constant 16 : index
      %swap3A_327 = tpu.vector_load %arg8[%swap3A_325, %swap3A_326] {strides = array<i32>} : memref<2x128xi32, #tpu.memory_space<vmem>>, vector<1x16xi32>,
      %swap3A_328 = vector.shape_cast %swap3A_327 : vector<1x16xi32> to vector<16xi32>
      %swap3A_329 = vector.shape_cast %get3A_323 : vector<16xi32> to vector<1x16xi32>
      tpu.vector_store %arg8[%swap3A_325, %swap3A_326], %swap3A_329 {strides = array<i32>} : memref<2x128xi32, #tpu.memory_space<vmem>>, vector<1x16xi32>,
      %get3A_330 = arith.constant 1 : i32
      %get3A_331 = arith.constant 1 : i32
      %get3A_332 = arith.index_cast %get3A_330 : i32 to index
      %get3A_333 = arith.index_cast %get3A_331 : i32 to index
      %get3A_334 = arith.constant 32 : index
      %get3A_335 = tpu.vector_load %arg7[%get3A_332, %get3A_333, %get3A_334] {strides = array<i32>} : memref<2x2x128xi32, #tpu.memory_space<vmem>>, vector<1x1x16xi32>,
      %get3A_336 = vector.shape_cast %get3A_335 : vector<1x1x16xi32> to vector<16xi32>
      %swap3A_337 = arith.constant 1 : i32
      %swap3A_338 = arith.index_cast %swap3A_337 : i32 to index
      %swap3A_339 = arith.constant 32 : index
      %swap3A_340 = tpu.vector_load %arg8[%swap3A_338, %swap3A_339] {strides = array<i32>} : memref<2x128xi32, #tpu.memory_space<vmem>>, vector<1x16xi32>,
      %swap3A_341 = vector.shape_cast %swap3A_340 : vector<1x16xi32> to vector<16xi32>
      %swap3A_342 = vector.shape_cast %get3A_336 : vector<16xi32> to vector<1x16xi32>
      tpu.vector_store %arg8[%swap3A_338, %swap3A_339], %swap3A_342 {strides = array<i32>} : memref<2x128xi32, #tpu.memory_space<vmem>>, vector<1x16xi32>,
      %get3A_343 = arith.constant 1 : i32
      %get3A_344 = arith.constant 1 : i32
      %get3A_345 = arith.index_cast %get3A_343 : i32 to index
      %get3A_346 = arith.index_cast %get3A_344 : i32 to index
      %get3A_347 = arith.constant 48 : index
      %get3A_348 = tpu.vector_load %arg7[%get3A_345, %get3A_346, %get3A_347] {strides = array<i32>} : memref<2x2x128xi32, #tpu.memory_space<vmem>>, vector<1x1x16xi32>,
      %get3A_349 = vector.shape_cast %get3A_348 : vector<1x1x16xi32> to vector<16xi32>
      %swap3A_350 = arith.constant 1 : i32
      %swap3A_351 = arith.index_cast %swap3A_350 : i32 to index
      %swap3A_352 = arith.constant 48 : index
      %swap3A_353 = tpu.vector_load %arg8[%swap3A_351, %swap3A_352] {strides = array<i32>} : memref<2x128xi32, #tpu.memory_space<vmem>>, vector<1x16xi32>,
      %swap3A_354 = vector.shape_cast %swap3A_353 : vector<1x16xi32> to vector<16xi32>
      %swap3A_355 = vector.shape_cast %get3A_349 : vector<16xi32> to vector<1x16xi32>
      tpu.vector_store %arg8[%swap3A_351, %swap3A_352], %swap3A_355 {strides = array<i32>} : memref<2x128xi32, #tpu.memory_space<vmem>>, vector<1x16xi32>,
      %get3A_356 = arith.constant 1 : i32
      %get3A_357 = arith.constant 1 : i32
      %get3A_358 = arith.index_cast %get3A_356 : i32 to index
      %get3A_359 = arith.index_cast %get3A_357 : i32 to index
      %get3A_360 = arith.constant 64 : index
      %get3A_361 = tpu.vector_load %arg7[%get3A_358, %get3A_359, %get3A_360] {strides = array<i32>} : memref<2x2x128xi32, #tpu.memory_space<vmem>>, vector<1x1x16xi32>,
      %get3A_362 = vector.shape_cast %get3A_361 : vector<1x1x16xi32> to vector<16xi32>
      %swap3A_363 = arith.constant 1 : i32
      %swap3A_364 = arith.index_cast %swap3A_363 : i32 to index
      %swap3A_365 = arith.constant 64 : index
      %swap3A_366 = tpu.vector_load %arg8[%swap3A_364, %swap3A_365] {strides = array<i32>} : memref<2x128xi32, #tpu.memory_space<vmem>>, vector<1x16xi32>,
      %swap3A_367 = vector.shape_cast %swap3A_366 : vector<1x16xi32> to vector<16xi32>
      %swap3A_368 = vector.shape_cast %get3A_362 : vector<16xi32> to vector<1x16xi32>
      tpu.vector_store %arg8[%swap3A_364, %swap3A_365], %swap3A_368 {strides = array<i32>} : memref<2x128xi32, #tpu.memory_space<vmem>>, vector<1x16xi32>,
      %get3A_369 = arith.constant 1 : i32
      %get3A_370 = arith.constant 1 : i32
      %get3A_371 = arith.index_cast %get3A_369 : i32 to index
      %get3A_372 = arith.index_cast %get3A_370 : i32 to index
      %get3A_373 = arith.constant 80 : index
      %get3A_374 = tpu.vector_load %arg7[%get3A_371, %get3A_372, %get3A_373] {strides = array<i32>} : memref<2x2x128xi32, #tpu.memory_space<vmem>>, vector<1x1x16xi32>,
      %get3A_375 = vector.shape_cast %get3A_374 : vector<1x1x16xi32> to vector<16xi32>
      %swap3A_376 = arith.constant 1 : i32
      %swap3A_377 = arith.index_cast %swap3A_376 : i32 to index
      %swap3A_378 = arith.constant 80 : index
      %swap3A_379 = tpu.vector_load %arg8[%swap3A_377, %swap3A_378] {strides = array<i32>} : memref<2x128xi32, #tpu.memory_space<vmem>>, vector<1x16xi32>,
      %swap3A_380 = vector.shape_cast %swap3A_379 : vector<1x16xi32> to vector<16xi32>
      %swap3A_381 = vector.shape_cast %get3A_375 : vector<16xi32> to vector<1x16xi32>
      tpu.vector_store %arg8[%swap3A_377, %swap3A_378], %swap3A_381 {strides = array<i32>} : memref<2x128xi32, #tpu.memory_space<vmem>>, vector<1x16xi32>,
      %get3A_382 = arith.constant 1 : i32
      %get3A_383 = arith.constant 1 : i32
      %get3A_384 = arith.index_cast %get3A_382 : i32 to index
      %get3A_385 = arith.index_cast %get3A_383 : i32 to index
      %get3A_386 = arith.constant 96 : index
      %get3A_387 = tpu.vector_load %arg7[%get3A_384, %get3A_385, %get3A_386] {strides = array<i32>} : memref<2x2x128xi32, #tpu.memory_space<vmem>>, vector<1x1x16xi32>,
      %get3A_388 = vector.shape_cast %get3A_387 : vector<1x1x16xi32> to vector<16xi32>
      %swap3A_389 = arith.constant 1 : i32
      %swap3A_390 = arith.index_cast %swap3A_389 : i32 to index
      %swap3A_391 = arith.constant 96 : index
      %swap3A_392 = tpu.vector_load %arg8[%swap3A_390, %swap3A_391] {strides = array<i32>} : memref<2x128xi32, #tpu.memory_space<vmem>>, vector<1x16xi32>,
      %swap3A_393 = vector.shape_cast %swap3A_392 : vector<1x16xi32> to vector<16xi32>
      %swap3A_394 = vector.shape_cast %get3A_388 : vector<16xi32> to vector<1x16xi32>
      tpu.vector_store %arg8[%swap3A_390, %swap3A_391], %swap3A_394 {strides = array<i32>} : memref<2x128xi32, #tpu.memory_space<vmem>>, vector<1x16xi32>,
      %get3A_395 = arith.constant 1 : i32
      %get3A_396 = arith.constant 1 : i32
      %get3A_397 = arith.index_cast %get3A_395 : i32 to index
      %get3A_398 = arith.index_cast %get3A_396 : i32 to index
      %get3A_399 = arith.constant 112 : index
      %get3A_400 = tpu.vector_load %arg7[%get3A_397, %get3A_398, %get3A_399] {strides = array<i32>} : memref<2x2x128xi32, #tpu.memory_space<vmem>>, vector<1x1x16xi32>,
      %get3A_401 = vector.shape_cast %get3A_400 : vector<1x1x16xi32> to vector<16xi32>
      %swap3A_402 = arith.constant 1 : i32
      %swap3A_403 = arith.index_cast %swap3A_402 : i32 to index
      %swap3A_404 = arith.constant 112 : index
      %swap3A_405 = tpu.vector_load %arg8[%swap3A_403, %swap3A_404] {strides = array<i32>} : memref<2x128xi32, #tpu.memory_space<vmem>>, vector<1x16xi32>,
      %swap3A_406 = vector.shape_cast %swap3A_405 : vector<1x16xi32> to vector<16xi32>
      %swap3A_407 = vector.shape_cast %get3A_401 : vector<16xi32> to vector<1x16xi32>
      tpu.vector_store %arg8[%swap3A_403, %swap3A_404], %swap3A_407 {strides = array<i32>} : memref<2x128xi32, #tpu.memory_space<vmem>>, vector<1x16xi32>,
      %dma_wait3A_408 = arith.constant 0 : i32
      %dma_wait3A_409 = arith.constant 0 : i32
      %dma_wait3A_410 = arith.constant 0 : i32
      %dma_wait3A_411 = arith.constant 0 : i32
      %dma_wait3A_412 = arith.constant 0 : i32
      %dma_wait3A_413 = tpu.memref_slice %arg9[%dma_wait3A_410, %dma_wait3A_411, %dma_wait3A_412] : memref<2x128x64xf32, #tpu.memory_space<vmem>> -> memref<1x128x64xf32, #tpu.memory_space<vmem>>
      %dma_wait3A_414 = tpu.memref_squeeze %dma_wait3A_413 : memref<1x128x64xf32, #tpu.memory_space<vmem>> -> memref<128x64xf32, #tpu.memory_space<vmem>>
      %dma_wait3A_415 = arith.constant 0 : i32
      %dma_wait3A_416 = tpu.memref_slice %arg7[%dma_wait3A_408, %dma_wait3A_409, %dma_wait3A_415] : memref<2x2x128xi32, #tpu.memory_space<vmem>> -> memref<1x1x128xi32, #tpu.memory_space<vmem>>
      %dma_wait3A_417 = tpu.memref_squeeze %dma_wait3A_416 : memref<1x1x128xi32, #tpu.memory_space<vmem>> -> memref<128xi32, #tpu.memory_space<vmem>>
      %dma_wait3A_418 = arith.constant 0 : i32
      %dma_wait3A_419 = arith.constant 0 : i32
      %dma_wait3A_420 = tpu.memref_slice %arg6[%dma_wait3A_418, %dma_wait3A_419] : memref<10240x64xf32, #tpu.memory_space<vmem_shared>> -> memref<10240x64xf32, #tpu.memory_space<vmem_shared>>
      tpu.wait_indirect_dma semaphore(%arg10 : memref<!tpu.dma_semaphore, #tpu.memory_space<semaphore_mem>>) src(%dma_wait3A_420 : memref<10240x64xf32, #tpu.memory_space<vmem_shared>>) dst(%dma_wait3A_414 : memref<128x64xf32, #tpu.memory_space<vmem>>)
      %add3A_421 = arith.constant 2 : i32
      %add3A_422 = arith.addi %mul3A_271, %add3A_421 : i32
      %ge3A = arith.constant 79 : i32
      %ge3A_423 = arith.cmpi sge, %add3A_422, %ge3A : i32
      %ge3A_424 = arith.constant 158 : i32
      %ge3A_425 = arith.cmpi sge, %add3A_422, %ge3A_424 : i32
      %mul3A_426 = arith.constant 2 : i32
      %mul3A_427 = arith.muli %mul3A_426, %arg1 : i32
      %mul3A_428 = arith.constant 2 : i32
      %mul3A_429 = arith.muli %mul3A_428, %arg1 : i32
      %add3A_430 = arith.constant 1 : i32
      %add3A_431 = arith.addi %mul3A_429, %add3A_430 : i32
      %mul3A_432 = arith.constant 2 : i32
      %mul3A_433 = arith.muli %mul3A_432, %arg1 : i32
      %select_n3A_434 = arith.select %ge3A_423, %add3A_431, %mul3A_433 : i32
      %select_n3A_435 = arith.select %ge3A_425, %mul3A_427, %select_n3A_434 : i32
      %sub3A = arith.constant 79 : i32
      %sub3A_436 = arith.subi %add3A_422, %sub3A : i32
      %select_n3A_437 = arith.select %ge3A_423, %sub3A_436, %add3A_422 : i32
      %jit3A_438 = arith.constant 79 : i32
      %select_n3A_439 = arith.select %ge3A_425, %jit3A_438, %select_n3A_437 : i32
      %dma_start3A_440 = arith.constant 0 : i32
      %dma_start3A_441 = arith.constant 0 : i32
      %dma_start3A_442 = arith.constant 0 : i32
      %dma_start3A_443 = tpu.memref_slice %arg7[%dma_start3A_440, %dma_start3A_441, %dma_start3A_442] : memref<2x2x128xi32, #tpu.memory_space<vmem>> -> memref<1x2x128xi32, #tpu.memory_space<vmem>>
      %dma_start3A_444 = tpu.memref_squeeze %dma_start3A_443 : memref<1x2x128xi32, #tpu.memory_space<vmem>> -> memref<2x128xi32, #tpu.memory_space<vmem>>
      %dma_start3A_445 = arith.constant 0 : i32
      %dma_start3A_446 = arith.constant 0 : i32
      %dma_start3A_447 = tpu.memref_slice %arg3[%select_n3A_435, %select_n3A_439, %dma_start3A_445, %dma_start3A_446] : memref<32x80x2x128xi32, #tpu.memory_space<hbm>> -> memref<1x1x2x128xi32, #tpu.memory_space<hbm>>
      %dma_start3A_448 = tpu.memref_squeeze %dma_start3A_447 : memref<1x1x2x128xi32, #tpu.memory_space<hbm>> -> memref<2x128xi32, #tpu.memory_space<hbm>>
      %dma_start3A_449 = arith.constant 0 : i32
      %dma_start3A_450 = arith.constant 0 : i32
      %dma_start3A_451 = tpu.memref_slice %arg7[%dma_start3A_440, %dma_start3A_449, %dma_start3A_450] : memref<2x2x128xi32, #tpu.memory_space<vmem>> -> memref<1x2x128xi32, #tpu.memory_space<vmem>>
      %dma_start3A_452 = tpu.memref_squeeze %dma_start3A_451 : memref<1x2x128xi32, #tpu.memory_space<vmem>> -> memref<2x128xi32, #tpu.memory_space<vmem>>
      %dma_start3A_453 = arith.constant 0 : i32
      %dma_start3A_454 = arith.constant 0 : i32
      %dma_start3A_455 = tpu.memref_slice %arg3[%select_n3A_435, %select_n3A_439, %dma_start3A_453, %dma_start3A_454] : memref<32x80x2x128xi32, #tpu.memory_space<hbm>> -> memref<1x1x2x128xi32, #tpu.memory_space<hbm>>
      %dma_start3A_456 = tpu.memref_squeeze %dma_start3A_455 : memref<1x1x2x128xi32, #tpu.memory_space<hbm>> -> memref<2x128xi32, #tpu.memory_space<hbm>>
      tpu.enqueue_dma source(%dma_start3A_456 : memref<2x128xi32, #tpu.memory_space<hbm>>) target(%dma_start3A_452 : memref<2x128xi32, #tpu.memory_space<vmem>>) target_semaphore(%arg12 : memref<!tpu.dma_semaphore, #tpu.memory_space<semaphore_mem>>)
      %run_scoped3A_457 = arith.constant 0 : i32
      %run_scoped3A_458 = arith.constant 0 : i32
      "tpu.region"() ({
        %run_scoped3A_649 = tpu.sem_alloc : memref<!tpu.dma_semaphore, #tpu.memory_space<semaphore_mem>>
        %dma_start3A_650 = arith.constant 0 : i32
        %dma_start3A_651 = arith.constant 0 : i32
        %dma_start3A_652 = tpu.memref_slice %arg9[%run_scoped3A_457, %dma_start3A_650, %dma_start3A_651] : memref<2x128x64xf32, #tpu.memory_space<vmem>> -> memref<1x128x64xf32, #tpu.memory_space<vmem>>
        %dma_start3A_653 = tpu.memref_squeeze %dma_start3A_652 : memref<1x128x64xf32, #tpu.memory_space<vmem>> -> memref<128x64xf32, #tpu.memory_space<vmem>>
        %dma_start3A_654 = arith.constant 0 : i32
        %dma_start3A_655 = tpu.memref_slice %arg8[%run_scoped3A_458, %dma_start3A_654] : memref<2x128xi32, #tpu.memory_space<vmem>> -> memref<1x128xi32, #tpu.memory_space<vmem>>
        %dma_start3A_656 = tpu.memref_squeeze %dma_start3A_655 : memref<1x128xi32, #tpu.memory_space<vmem>> -> memref<128xi32, #tpu.memory_space<vmem>>
        %dma_start3A_657 = arith.constant 0 : i32
        %dma_start3A_658 = arith.constant 0 : i32
        %dma_start3A_659 = tpu.memref_slice %arg5[%dma_start3A_657, %dma_start3A_658] : memref<10240x64xf32, #tpu.memory_space<vmem_shared>> -> memref<10240x64xf32, #tpu.memory_space<vmem_shared>>
        tpu.enqueue_indirect_dma source(%dma_start3A_653 : memref<128x64xf32, #tpu.memory_space<vmem>>) target(%dma_start3A_659 : memref<10240x64xf32, #tpu.memory_space<vmem_shared>>) offsets(%dma_start3A_656 : memref<128xi32, #tpu.memory_space<vmem>>) semaphore(%run_scoped3A_649 : memref<!tpu.dma_semaphore, #tpu.memory_space<semaphore_mem>>) {add = true}
        %dma_wait3A_660 = arith.constant 0 : i32
        %dma_wait3A_661 = arith.constant 0 : i32
        %dma_wait3A_662 = tpu.memref_slice %arg9[%run_scoped3A_457, %dma_wait3A_660, %dma_wait3A_661] : memref<2x128x64xf32, #tpu.memory_space<vmem>> -> memref<1x128x64xf32, #tpu.memory_space<vmem>>
        %dma_wait3A_663 = tpu.memref_squeeze %dma_wait3A_662 : memref<1x128x64xf32, #tpu.memory_space<vmem>> -> memref<128x64xf32, #tpu.memory_space<vmem>>
        %dma_wait3A_664 = arith.constant 0 : i32
        %dma_wait3A_665 = tpu.memref_slice %arg8[%run_scoped3A_458, %dma_wait3A_664] : memref<2x128xi32, #tpu.memory_space<vmem>> -> memref<1x128xi32, #tpu.memory_space<vmem>>
        %dma_wait3A_666 = tpu.memref_squeeze %dma_wait3A_665 : memref<1x128xi32, #tpu.memory_space<vmem>> -> memref<128xi32, #tpu.memory_space<vmem>>
        %dma_wait3A_667 = arith.constant 0 : i32
        %dma_wait3A_668 = arith.constant 0 : i32
        %dma_wait3A_669 = tpu.memref_slice %arg5[%dma_wait3A_667, %dma_wait3A_668] : memref<10240x64xf32, #tpu.memory_space<vmem_shared>> -> memref<10240x64xf32, #tpu.memory_space<vmem_shared>>
        tpu.wait_indirect_dma semaphore(%run_scoped3A_649 : memref<!tpu.dma_semaphore, #tpu.memory_space<semaphore_mem>>) src(%dma_wait3A_663 : memref<128x64xf32, #tpu.memory_space<vmem>>) dst(%dma_wait3A_669 : memref<10240x64xf32, #tpu.memory_space<vmem_shared>>)
        tpu.yield
      }) : () -> ()
      %dma_wait3A_459 = arith.constant 0 : i32
      %dma_wait3A_460 = arith.constant 0 : i32
      %dma_wait3A_461 = arith.constant 0 : i32
      %dma_wait3A_462 = arith.constant 0 : i32
      %dma_wait3A_463 = arith.constant 0 : i32
      %dma_wait3A_464 = tpu.memref_slice %arg7[%dma_wait3A_461, %dma_wait3A_462, %dma_wait3A_463] : memref<2x2x128xi32, #tpu.memory_space<vmem>> -> memref<1x2x128xi32, #tpu.memory_space<vmem>>
      %dma_wait3A_465 = tpu.memref_squeeze %dma_wait3A_464 : memref<1x2x128xi32, #tpu.memory_space<vmem>> -> memref<2x128xi32, #tpu.memory_space<vmem>>
      %dma_wait3A_466 = arith.constant 0 : i32
      %dma_wait3A_467 = arith.constant 0 : i32
      %dma_wait3A_468 = tpu.memref_slice %arg3[%dma_wait3A_459, %dma_wait3A_460, %dma_wait3A_466, %dma_wait3A_467] : memref<32x80x2x128xi32, #tpu.memory_space<hbm>> -> memref<1x1x2x128xi32, #tpu.memory_space<hbm>>
      %dma_wait3A_469 = tpu.memref_squeeze %dma_wait3A_468 : memref<1x1x2x128xi32, #tpu.memory_space<hbm>> -> memref<2x128xi32, #tpu.memory_space<hbm>>
      %dma_wait3A_470 = arith.constant 0 : i32
      %dma_wait3A_471 = arith.constant 0 : i32
      %dma_wait3A_472 = tpu.memref_slice %arg7[%dma_wait3A_461, %dma_wait3A_470, %dma_wait3A_471] : memref<2x2x128xi32, #tpu.memory_space<vmem>> -> memref<1x2x128xi32, #tpu.memory_space<vmem>>
      %dma_wait3A_473 = tpu.memref_squeeze %dma_wait3A_472 : memref<1x2x128xi32, #tpu.memory_space<vmem>> -> memref<2x128xi32, #tpu.memory_space<vmem>>
      %dma_wait3A_474 = arith.constant 0 : i32
      %dma_wait3A_475 = arith.constant 0 : i32
      %dma_wait3A_476 = tpu.memref_slice %arg3[%dma_wait3A_459, %dma_wait3A_460, %dma_wait3A_474, %dma_wait3A_475] : memref<32x80x2x128xi32, #tpu.memory_space<hbm>> -> memref<1x1x2x128xi32, #tpu.memory_space<hbm>>
      %dma_wait3A_477 = tpu.memref_squeeze %dma_wait3A_476 : memref<1x1x2x128xi32, #tpu.memory_space<hbm>> -> memref<2x128xi32, #tpu.memory_space<hbm>>
      tpu.wait_dma2 semaphore(%arg12 : memref<!tpu.dma_semaphore, #tpu.memory_space<semaphore_mem>>) src(%dma_wait3A_477 : memref<2x128xi32, #tpu.memory_space<hbm>>) dst(%dma_wait3A_473 : memref<2x128xi32, #tpu.memory_space<vmem>>)
      %dma_start3A_478 = arith.constant 0 : i32
      %dma_start3A_479 = arith.constant 0 : i32
      %dma_start3A_480 = arith.constant 0 : i32
      %dma_start3A_481 = arith.constant 0 : i32
      %dma_start3A_482 = arith.constant 0 : i32
      %dma_start3A_483 = tpu.memref_slice %arg9[%dma_start3A_480, %dma_start3A_481, %dma_start3A_482] : memref<2x128x64xf32, #tpu.memory_space<vmem>> -> memref<1x128x64xf32, #tpu.memory_space<vmem>>
      %dma_start3A_484 = tpu.memref_squeeze %dma_start3A_483 : memref<1x128x64xf32, #tpu.memory_space<vmem>> -> memref<128x64xf32, #tpu.memory_space<vmem>>
      %dma_start3A_485 = arith.constant 0 : i32
      %dma_start3A_486 = tpu.memref_slice %arg7[%dma_start3A_478, %dma_start3A_479, %dma_start3A_485] : memref<2x2x128xi32, #tpu.memory_space<vmem>> -> memref<1x1x128xi32, #tpu.memory_space<vmem>>
      %dma_start3A_487 = tpu.memref_squeeze %dma_start3A_486 : memref<1x1x128xi32, #tpu.memory_space<vmem>> -> memref<128xi32, #tpu.memory_space<vmem>>
      %dma_start3A_488 = arith.constant 0 : i32
      %dma_start3A_489 = arith.constant 0 : i32
      %dma_start3A_490 = tpu.memref_slice %arg6[%dma_start3A_488, %dma_start3A_489] : memref<10240x64xf32, #tpu.memory_space<vmem_shared>> -> memref<10240x64xf32, #tpu.memory_space<vmem_shared>>
      tpu.enqueue_indirect_dma source(%dma_start3A_490 : memref<10240x64xf32, #tpu.memory_space<vmem_shared>>) target(%dma_start3A_484 : memref<128x64xf32, #tpu.memory_space<vmem>>) offsets(%dma_start3A_487 : memref<128xi32, #tpu.memory_space<vmem>>) semaphore(%arg10 : memref<!tpu.dma_semaphore, #tpu.memory_space<semaphore_mem>>)
      %get3A_491 = arith.constant 0 : i32
      %get3A_492 = arith.constant 1 : i32
      %get3A_493 = arith.index_cast %get3A_491 : i32 to index
      %get3A_494 = arith.index_cast %get3A_492 : i32 to index
      %get3A_495 = arith.constant 0 : index
      %get3A_496 = tpu.vector_load %arg7[%get3A_493, %get3A_494, %get3A_495] {strides = array<i32>} : memref<2x2x128xi32, #tpu.memory_space<vmem>>, vector<1x1x16xi32>,
      %get3A_497 = vector.shape_cast %get3A_496 : vector<1x1x16xi32> to vector<16xi32>
      %swap3A_498 = arith.constant 0 : i32
      %swap3A_499 = arith.index_cast %swap3A_498 : i32 to index
      %swap3A_500 = arith.constant 0 : index
      %swap3A_501 = tpu.vector_load %arg8[%swap3A_499, %swap3A_500] {strides = array<i32>} : memref<2x128xi32, #tpu.memory_space<vmem>>, vector<1x16xi32>,
      %swap3A_502 = vector.shape_cast %swap3A_501 : vector<1x16xi32> to vector<16xi32>
      %swap3A_503 = vector.shape_cast %get3A_497 : vector<16xi32> to vector<1x16xi32>
      tpu.vector_store %arg8[%swap3A_499, %swap3A_500], %swap3A_503 {strides = array<i32>} : memref<2x128xi32, #tpu.memory_space<vmem>>, vector<1x16xi32>,
      %get3A_504 = arith.constant 0 : i32
      %get3A_505 = arith.constant 1 : i32
      %get3A_506 = arith.index_cast %get3A_504 : i32 to index
      %get3A_507 = arith.index_cast %get3A_505 : i32 to index
      %get3A_508 = arith.constant 16 : index
      %get3A_509 = tpu.vector_load %arg7[%get3A_506, %get3A_507, %get3A_508] {strides = array<i32>} : memref<2x2x128xi32, #tpu.memory_space<vmem>>, vector<1x1x16xi32>,
      %get3A_510 = vector.shape_cast %get3A_509 : vector<1x1x16xi32> to vector<16xi32>
      %swap3A_511 = arith.constant 0 : i32
      %swap3A_512 = arith.index_cast %swap3A_511 : i32 to index
      %swap3A_513 = arith.constant 16 : index
      %swap3A_514 = tpu.vector_load %arg8[%swap3A_512, %swap3A_513] {strides = array<i32>} : memref<2x128xi32, #tpu.memory_space<vmem>>, vector<1x16xi32>,
      %swap3A_515 = vector.shape_cast %swap3A_514 : vector<1x16xi32> to vector<16xi32>
      %swap3A_516 = vector.shape_cast %get3A_510 : vector<16xi32> to vector<1x16xi32>
      tpu.vector_store %arg8[%swap3A_512, %swap3A_513], %swap3A_516 {strides = array<i32>} : memref<2x128xi32, #tpu.memory_space<vmem>>, vector<1x16xi32>,
      %get3A_517 = arith.constant 0 : i32
      %get3A_518 = arith.constant 1 : i32
      %get3A_519 = arith.index_cast %get3A_517 : i32 to index
      %get3A_520 = arith.index_cast %get3A_518 : i32 to index
      %get3A_521 = arith.constant 32 : index
      %get3A_522 = tpu.vector_load %arg7[%get3A_519, %get3A_520, %get3A_521] {strides = array<i32>} : memref<2x2x128xi32, #tpu.memory_space<vmem>>, vector<1x1x16xi32>,
      %get3A_523 = vector.shape_cast %get3A_522 : vector<1x1x16xi32> to vector<16xi32>
      %swap3A_524 = arith.constant 0 : i32
      %swap3A_525 = arith.index_cast %swap3A_524 : i32 to index
      %swap3A_526 = arith.constant 32 : index
      %swap3A_527 = tpu.vector_load %arg8[%swap3A_525, %swap3A_526] {strides = array<i32>} : memref<2x128xi32, #tpu.memory_space<vmem>>, vector<1x16xi32>,
      %swap3A_528 = vector.shape_cast %swap3A_527 : vector<1x16xi32> to vector<16xi32>
      %swap3A_529 = vector.shape_cast %get3A_523 : vector<16xi32> to vector<1x16xi32>
      tpu.vector_store %arg8[%swap3A_525, %swap3A_526], %swap3A_529 {strides = array<i32>} : memref<2x128xi32, #tpu.memory_space<vmem>>, vector<1x16xi32>,
      %get3A_530 = arith.constant 0 : i32
      %get3A_531 = arith.constant 1 : i32
      %get3A_532 = arith.index_cast %get3A_530 : i32 to index
      %get3A_533 = arith.index_cast %get3A_531 : i32 to index
      %get3A_534 = arith.constant 48 : index
      %get3A_535 = tpu.vector_load %arg7[%get3A_532, %get3A_533, %get3A_534] {strides = array<i32>} : memref<2x2x128xi32, #tpu.memory_space<vmem>>, vector<1x1x16xi32>,
      %get3A_536 = vector.shape_cast %get3A_535 : vector<1x1x16xi32> to vector<16xi32>
      %swap3A_537 = arith.constant 0 : i32
      %swap3A_538 = arith.index_cast %swap3A_537 : i32 to index
      %swap3A_539 = arith.constant 48 : index
      %swap3A_540 = tpu.vector_load %arg8[%swap3A_538, %swap3A_539] {strides = array<i32>} : memref<2x128xi32, #tpu.memory_space<vmem>>, vector<1x16xi32>,
      %swap3A_541 = vector.shape_cast %swap3A_540 : vector<1x16xi32> to vector<16xi32>
      %swap3A_542 = vector.shape_cast %get3A_536 : vector<16xi32> to vector<1x16xi32>
      tpu.vector_store %arg8[%swap3A_538, %swap3A_539], %swap3A_542 {strides = array<i32>} : memref<2x128xi32, #tpu.memory_space<vmem>>, vector<1x16xi32>,
      %get3A_543 = arith.constant 0 : i32
      %get3A_544 = arith.constant 1 : i32
      %get3A_545 = arith.index_cast %get3A_543 : i32 to index
      %get3A_546 = arith.index_cast %get3A_544 : i32 to index
      %get3A_547 = arith.constant 64 : index
      %get3A_548 = tpu.vector_load %arg7[%get3A_545, %get3A_546, %get3A_547] {strides = array<i32>} : memref<2x2x128xi32, #tpu.memory_space<vmem>>, vector<1x1x16xi32>,
      %get3A_549 = vector.shape_cast %get3A_548 : vector<1x1x16xi32> to vector<16xi32>
      %swap3A_550 = arith.constant 0 : i32
      %swap3A_551 = arith.index_cast %swap3A_550 : i32 to index
      %swap3A_552 = arith.constant 64 : index
      %swap3A_553 = tpu.vector_load %arg8[%swap3A_551, %swap3A_552] {strides = array<i32>} : memref<2x128xi32, #tpu.memory_space<vmem>>, vector<1x16xi32>,
      %swap3A_554 = vector.shape_cast %swap3A_553 : vector<1x16xi32> to vector<16xi32>
      %swap3A_555 = vector.shape_cast %get3A_549 : vector<16xi32> to vector<1x16xi32>
      tpu.vector_store %arg8[%swap3A_551, %swap3A_552], %swap3A_555 {strides = array<i32>} : memref<2x128xi32, #tpu.memory_space<vmem>>, vector<1x16xi32>,
      %get3A_556 = arith.constant 0 : i32
      %get3A_557 = arith.constant 1 : i32
      %get3A_558 = arith.index_cast %get3A_556 : i32 to index
      %get3A_559 = arith.index_cast %get3A_557 : i32 to index
      %get3A_560 = arith.constant 80 : index
      %get3A_561 = tpu.vector_load %arg7[%get3A_558, %get3A_559, %get3A_560] {strides = array<i32>} : memref<2x2x128xi32, #tpu.memory_space<vmem>>, vector<1x1x16xi32>,
      %get3A_562 = vector.shape_cast %get3A_561 : vector<1x1x16xi32> to vector<16xi32>
      %swap3A_563 = arith.constant 0 : i32
      %swap3A_564 = arith.index_cast %swap3A_563 : i32 to index
      %swap3A_565 = arith.constant 80 : index
      %swap3A_566 = tpu.vector_load %arg8[%swap3A_564, %swap3A_565] {strides = array<i32>} : memref<2x128xi32, #tpu.memory_space<vmem>>, vector<1x16xi32>,
      %swap3A_567 = vector.shape_cast %swap3A_566 : vector<1x16xi32> to vector<16xi32>
      %swap3A_568 = vector.shape_cast %get3A_562 : vector<16xi32> to vector<1x16xi32>
      tpu.vector_store %arg8[%swap3A_564, %swap3A_565], %swap3A_568 {strides = array<i32>} : memref<2x128xi32, #tpu.memory_space<vmem>>, vector<1x16xi32>,
      %get3A_569 = arith.constant 0 : i32
      %get3A_570 = arith.constant 1 : i32
      %get3A_571 = arith.index_cast %get3A_569 : i32 to index
      %get3A_572 = arith.index_cast %get3A_570 : i32 to index
      %get3A_573 = arith.constant 96 : index
      %get3A_574 = tpu.vector_load %arg7[%get3A_571, %get3A_572, %get3A_573] {strides = array<i32>} : memref<2x2x128xi32, #tpu.memory_space<vmem>>, vector<1x1x16xi32>,
      %get3A_575 = vector.shape_cast %get3A_574 : vector<1x1x16xi32> to vector<16xi32>
      %swap3A_576 = arith.constant 0 : i32
      %swap3A_577 = arith.index_cast %swap3A_576 : i32 to index
      %swap3A_578 = arith.constant 96 : index
      %swap3A_579 = tpu.vector_load %arg8[%swap3A_577, %swap3A_578] {strides = array<i32>} : memref<2x128xi32, #tpu.memory_space<vmem>>, vector<1x16xi32>,
      %swap3A_580 = vector.shape_cast %swap3A_579 : vector<1x16xi32> to vector<16xi32>
      %swap3A_581 = vector.shape_cast %get3A_575 : vector<16xi32> to vector<1x16xi32>
      tpu.vector_store %arg8[%swap3A_577, %swap3A_578], %swap3A_581 {strides = array<i32>} : memref<2x128xi32, #tpu.memory_space<vmem>>, vector<1x16xi32>,
      %get3A_582 = arith.constant 0 : i32
      %get3A_583 = arith.constant 1 : i32
      %get3A_584 = arith.index_cast %get3A_582 : i32 to index
      %get3A_585 = arith.index_cast %get3A_583 : i32 to index
      %get3A_586 = arith.constant 112 : index
      %get3A_587 = tpu.vector_load %arg7[%get3A_584, %get3A_585, %get3A_586] {strides = array<i32>} : memref<2x2x128xi32, #tpu.memory_space<vmem>>, vector<1x1x16xi32>,
      %get3A_588 = vector.shape_cast %get3A_587 : vector<1x1x16xi32> to vector<16xi32>
      %swap3A_589 = arith.constant 0 : i32
      %swap3A_590 = arith.index_cast %swap3A_589 : i32 to index
      %swap3A_591 = arith.constant 112 : index
      %swap3A_592 = tpu.vector_load %arg8[%swap3A_590, %swap3A_591] {strides = array<i32>} : memref<2x128xi32, #tpu.memory_space<vmem>>, vector<1x16xi32>,
      %swap3A_593 = vector.shape_cast %swap3A_592 : vector<1x16xi32> to vector<16xi32>
      %swap3A_594 = vector.shape_cast %get3A_588 : vector<16xi32> to vector<1x16xi32>
      tpu.vector_store %arg8[%swap3A_590, %swap3A_591], %swap3A_594 {strides = array<i32>} : memref<2x128xi32, #tpu.memory_space<vmem>>, vector<1x16xi32>,
      %dma_wait3A_595 = arith.constant 1 : i32
      %dma_wait3A_596 = arith.constant 0 : i32
      %dma_wait3A_597 = arith.constant 1 : i32
      %dma_wait3A_598 = arith.constant 0 : i32
      %dma_wait3A_599 = arith.constant 0 : i32
      %dma_wait3A_600 = tpu.memref_slice %arg9[%dma_wait3A_597, %dma_wait3A_598, %dma_wait3A_599] : memref<2x128x64xf32, #tpu.memory_space<vmem>> -> memref<1x128x64xf32, #tpu.memory_space<vmem>>
      %dma_wait3A_601 = tpu.memref_squeeze %dma_wait3A_600 : memref<1x128x64xf32, #tpu.memory_space<vmem>> -> memref<128x64xf32, #tpu.memory_space<vmem>>
      %dma_wait3A_602 = arith.constant 0 : i32
      %dma_wait3A_603 = tpu.memref_slice %arg7[%dma_wait3A_595, %dma_wait3A_596, %dma_wait3A_602] : memref<2x2x128xi32, #tpu.memory_space<vmem>> -> memref<1x1x128xi32, #tpu.memory_space<vmem>>
      %dma_wait3A_604 = tpu.memref_squeeze %dma_wait3A_603 : memref<1x1x128xi32, #tpu.memory_space<vmem>> -> memref<128xi32, #tpu.memory_space<vmem>>
      %dma_wait3A_605 = arith.constant 0 : i32
      %dma_wait3A_606 = arith.constant 0 : i32
      %dma_wait3A_607 = tpu.memref_slice %arg6[%dma_wait3A_605, %dma_wait3A_606] : memref<10240x64xf32, #tpu.memory_space<vmem_shared>> -> memref<10240x64xf32, #tpu.memory_space<vmem_shared>>
      tpu.wait_indirect_dma semaphore(%arg11 : memref<!tpu.dma_semaphore, #tpu.memory_space<semaphore_mem>>) src(%dma_wait3A_607 : memref<10240x64xf32, #tpu.memory_space<vmem_shared>>) dst(%dma_wait3A_601 : memref<128x64xf32, #tpu.memory_space<vmem>>)
      %add3A_608 = arith.constant 3 : i32
      %add3A_609 = arith.addi %mul3A_271, %add3A_608 : i32
      %ge3A_610 = arith.constant 79 : i32
      %ge3A_611 = arith.cmpi sge, %add3A_609, %ge3A_610 : i32
      %ge3A_612 = arith.constant 158 : i32
      %ge3A_613 = arith.cmpi sge, %add3A_609, %ge3A_612 : i32
      %mul3A_614 = arith.constant 2 : i32
      %mul3A_615 = arith.muli %mul3A_614, %arg1 : i32
      %mul3A_616 = arith.constant 2 : i32
      %mul3A_617 = arith.muli %mul3A_616, %arg1 : i32
      %add3A_618 = arith.constant 1 : i32
      %add3A_619 = arith.addi %mul3A_617, %add3A_618 : i32
      %mul3A_620 = arith.constant 2 : i32
      %mul3A_621 = arith.muli %mul3A_620, %arg1 : i32
      %select_n3A_622 = arith.select %ge3A_611, %add3A_619, %mul3A_621 : i32
      %select_n3A_623 = arith.select %ge3A_613, %mul3A_615, %select_n3A_622 : i32
      %sub3A_624 = arith.constant 79 : i32
      %sub3A_625 = arith.subi %add3A_609, %sub3A_624 : i32
      %select_n3A_626 = arith.select %ge3A_611, %sub3A_625, %add3A_609 : i32
      %jit3A_627 = arith.constant 79 : i32
      %select_n3A_628 = arith.select %ge3A_613, %jit3A_627, %select_n3A_626 : i32
      %dma_start3A_629 = arith.constant 1 : i32
      %dma_start3A_630 = arith.constant 0 : i32
      %dma_start3A_631 = arith.constant 0 : i32
      %dma_start3A_632 = tpu.memref_slice %arg7[%dma_start3A_629, %dma_start3A_630, %dma_start3A_631] : memref<2x2x128xi32, #tpu.memory_space<vmem>> -> memref<1x2x128xi32, #tpu.memory_space<vmem>>
      %dma_start3A_633 = tpu.memref_squeeze %dma_start3A_632 : memref<1x2x128xi32, #tpu.memory_space<vmem>> -> memref<2x128xi32, #tpu.memory_space<vmem>>
      %dma_start3A_634 = arith.constant 0 : i32
      %dma_start3A_635 = arith.constant 0 : i32
      %dma_start3A_636 = tpu.memref_slice %arg3[%select_n3A_623, %select_n3A_628, %dma_start3A_634, %dma_start3A_635] : memref<32x80x2x128xi32, #tpu.memory_space<hbm>> -> memref<1x1x2x128xi32, #tpu.memory_space<hbm>>
      %dma_start3A_637 = tpu.memref_squeeze %dma_start3A_636 : memref<1x1x2x128xi32, #tpu.memory_space<hbm>> -> memref<2x128xi32, #tpu.memory_space<hbm>>
      %dma_start3A_638 = arith.constant 0 : i32
      %dma_start3A_639 = arith.constant 0 : i32
      %dma_start3A_640 = tpu.memref_slice %arg7[%dma_start3A_629, %dma_start3A_638, %dma_start3A_639] : memref<2x2x128xi32, #tpu.memory_space<vmem>> -> memref<1x2x128xi32, #tpu.memory_space<vmem>>
      %dma_start3A_641 = tpu.memref_squeeze %dma_start3A_640 : memref<1x2x128xi32, #tpu.memory_space<vmem>> -> memref<2x128xi32, #tpu.memory_space<vmem>>
      %dma_start3A_642 = arith.constant 0 : i32
      %dma_start3A_643 = arith.constant 0 : i32
      %dma_start3A_644 = tpu.memref_slice %arg3[%select_n3A_623, %select_n3A_628, %dma_start3A_642, %dma_start3A_643] : memref<32x80x2x128xi32, #tpu.memory_space<hbm>> -> memref<1x1x2x128xi32, #tpu.memory_space<hbm>>
      %dma_start3A_645 = tpu.memref_squeeze %dma_start3A_644 : memref<1x1x2x128xi32, #tpu.memory_space<hbm>> -> memref<2x128xi32, #tpu.memory_space<hbm>>
      tpu.enqueue_dma source(%dma_start3A_645 : memref<2x128xi32, #tpu.memory_space<hbm>>) target(%dma_start3A_641 : memref<2x128xi32, #tpu.memory_space<vmem>>) target_semaphore(%arg13 : memref<!tpu.dma_semaphore, #tpu.memory_space<semaphore_mem>>)
      %run_scoped3A_646 = arith.constant 1 : i32
      %run_scoped3A_647 = arith.constant 1 : i32
      "tpu.region"() ({
        %run_scoped3A_649 = tpu.sem_alloc : memref<!tpu.dma_semaphore, #tpu.memory_space<semaphore_mem>>
        %dma_start3A_650 = arith.constant 0 : i32
        %dma_start3A_651 = arith.constant 0 : i32
        %dma_start3A_652 = tpu.memref_slice %arg9[%run_scoped3A_646, %dma_start3A_650, %dma_start3A_651] : memref<2x128x64xf32, #tpu.memory_space<vmem>> -> memref<1x128x64xf32, #tpu.memory_space<vmem>>
        %dma_start3A_653 = tpu.memref_squeeze %dma_start3A_652 : memref<1x128x64xf32, #tpu.memory_space<vmem>> -> memref<128x64xf32, #tpu.memory_space<vmem>>
        %dma_start3A_654 = arith.constant 0 : i32
        %dma_start3A_655 = tpu.memref_slice %arg8[%run_scoped3A_647, %dma_start3A_654] : memref<2x128xi32, #tpu.memory_space<vmem>> -> memref<1x128xi32, #tpu.memory_space<vmem>>
        %dma_start3A_656 = tpu.memref_squeeze %dma_start3A_655 : memref<1x128xi32, #tpu.memory_space<vmem>> -> memref<128xi32, #tpu.memory_space<vmem>>
        %dma_start3A_657 = arith.constant 0 : i32
        %dma_start3A_658 = arith.constant 0 : i32
        %dma_start3A_659 = tpu.memref_slice %arg5[%dma_start3A_657, %dma_start3A_658] : memref<10240x64xf32, #tpu.memory_space<vmem_shared>> -> memref<10240x64xf32, #tpu.memory_space<vmem_shared>>
        tpu.enqueue_indirect_dma source(%dma_start3A_653 : memref<128x64xf32, #tpu.memory_space<vmem>>) target(%dma_start3A_659 : memref<10240x64xf32, #tpu.memory_space<vmem_shared>>) offsets(%dma_start3A_656 : memref<128xi32, #tpu.memory_space<vmem>>) semaphore(%run_scoped3A_649 : memref<!tpu.dma_semaphore, #tpu.memory_space<semaphore_mem>>) {add = true}
        %dma_wait3A_660 = arith.constant 0 : i32
        %dma_wait3A_661 = arith.constant 0 : i32
        %dma_wait3A_662 = tpu.memref_slice %arg9[%run_scoped3A_646, %dma_wait3A_660, %dma_wait3A_661] : memref<2x128x64xf32, #tpu.memory_space<vmem>> -> memref<1x128x64xf32, #tpu.memory_space<vmem>>
        %dma_wait3A_663 = tpu.memref_squeeze %dma_wait3A_662 : memref<1x128x64xf32, #tpu.memory_space<vmem>> -> memref<128x64xf32, #tpu.memory_space<vmem>>
        %dma_wait3A_664 = arith.constant 0 : i32
        %dma_wait3A_665 = tpu.memref_slice %arg8[%run_scoped3A_647, %dma_wait3A_664] : memref<2x128xi32, #tpu.memory_space<vmem>> -> memref<1x128xi32, #tpu.memory_space<vmem>>
        %dma_wait3A_666 = tpu.memref_squeeze %dma_wait3A_665 : memref<1x128xi32, #tpu.memory_space<vmem>> -> memref<128xi32, #tpu.memory_space<vmem>>
        %dma_wait3A_667 = arith.constant 0 : i32
        %dma_wait3A_668 = arith.constant 0 : i32
        %dma_wait3A_669 = tpu.memref_slice %arg5[%dma_wait3A_667, %dma_wait3A_668] : memref<10240x64xf32, #tpu.memory_space<vmem_shared>> -> memref<10240x64xf32, #tpu.memory_space<vmem_shared>>
        tpu.wait_indirect_dma semaphore(%run_scoped3A_649 : memref<!tpu.dma_semaphore, #tpu.memory_space<semaphore_mem>>) src(%dma_wait3A_663 : memref<128x64xf32, #tpu.memory_space<vmem>>) dst(%dma_wait3A_669 : memref<10240x64xf32, #tpu.memory_space<vmem_shared>>)
        tpu.yield
      }) : () -> ()
      %scan3A_648 = arith.constant 0 : i32
      scf.yield %scan3A_648 : i32
    }
    %scan3A_229 = arith.constant 79 : i32
    %dma_wait3A_230 = arith.constant 0 : i32
    %dma_wait3A_231 = arith.constant 0 : i32
    %dma_wait3A_232 = arith.constant 0 : i32
    %dma_wait3A_233 = arith.constant 0 : i32
    %dma_wait3A_234 = arith.constant 0 : i32
    %dma_wait3A_235 = tpu.memref_slice %arg9[%dma_wait3A_232, %dma_wait3A_233, %dma_wait3A_234] : memref<2x128x64xf32, #tpu.memory_space<vmem>> -> memref<1x128x64xf32, #tpu.memory_space<vmem>>
    %dma_wait3A_236 = tpu.memref_squeeze %dma_wait3A_235 : memref<1x128x64xf32, #tpu.memory_space<vmem>> -> memref<128x64xf32, #tpu.memory_space<vmem>>
    %dma_wait3A_237 = arith.constant 0 : i32
    %dma_wait3A_238 = tpu.memref_slice %arg7[%dma_wait3A_230, %dma_wait3A_231, %dma_wait3A_237] : memref<2x2x128xi32, #tpu.memory_space<vmem>> -> memref<1x1x128xi32, #tpu.memory_space<vmem>>
    %dma_wait3A_239 = tpu.memref_squeeze %dma_wait3A_238 : memref<1x1x128xi32, #tpu.memory_space<vmem>> -> memref<128xi32, #tpu.memory_space<vmem>>
    %dma_wait3A_240 = arith.constant 0 : i32
    %dma_wait3A_241 = arith.constant 0 : i32
    %dma_wait3A_242 = tpu.memref_slice %arg6[%dma_wait3A_240, %dma_wait3A_241] : memref<10240x64xf32, #tpu.memory_space<vmem_shared>> -> memref<10240x64xf32, #tpu.memory_space<vmem_shared>>
    tpu.wait_indirect_dma semaphore(%arg10 : memref<!tpu.dma_semaphore, #tpu.memory_space<semaphore_mem>>) src(%dma_wait3A_242 : memref<10240x64xf32, #tpu.memory_space<vmem_shared>>) dst(%dma_wait3A_236 : memref<128x64xf32, #tpu.memory_space<vmem>>)
    %run_scoped3A = arith.constant 0 : i32
    %run_scoped3A_243 = arith.constant 0 : i32
    "tpu.region"() ({
      %run_scoped3A_268 = tpu.sem_alloc : memref<!tpu.dma_semaphore, #tpu.memory_space<semaphore_mem>>
      %dma_start3A_269 = arith.constant 0 : i32
      %dma_start3A_270 = arith.constant 0 : i32
      %dma_start3A_271 = tpu.memref_slice %arg9[%run_scoped3A, %dma_start3A_269, %dma_start3A_270] : memref<2x128x64xf32, #tpu.memory_space<vmem>> -> memref<1x128x64xf32, #tpu.memory_space<vmem>>
      %dma_start3A_272 = tpu.memref_squeeze %dma_start3A_271 : memref<1x128x64xf32, #tpu.memory_space<vmem>> -> memref<128x64xf32, #tpu.memory_space<vmem>>
      %dma_start3A_273 = arith.constant 0 : i32
      %dma_start3A_274 = tpu.memref_slice %arg8[%run_scoped3A_243, %dma_start3A_273] : memref<2x128xi32, #tpu.memory_space<vmem>> -> memref<1x128xi32, #tpu.memory_space<vmem>>
      %dma_start3A_275 = tpu.memref_squeeze %dma_start3A_274 : memref<1x128xi32, #tpu.memory_space<vmem>> -> memref<128xi32, #tpu.memory_space<vmem>>
      %dma_start3A_276 = arith.constant 0 : i32
      %dma_start3A_277 = arith.constant 0 : i32
      %dma_start3A_278 = tpu.memref_slice %arg5[%dma_start3A_276, %dma_start3A_277] : memref<10240x64xf32, #tpu.memory_space<vmem_shared>> -> memref<10240x64xf32, #tpu.memory_space<vmem_shared>>
      tpu.enqueue_indirect_dma source(%dma_start3A_272 : memref<128x64xf32, #tpu.memory_space<vmem>>) target(%dma_start3A_278 : memref<10240x64xf32, #tpu.memory_space<vmem_shared>>) offsets(%dma_start3A_275 : memref<128xi32, #tpu.memory_space<vmem>>) semaphore(%run_scoped3A_268 : memref<!tpu.dma_semaphore, #tpu.memory_space<semaphore_mem>>) {add = true}
      %dma_wait3A_279 = arith.constant 0 : i32
      %dma_wait3A_280 = arith.constant 0 : i32
      %dma_wait3A_281 = tpu.memref_slice %arg9[%run_scoped3A, %dma_wait3A_279, %dma_wait3A_280] : memref<2x128x64xf32, #tpu.memory_space<vmem>> -> memref<1x128x64xf32, #tpu.memory_space<vmem>>
      %dma_wait3A_282 = tpu.memref_squeeze %dma_wait3A_281 : memref<1x128x64xf32, #tpu.memory_space<vmem>> -> memref<128x64xf32, #tpu.memory_space<vmem>>
      %dma_wait3A_283 = arith.constant 0 : i32
      %dma_wait3A_284 = tpu.memref_slice %arg8[%run_scoped3A_243, %dma_wait3A_283] : memref<2x128xi32, #tpu.memory_space<vmem>> -> memref<1x128xi32, #tpu.memory_space<vmem>>
      %dma_wait3A_285 = tpu.memref_squeeze %dma_wait3A_284 : memref<1x128xi32, #tpu.memory_space<vmem>> -> memref<128xi32, #tpu.memory_space<vmem>>
      %dma_wait3A_286 = arith.constant 0 : i32
      %dma_wait3A_287 = arith.constant 0 : i32
      %dma_wait3A_288 = tpu.memref_slice %arg5[%dma_wait3A_286, %dma_wait3A_287] : memref<10240x64xf32, #tpu.memory_space<vmem_shared>> -> memref<10240x64xf32, #tpu.memory_space<vmem_shared>>
      tpu.wait_indirect_dma semaphore(%run_scoped3A_268 : memref<!tpu.dma_semaphore, #tpu.memory_space<semaphore_mem>>) src(%dma_wait3A_282 : memref<128x64xf32, #tpu.memory_space<vmem>>) dst(%dma_wait3A_288 : memref<10240x64xf32, #tpu.memory_space<vmem_shared>>)
      tpu.yield
    }) : () -> ()
    %dma_wait3A_244 = arith.constant 0 : i32
    %dma_wait3A_245 = arith.constant 0 : i32
    %dma_wait3A_246 = arith.constant 1 : i32
    %dma_wait3A_247 = arith.constant 0 : i32
    %dma_wait3A_248 = arith.constant 0 : i32
    %dma_wait3A_249 = tpu.memref_slice %arg7[%dma_wait3A_246, %dma_wait3A_247, %dma_wait3A_248] : memref<2x2x128xi32, #tpu.memory_space<vmem>> -> memref<1x2x128xi32, #tpu.memory_space<vmem>>
    %dma_wait3A_250 = tpu.memref_squeeze %dma_wait3A_249 : memref<1x2x128xi32, #tpu.memory_space<vmem>> -> memref<2x128xi32, #tpu.memory_space<vmem>>
    %dma_wait3A_251 = arith.constant 0 : i32
    %dma_wait3A_252 = arith.constant 0 : i32
    %dma_wait3A_253 = tpu.memref_slice %arg3[%dma_wait3A_244, %dma_wait3A_245, %dma_wait3A_251, %dma_wait3A_252] : memref<32x80x2x128xi32, #tpu.memory_space<hbm>> -> memref<1x1x2x128xi32, #tpu.memory_space<hbm>>
    %dma_wait3A_254 = tpu.memref_squeeze %dma_wait3A_253 : memref<1x1x2x128xi32, #tpu.memory_space<hbm>> -> memref<2x128xi32, #tpu.memory_space<hbm>>
    %dma_wait3A_255 = arith.constant 0 : i32
    %dma_wait3A_256 = arith.constant 0 : i32
    %dma_wait3A_257 = tpu.memref_slice %arg7[%dma_wait3A_246, %dma_wait3A_255, %dma_wait3A_256] : memref<2x2x128xi32, #tpu.memory_space<vmem>> -> memref<1x2x128xi32, #tpu.memory_space<vmem>>
    %dma_wait3A_258 = tpu.memref_squeeze %dma_wait3A_257 : memref<1x2x128xi32, #tpu.memory_space<vmem>> -> memref<2x128xi32, #tpu.memory_space<vmem>>
    %dma_wait3A_259 = arith.constant 0 : i32
    %dma_wait3A_260 = arith.constant 0 : i32
    %dma_wait3A_261 = tpu.memref_slice %arg3[%dma_wait3A_244, %dma_wait3A_245, %dma_wait3A_259, %dma_wait3A_260] : memref<32x80x2x128xi32, #tpu.memory_space<hbm>> -> memref<1x1x2x128xi32, #tpu.memory_space<hbm>>
    %dma_wait3A_262 = tpu.memref_squeeze %dma_wait3A_261 : memref<1x1x2x128xi32, #tpu.memory_space<hbm>> -> memref<2x128xi32, #tpu.memory_space<hbm>>
    tpu.wait_dma2 semaphore(%arg13 : memref<!tpu.dma_semaphore, #tpu.memory_space<semaphore_mem>>) src(%dma_wait3A_262 : memref<2x128xi32, #tpu.memory_space<hbm>>) dst(%dma_wait3A_258 : memref<2x128xi32, #tpu.memory_space<vmem>>)
    %barrier3A_263 = arith.constant 0 : index
    tpu.barrier barrier_id(%barrier3A_263)
    %mul3A_264 = arith.constant 640 : i32
    %mul3A_265 = arith.muli %arg1, %mul3A_264 : i32
    %mul3A_266 = arith.constant 640 : i32
    %mul3A_267 = arith.muli %arg1, %mul3A_266 : i32
    "tpu.region"() ({
      %run_scoped3A_268 = tpu.sem_alloc : memref<!tpu.dma_semaphore, #tpu.memory_space<semaphore_mem>>
      %dma_start3A_269 = arith.constant 0 : i32
      %dma_start3A_270 = tpu.memref_slice %arg4[%arg0, %mul3A_267, %dma_start3A_269] : memref<2x10240x64xf32, #tpu.memory_space<hbm>> -> memref<1x640x64xf32, #tpu.memory_space<hbm>>
      %dma_start3A_271 = tpu.memref_squeeze %dma_start3A_270 : memref<1x640x64xf32, #tpu.memory_space<hbm>> -> memref<640x64xf32, #tpu.memory_space<hbm>>
      %dma_start3A_272 = arith.constant 0 : i32
      %dma_start3A_273 = tpu.memref_slice %arg5[%mul3A_265, %dma_start3A_272] : memref<10240x64xf32, #tpu.memory_space<vmem_shared>> -> memref<640x64xf32, #tpu.memory_space<vmem_shared>>
      tpu.enqueue_dma source(%dma_start3A_273 : memref<640x64xf32, #tpu.memory_space<vmem_shared>>) target(%dma_start3A_271 : memref<640x64xf32, #tpu.memory_space<hbm>>) target_semaphore(%run_scoped3A_268 : memref<!tpu.dma_semaphore, #tpu.memory_space<semaphore_mem>>)
      %dma_wait3A_274 = arith.constant 0 : i32
      %dma_wait3A_275 = tpu.memref_slice %arg4[%arg0, %mul3A_267, %dma_wait3A_274] : memref<2x10240x64xf32, #tpu.memory_space<hbm>> -> memref<1x640x64xf32, #tpu.memory_space<hbm>>
      %dma_wait3A_276 = tpu.memref_squeeze %dma_wait3A_275 : memref<1x640x64xf32, #tpu.memory_space<hbm>> -> memref<640x64xf32, #tpu.memory_space<hbm>>
      %dma_wait3A_277 = arith.constant 0 : i32
      %dma_wait3A_278 = tpu.memref_slice %arg5[%mul3A_265, %dma_wait3A_277] : memref<10240x64xf32, #tpu.memory_space<vmem_shared>> -> memref<640x64xf32, #tpu.memory_space<vmem_shared>>
      tpu.wait_dma2 semaphore(%run_scoped3A_268 : memref<!tpu.dma_semaphore, #tpu.memory_space<semaphore_mem>>) src(%dma_wait3A_278 : memref<640x64xf32, #tpu.memory_space<vmem_shared>>) dst(%dma_wait3A_276 : memref<640x64xf32, #tpu.memory_space<hbm>>)
      tpu.yield
    }) : () -> ()
    return
  }
}

#map = affine_map<(d0, d1) -> (0, 0, 0)>
#map1 = affine_map<(d0, d1) -> (0, 0, 0, 0)>
module attributes {stable_mosaic.version = 14 : i64} {
  func.func @agg_kernel(%arg0: i32, %arg1: i32, %arg2: memref<2x10240x64xf32, #tpu.memory_space<hbm>>, %arg3: memref<32x80x2x128xi32, #tpu.memory_space<hbm>>, %arg4: memref<2x10240x64xf32, #tpu.memory_space<hbm>>, %arg5: memref<10240x64xf32, #tpu.memory_space<vmem_shared>>, %arg6: memref<10240x64xf32, #tpu.memory_space<vmem_shared>>, %arg7: memref<2x2x128xi32, #tpu.memory_space<vmem>>, %arg8: memref<2x128xi32, #tpu.memory_space<vmem>>, %arg9: memref<2x128x64xf32, #tpu.memory_space<vmem>>, %arg10: memref<!tpu.dma_semaphore, #tpu.memory_space<semaphore_mem>>, %arg11: memref<!tpu.dma_semaphore, #tpu.memory_space<semaphore_mem>>, %arg12: memref<!tpu.dma_semaphore, #tpu.memory_space<semaphore_mem>>, %arg13: memref<!tpu.dma_semaphore, #tpu.memory_space<semaphore_mem>>) attributes {dimension_semantics = [#tpu.dimension_semantics<core_parallel>, #tpu.dimension_semantics<subcore_parallel>], iteration_bounds = array<i64: 2, 16>, scalar_prefetch = 0 : i64, scratch_operands = 9 : i64, tpu.core_type = #tpu.core_type<sc_vector_subcore>, window_params = [{transform_indices = #map}, {transform_indices = #map1}, {transform_indices = #map}]} {
    %mul3A = arith.constant 640 : i32
    %mul3A_0 = arith.muli %arg1, %mul3A : i32
    %mul3A_1 = arith.constant 640 : i32
    %mul3A_2 = arith.muli %arg1, %mul3A_1 : i32
    "tpu.region"() ({
      %run_scoped3A_268 = tpu.sem_alloc : memref<!tpu.dma_semaphore, #tpu.memory_space<semaphore_mem>>
      %dma_start3A_269 = arith.constant 0 : i32
      %dma_start3A_270 = tpu.memref_slice %arg6[%mul3A_2, %dma_start3A_269] : memref<10240x64xf32, #tpu.memory_space<vmem_shared>> -> memref<640x64xf32, #tpu.memory_space<vmem_shared>>
      %dma_start3A_271 = arith.constant 0 : i32
      %dma_start3A_272 = tpu.memref_slice %arg2[%arg0, %mul3A_0, %dma_start3A_271] : memref<2x10240x64xf32, #tpu.memory_space<hbm>> -> memref<1x640x64xf32, #tpu.memory_space<hbm>>
      %dma_start3A_273 = tpu.memref_squeeze %dma_start3A_272 : memref<1x640x64xf32, #tpu.memory_space<hbm>> -> memref<640x64xf32, #tpu.memory_space<hbm>>
      tpu.enqueue_dma source(%dma_start3A_273 : memref<640x64xf32, #tpu.memory_space<hbm>>) target(%dma_start3A_270 : memref<640x64xf32, #tpu.memory_space<vmem_shared>>) target_semaphore(%run_scoped3A_268 : memref<!tpu.dma_semaphore, #tpu.memory_space<semaphore_mem>>)
      %dma_wait3A_274 = arith.constant 0 : i32
      %dma_wait3A_275 = tpu.memref_slice %arg6[%mul3A_2, %dma_wait3A_274] : memref<10240x64xf32, #tpu.memory_space<vmem_shared>> -> memref<640x64xf32, #tpu.memory_space<vmem_shared>>
      %dma_wait3A_276 = arith.constant 0 : i32
      %dma_wait3A_277 = tpu.memref_slice %arg2[%arg0, %mul3A_0, %dma_wait3A_276] : memref<2x10240x64xf32, #tpu.memory_space<hbm>> -> memref<1x640x64xf32, #tpu.memory_space<hbm>>
      %dma_wait3A_278 = tpu.memref_squeeze %dma_wait3A_277 : memref<1x640x64xf32, #tpu.memory_space<hbm>> -> memref<640x64xf32, #tpu.memory_space<hbm>>
      tpu.wait_dma2 semaphore(%run_scoped3A_268 : memref<!tpu.dma_semaphore, #tpu.memory_space<semaphore_mem>>) src(%dma_wait3A_278 : memref<640x64xf32, #tpu.memory_space<hbm>>) dst(%dma_wait3A_275 : memref<640x64xf32, #tpu.memory_space<vmem_shared>>)
      tpu.yield
    }) : () -> ()
    %mul3A_3 = arith.constant 640 : i32
    %mul3A_4 = arith.muli %arg1, %mul3A_3 : i32
    %add3A = arith.constant 0 : i32
    %add3A_5 = arith.addi %mul3A_4, %add3A : i32
    "tpu.region"() ({
      %run_scoped3A_268 = tpu.sem_alloc : memref<!tpu.dma_semaphore, #tpu.memory_space<semaphore_mem>>
      %dma_start3A_269 = arith.constant 0 : i32
      %dma_start3A_270 = tpu.memref_slice %arg5[%add3A_5, %dma_start3A_269] : memref<10240x64xf32, #tpu.memory_space<vmem_shared>> -> memref<128x64xf32, #tpu.memory_space<vmem_shared>>
      %dma_start3A_271 = arith.constant 10112 : i32
      %dma_start3A_272 = arith.constant 0 : i32
      %dma_start3A_273 = tpu.memref_slice %arg2[%arg0, %dma_start3A_271, %dma_start3A_272] : memref<2x10240x64xf32, #tpu.memory_space<hbm>> -> memref<1x128x64xf32, #tpu.memory_space<hbm>>
      %dma_start3A_274 = tpu.memref_squeeze %dma_start3A_273 : memref<1x128x64xf32, #tpu.memory_space<hbm>> -> memref<128x64xf32, #tpu.memory_space<hbm>>
      tpu.enqueue_dma source(%dma_start3A_274 : memref<128x64xf32, #tpu.memory_space<hbm>>) target(%dma_start3A_270 : memref<128x64xf32, #tpu.memory_space<vmem_shared>>) target_semaphore(%run_scoped3A_268 : memref<!tpu.dma_semaphore, #tpu.memory_space<semaphore_mem>>)
      %dma_wait3A_275 = arith.constant 0 : i32
      %dma_wait3A_276 = tpu.memref_slice %arg5[%add3A_5, %dma_wait3A_275] : memref<10240x64xf32, #tpu.memory_space<vmem_shared>> -> memref<128x64xf32, #tpu.memory_space<vmem_shared>>
      %dma_wait3A_277 = arith.constant 10112 : i32
      %dma_wait3A_278 = arith.constant 0 : i32
      %dma_wait3A_279 = tpu.memref_slice %arg2[%arg0, %dma_wait3A_277, %dma_wait3A_278] : memref<2x10240x64xf32, #tpu.memory_space<hbm>> -> memref<1x128x64xf32, #tpu.memory_space<hbm>>
      %dma_wait3A_280 = tpu.memref_squeeze %dma_wait3A_279 : memref<1x128x64xf32, #tpu.memory_space<hbm>> -> memref<128x64xf32, #tpu.memory_space<hbm>>
      tpu.wait_dma2 semaphore(%run_scoped3A_268 : memref<!tpu.dma_semaphore, #tpu.memory_space<semaphore_mem>>) src(%dma_wait3A_280 : memref<128x64xf32, #tpu.memory_space<hbm>>) dst(%dma_wait3A_276 : memref<128x64xf32, #tpu.memory_space<vmem_shared>>)
      tpu.yield
    }) : () -> ()
    %mul3A_6 = arith.constant 640 : i32
    %mul3A_7 = arith.muli %arg1, %mul3A_6 : i32
    %add3A_8 = arith.constant 128 : i32
    %add3A_9 = arith.addi %mul3A_7, %add3A_8 : i32
    "tpu.region"() ({
      %run_scoped3A_268 = tpu.sem_alloc : memref<!tpu.dma_semaphore, #tpu.memory_space<semaphore_mem>>
      %dma_start3A_269 = arith.constant 0 : i32
      %dma_start3A_270 = tpu.memref_slice %arg5[%add3A_9, %dma_start3A_269] : memref<10240x64xf32, #tpu.memory_space<vmem_shared>> -> memref<128x64xf32, #tpu.memory_space<vmem_shared>>
      %dma_start3A_271 = arith.constant 10112 : i32
      %dma_start3A_272 = arith.constant 0 : i32
      %dma_start3A_273 = tpu.memref_slice %arg2[%arg0, %dma_start3A_271, %dma_start3A_272] : memref<2x10240x64xf32, #tpu.memory_space<hbm>> -> memref<1x128x64xf32, #tpu.memory_space<hbm>>
      %dma_start3A_274 = tpu.memref_squeeze %dma_start3A_273 : memref<1x128x64xf32, #tpu.memory_space<hbm>> -> memref<128x64xf32, #tpu.memory_space<hbm>>
      tpu.enqueue_dma source(%dma_start3A_274 : memref<128x64xf32, #tpu.memory_space<hbm>>) target(%dma_start3A_270 : memref<128x64xf32, #tpu.memory_space<vmem_shared>>) target_semaphore(%run_scoped3A_268 : memref<!tpu.dma_semaphore, #tpu.memory_space<semaphore_mem>>)
      %dma_wait3A_275 = arith.constant 0 : i32
      %dma_wait3A_276 = tpu.memref_slice %arg5[%add3A_9, %dma_wait3A_275] : memref<10240x64xf32, #tpu.memory_space<vmem_shared>> -> memref<128x64xf32, #tpu.memory_space<vmem_shared>>
      %dma_wait3A_277 = arith.constant 10112 : i32
      %dma_wait3A_278 = arith.constant 0 : i32
      %dma_wait3A_279 = tpu.memref_slice %arg2[%arg0, %dma_wait3A_277, %dma_wait3A_278] : memref<2x10240x64xf32, #tpu.memory_space<hbm>> -> memref<1x128x64xf32, #tpu.memory_space<hbm>>
      %dma_wait3A_280 = tpu.memref_squeeze %dma_wait3A_279 : memref<1x128x64xf32, #tpu.memory_space<hbm>> -> memref<128x64xf32, #tpu.memory_space<hbm>>
      tpu.wait_dma2 semaphore(%run_scoped3A_268 : memref<!tpu.dma_semaphore, #tpu.memory_space<semaphore_mem>>) src(%dma_wait3A_280 : memref<128x64xf32, #tpu.memory_space<hbm>>) dst(%dma_wait3A_276 : memref<128x64xf32, #tpu.memory_space<vmem_shared>>)
      tpu.yield
    }) : () -> ()
    %mul3A_10 = arith.constant 640 : i32
    %mul3A_11 = arith.muli %arg1, %mul3A_10 : i32
    %add3A_12 = arith.constant 256 : i32
    %add3A_13 = arith.addi %mul3A_11, %add3A_12 : i32
    "tpu.region"() ({
      %run_scoped3A_268 = tpu.sem_alloc : memref<!tpu.dma_semaphore, #tpu.memory_space<semaphore_mem>>
      %dma_start3A_269 = arith.constant 0 : i32
      %dma_start3A_270 = tpu.memref_slice %arg5[%add3A_13, %dma_start3A_269] : memref<10240x64xf32, #tpu.memory_space<vmem_shared>> -> memref<128x64xf32, #tpu.memory_space<vmem_shared>>
      %dma_start3A_271 = arith.constant 10112 : i32
      %dma_start3A_272 = arith.constant 0 : i32
      %dma_start3A_273 = tpu.memref_slice %arg2[%arg0, %dma_start3A_271, %dma_start3A_272] : memref<2x10240x64xf32, #tpu.memory_space<hbm>> -> memref<1x128x64xf32, #tpu.memory_space<hbm>>
      %dma_start3A_274 = tpu.memref_squeeze %dma_start3A_273 : memref<1x128x64xf32, #tpu.memory_space<hbm>> -> memref<128x64xf32, #tpu.memory_space<hbm>>
      tpu.enqueue_dma source(%dma_start3A_274 : memref<128x64xf32, #tpu.memory_space<hbm>>) target(%dma_start3A_270 : memref<128x64xf32, #tpu.memory_space<vmem_shared>>) target_semaphore(%run_scoped3A_268 : memref<!tpu.dma_semaphore, #tpu.memory_space<semaphore_mem>>)
      %dma_wait3A_275 = arith.constant 0 : i32
      %dma_wait3A_276 = tpu.memref_slice %arg5[%add3A_13, %dma_wait3A_275] : memref<10240x64xf32, #tpu.memory_space<vmem_shared>> -> memref<128x64xf32, #tpu.memory_space<vmem_shared>>
      %dma_wait3A_277 = arith.constant 10112 : i32
      %dma_wait3A_278 = arith.constant 0 : i32
      %dma_wait3A_279 = tpu.memref_slice %arg2[%arg0, %dma_wait3A_277, %dma_wait3A_278] : memref<2x10240x64xf32, #tpu.memory_space<hbm>> -> memref<1x128x64xf32, #tpu.memory_space<hbm>>
      %dma_wait3A_280 = tpu.memref_squeeze %dma_wait3A_279 : memref<1x128x64xf32, #tpu.memory_space<hbm>> -> memref<128x64xf32, #tpu.memory_space<hbm>>
      tpu.wait_dma2 semaphore(%run_scoped3A_268 : memref<!tpu.dma_semaphore, #tpu.memory_space<semaphore_mem>>) src(%dma_wait3A_280 : memref<128x64xf32, #tpu.memory_space<hbm>>) dst(%dma_wait3A_276 : memref<128x64xf32, #tpu.memory_space<vmem_shared>>)
      tpu.yield
    }) : () -> ()
    %mul3A_14 = arith.constant 640 : i32
    %mul3A_15 = arith.muli %arg1, %mul3A_14 : i32
    %add3A_16 = arith.constant 384 : i32
    %add3A_17 = arith.addi %mul3A_15, %add3A_16 : i32
    "tpu.region"() ({
      %run_scoped3A_268 = tpu.sem_alloc : memref<!tpu.dma_semaphore, #tpu.memory_space<semaphore_mem>>
      %dma_start3A_269 = arith.constant 0 : i32
      %dma_start3A_270 = tpu.memref_slice %arg5[%add3A_17, %dma_start3A_269] : memref<10240x64xf32, #tpu.memory_space<vmem_shared>> -> memref<128x64xf32, #tpu.memory_space<vmem_shared>>
      %dma_start3A_271 = arith.constant 10112 : i32
      %dma_start3A_272 = arith.constant 0 : i32
      %dma_start3A_273 = tpu.memref_slice %arg2[%arg0, %dma_start3A_271, %dma_start3A_272] : memref<2x10240x64xf32, #tpu.memory_space<hbm>> -> memref<1x128x64xf32, #tpu.memory_space<hbm>>
      %dma_start3A_274 = tpu.memref_squeeze %dma_start3A_273 : memref<1x128x64xf32, #tpu.memory_space<hbm>> -> memref<128x64xf32, #tpu.memory_space<hbm>>
      tpu.enqueue_dma source(%dma_start3A_274 : memref<128x64xf32, #tpu.memory_space<hbm>>) target(%dma_start3A_270 : memref<128x64xf32, #tpu.memory_space<vmem_shared>>) target_semaphore(%run_scoped3A_268 : memref<!tpu.dma_semaphore, #tpu.memory_space<semaphore_mem>>)
      %dma_wait3A_275 = arith.constant 0 : i32
      %dma_wait3A_276 = tpu.memref_slice %arg5[%add3A_17, %dma_wait3A_275] : memref<10240x64xf32, #tpu.memory_space<vmem_shared>> -> memref<128x64xf32, #tpu.memory_space<vmem_shared>>
      %dma_wait3A_277 = arith.constant 10112 : i32
      %dma_wait3A_278 = arith.constant 0 : i32
      %dma_wait3A_279 = tpu.memref_slice %arg2[%arg0, %dma_wait3A_277, %dma_wait3A_278] : memref<2x10240x64xf32, #tpu.memory_space<hbm>> -> memref<1x128x64xf32, #tpu.memory_space<hbm>>
      %dma_wait3A_280 = tpu.memref_squeeze %dma_wait3A_279 : memref<1x128x64xf32, #tpu.memory_space<hbm>> -> memref<128x64xf32, #tpu.memory_space<hbm>>
      tpu.wait_dma2 semaphore(%run_scoped3A_268 : memref<!tpu.dma_semaphore, #tpu.memory_space<semaphore_mem>>) src(%dma_wait3A_280 : memref<128x64xf32, #tpu.memory_space<hbm>>) dst(%dma_wait3A_276 : memref<128x64xf32, #tpu.memory_space<vmem_shared>>)
      tpu.yield
    }) : () -> ()
    %mul3A_18 = arith.constant 640 : i32
    %mul3A_19 = arith.muli %arg1, %mul3A_18 : i32
    %add3A_20 = arith.constant 512 : i32
    %add3A_21 = arith.addi %mul3A_19, %add3A_20 : i32
    "tpu.region"() ({
      %run_scoped3A_268 = tpu.sem_alloc : memref<!tpu.dma_semaphore, #tpu.memory_space<semaphore_mem>>
      %dma_start3A_269 = arith.constant 0 : i32
      %dma_start3A_270 = tpu.memref_slice %arg5[%add3A_21, %dma_start3A_269] : memref<10240x64xf32, #tpu.memory_space<vmem_shared>> -> memref<128x64xf32, #tpu.memory_space<vmem_shared>>
      %dma_start3A_271 = arith.constant 10112 : i32
      %dma_start3A_272 = arith.constant 0 : i32
      %dma_start3A_273 = tpu.memref_slice %arg2[%arg0, %dma_start3A_271, %dma_start3A_272] : memref<2x10240x64xf32, #tpu.memory_space<hbm>> -> memref<1x128x64xf32, #tpu.memory_space<hbm>>
      %dma_start3A_274 = tpu.memref_squeeze %dma_start3A_273 : memref<1x128x64xf32, #tpu.memory_space<hbm>> -> memref<128x64xf32, #tpu.memory_space<hbm>>
      tpu.enqueue_dma source(%dma_start3A_274 : memref<128x64xf32, #tpu.memory_space<hbm>>) target(%dma_start3A_270 : memref<128x64xf32, #tpu.memory_space<vmem_shared>>) target_semaphore(%run_scoped3A_268 : memref<!tpu.dma_semaphore, #tpu.memory_space<semaphore_mem>>)
      %dma_wait3A_275 = arith.constant 0 : i32
      %dma_wait3A_276 = tpu.memref_slice %arg5[%add3A_21, %dma_wait3A_275] : memref<10240x64xf32, #tpu.memory_space<vmem_shared>> -> memref<128x64xf32, #tpu.memory_space<vmem_shared>>
      %dma_wait3A_277 = arith.constant 10112 : i32
      %dma_wait3A_278 = arith.constant 0 : i32
      %dma_wait3A_279 = tpu.memref_slice %arg2[%arg0, %dma_wait3A_277, %dma_wait3A_278] : memref<2x10240x64xf32, #tpu.memory_space<hbm>> -> memref<1x128x64xf32, #tpu.memory_space<hbm>>
      %dma_wait3A_280 = tpu.memref_squeeze %dma_wait3A_279 : memref<1x128x64xf32, #tpu.memory_space<hbm>> -> memref<128x64xf32, #tpu.memory_space<hbm>>
      tpu.wait_dma2 semaphore(%run_scoped3A_268 : memref<!tpu.dma_semaphore, #tpu.memory_space<semaphore_mem>>) src(%dma_wait3A_280 : memref<128x64xf32, #tpu.memory_space<hbm>>) dst(%dma_wait3A_276 : memref<128x64xf32, #tpu.memory_space<vmem_shared>>)
      tpu.yield
    }) : () -> ()
    %barrier3A = arith.constant 0 : index
    tpu.barrier barrier_id(%barrier3A)
    %mul3A_22 = arith.constant 2 : i32
    %mul3A_23 = arith.muli %mul3A_22, %arg1 : i32
    %mul3A_24 = arith.constant 2 : i32
    %mul3A_25 = arith.muli %mul3A_24, %arg1 : i32
    %add3A_26 = arith.constant 1 : i32
    %add3A_27 = arith.addi %mul3A_25, %add3A_26 : i32
    %mul3A_28 = arith.constant 2 : i32
    %mul3A_29 = arith.muli %mul3A_28, %arg1 : i32
    %jit3A = arith.constant false
    %select_n3A = arith.select %jit3A, %add3A_27, %mul3A_29 : i32
    %jit3A_30 = arith.constant false
    %select_n3A_31 = arith.select %jit3A_30, %mul3A_23, %select_n3A : i32
    %jit3A_32 = arith.constant false
    %jit3A_33 = arith.constant -79 : i32
    %jit3A_34 = arith.constant 0 : i32
    %select_n3A_35 = arith.select %jit3A_32, %jit3A_33, %jit3A_34 : i32
    %jit3A_36 = arith.constant false
    %jit3A_37 = arith.constant 79 : i32
    %select_n3A_38 = arith.select %jit3A_36, %jit3A_37, %select_n3A_35 : i32
    %dma_start3A = arith.constant 0 : i32
    %dma_start3A_39 = arith.constant 0 : i32
    %dma_start3A_40 = arith.constant 0 : i32
    %dma_start3A_41 = tpu.memref_slice %arg7[%dma_start3A, %dma_start3A_39, %dma_start3A_40] : memref<2x2x128xi32, #tpu.memory_space<vmem>> -> memref<1x2x128xi32, #tpu.memory_space<vmem>>
    %dma_start3A_42 = tpu.memref_squeeze %dma_start3A_41 : memref<1x2x128xi32, #tpu.memory_space<vmem>> -> memref<2x128xi32, #tpu.memory_space<vmem>>
    %dma_start3A_43 = arith.constant 0 : i32
    %dma_start3A_44 = arith.constant 0 : i32
    %dma_start3A_45 = tpu.memref_slice %arg3[%select_n3A_31, %select_n3A_38, %dma_start3A_43, %dma_start3A_44] : memref<32x80x2x128xi32, #tpu.memory_space<hbm>> -> memref<1x1x2x128xi32, #tpu.memory_space<hbm>>
    %dma_start3A_46 = tpu.memref_squeeze %dma_start3A_45 : memref<1x1x2x128xi32, #tpu.memory_space<hbm>> -> memref<2x128xi32, #tpu.memory_space<hbm>>
    %dma_start3A_47 = arith.constant 0 : i32
    %dma_start3A_48 = arith.constant 0 : i32
    %dma_start3A_49 = tpu.memref_slice %arg7[%dma_start3A, %dma_start3A_47, %dma_start3A_48] : memref<2x2x128xi32, #tpu.memory_space<vmem>> -> memref<1x2x128xi32, #tpu.memory_space<vmem>>
    %dma_start3A_50 = tpu.memref_squeeze %dma_start3A_49 : memref<1x2x128xi32, #tpu.memory_space<vmem>> -> memref<2x128xi32, #tpu.memory_space<vmem>>
    %dma_start3A_51 = arith.constant 0 : i32
    %dma_start3A_52 = arith.constant 0 : i32
    %dma_start3A_53 = tpu.memref_slice %arg3[%select_n3A_31, %select_n3A_38, %dma_start3A_51, %dma_start3A_52] : memref<32x80x2x128xi32, #tpu.memory_space<hbm>> -> memref<1x1x2x128xi32, #tpu.memory_space<hbm>>
    %dma_start3A_54 = tpu.memref_squeeze %dma_start3A_53 : memref<1x1x2x128xi32, #tpu.memory_space<hbm>> -> memref<2x128xi32, #tpu.memory_space<hbm>>
    tpu.enqueue_dma source(%dma_start3A_54 : memref<2x128xi32, #tpu.memory_space<hbm>>) target(%dma_start3A_50 : memref<2x128xi32, #tpu.memory_space<vmem>>) target_semaphore(%arg12 : memref<!tpu.dma_semaphore, #tpu.memory_space<semaphore_mem>>)
    %dma_wait3A = arith.constant 0 : i32
    %dma_wait3A_55 = arith.constant 0 : i32
    %dma_wait3A_56 = arith.constant 0 : i32
    %dma_wait3A_57 = arith.constant 0 : i32
    %dma_wait3A_58 = arith.constant 0 : i32
    %dma_wait3A_59 = tpu.memref_slice %arg7[%dma_wait3A_56, %dma_wait3A_57, %dma_wait3A_58] : memref<2x2x128xi32, #tpu.memory_space<vmem>> -> memref<1x2x128xi32, #tpu.memory_space<vmem>>
    %dma_wait3A_60 = tpu.memref_squeeze %dma_wait3A_59 : memref<1x2x128xi32, #tpu.memory_space<vmem>> -> memref<2x128xi32, #tpu.memory_space<vmem>>
    %dma_wait3A_61 = arith.constant 0 : i32
    %dma_wait3A_62 = arith.constant 0 : i32
    %dma_wait3A_63 = tpu.memref_slice %arg3[%dma_wait3A, %dma_wait3A_55, %dma_wait3A_61, %dma_wait3A_62] : memref<32x80x2x128xi32, #tpu.memory_space<hbm>> -> memref<1x1x2x128xi32, #tpu.memory_space<hbm>>
    %dma_wait3A_64 = tpu.memref_squeeze %dma_wait3A_63 : memref<1x1x2x128xi32, #tpu.memory_space<hbm>> -> memref<2x128xi32, #tpu.memory_space<hbm>>
    %dma_wait3A_65 = arith.constant 0 : i32
    %dma_wait3A_66 = arith.constant 0 : i32
    %dma_wait3A_67 = tpu.memref_slice %arg7[%dma_wait3A_56, %dma_wait3A_65, %dma_wait3A_66] : memref<2x2x128xi32, #tpu.memory_space<vmem>> -> memref<1x2x128xi32, #tpu.memory_space<vmem>>
    %dma_wait3A_68 = tpu.memref_squeeze %dma_wait3A_67 : memref<1x2x128xi32, #tpu.memory_space<vmem>> -> memref<2x128xi32, #tpu.memory_space<vmem>>
    %dma_wait3A_69 = arith.constant 0 : i32
    %dma_wait3A_70 = arith.constant 0 : i32
    %dma_wait3A_71 = tpu.memref_slice %arg3[%dma_wait3A, %dma_wait3A_55, %dma_wait3A_69, %dma_wait3A_70] : memref<32x80x2x128xi32, #tpu.memory_space<hbm>> -> memref<1x1x2x128xi32, #tpu.memory_space<hbm>>
    %dma_wait3A_72 = tpu.memref_squeeze %dma_wait3A_71 : memref<1x1x2x128xi32, #tpu.memory_space<hbm>> -> memref<2x128xi32, #tpu.memory_space<hbm>>
    tpu.wait_dma2 semaphore(%arg12 : memref<!tpu.dma_semaphore, #tpu.memory_space<semaphore_mem>>) src(%dma_wait3A_72 : memref<2x128xi32, #tpu.memory_space<hbm>>) dst(%dma_wait3A_68 : memref<2x128xi32, #tpu.memory_space<vmem>>)
    %dma_start3A_73 = arith.constant 0 : i32
    %dma_start3A_74 = arith.constant 0 : i32
    %dma_start3A_75 = arith.constant 0 : i32
    %dma_start3A_76 = arith.constant 0 : i32
    %dma_start3A_77 = arith.constant 0 : i32
    %dma_start3A_78 = tpu.memref_slice %arg9[%dma_start3A_75, %dma_start3A_76, %dma_start3A_77] : memref<2x128x64xf32, #tpu.memory_space<vmem>> -> memref<1x128x64xf32, #tpu.memory_space<vmem>>
    %dma_start3A_79 = tpu.memref_squeeze %dma_start3A_78 : memref<1x128x64xf32, #tpu.memory_space<vmem>> -> memref<128x64xf32, #tpu.memory_space<vmem>>
    %dma_start3A_80 = arith.constant 0 : i32
    %dma_start3A_81 = tpu.memref_slice %arg7[%dma_start3A_73, %dma_start3A_74, %dma_start3A_80] : memref<2x2x128xi32, #tpu.memory_space<vmem>> -> memref<1x1x128xi32, #tpu.memory_space<vmem>>
    %dma_start3A_82 = tpu.memref_squeeze %dma_start3A_81 : memref<1x1x128xi32, #tpu.memory_space<vmem>> -> memref<128xi32, #tpu.memory_space<vmem>>
    %dma_start3A_83 = arith.constant 0 : i32
    %dma_start3A_84 = arith.constant 0 : i32
    %dma_start3A_85 = tpu.memref_slice %arg6[%dma_start3A_83, %dma_start3A_84] : memref<10240x64xf32, #tpu.memory_space<vmem_shared>> -> memref<10240x64xf32, #tpu.memory_space<vmem_shared>>
    tpu.enqueue_indirect_dma source(%dma_start3A_85 : memref<10240x64xf32, #tpu.memory_space<vmem_shared>>) target(%dma_start3A_79 : memref<128x64xf32, #tpu.memory_space<vmem>>) offsets(%dma_start3A_82 : memref<128xi32, #tpu.memory_space<vmem>>) semaphore(%arg10 : memref<!tpu.dma_semaphore, #tpu.memory_space<semaphore_mem>>)
    %get3A = arith.constant 0 : i32
    %get3A_86 = arith.constant 1 : i32
    %get3A_87 = arith.index_cast %get3A : i32 to index
    %get3A_88 = arith.index_cast %get3A_86 : i32 to index
    %get3A_89 = arith.constant 0 : index
    %get3A_90 = tpu.vector_load %arg7[%get3A_87, %get3A_88, %get3A_89] {strides = array<i32>} : memref<2x2x128xi32, #tpu.memory_space<vmem>>, vector<1x1x16xi32>,
    %get3A_91 = vector.shape_cast %get3A_90 : vector<1x1x16xi32> to vector<16xi32>
    %swap3A = arith.constant 0 : i32
    %swap3A_92 = arith.index_cast %swap3A : i32 to index
    %swap3A_93 = arith.constant 0 : index
    %swap3A_94 = tpu.vector_load %arg8[%swap3A_92, %swap3A_93] {strides = array<i32>} : memref<2x128xi32, #tpu.memory_space<vmem>>, vector<1x16xi32>,
    %swap3A_95 = vector.shape_cast %swap3A_94 : vector<1x16xi32> to vector<16xi32>
    %swap3A_96 = vector.shape_cast %get3A_91 : vector<16xi32> to vector<1x16xi32>
    tpu.vector_store %arg8[%swap3A_92, %swap3A_93], %swap3A_96 {strides = array<i32>} : memref<2x128xi32, #tpu.memory_space<vmem>>, vector<1x16xi32>,
    %get3A_97 = arith.constant 0 : i32
    %get3A_98 = arith.constant 1 : i32
    %get3A_99 = arith.index_cast %get3A_97 : i32 to index
    %get3A_100 = arith.index_cast %get3A_98 : i32 to index
    %get3A_101 = arith.constant 16 : index
    %get3A_102 = tpu.vector_load %arg7[%get3A_99, %get3A_100, %get3A_101] {strides = array<i32>} : memref<2x2x128xi32, #tpu.memory_space<vmem>>, vector<1x1x16xi32>,
    %get3A_103 = vector.shape_cast %get3A_102 : vector<1x1x16xi32> to vector<16xi32>
    %swap3A_104 = arith.constant 0 : i32
    %swap3A_105 = arith.index_cast %swap3A_104 : i32 to index
    %swap3A_106 = arith.constant 16 : index
    %swap3A_107 = tpu.vector_load %arg8[%swap3A_105, %swap3A_106] {strides = array<i32>} : memref<2x128xi32, #tpu.memory_space<vmem>>, vector<1x16xi32>,
    %swap3A_108 = vector.shape_cast %swap3A_107 : vector<1x16xi32> to vector<16xi32>
    %swap3A_109 = vector.shape_cast %get3A_103 : vector<16xi32> to vector<1x16xi32>
    tpu.vector_store %arg8[%swap3A_105, %swap3A_106], %swap3A_109 {strides = array<i32>} : memref<2x128xi32, #tpu.memory_space<vmem>>, vector<1x16xi32>,
    %get3A_110 = arith.constant 0 : i32
    %get3A_111 = arith.constant 1 : i32
    %get3A_112 = arith.index_cast %get3A_110 : i32 to index
    %get3A_113 = arith.index_cast %get3A_111 : i32 to index
    %get3A_114 = arith.constant 32 : index
    %get3A_115 = tpu.vector_load %arg7[%get3A_112, %get3A_113, %get3A_114] {strides = array<i32>} : memref<2x2x128xi32, #tpu.memory_space<vmem>>, vector<1x1x16xi32>,
    %get3A_116 = vector.shape_cast %get3A_115 : vector<1x1x16xi32> to vector<16xi32>
    %swap3A_117 = arith.constant 0 : i32
    %swap3A_118 = arith.index_cast %swap3A_117 : i32 to index
    %swap3A_119 = arith.constant 32 : index
    %swap3A_120 = tpu.vector_load %arg8[%swap3A_118, %swap3A_119] {strides = array<i32>} : memref<2x128xi32, #tpu.memory_space<vmem>>, vector<1x16xi32>,
    %swap3A_121 = vector.shape_cast %swap3A_120 : vector<1x16xi32> to vector<16xi32>
    %swap3A_122 = vector.shape_cast %get3A_116 : vector<16xi32> to vector<1x16xi32>
    tpu.vector_store %arg8[%swap3A_118, %swap3A_119], %swap3A_122 {strides = array<i32>} : memref<2x128xi32, #tpu.memory_space<vmem>>, vector<1x16xi32>,
    %get3A_123 = arith.constant 0 : i32
    %get3A_124 = arith.constant 1 : i32
    %get3A_125 = arith.index_cast %get3A_123 : i32 to index
    %get3A_126 = arith.index_cast %get3A_124 : i32 to index
    %get3A_127 = arith.constant 48 : index
    %get3A_128 = tpu.vector_load %arg7[%get3A_125, %get3A_126, %get3A_127] {strides = array<i32>} : memref<2x2x128xi32, #tpu.memory_space<vmem>>, vector<1x1x16xi32>,
    %get3A_129 = vector.shape_cast %get3A_128 : vector<1x1x16xi32> to vector<16xi32>
    %swap3A_130 = arith.constant 0 : i32
    %swap3A_131 = arith.index_cast %swap3A_130 : i32 to index
    %swap3A_132 = arith.constant 48 : index
    %swap3A_133 = tpu.vector_load %arg8[%swap3A_131, %swap3A_132] {strides = array<i32>} : memref<2x128xi32, #tpu.memory_space<vmem>>, vector<1x16xi32>,
    %swap3A_134 = vector.shape_cast %swap3A_133 : vector<1x16xi32> to vector<16xi32>
    %swap3A_135 = vector.shape_cast %get3A_129 : vector<16xi32> to vector<1x16xi32>
    tpu.vector_store %arg8[%swap3A_131, %swap3A_132], %swap3A_135 {strides = array<i32>} : memref<2x128xi32, #tpu.memory_space<vmem>>, vector<1x16xi32>,
    %get3A_136 = arith.constant 0 : i32
    %get3A_137 = arith.constant 1 : i32
    %get3A_138 = arith.index_cast %get3A_136 : i32 to index
    %get3A_139 = arith.index_cast %get3A_137 : i32 to index
    %get3A_140 = arith.constant 64 : index
    %get3A_141 = tpu.vector_load %arg7[%get3A_138, %get3A_139, %get3A_140] {strides = array<i32>} : memref<2x2x128xi32, #tpu.memory_space<vmem>>, vector<1x1x16xi32>,
    %get3A_142 = vector.shape_cast %get3A_141 : vector<1x1x16xi32> to vector<16xi32>
    %swap3A_143 = arith.constant 0 : i32
    %swap3A_144 = arith.index_cast %swap3A_143 : i32 to index
    %swap3A_145 = arith.constant 64 : index
    %swap3A_146 = tpu.vector_load %arg8[%swap3A_144, %swap3A_145] {strides = array<i32>} : memref<2x128xi32, #tpu.memory_space<vmem>>, vector<1x16xi32>,
    %swap3A_147 = vector.shape_cast %swap3A_146 : vector<1x16xi32> to vector<16xi32>
    %swap3A_148 = vector.shape_cast %get3A_142 : vector<16xi32> to vector<1x16xi32>
    tpu.vector_store %arg8[%swap3A_144, %swap3A_145], %swap3A_148 {strides = array<i32>} : memref<2x128xi32, #tpu.memory_space<vmem>>, vector<1x16xi32>,
    %get3A_149 = arith.constant 0 : i32
    %get3A_150 = arith.constant 1 : i32
    %get3A_151 = arith.index_cast %get3A_149 : i32 to index
    %get3A_152 = arith.index_cast %get3A_150 : i32 to index
    %get3A_153 = arith.constant 80 : index
    %get3A_154 = tpu.vector_load %arg7[%get3A_151, %get3A_152, %get3A_153] {strides = array<i32>} : memref<2x2x128xi32, #tpu.memory_space<vmem>>, vector<1x1x16xi32>,
    %get3A_155 = vector.shape_cast %get3A_154 : vector<1x1x16xi32> to vector<16xi32>
    %swap3A_156 = arith.constant 0 : i32
    %swap3A_157 = arith.index_cast %swap3A_156 : i32 to index
    %swap3A_158 = arith.constant 80 : index
    %swap3A_159 = tpu.vector_load %arg8[%swap3A_157, %swap3A_158] {strides = array<i32>} : memref<2x128xi32, #tpu.memory_space<vmem>>, vector<1x16xi32>,
    %swap3A_160 = vector.shape_cast %swap3A_159 : vector<1x16xi32> to vector<16xi32>
    %swap3A_161 = vector.shape_cast %get3A_155 : vector<16xi32> to vector<1x16xi32>
    tpu.vector_store %arg8[%swap3A_157, %swap3A_158], %swap3A_161 {strides = array<i32>} : memref<2x128xi32, #tpu.memory_space<vmem>>, vector<1x16xi32>,
    %get3A_162 = arith.constant 0 : i32
    %get3A_163 = arith.constant 1 : i32
    %get3A_164 = arith.index_cast %get3A_162 : i32 to index
    %get3A_165 = arith.index_cast %get3A_163 : i32 to index
    %get3A_166 = arith.constant 96 : index
    %get3A_167 = tpu.vector_load %arg7[%get3A_164, %get3A_165, %get3A_166] {strides = array<i32>} : memref<2x2x128xi32, #tpu.memory_space<vmem>>, vector<1x1x16xi32>,
    %get3A_168 = vector.shape_cast %get3A_167 : vector<1x1x16xi32> to vector<16xi32>
    %swap3A_169 = arith.constant 0 : i32
    %swap3A_170 = arith.index_cast %swap3A_169 : i32 to index
    %swap3A_171 = arith.constant 96 : index
    %swap3A_172 = tpu.vector_load %arg8[%swap3A_170, %swap3A_171] {strides = array<i32>} : memref<2x128xi32, #tpu.memory_space<vmem>>, vector<1x16xi32>,
    %swap3A_173 = vector.shape_cast %swap3A_172 : vector<1x16xi32> to vector<16xi32>
    %swap3A_174 = vector.shape_cast %get3A_168 : vector<16xi32> to vector<1x16xi32>
    tpu.vector_store %arg8[%swap3A_170, %swap3A_171], %swap3A_174 {strides = array<i32>} : memref<2x128xi32, #tpu.memory_space<vmem>>, vector<1x16xi32>,
    %get3A_175 = arith.constant 0 : i32
    %get3A_176 = arith.constant 1 : i32
    %get3A_177 = arith.index_cast %get3A_175 : i32 to index
    %get3A_178 = arith.index_cast %get3A_176 : i32 to index
    %get3A_179 = arith.constant 112 : index
    %get3A_180 = tpu.vector_load %arg7[%get3A_177, %get3A_178, %get3A_179] {strides = array<i32>} : memref<2x2x128xi32, #tpu.memory_space<vmem>>, vector<1x1x16xi32>,
    %get3A_181 = vector.shape_cast %get3A_180 : vector<1x1x16xi32> to vector<16xi32>
    %swap3A_182 = arith.constant 0 : i32
    %swap3A_183 = arith.index_cast %swap3A_182 : i32 to index
    %swap3A_184 = arith.constant 112 : index
    %swap3A_185 = tpu.vector_load %arg8[%swap3A_183, %swap3A_184] {strides = array<i32>} : memref<2x128xi32, #tpu.memory_space<vmem>>, vector<1x16xi32>,
    %swap3A_186 = vector.shape_cast %swap3A_185 : vector<1x16xi32> to vector<16xi32>
    %swap3A_187 = vector.shape_cast %get3A_181 : vector<16xi32> to vector<1x16xi32>
    tpu.vector_store %arg8[%swap3A_183, %swap3A_184], %swap3A_187 {strides = array<i32>} : memref<2x128xi32, #tpu.memory_space<vmem>>, vector<1x16xi32>,
    %mul3A_188 = arith.constant 2 : i32
    %mul3A_189 = arith.muli %mul3A_188, %arg1 : i32
    %mul3A_190 = arith.constant 2 : i32
    %mul3A_191 = arith.muli %mul3A_190, %arg1 : i32
    %add3A_192 = arith.constant 1 : i32
    %add3A_193 = arith.addi %mul3A_191, %add3A_192 : i32
    %mul3A_194 = arith.constant 2 : i32
    %mul3A_195 = arith.muli %mul3A_194, %arg1 : i32
    %jit3A_196 = arith.constant false
    %select_n3A_197 = arith.select %jit3A_196, %add3A_193, %mul3A_195 : i32
    %jit3A_198 = arith.constant false
    %select_n3A_199 = arith.select %jit3A_198, %mul3A_189, %select_n3A_197 : i32
    %jit3A_200 = arith.constant false
    %jit3A_201 = arith.constant -78 : i32
    %jit3A_202 = arith.constant 1 : i32
    %select_n3A_203 = arith.select %jit3A_200, %jit3A_201, %jit3A_202 : i32
    %jit3A_204 = arith.constant false
    %jit3A_205 = arith.constant 79 : i32
    %select_n3A_206 = arith.select %jit3A_204, %jit3A_205, %select_n3A_203 : i32
    %dma_start3A_207 = arith.constant 1 : i32
    %dma_start3A_208 = arith.constant 0 : i32
    %dma_start3A_209 = arith.constant 0 : i32
    %dma_start3A_210 = tpu.memref_slice %arg7[%dma_start3A_207, %dma_start3A_208, %dma_start3A_209] : memref<2x2x128xi32, #tpu.memory_space<vmem>> -> memref<1x2x128xi32, #tpu.memory_space<vmem>>
    %dma_start3A_211 = tpu.memref_squeeze %dma_start3A_210 : memref<1x2x128xi32, #tpu.memory_space<vmem>> -> memref<2x128xi32, #tpu.memory_space<vmem>>
    %dma_start3A_212 = arith.constant 0 : i32
    %dma_start3A_213 = arith.constant 0 : i32
    %dma_start3A_214 = tpu.memref_slice %arg3[%select_n3A_199, %select_n3A_206, %dma_start3A_212, %dma_start3A_213] : memref<32x80x2x128xi32, #tpu.memory_space<hbm>> -> memref<1x1x2x128xi32, #tpu.memory_space<hbm>>
    %dma_start3A_215 = tpu.memref_squeeze %dma_start3A_214 : memref<1x1x2x128xi32, #tpu.memory_space<hbm>> -> memref<2x128xi32, #tpu.memory_space<hbm>>
    %dma_start3A_216 = arith.constant 0 : i32
    %dma_start3A_217 = arith.constant 0 : i32
    %dma_start3A_218 = tpu.memref_slice %arg7[%dma_start3A_207, %dma_start3A_216, %dma_start3A_217] : memref<2x2x128xi32, #tpu.memory_space<vmem>> -> memref<1x2x128xi32, #tpu.memory_space<vmem>>
    %dma_start3A_219 = tpu.memref_squeeze %dma_start3A_218 : memref<1x2x128xi32, #tpu.memory_space<vmem>> -> memref<2x128xi32, #tpu.memory_space<vmem>>
    %dma_start3A_220 = arith.constant 0 : i32
    %dma_start3A_221 = arith.constant 0 : i32
    %dma_start3A_222 = tpu.memref_slice %arg3[%select_n3A_199, %select_n3A_206, %dma_start3A_220, %dma_start3A_221] : memref<32x80x2x128xi32, #tpu.memory_space<hbm>> -> memref<1x1x2x128xi32, #tpu.memory_space<hbm>>
    %dma_start3A_223 = tpu.memref_squeeze %dma_start3A_222 : memref<1x1x2x128xi32, #tpu.memory_space<hbm>> -> memref<2x128xi32, #tpu.memory_space<hbm>>
    tpu.enqueue_dma source(%dma_start3A_223 : memref<2x128xi32, #tpu.memory_space<hbm>>) target(%dma_start3A_219 : memref<2x128xi32, #tpu.memory_space<vmem>>) target_semaphore(%arg13 : memref<!tpu.dma_semaphore, #tpu.memory_space<semaphore_mem>>)
    %scan3A = arith.constant 0 : i32
    %scan3A_224 = arith.constant 0 : i32
    %scan3A_225 = arith.constant 79 : i32
    %scan3A_226 = arith.addi %scan3A_224, %scan3A_225 : i32
    %scan3A_227 = arith.constant 1 : i32
    %scan3A_228 = scf.for %scan3A_268 = %scan3A_224 to %scan3A_226 step %scan3A_227 iter_args(%scan3A_269 = %scan3A) -> (i32)  : i32 {
      %mul3A_270 = arith.constant 2 : i32
      %mul3A_271 = arith.muli %mul3A_270, %scan3A_268 : i32
      %dma_wait3A_272 = arith.constant 0 : i32
      %dma_wait3A_273 = arith.constant 0 : i32
      %dma_wait3A_274 = arith.constant 1 : i32
      %dma_wait3A_275 = arith.constant 0 : i32
      %dma_wait3A_276 = arith.constant 0 : i32
      %dma_wait3A_277 = tpu.memref_slice %arg7[%dma_wait3A_274, %dma_wait3A_275, %dma_wait3A_276] : memref<2x2x128xi32, #tpu.memory_space<vmem>> -> memref<1x2x128xi32, #tpu.memory_space<vmem>>
      %dma_wait3A_278 = tpu.memref_squeeze %dma_wait3A_277 : memref<1x2x128xi32, #tpu.memory_space<vmem>> -> memref<2x128xi32, #tpu.memory_space<vmem>>
      %dma_wait3A_279 = arith.constant 0 : i32
      %dma_wait3A_280 = arith.constant 0 : i32
      %dma_wait3A_281 = tpu.memref_slice %arg3[%dma_wait3A_272, %dma_wait3A_273, %dma_wait3A_279, %dma_wait3A_280] : memref<32x80x2x128xi32, #tpu.memory_space<hbm>> -> memref<1x1x2x128xi32, #tpu.memory_space<hbm>>
      %dma_wait3A_282 = tpu.memref_squeeze %dma_wait3A_281 : memref<1x1x2x128xi32, #tpu.memory_space<hbm>> -> memref<2x128xi32, #tpu.memory_space<hbm>>
      %dma_wait3A_283 = arith.constant 0 : i32
      %dma_wait3A_284 = arith.constant 0 : i32
      %dma_wait3A_285 = tpu.memref_slice %arg7[%dma_wait3A_274, %dma_wait3A_283, %dma_wait3A_284] : memref<2x2x128xi32, #tpu.memory_space<vmem>> -> memref<1x2x128xi32, #tpu.memory_space<vmem>>
      %dma_wait3A_286 = tpu.memref_squeeze %dma_wait3A_285 : memref<1x2x128xi32, #tpu.memory_space<vmem>> -> memref<2x128xi32, #tpu.memory_space<vmem>>
      %dma_wait3A_287 = arith.constant 0 : i32
      %dma_wait3A_288 = arith.constant 0 : i32
      %dma_wait3A_289 = tpu.memref_slice %arg3[%dma_wait3A_272, %dma_wait3A_273, %dma_wait3A_287, %dma_wait3A_288] : memref<32x80x2x128xi32, #tpu.memory_space<hbm>> -> memref<1x1x2x128xi32, #tpu.memory_space<hbm>>
      %dma_wait3A_290 = tpu.memref_squeeze %dma_wait3A_289 : memref<1x1x2x128xi32, #tpu.memory_space<hbm>> -> memref<2x128xi32, #tpu.memory_space<hbm>>
      tpu.wait_dma2 semaphore(%arg13 : memref<!tpu.dma_semaphore, #tpu.memory_space<semaphore_mem>>) src(%dma_wait3A_290 : memref<2x128xi32, #tpu.memory_space<hbm>>) dst(%dma_wait3A_286 : memref<2x128xi32, #tpu.memory_space<vmem>>)
      %dma_start3A_291 = arith.constant 1 : i32
      %dma_start3A_292 = arith.constant 0 : i32
      %dma_start3A_293 = arith.constant 1 : i32
      %dma_start3A_294 = arith.constant 0 : i32
      %dma_start3A_295 = arith.constant 0 : i32
      %dma_start3A_296 = tpu.memref_slice %arg9[%dma_start3A_293, %dma_start3A_294, %dma_start3A_295] : memref<2x128x64xf32, #tpu.memory_space<vmem>> -> memref<1x128x64xf32, #tpu.memory_space<vmem>>
      %dma_start3A_297 = tpu.memref_squeeze %dma_start3A_296 : memref<1x128x64xf32, #tpu.memory_space<vmem>> -> memref<128x64xf32, #tpu.memory_space<vmem>>
      %dma_start3A_298 = arith.constant 0 : i32
      %dma_start3A_299 = tpu.memref_slice %arg7[%dma_start3A_291, %dma_start3A_292, %dma_start3A_298] : memref<2x2x128xi32, #tpu.memory_space<vmem>> -> memref<1x1x128xi32, #tpu.memory_space<vmem>>
      %dma_start3A_300 = tpu.memref_squeeze %dma_start3A_299 : memref<1x1x128xi32, #tpu.memory_space<vmem>> -> memref<128xi32, #tpu.memory_space<vmem>>
      %dma_start3A_301 = arith.constant 0 : i32
      %dma_start3A_302 = arith.constant 0 : i32
      %dma_start3A_303 = tpu.memref_slice %arg6[%dma_start3A_301, %dma_start3A_302] : memref<10240x64xf32, #tpu.memory_space<vmem_shared>> -> memref<10240x64xf32, #tpu.memory_space<vmem_shared>>
      tpu.enqueue_indirect_dma source(%dma_start3A_303 : memref<10240x64xf32, #tpu.memory_space<vmem_shared>>) target(%dma_start3A_297 : memref<128x64xf32, #tpu.memory_space<vmem>>) offsets(%dma_start3A_300 : memref<128xi32, #tpu.memory_space<vmem>>) semaphore(%arg11 : memref<!tpu.dma_semaphore, #tpu.memory_space<semaphore_mem>>)
      %get3A_304 = arith.constant 1 : i32
      %get3A_305 = arith.constant 1 : i32
      %get3A_306 = arith.index_cast %get3A_304 : i32 to index
      %get3A_307 = arith.index_cast %get3A_305 : i32 to index
      %get3A_308 = arith.constant 0 : index
      %get3A_309 = tpu.vector_load %arg7[%get3A_306, %get3A_307, %get3A_308] {strides = array<i32>} : memref<2x2x128xi32, #tpu.memory_space<vmem>>, vector<1x1x16xi32>,
      %get3A_310 = vector.shape_cast %get3A_309 : vector<1x1x16xi32> to vector<16xi32>
      %swap3A_311 = arith.constant 1 : i32
      %swap3A_312 = arith.index_cast %swap3A_311 : i32 to index
      %swap3A_313 = arith.constant 0 : index
      %swap3A_314 = tpu.vector_load %arg8[%swap3A_312, %swap3A_313] {strides = array<i32>} : memref<2x128xi32, #tpu.memory_space<vmem>>, vector<1x16xi32>,
      %swap3A_315 = vector.shape_cast %swap3A_314 : vector<1x16xi32> to vector<16xi32>
      %swap3A_316 = vector.shape_cast %get3A_310 : vector<16xi32> to vector<1x16xi32>
      tpu.vector_store %arg8[%swap3A_312, %swap3A_313], %swap3A_316 {strides = array<i32>} : memref<2x128xi32, #tpu.memory_space<vmem>>, vector<1x16xi32>,
      %get3A_317 = arith.constant 1 : i32
      %get3A_318 = arith.constant 1 : i32
      %get3A_319 = arith.index_cast %get3A_317 : i32 to index
      %get3A_320 = arith.index_cast %get3A_318 : i32 to index
      %get3A_321 = arith.constant 16 : index
      %get3A_322 = tpu.vector_load %arg7[%get3A_319, %get3A_320, %get3A_321] {strides = array<i32>} : memref<2x2x128xi32, #tpu.memory_space<vmem>>, vector<1x1x16xi32>,
      %get3A_323 = vector.shape_cast %get3A_322 : vector<1x1x16xi32> to vector<16xi32>
      %swap3A_324 = arith.constant 1 : i32
      %swap3A_325 = arith.index_cast %swap3A_324 : i32 to index
      %swap3A_326 = arith.constant 16 : index
      %swap3A_327 = tpu.vector_load %arg8[%swap3A_325, %swap3A_326] {strides = array<i32>} : memref<2x128xi32, #tpu.memory_space<vmem>>, vector<1x16xi32>,
      %swap3A_328 = vector.shape_cast %swap3A_327 : vector<1x16xi32> to vector<16xi32>
      %swap3A_329 = vector.shape_cast %get3A_323 : vector<16xi32> to vector<1x16xi32>
      tpu.vector_store %arg8[%swap3A_325, %swap3A_326], %swap3A_329 {strides = array<i32>} : memref<2x128xi32, #tpu.memory_space<vmem>>, vector<1x16xi32>,
      %get3A_330 = arith.constant 1 : i32
      %get3A_331 = arith.constant 1 : i32
      %get3A_332 = arith.index_cast %get3A_330 : i32 to index
      %get3A_333 = arith.index_cast %get3A_331 : i32 to index
      %get3A_334 = arith.constant 32 : index
      %get3A_335 = tpu.vector_load %arg7[%get3A_332, %get3A_333, %get3A_334] {strides = array<i32>} : memref<2x2x128xi32, #tpu.memory_space<vmem>>, vector<1x1x16xi32>,
      %get3A_336 = vector.shape_cast %get3A_335 : vector<1x1x16xi32> to vector<16xi32>
      %swap3A_337 = arith.constant 1 : i32
      %swap3A_338 = arith.index_cast %swap3A_337 : i32 to index
      %swap3A_339 = arith.constant 32 : index
      %swap3A_340 = tpu.vector_load %arg8[%swap3A_338, %swap3A_339] {strides = array<i32>} : memref<2x128xi32, #tpu.memory_space<vmem>>, vector<1x16xi32>,
      %swap3A_341 = vector.shape_cast %swap3A_340 : vector<1x16xi32> to vector<16xi32>
      %swap3A_342 = vector.shape_cast %get3A_336 : vector<16xi32> to vector<1x16xi32>
      tpu.vector_store %arg8[%swap3A_338, %swap3A_339], %swap3A_342 {strides = array<i32>} : memref<2x128xi32, #tpu.memory_space<vmem>>, vector<1x16xi32>,
      %get3A_343 = arith.constant 1 : i32
      %get3A_344 = arith.constant 1 : i32
      %get3A_345 = arith.index_cast %get3A_343 : i32 to index
      %get3A_346 = arith.index_cast %get3A_344 : i32 to index
      %get3A_347 = arith.constant 48 : index
      %get3A_348 = tpu.vector_load %arg7[%get3A_345, %get3A_346, %get3A_347] {strides = array<i32>} : memref<2x2x128xi32, #tpu.memory_space<vmem>>, vector<1x1x16xi32>,
      %get3A_349 = vector.shape_cast %get3A_348 : vector<1x1x16xi32> to vector<16xi32>
      %swap3A_350 = arith.constant 1 : i32
      %swap3A_351 = arith.index_cast %swap3A_350 : i32 to index
      %swap3A_352 = arith.constant 48 : index
      %swap3A_353 = tpu.vector_load %arg8[%swap3A_351, %swap3A_352] {strides = array<i32>} : memref<2x128xi32, #tpu.memory_space<vmem>>, vector<1x16xi32>,
      %swap3A_354 = vector.shape_cast %swap3A_353 : vector<1x16xi32> to vector<16xi32>
      %swap3A_355 = vector.shape_cast %get3A_349 : vector<16xi32> to vector<1x16xi32>
      tpu.vector_store %arg8[%swap3A_351, %swap3A_352], %swap3A_355 {strides = array<i32>} : memref<2x128xi32, #tpu.memory_space<vmem>>, vector<1x16xi32>,
      %get3A_356 = arith.constant 1 : i32
      %get3A_357 = arith.constant 1 : i32
      %get3A_358 = arith.index_cast %get3A_356 : i32 to index
      %get3A_359 = arith.index_cast %get3A_357 : i32 to index
      %get3A_360 = arith.constant 64 : index
      %get3A_361 = tpu.vector_load %arg7[%get3A_358, %get3A_359, %get3A_360] {strides = array<i32>} : memref<2x2x128xi32, #tpu.memory_space<vmem>>, vector<1x1x16xi32>,
      %get3A_362 = vector.shape_cast %get3A_361 : vector<1x1x16xi32> to vector<16xi32>
      %swap3A_363 = arith.constant 1 : i32
      %swap3A_364 = arith.index_cast %swap3A_363 : i32 to index
      %swap3A_365 = arith.constant 64 : index
      %swap3A_366 = tpu.vector_load %arg8[%swap3A_364, %swap3A_365] {strides = array<i32>} : memref<2x128xi32, #tpu.memory_space<vmem>>, vector<1x16xi32>,
      %swap3A_367 = vector.shape_cast %swap3A_366 : vector<1x16xi32> to vector<16xi32>
      %swap3A_368 = vector.shape_cast %get3A_362 : vector<16xi32> to vector<1x16xi32>
      tpu.vector_store %arg8[%swap3A_364, %swap3A_365], %swap3A_368 {strides = array<i32>} : memref<2x128xi32, #tpu.memory_space<vmem>>, vector<1x16xi32>,
      %get3A_369 = arith.constant 1 : i32
      %get3A_370 = arith.constant 1 : i32
      %get3A_371 = arith.index_cast %get3A_369 : i32 to index
      %get3A_372 = arith.index_cast %get3A_370 : i32 to index
      %get3A_373 = arith.constant 80 : index
      %get3A_374 = tpu.vector_load %arg7[%get3A_371, %get3A_372, %get3A_373] {strides = array<i32>} : memref<2x2x128xi32, #tpu.memory_space<vmem>>, vector<1x1x16xi32>,
      %get3A_375 = vector.shape_cast %get3A_374 : vector<1x1x16xi32> to vector<16xi32>
      %swap3A_376 = arith.constant 1 : i32
      %swap3A_377 = arith.index_cast %swap3A_376 : i32 to index
      %swap3A_378 = arith.constant 80 : index
      %swap3A_379 = tpu.vector_load %arg8[%swap3A_377, %swap3A_378] {strides = array<i32>} : memref<2x128xi32, #tpu.memory_space<vmem>>, vector<1x16xi32>,
      %swap3A_380 = vector.shape_cast %swap3A_379 : vector<1x16xi32> to vector<16xi32>
      %swap3A_381 = vector.shape_cast %get3A_375 : vector<16xi32> to vector<1x16xi32>
      tpu.vector_store %arg8[%swap3A_377, %swap3A_378], %swap3A_381 {strides = array<i32>} : memref<2x128xi32, #tpu.memory_space<vmem>>, vector<1x16xi32>,
      %get3A_382 = arith.constant 1 : i32
      %get3A_383 = arith.constant 1 : i32
      %get3A_384 = arith.index_cast %get3A_382 : i32 to index
      %get3A_385 = arith.index_cast %get3A_383 : i32 to index
      %get3A_386 = arith.constant 96 : index
      %get3A_387 = tpu.vector_load %arg7[%get3A_384, %get3A_385, %get3A_386] {strides = array<i32>} : memref<2x2x128xi32, #tpu.memory_space<vmem>>, vector<1x1x16xi32>,
      %get3A_388 = vector.shape_cast %get3A_387 : vector<1x1x16xi32> to vector<16xi32>
      %swap3A_389 = arith.constant 1 : i32
      %swap3A_390 = arith.index_cast %swap3A_389 : i32 to index
      %swap3A_391 = arith.constant 96 : index
      %swap3A_392 = tpu.vector_load %arg8[%swap3A_390, %swap3A_391] {strides = array<i32>} : memref<2x128xi32, #tpu.memory_space<vmem>>, vector<1x16xi32>,
      %swap3A_393 = vector.shape_cast %swap3A_392 : vector<1x16xi32> to vector<16xi32>
      %swap3A_394 = vector.shape_cast %get3A_388 : vector<16xi32> to vector<1x16xi32>
      tpu.vector_store %arg8[%swap3A_390, %swap3A_391], %swap3A_394 {strides = array<i32>} : memref<2x128xi32, #tpu.memory_space<vmem>>, vector<1x16xi32>,
      %get3A_395 = arith.constant 1 : i32
      %get3A_396 = arith.constant 1 : i32
      %get3A_397 = arith.index_cast %get3A_395 : i32 to index
      %get3A_398 = arith.index_cast %get3A_396 : i32 to index
      %get3A_399 = arith.constant 112 : index
      %get3A_400 = tpu.vector_load %arg7[%get3A_397, %get3A_398, %get3A_399] {strides = array<i32>} : memref<2x2x128xi32, #tpu.memory_space<vmem>>, vector<1x1x16xi32>,
      %get3A_401 = vector.shape_cast %get3A_400 : vector<1x1x16xi32> to vector<16xi32>
      %swap3A_402 = arith.constant 1 : i32
      %swap3A_403 = arith.index_cast %swap3A_402 : i32 to index
      %swap3A_404 = arith.constant 112 : index
      %swap3A_405 = tpu.vector_load %arg8[%swap3A_403, %swap3A_404] {strides = array<i32>} : memref<2x128xi32, #tpu.memory_space<vmem>>, vector<1x16xi32>,
      %swap3A_406 = vector.shape_cast %swap3A_405 : vector<1x16xi32> to vector<16xi32>
      %swap3A_407 = vector.shape_cast %get3A_401 : vector<16xi32> to vector<1x16xi32>
      tpu.vector_store %arg8[%swap3A_403, %swap3A_404], %swap3A_407 {strides = array<i32>} : memref<2x128xi32, #tpu.memory_space<vmem>>, vector<1x16xi32>,
      %dma_wait3A_408 = arith.constant 0 : i32
      %dma_wait3A_409 = arith.constant 0 : i32
      %dma_wait3A_410 = arith.constant 0 : i32
      %dma_wait3A_411 = arith.constant 0 : i32
      %dma_wait3A_412 = arith.constant 0 : i32
      %dma_wait3A_413 = tpu.memref_slice %arg9[%dma_wait3A_410, %dma_wait3A_411, %dma_wait3A_412] : memref<2x128x64xf32, #tpu.memory_space<vmem>> -> memref<1x128x64xf32, #tpu.memory_space<vmem>>
      %dma_wait3A_414 = tpu.memref_squeeze %dma_wait3A_413 : memref<1x128x64xf32, #tpu.memory_space<vmem>> -> memref<128x64xf32, #tpu.memory_space<vmem>>
      %dma_wait3A_415 = arith.constant 0 : i32
      %dma_wait3A_416 = tpu.memref_slice %arg7[%dma_wait3A_408, %dma_wait3A_409, %dma_wait3A_415] : memref<2x2x128xi32, #tpu.memory_space<vmem>> -> memref<1x1x128xi32, #tpu.memory_space<vmem>>
      %dma_wait3A_417 = tpu.memref_squeeze %dma_wait3A_416 : memref<1x1x128xi32, #tpu.memory_space<vmem>> -> memref<128xi32, #tpu.memory_space<vmem>>
      %dma_wait3A_418 = arith.constant 0 : i32
      %dma_wait3A_419 = arith.constant 0 : i32
      %dma_wait3A_420 = tpu.memref_slice %arg6[%dma_wait3A_418, %dma_wait3A_419] : memref<10240x64xf32, #tpu.memory_space<vmem_shared>> -> memref<10240x64xf32, #tpu.memory_space<vmem_shared>>
      tpu.wait_indirect_dma semaphore(%arg10 : memref<!tpu.dma_semaphore, #tpu.memory_space<semaphore_mem>>) src(%dma_wait3A_420 : memref<10240x64xf32, #tpu.memory_space<vmem_shared>>) dst(%dma_wait3A_414 : memref<128x64xf32, #tpu.memory_space<vmem>>)
      %add3A_421 = arith.constant 2 : i32
      %add3A_422 = arith.addi %mul3A_271, %add3A_421 : i32
      %ge3A = arith.constant 79 : i32
      %ge3A_423 = arith.cmpi sge, %add3A_422, %ge3A : i32
      %ge3A_424 = arith.constant 158 : i32
      %ge3A_425 = arith.cmpi sge, %add3A_422, %ge3A_424 : i32
      %mul3A_426 = arith.constant 2 : i32
      %mul3A_427 = arith.muli %mul3A_426, %arg1 : i32
      %mul3A_428 = arith.constant 2 : i32
      %mul3A_429 = arith.muli %mul3A_428, %arg1 : i32
      %add3A_430 = arith.constant 1 : i32
      %add3A_431 = arith.addi %mul3A_429, %add3A_430 : i32
      %mul3A_432 = arith.constant 2 : i32
      %mul3A_433 = arith.muli %mul3A_432, %arg1 : i32
      %select_n3A_434 = arith.select %ge3A_423, %add3A_431, %mul3A_433 : i32
      %select_n3A_435 = arith.select %ge3A_425, %mul3A_427, %select_n3A_434 : i32
      %sub3A = arith.constant 79 : i32
      %sub3A_436 = arith.subi %add3A_422, %sub3A : i32
      %select_n3A_437 = arith.select %ge3A_423, %sub3A_436, %add3A_422 : i32
      %jit3A_438 = arith.constant 79 : i32
      %select_n3A_439 = arith.select %ge3A_425, %jit3A_438, %select_n3A_437 : i32
      %dma_start3A_440 = arith.constant 0 : i32
      %dma_start3A_441 = arith.constant 0 : i32
      %dma_start3A_442 = arith.constant 0 : i32
      %dma_start3A_443 = tpu.memref_slice %arg7[%dma_start3A_440, %dma_start3A_441, %dma_start3A_442] : memref<2x2x128xi32, #tpu.memory_space<vmem>> -> memref<1x2x128xi32, #tpu.memory_space<vmem>>
      %dma_start3A_444 = tpu.memref_squeeze %dma_start3A_443 : memref<1x2x128xi32, #tpu.memory_space<vmem>> -> memref<2x128xi32, #tpu.memory_space<vmem>>
      %dma_start3A_445 = arith.constant 0 : i32
      %dma_start3A_446 = arith.constant 0 : i32
      %dma_start3A_447 = tpu.memref_slice %arg3[%select_n3A_435, %select_n3A_439, %dma_start3A_445, %dma_start3A_446] : memref<32x80x2x128xi32, #tpu.memory_space<hbm>> -> memref<1x1x2x128xi32, #tpu.memory_space<hbm>>
      %dma_start3A_448 = tpu.memref_squeeze %dma_start3A_447 : memref<1x1x2x128xi32, #tpu.memory_space<hbm>> -> memref<2x128xi32, #tpu.memory_space<hbm>>
      %dma_start3A_449 = arith.constant 0 : i32
      %dma_start3A_450 = arith.constant 0 : i32
      %dma_start3A_451 = tpu.memref_slice %arg7[%dma_start3A_440, %dma_start3A_449, %dma_start3A_450] : memref<2x2x128xi32, #tpu.memory_space<vmem>> -> memref<1x2x128xi32, #tpu.memory_space<vmem>>
      %dma_start3A_452 = tpu.memref_squeeze %dma_start3A_451 : memref<1x2x128xi32, #tpu.memory_space<vmem>> -> memref<2x128xi32, #tpu.memory_space<vmem>>
      %dma_start3A_453 = arith.constant 0 : i32
      %dma_start3A_454 = arith.constant 0 : i32
      %dma_start3A_455 = tpu.memref_slice %arg3[%select_n3A_435, %select_n3A_439, %dma_start3A_453, %dma_start3A_454] : memref<32x80x2x128xi32, #tpu.memory_space<hbm>> -> memref<1x1x2x128xi32, #tpu.memory_space<hbm>>
      %dma_start3A_456 = tpu.memref_squeeze %dma_start3A_455 : memref<1x1x2x128xi32, #tpu.memory_space<hbm>> -> memref<2x128xi32, #tpu.memory_space<hbm>>
      tpu.enqueue_dma source(%dma_start3A_456 : memref<2x128xi32, #tpu.memory_space<hbm>>) target(%dma_start3A_452 : memref<2x128xi32, #tpu.memory_space<vmem>>) target_semaphore(%arg12 : memref<!tpu.dma_semaphore, #tpu.memory_space<semaphore_mem>>)
      %run_scoped3A_457 = arith.constant 0 : i32
      %run_scoped3A_458 = arith.constant 0 : i32
      "tpu.region"() ({
        %run_scoped3A_649 = tpu.sem_alloc : memref<!tpu.dma_semaphore, #tpu.memory_space<semaphore_mem>>
        %dma_start3A_650 = arith.constant 0 : i32
        %dma_start3A_651 = arith.constant 0 : i32
        %dma_start3A_652 = tpu.memref_slice %arg9[%run_scoped3A_457, %dma_start3A_650, %dma_start3A_651] : memref<2x128x64xf32, #tpu.memory_space<vmem>> -> memref<1x128x64xf32, #tpu.memory_space<vmem>>
        %dma_start3A_653 = tpu.memref_squeeze %dma_start3A_652 : memref<1x128x64xf32, #tpu.memory_space<vmem>> -> memref<128x64xf32, #tpu.memory_space<vmem>>
        %dma_start3A_654 = arith.constant 0 : i32
        %dma_start3A_655 = tpu.memref_slice %arg8[%run_scoped3A_458, %dma_start3A_654] : memref<2x128xi32, #tpu.memory_space<vmem>> -> memref<1x128xi32, #tpu.memory_space<vmem>>
        %dma_start3A_656 = tpu.memref_squeeze %dma_start3A_655 : memref<1x128xi32, #tpu.memory_space<vmem>> -> memref<128xi32, #tpu.memory_space<vmem>>
        %dma_start3A_657 = arith.constant 0 : i32
        %dma_start3A_658 = arith.constant 0 : i32
        %dma_start3A_659 = tpu.memref_slice %arg5[%dma_start3A_657, %dma_start3A_658] : memref<10240x64xf32, #tpu.memory_space<vmem_shared>> -> memref<10240x64xf32, #tpu.memory_space<vmem_shared>>
        tpu.enqueue_indirect_dma source(%dma_start3A_653 : memref<128x64xf32, #tpu.memory_space<vmem>>) target(%dma_start3A_659 : memref<10240x64xf32, #tpu.memory_space<vmem_shared>>) offsets(%dma_start3A_656 : memref<128xi32, #tpu.memory_space<vmem>>) semaphore(%run_scoped3A_649 : memref<!tpu.dma_semaphore, #tpu.memory_space<semaphore_mem>>) {add = true}
        %dma_wait3A_660 = arith.constant 0 : i32
        %dma_wait3A_661 = arith.constant 0 : i32
        %dma_wait3A_662 = tpu.memref_slice %arg9[%run_scoped3A_457, %dma_wait3A_660, %dma_wait3A_661] : memref<2x128x64xf32, #tpu.memory_space<vmem>> -> memref<1x128x64xf32, #tpu.memory_space<vmem>>
        %dma_wait3A_663 = tpu.memref_squeeze %dma_wait3A_662 : memref<1x128x64xf32, #tpu.memory_space<vmem>> -> memref<128x64xf32, #tpu.memory_space<vmem>>
        %dma_wait3A_664 = arith.constant 0 : i32
        %dma_wait3A_665 = tpu.memref_slice %arg8[%run_scoped3A_458, %dma_wait3A_664] : memref<2x128xi32, #tpu.memory_space<vmem>> -> memref<1x128xi32, #tpu.memory_space<vmem>>
        %dma_wait3A_666 = tpu.memref_squeeze %dma_wait3A_665 : memref<1x128xi32, #tpu.memory_space<vmem>> -> memref<128xi32, #tpu.memory_space<vmem>>
        %dma_wait3A_667 = arith.constant 0 : i32
        %dma_wait3A_668 = arith.constant 0 : i32
        %dma_wait3A_669 = tpu.memref_slice %arg5[%dma_wait3A_667, %dma_wait3A_668] : memref<10240x64xf32, #tpu.memory_space<vmem_shared>> -> memref<10240x64xf32, #tpu.memory_space<vmem_shared>>
        tpu.wait_indirect_dma semaphore(%run_scoped3A_649 : memref<!tpu.dma_semaphore, #tpu.memory_space<semaphore_mem>>) src(%dma_wait3A_663 : memref<128x64xf32, #tpu.memory_space<vmem>>) dst(%dma_wait3A_669 : memref<10240x64xf32, #tpu.memory_space<vmem_shared>>)
        tpu.yield
      }) : () -> ()
      %dma_wait3A_459 = arith.constant 0 : i32
      %dma_wait3A_460 = arith.constant 0 : i32
      %dma_wait3A_461 = arith.constant 0 : i32
      %dma_wait3A_462 = arith.constant 0 : i32
      %dma_wait3A_463 = arith.constant 0 : i32
      %dma_wait3A_464 = tpu.memref_slice %arg7[%dma_wait3A_461, %dma_wait3A_462, %dma_wait3A_463] : memref<2x2x128xi32, #tpu.memory_space<vmem>> -> memref<1x2x128xi32, #tpu.memory_space<vmem>>
      %dma_wait3A_465 = tpu.memref_squeeze %dma_wait3A_464 : memref<1x2x128xi32, #tpu.memory_space<vmem>> -> memref<2x128xi32, #tpu.memory_space<vmem>>
      %dma_wait3A_466 = arith.constant 0 : i32
      %dma_wait3A_467 = arith.constant 0 : i32
      %dma_wait3A_468 = tpu.memref_slice %arg3[%dma_wait3A_459, %dma_wait3A_460, %dma_wait3A_466, %dma_wait3A_467] : memref<32x80x2x128xi32, #tpu.memory_space<hbm>> -> memref<1x1x2x128xi32, #tpu.memory_space<hbm>>
      %dma_wait3A_469 = tpu.memref_squeeze %dma_wait3A_468 : memref<1x1x2x128xi32, #tpu.memory_space<hbm>> -> memref<2x128xi32, #tpu.memory_space<hbm>>
      %dma_wait3A_470 = arith.constant 0 : i32
      %dma_wait3A_471 = arith.constant 0 : i32
      %dma_wait3A_472 = tpu.memref_slice %arg7[%dma_wait3A_461, %dma_wait3A_470, %dma_wait3A_471] : memref<2x2x128xi32, #tpu.memory_space<vmem>> -> memref<1x2x128xi32, #tpu.memory_space<vmem>>
      %dma_wait3A_473 = tpu.memref_squeeze %dma_wait3A_472 : memref<1x2x128xi32, #tpu.memory_space<vmem>> -> memref<2x128xi32, #tpu.memory_space<vmem>>
      %dma_wait3A_474 = arith.constant 0 : i32
      %dma_wait3A_475 = arith.constant 0 : i32
      %dma_wait3A_476 = tpu.memref_slice %arg3[%dma_wait3A_459, %dma_wait3A_460, %dma_wait3A_474, %dma_wait3A_475] : memref<32x80x2x128xi32, #tpu.memory_space<hbm>> -> memref<1x1x2x128xi32, #tpu.memory_space<hbm>>
      %dma_wait3A_477 = tpu.memref_squeeze %dma_wait3A_476 : memref<1x1x2x128xi32, #tpu.memory_space<hbm>> -> memref<2x128xi32, #tpu.memory_space<hbm>>
      tpu.wait_dma2 semaphore(%arg12 : memref<!tpu.dma_semaphore, #tpu.memory_space<semaphore_mem>>) src(%dma_wait3A_477 : memref<2x128xi32, #tpu.memory_space<hbm>>) dst(%dma_wait3A_473 : memref<2x128xi32, #tpu.memory_space<vmem>>)
      %dma_start3A_478 = arith.constant 0 : i32
      %dma_start3A_479 = arith.constant 0 : i32
      %dma_start3A_480 = arith.constant 0 : i32
      %dma_start3A_481 = arith.constant 0 : i32
      %dma_start3A_482 = arith.constant 0 : i32
      %dma_start3A_483 = tpu.memref_slice %arg9[%dma_start3A_480, %dma_start3A_481, %dma_start3A_482] : memref<2x128x64xf32, #tpu.memory_space<vmem>> -> memref<1x128x64xf32, #tpu.memory_space<vmem>>
      %dma_start3A_484 = tpu.memref_squeeze %dma_start3A_483 : memref<1x128x64xf32, #tpu.memory_space<vmem>> -> memref<128x64xf32, #tpu.memory_space<vmem>>
      %dma_start3A_485 = arith.constant 0 : i32
      %dma_start3A_486 = tpu.memref_slice %arg7[%dma_start3A_478, %dma_start3A_479, %dma_start3A_485] : memref<2x2x128xi32, #tpu.memory_space<vmem>> -> memref<1x1x128xi32, #tpu.memory_space<vmem>>
      %dma_start3A_487 = tpu.memref_squeeze %dma_start3A_486 : memref<1x1x128xi32, #tpu.memory_space<vmem>> -> memref<128xi32, #tpu.memory_space<vmem>>
      %dma_start3A_488 = arith.constant 0 : i32
      %dma_start3A_489 = arith.constant 0 : i32
      %dma_start3A_490 = tpu.memref_slice %arg6[%dma_start3A_488, %dma_start3A_489] : memref<10240x64xf32, #tpu.memory_space<vmem_shared>> -> memref<10240x64xf32, #tpu.memory_space<vmem_shared>>
      tpu.enqueue_indirect_dma source(%dma_start3A_490 : memref<10240x64xf32, #tpu.memory_space<vmem_shared>>) target(%dma_start3A_484 : memref<128x64xf32, #tpu.memory_space<vmem>>) offsets(%dma_start3A_487 : memref<128xi32, #tpu.memory_space<vmem>>) semaphore(%arg10 : memref<!tpu.dma_semaphore, #tpu.memory_space<semaphore_mem>>)
      %get3A_491 = arith.constant 0 : i32
      %get3A_492 = arith.constant 1 : i32
      %get3A_493 = arith.index_cast %get3A_491 : i32 to index
      %get3A_494 = arith.index_cast %get3A_492 : i32 to index
      %get3A_495 = arith.constant 0 : index
      %get3A_496 = tpu.vector_load %arg7[%get3A_493, %get3A_494, %get3A_495] {strides = array<i32>} : memref<2x2x128xi32, #tpu.memory_space<vmem>>, vector<1x1x16xi32>,
      %get3A_497 = vector.shape_cast %get3A_496 : vector<1x1x16xi32> to vector<16xi32>
      %swap3A_498 = arith.constant 0 : i32
      %swap3A_499 = arith.index_cast %swap3A_498 : i32 to index
      %swap3A_500 = arith.constant 0 : index
      %swap3A_501 = tpu.vector_load %arg8[%swap3A_499, %swap3A_500] {strides = array<i32>} : memref<2x128xi32, #tpu.memory_space<vmem>>, vector<1x16xi32>,
      %swap3A_502 = vector.shape_cast %swap3A_501 : vector<1x16xi32> to vector<16xi32>
      %swap3A_503 = vector.shape_cast %get3A_497 : vector<16xi32> to vector<1x16xi32>
      tpu.vector_store %arg8[%swap3A_499, %swap3A_500], %swap3A_503 {strides = array<i32>} : memref<2x128xi32, #tpu.memory_space<vmem>>, vector<1x16xi32>,
      %get3A_504 = arith.constant 0 : i32
      %get3A_505 = arith.constant 1 : i32
      %get3A_506 = arith.index_cast %get3A_504 : i32 to index
      %get3A_507 = arith.index_cast %get3A_505 : i32 to index
      %get3A_508 = arith.constant 16 : index
      %get3A_509 = tpu.vector_load %arg7[%get3A_506, %get3A_507, %get3A_508] {strides = array<i32>} : memref<2x2x128xi32, #tpu.memory_space<vmem>>, vector<1x1x16xi32>,
      %get3A_510 = vector.shape_cast %get3A_509 : vector<1x1x16xi32> to vector<16xi32>
      %swap3A_511 = arith.constant 0 : i32
      %swap3A_512 = arith.index_cast %swap3A_511 : i32 to index
      %swap3A_513 = arith.constant 16 : index
      %swap3A_514 = tpu.vector_load %arg8[%swap3A_512, %swap3A_513] {strides = array<i32>} : memref<2x128xi32, #tpu.memory_space<vmem>>, vector<1x16xi32>,
      %swap3A_515 = vector.shape_cast %swap3A_514 : vector<1x16xi32> to vector<16xi32>
      %swap3A_516 = vector.shape_cast %get3A_510 : vector<16xi32> to vector<1x16xi32>
      tpu.vector_store %arg8[%swap3A_512, %swap3A_513], %swap3A_516 {strides = array<i32>} : memref<2x128xi32, #tpu.memory_space<vmem>>, vector<1x16xi32>,
      %get3A_517 = arith.constant 0 : i32
      %get3A_518 = arith.constant 1 : i32
      %get3A_519 = arith.index_cast %get3A_517 : i32 to index
      %get3A_520 = arith.index_cast %get3A_518 : i32 to index
      %get3A_521 = arith.constant 32 : index
      %get3A_522 = tpu.vector_load %arg7[%get3A_519, %get3A_520, %get3A_521] {strides = array<i32>} : memref<2x2x128xi32, #tpu.memory_space<vmem>>, vector<1x1x16xi32>,
      %get3A_523 = vector.shape_cast %get3A_522 : vector<1x1x16xi32> to vector<16xi32>
      %swap3A_524 = arith.constant 0 : i32
      %swap3A_525 = arith.index_cast %swap3A_524 : i32 to index
      %swap3A_526 = arith.constant 32 : index
      %swap3A_527 = tpu.vector_load %arg8[%swap3A_525, %swap3A_526] {strides = array<i32>} : memref<2x128xi32, #tpu.memory_space<vmem>>, vector<1x16xi32>,
      %swap3A_528 = vector.shape_cast %swap3A_527 : vector<1x16xi32> to vector<16xi32>
      %swap3A_529 = vector.shape_cast %get3A_523 : vector<16xi32> to vector<1x16xi32>
      tpu.vector_store %arg8[%swap3A_525, %swap3A_526], %swap3A_529 {strides = array<i32>} : memref<2x128xi32, #tpu.memory_space<vmem>>, vector<1x16xi32>,
      %get3A_530 = arith.constant 0 : i32
      %get3A_531 = arith.constant 1 : i32
      %get3A_532 = arith.index_cast %get3A_530 : i32 to index
      %get3A_533 = arith.index_cast %get3A_531 : i32 to index
      %get3A_534 = arith.constant 48 : index
      %get3A_535 = tpu.vector_load %arg7[%get3A_532, %get3A_533, %get3A_534] {strides = array<i32>} : memref<2x2x128xi32, #tpu.memory_space<vmem>>, vector<1x1x16xi32>,
      %get3A_536 = vector.shape_cast %get3A_535 : vector<1x1x16xi32> to vector<16xi32>
      %swap3A_537 = arith.constant 0 : i32
      %swap3A_538 = arith.index_cast %swap3A_537 : i32 to index
      %swap3A_539 = arith.constant 48 : index
      %swap3A_540 = tpu.vector_load %arg8[%swap3A_538, %swap3A_539] {strides = array<i32>} : memref<2x128xi32, #tpu.memory_space<vmem>>, vector<1x16xi32>,
      %swap3A_541 = vector.shape_cast %swap3A_540 : vector<1x16xi32> to vector<16xi32>
      %swap3A_542 = vector.shape_cast %get3A_536 : vector<16xi32> to vector<1x16xi32>
      tpu.vector_store %arg8[%swap3A_538, %swap3A_539], %swap3A_542 {strides = array<i32>} : memref<2x128xi32, #tpu.memory_space<vmem>>, vector<1x16xi32>,
      %get3A_543 = arith.constant 0 : i32
      %get3A_544 = arith.constant 1 : i32
      %get3A_545 = arith.index_cast %get3A_543 : i32 to index
      %get3A_546 = arith.index_cast %get3A_544 : i32 to index
      %get3A_547 = arith.constant 64 : index
      %get3A_548 = tpu.vector_load %arg7[%get3A_545, %get3A_546, %get3A_547] {strides = array<i32>} : memref<2x2x128xi32, #tpu.memory_space<vmem>>, vector<1x1x16xi32>,
      %get3A_549 = vector.shape_cast %get3A_548 : vector<1x1x16xi32> to vector<16xi32>
      %swap3A_550 = arith.constant 0 : i32
      %swap3A_551 = arith.index_cast %swap3A_550 : i32 to index
      %swap3A_552 = arith.constant 64 : index
      %swap3A_553 = tpu.vector_load %arg8[%swap3A_551, %swap3A_552] {strides = array<i32>} : memref<2x128xi32, #tpu.memory_space<vmem>>, vector<1x16xi32>,
      %swap3A_554 = vector.shape_cast %swap3A_553 : vector<1x16xi32> to vector<16xi32>
      %swap3A_555 = vector.shape_cast %get3A_549 : vector<16xi32> to vector<1x16xi32>
      tpu.vector_store %arg8[%swap3A_551, %swap3A_552], %swap3A_555 {strides = array<i32>} : memref<2x128xi32, #tpu.memory_space<vmem>>, vector<1x16xi32>,
      %get3A_556 = arith.constant 0 : i32
      %get3A_557 = arith.constant 1 : i32
      %get3A_558 = arith.index_cast %get3A_556 : i32 to index
      %get3A_559 = arith.index_cast %get3A_557 : i32 to index
      %get3A_560 = arith.constant 80 : index
      %get3A_561 = tpu.vector_load %arg7[%get3A_558, %get3A_559, %get3A_560] {strides = array<i32>} : memref<2x2x128xi32, #tpu.memory_space<vmem>>, vector<1x1x16xi32>,
      %get3A_562 = vector.shape_cast %get3A_561 : vector<1x1x16xi32> to vector<16xi32>
      %swap3A_563 = arith.constant 0 : i32
      %swap3A_564 = arith.index_cast %swap3A_563 : i32 to index
      %swap3A_565 = arith.constant 80 : index
      %swap3A_566 = tpu.vector_load %arg8[%swap3A_564, %swap3A_565] {strides = array<i32>} : memref<2x128xi32, #tpu.memory_space<vmem>>, vector<1x16xi32>,
      %swap3A_567 = vector.shape_cast %swap3A_566 : vector<1x16xi32> to vector<16xi32>
      %swap3A_568 = vector.shape_cast %get3A_562 : vector<16xi32> to vector<1x16xi32>
      tpu.vector_store %arg8[%swap3A_564, %swap3A_565], %swap3A_568 {strides = array<i32>} : memref<2x128xi32, #tpu.memory_space<vmem>>, vector<1x16xi32>,
      %get3A_569 = arith.constant 0 : i32
      %get3A_570 = arith.constant 1 : i32
      %get3A_571 = arith.index_cast %get3A_569 : i32 to index
      %get3A_572 = arith.index_cast %get3A_570 : i32 to index
      %get3A_573 = arith.constant 96 : index
      %get3A_574 = tpu.vector_load %arg7[%get3A_571, %get3A_572, %get3A_573] {strides = array<i32>} : memref<2x2x128xi32, #tpu.memory_space<vmem>>, vector<1x1x16xi32>,
      %get3A_575 = vector.shape_cast %get3A_574 : vector<1x1x16xi32> to vector<16xi32>
      %swap3A_576 = arith.constant 0 : i32
      %swap3A_577 = arith.index_cast %swap3A_576 : i32 to index
      %swap3A_578 = arith.constant 96 : index
      %swap3A_579 = tpu.vector_load %arg8[%swap3A_577, %swap3A_578] {strides = array<i32>} : memref<2x128xi32, #tpu.memory_space<vmem>>, vector<1x16xi32>,
      %swap3A_580 = vector.shape_cast %swap3A_579 : vector<1x16xi32> to vector<16xi32>
      %swap3A_581 = vector.shape_cast %get3A_575 : vector<16xi32> to vector<1x16xi32>
      tpu.vector_store %arg8[%swap3A_577, %swap3A_578], %swap3A_581 {strides = array<i32>} : memref<2x128xi32, #tpu.memory_space<vmem>>, vector<1x16xi32>,
      %get3A_582 = arith.constant 0 : i32
      %get3A_583 = arith.constant 1 : i32
      %get3A_584 = arith.index_cast %get3A_582 : i32 to index
      %get3A_585 = arith.index_cast %get3A_583 : i32 to index
      %get3A_586 = arith.constant 112 : index
      %get3A_587 = tpu.vector_load %arg7[%get3A_584, %get3A_585, %get3A_586] {strides = array<i32>} : memref<2x2x128xi32, #tpu.memory_space<vmem>>, vector<1x1x16xi32>,
      %get3A_588 = vector.shape_cast %get3A_587 : vector<1x1x16xi32> to vector<16xi32>
      %swap3A_589 = arith.constant 0 : i32
      %swap3A_590 = arith.index_cast %swap3A_589 : i32 to index
      %swap3A_591 = arith.constant 112 : index
      %swap3A_592 = tpu.vector_load %arg8[%swap3A_590, %swap3A_591] {strides = array<i32>} : memref<2x128xi32, #tpu.memory_space<vmem>>, vector<1x16xi32>,
      %swap3A_593 = vector.shape_cast %swap3A_592 : vector<1x16xi32> to vector<16xi32>
      %swap3A_594 = vector.shape_cast %get3A_588 : vector<16xi32> to vector<1x16xi32>
      tpu.vector_store %arg8[%swap3A_590, %swap3A_591], %swap3A_594 {strides = array<i32>} : memref<2x128xi32, #tpu.memory_space<vmem>>, vector<1x16xi32>,
      %dma_wait3A_595 = arith.constant 1 : i32
      %dma_wait3A_596 = arith.constant 0 : i32
      %dma_wait3A_597 = arith.constant 1 : i32
      %dma_wait3A_598 = arith.constant 0 : i32
      %dma_wait3A_599 = arith.constant 0 : i32
      %dma_wait3A_600 = tpu.memref_slice %arg9[%dma_wait3A_597, %dma_wait3A_598, %dma_wait3A_599] : memref<2x128x64xf32, #tpu.memory_space<vmem>> -> memref<1x128x64xf32, #tpu.memory_space<vmem>>
      %dma_wait3A_601 = tpu.memref_squeeze %dma_wait3A_600 : memref<1x128x64xf32, #tpu.memory_space<vmem>> -> memref<128x64xf32, #tpu.memory_space<vmem>>
      %dma_wait3A_602 = arith.constant 0 : i32
      %dma_wait3A_603 = tpu.memref_slice %arg7[%dma_wait3A_595, %dma_wait3A_596, %dma_wait3A_602] : memref<2x2x128xi32, #tpu.memory_space<vmem>> -> memref<1x1x128xi32, #tpu.memory_space<vmem>>
      %dma_wait3A_604 = tpu.memref_squeeze %dma_wait3A_603 : memref<1x1x128xi32, #tpu.memory_space<vmem>> -> memref<128xi32, #tpu.memory_space<vmem>>
      %dma_wait3A_605 = arith.constant 0 : i32
      %dma_wait3A_606 = arith.constant 0 : i32
      %dma_wait3A_607 = tpu.memref_slice %arg6[%dma_wait3A_605, %dma_wait3A_606] : memref<10240x64xf32, #tpu.memory_space<vmem_shared>> -> memref<10240x64xf32, #tpu.memory_space<vmem_shared>>
      tpu.wait_indirect_dma semaphore(%arg11 : memref<!tpu.dma_semaphore, #tpu.memory_space<semaphore_mem>>) src(%dma_wait3A_607 : memref<10240x64xf32, #tpu.memory_space<vmem_shared>>) dst(%dma_wait3A_601 : memref<128x64xf32, #tpu.memory_space<vmem>>)
      %add3A_608 = arith.constant 3 : i32
      %add3A_609 = arith.addi %mul3A_271, %add3A_608 : i32
      %ge3A_610 = arith.constant 79 : i32
      %ge3A_611 = arith.cmpi sge, %add3A_609, %ge3A_610 : i32
      %ge3A_612 = arith.constant 158 : i32
      %ge3A_613 = arith.cmpi sge, %add3A_609, %ge3A_612 : i32
      %mul3A_614 = arith.constant 2 : i32
      %mul3A_615 = arith.muli %mul3A_614, %arg1 : i32
      %mul3A_616 = arith.constant 2 : i32
      %mul3A_617 = arith.muli %mul3A_616, %arg1 : i32
      %add3A_618 = arith.constant 1 : i32
      %add3A_619 = arith.addi %mul3A_617, %add3A_618 : i32
      %mul3A_620 = arith.constant 2 : i32
      %mul3A_621 = arith.muli %mul3A_620, %arg1 : i32
      %select_n3A_622 = arith.select %ge3A_611, %add3A_619, %mul3A_621 : i32
      %select_n3A_623 = arith.select %ge3A_613, %mul3A_615, %select_n3A_622 : i32
      %sub3A_624 = arith.constant 79 : i32
      %sub3A_625 = arith.subi %add3A_609, %sub3A_624 : i32
      %select_n3A_626 = arith.select %ge3A_611, %sub3A_625, %add3A_609 : i32
      %jit3A_627 = arith.constant 79 : i32
      %select_n3A_628 = arith.select %ge3A_613, %jit3A_627, %select_n3A_626 : i32
      %dma_start3A_629 = arith.constant 1 : i32
      %dma_start3A_630 = arith.constant 0 : i32
      %dma_start3A_631 = arith.constant 0 : i32
      %dma_start3A_632 = tpu.memref_slice %arg7[%dma_start3A_629, %dma_start3A_630, %dma_start3A_631] : memref<2x2x128xi32, #tpu.memory_space<vmem>> -> memref<1x2x128xi32, #tpu.memory_space<vmem>>
      %dma_start3A_633 = tpu.memref_squeeze %dma_start3A_632 : memref<1x2x128xi32, #tpu.memory_space<vmem>> -> memref<2x128xi32, #tpu.memory_space<vmem>>
      %dma_start3A_634 = arith.constant 0 : i32
      %dma_start3A_635 = arith.constant 0 : i32
      %dma_start3A_636 = tpu.memref_slice %arg3[%select_n3A_623, %select_n3A_628, %dma_start3A_634, %dma_start3A_635] : memref<32x80x2x128xi32, #tpu.memory_space<hbm>> -> memref<1x1x2x128xi32, #tpu.memory_space<hbm>>
      %dma_start3A_637 = tpu.memref_squeeze %dma_start3A_636 : memref<1x1x2x128xi32, #tpu.memory_space<hbm>> -> memref<2x128xi32, #tpu.memory_space<hbm>>
      %dma_start3A_638 = arith.constant 0 : i32
      %dma_start3A_639 = arith.constant 0 : i32
      %dma_start3A_640 = tpu.memref_slice %arg7[%dma_start3A_629, %dma_start3A_638, %dma_start3A_639] : memref<2x2x128xi32, #tpu.memory_space<vmem>> -> memref<1x2x128xi32, #tpu.memory_space<vmem>>
      %dma_start3A_641 = tpu.memref_squeeze %dma_start3A_640 : memref<1x2x128xi32, #tpu.memory_space<vmem>> -> memref<2x128xi32, #tpu.memory_space<vmem>>
      %dma_start3A_642 = arith.constant 0 : i32
      %dma_start3A_643 = arith.constant 0 : i32
      %dma_start3A_644 = tpu.memref_slice %arg3[%select_n3A_623, %select_n3A_628, %dma_start3A_642, %dma_start3A_643] : memref<32x80x2x128xi32, #tpu.memory_space<hbm>> -> memref<1x1x2x128xi32, #tpu.memory_space<hbm>>
      %dma_start3A_645 = tpu.memref_squeeze %dma_start3A_644 : memref<1x1x2x128xi32, #tpu.memory_space<hbm>> -> memref<2x128xi32, #tpu.memory_space<hbm>>
      tpu.enqueue_dma source(%dma_start3A_645 : memref<2x128xi32, #tpu.memory_space<hbm>>) target(%dma_start3A_641 : memref<2x128xi32, #tpu.memory_space<vmem>>) target_semaphore(%arg13 : memref<!tpu.dma_semaphore, #tpu.memory_space<semaphore_mem>>)
      %run_scoped3A_646 = arith.constant 1 : i32
      %run_scoped3A_647 = arith.constant 1 : i32
      "tpu.region"() ({
        %run_scoped3A_649 = tpu.sem_alloc : memref<!tpu.dma_semaphore, #tpu.memory_space<semaphore_mem>>
        %dma_start3A_650 = arith.constant 0 : i32
        %dma_start3A_651 = arith.constant 0 : i32
        %dma_start3A_652 = tpu.memref_slice %arg9[%run_scoped3A_646, %dma_start3A_650, %dma_start3A_651] : memref<2x128x64xf32, #tpu.memory_space<vmem>> -> memref<1x128x64xf32, #tpu.memory_space<vmem>>
        %dma_start3A_653 = tpu.memref_squeeze %dma_start3A_652 : memref<1x128x64xf32, #tpu.memory_space<vmem>> -> memref<128x64xf32, #tpu.memory_space<vmem>>
        %dma_start3A_654 = arith.constant 0 : i32
        %dma_start3A_655 = tpu.memref_slice %arg8[%run_scoped3A_647, %dma_start3A_654] : memref<2x128xi32, #tpu.memory_space<vmem>> -> memref<1x128xi32, #tpu.memory_space<vmem>>
        %dma_start3A_656 = tpu.memref_squeeze %dma_start3A_655 : memref<1x128xi32, #tpu.memory_space<vmem>> -> memref<128xi32, #tpu.memory_space<vmem>>
        %dma_start3A_657 = arith.constant 0 : i32
        %dma_start3A_658 = arith.constant 0 : i32
        %dma_start3A_659 = tpu.memref_slice %arg5[%dma_start3A_657, %dma_start3A_658] : memref<10240x64xf32, #tpu.memory_space<vmem_shared>> -> memref<10240x64xf32, #tpu.memory_space<vmem_shared>>
        tpu.enqueue_indirect_dma source(%dma_start3A_653 : memref<128x64xf32, #tpu.memory_space<vmem>>) target(%dma_start3A_659 : memref<10240x64xf32, #tpu.memory_space<vmem_shared>>) offsets(%dma_start3A_656 : memref<128xi32, #tpu.memory_space<vmem>>) semaphore(%run_scoped3A_649 : memref<!tpu.dma_semaphore, #tpu.memory_space<semaphore_mem>>) {add = true}
        %dma_wait3A_660 = arith.constant 0 : i32
        %dma_wait3A_661 = arith.constant 0 : i32
        %dma_wait3A_662 = tpu.memref_slice %arg9[%run_scoped3A_646, %dma_wait3A_660, %dma_wait3A_661] : memref<2x128x64xf32, #tpu.memory_space<vmem>> -> memref<1x128x64xf32, #tpu.memory_space<vmem>>
        %dma_wait3A_663 = tpu.memref_squeeze %dma_wait3A_662 : memref<1x128x64xf32, #tpu.memory_space<vmem>> -> memref<128x64xf32, #tpu.memory_space<vmem>>
        %dma_wait3A_664 = arith.constant 0 : i32
        %dma_wait3A_665 = tpu.memref_slice %arg8[%run_scoped3A_647, %dma_wait3A_664] : memref<2x128xi32, #tpu.memory_space<vmem>> -> memref<1x128xi32, #tpu.memory_space<vmem>>
        %dma_wait3A_666 = tpu.memref_squeeze %dma_wait3A_665 : memref<1x128xi32, #tpu.memory_space<vmem>> -> memref<128xi32, #tpu.memory_space<vmem>>
        %dma_wait3A_667 = arith.constant 0 : i32
        %dma_wait3A_668 = arith.constant 0 : i32
        %dma_wait3A_669 = tpu.memref_slice %arg5[%dma_wait3A_667, %dma_wait3A_668] : memref<10240x64xf32, #tpu.memory_space<vmem_shared>> -> memref<10240x64xf32, #tpu.memory_space<vmem_shared>>
        tpu.wait_indirect_dma semaphore(%run_scoped3A_649 : memref<!tpu.dma_semaphore, #tpu.memory_space<semaphore_mem>>) src(%dma_wait3A_663 : memref<128x64xf32, #tpu.memory_space<vmem>>) dst(%dma_wait3A_669 : memref<10240x64xf32, #tpu.memory_space<vmem_shared>>)
        tpu.yield
      }) : () -> ()
      %scan3A_648 = arith.constant 0 : i32
      scf.yield %scan3A_648 : i32
    }
    %scan3A_229 = arith.constant 79 : i32
    %dma_wait3A_230 = arith.constant 0 : i32
    %dma_wait3A_231 = arith.constant 0 : i32
    %dma_wait3A_232 = arith.constant 0 : i32
    %dma_wait3A_233 = arith.constant 0 : i32
    %dma_wait3A_234 = arith.constant 0 : i32
    %dma_wait3A_235 = tpu.memref_slice %arg9[%dma_wait3A_232, %dma_wait3A_233, %dma_wait3A_234] : memref<2x128x64xf32, #tpu.memory_space<vmem>> -> memref<1x128x64xf32, #tpu.memory_space<vmem>>
    %dma_wait3A_236 = tpu.memref_squeeze %dma_wait3A_235 : memref<1x128x64xf32, #tpu.memory_space<vmem>> -> memref<128x64xf32, #tpu.memory_space<vmem>>
    %dma_wait3A_237 = arith.constant 0 : i32
    %dma_wait3A_238 = tpu.memref_slice %arg7[%dma_wait3A_230, %dma_wait3A_231, %dma_wait3A_237] : memref<2x2x128xi32, #tpu.memory_space<vmem>> -> memref<1x1x128xi32, #tpu.memory_space<vmem>>
    %dma_wait3A_239 = tpu.memref_squeeze %dma_wait3A_238 : memref<1x1x128xi32, #tpu.memory_space<vmem>> -> memref<128xi32, #tpu.memory_space<vmem>>
    %dma_wait3A_240 = arith.constant 0 : i32
    %dma_wait3A_241 = arith.constant 0 : i32
    %dma_wait3A_242 = tpu.memref_slice %arg6[%dma_wait3A_240, %dma_wait3A_241] : memref<10240x64xf32, #tpu.memory_space<vmem_shared>> -> memref<10240x64xf32, #tpu.memory_space<vmem_shared>>
    tpu.wait_indirect_dma semaphore(%arg10 : memref<!tpu.dma_semaphore, #tpu.memory_space<semaphore_mem>>) src(%dma_wait3A_242 : memref<10240x64xf32, #tpu.memory_space<vmem_shared>>) dst(%dma_wait3A_236 : memref<128x64xf32, #tpu.memory_space<vmem>>)
    %run_scoped3A = arith.constant 0 : i32
    %run_scoped3A_243 = arith.constant 0 : i32
    "tpu.region"() ({
      %run_scoped3A_268 = tpu.sem_alloc : memref<!tpu.dma_semaphore, #tpu.memory_space<semaphore_mem>>
      %dma_start3A_269 = arith.constant 0 : i32
      %dma_start3A_270 = arith.constant 0 : i32
      %dma_start3A_271 = tpu.memref_slice %arg9[%run_scoped3A, %dma_start3A_269, %dma_start3A_270] : memref<2x128x64xf32, #tpu.memory_space<vmem>> -> memref<1x128x64xf32, #tpu.memory_space<vmem>>
      %dma_start3A_272 = tpu.memref_squeeze %dma_start3A_271 : memref<1x128x64xf32, #tpu.memory_space<vmem>> -> memref<128x64xf32, #tpu.memory_space<vmem>>
      %dma_start3A_273 = arith.constant 0 : i32
      %dma_start3A_274 = tpu.memref_slice %arg8[%run_scoped3A_243, %dma_start3A_273] : memref<2x128xi32, #tpu.memory_space<vmem>> -> memref<1x128xi32, #tpu.memory_space<vmem>>
      %dma_start3A_275 = tpu.memref_squeeze %dma_start3A_274 : memref<1x128xi32, #tpu.memory_space<vmem>> -> memref<128xi32, #tpu.memory_space<vmem>>
      %dma_start3A_276 = arith.constant 0 : i32
      %dma_start3A_277 = arith.constant 0 : i32
      %dma_start3A_278 = tpu.memref_slice %arg5[%dma_start3A_276, %dma_start3A_277] : memref<10240x64xf32, #tpu.memory_space<vmem_shared>> -> memref<10240x64xf32, #tpu.memory_space<vmem_shared>>
      tpu.enqueue_indirect_dma source(%dma_start3A_272 : memref<128x64xf32, #tpu.memory_space<vmem>>) target(%dma_start3A_278 : memref<10240x64xf32, #tpu.memory_space<vmem_shared>>) offsets(%dma_start3A_275 : memref<128xi32, #tpu.memory_space<vmem>>) semaphore(%run_scoped3A_268 : memref<!tpu.dma_semaphore, #tpu.memory_space<semaphore_mem>>) {add = true}
      %dma_wait3A_279 = arith.constant 0 : i32
      %dma_wait3A_280 = arith.constant 0 : i32
      %dma_wait3A_281 = tpu.memref_slice %arg9[%run_scoped3A, %dma_wait3A_279, %dma_wait3A_280] : memref<2x128x64xf32, #tpu.memory_space<vmem>> -> memref<1x128x64xf32, #tpu.memory_space<vmem>>
      %dma_wait3A_282 = tpu.memref_squeeze %dma_wait3A_281 : memref<1x128x64xf32, #tpu.memory_space<vmem>> -> memref<128x64xf32, #tpu.memory_space<vmem>>
      %dma_wait3A_283 = arith.constant 0 : i32
      %dma_wait3A_284 = tpu.memref_slice %arg8[%run_scoped3A_243, %dma_wait3A_283] : memref<2x128xi32, #tpu.memory_space<vmem>> -> memref<1x128xi32, #tpu.memory_space<vmem>>
      %dma_wait3A_285 = tpu.memref_squeeze %dma_wait3A_284 : memref<1x128xi32, #tpu.memory_space<vmem>> -> memref<128xi32, #tpu.memory_space<vmem>>
      %dma_wait3A_286 = arith.constant 0 : i32
      %dma_wait3A_287 = arith.constant 0 : i32
      %dma_wait3A_288 = tpu.memref_slice %arg5[%dma_wait3A_286, %dma_wait3A_287] : memref<10240x64xf32, #tpu.memory_space<vmem_shared>> -> memref<10240x64xf32, #tpu.memory_space<vmem_shared>>
      tpu.wait_indirect_dma semaphore(%run_scoped3A_268 : memref<!tpu.dma_semaphore, #tpu.memory_space<semaphore_mem>>) src(%dma_wait3A_282 : memref<128x64xf32, #tpu.memory_space<vmem>>) dst(%dma_wait3A_288 : memref<10240x64xf32, #tpu.memory_space<vmem_shared>>)
      tpu.yield
    }) : () -> ()
    %dma_wait3A_244 = arith.constant 0 : i32
    %dma_wait3A_245 = arith.constant 0 : i32
    %dma_wait3A_246 = arith.constant 1 : i32
    %dma_wait3A_247 = arith.constant 0 : i32
    %dma_wait3A_248 = arith.constant 0 : i32
    %dma_wait3A_249 = tpu.memref_slice %arg7[%dma_wait3A_246, %dma_wait3A_247, %dma_wait3A_248] : memref<2x2x128xi32, #tpu.memory_space<vmem>> -> memref<1x2x128xi32, #tpu.memory_space<vmem>>
    %dma_wait3A_250 = tpu.memref_squeeze %dma_wait3A_249 : memref<1x2x128xi32, #tpu.memory_space<vmem>> -> memref<2x128xi32, #tpu.memory_space<vmem>>
    %dma_wait3A_251 = arith.constant 0 : i32
    %dma_wait3A_252 = arith.constant 0 : i32
    %dma_wait3A_253 = tpu.memref_slice %arg3[%dma_wait3A_244, %dma_wait3A_245, %dma_wait3A_251, %dma_wait3A_252] : memref<32x80x2x128xi32, #tpu.memory_space<hbm>> -> memref<1x1x2x128xi32, #tpu.memory_space<hbm>>
    %dma_wait3A_254 = tpu.memref_squeeze %dma_wait3A_253 : memref<1x1x2x128xi32, #tpu.memory_space<hbm>> -> memref<2x128xi32, #tpu.memory_space<hbm>>
    %dma_wait3A_255 = arith.constant 0 : i32
    %dma_wait3A_256 = arith.constant 0 : i32
    %dma_wait3A_257 = tpu.memref_slice %arg7[%dma_wait3A_246, %dma_wait3A_255, %dma_wait3A_256] : memref<2x2x128xi32, #tpu.memory_space<vmem>> -> memref<1x2x128xi32, #tpu.memory_space<vmem>>
    %dma_wait3A_258 = tpu.memref_squeeze %dma_wait3A_257 : memref<1x2x128xi32, #tpu.memory_space<vmem>> -> memref<2x128xi32, #tpu.memory_space<vmem>>
    %dma_wait3A_259 = arith.constant 0 : i32
    %dma_wait3A_260 = arith.constant 0 : i32
    %dma_wait3A_261 = tpu.memref_slice %arg3[%dma_wait3A_244, %dma_wait3A_245, %dma_wait3A_259, %dma_wait3A_260] : memref<32x80x2x128xi32, #tpu.memory_space<hbm>> -> memref<1x1x2x128xi32, #tpu.memory_space<hbm>>
    %dma_wait3A_262 = tpu.memref_squeeze %dma_wait3A_261 : memref<1x1x2x128xi32, #tpu.memory_space<hbm>> -> memref<2x128xi32, #tpu.memory_space<hbm>>
    tpu.wait_dma2 semaphore(%arg13 : memref<!tpu.dma_semaphore, #tpu.memory_space<semaphore_mem>>) src(%dma_wait3A_262 : memref<2x128xi32, #tpu.memory_space<hbm>>) dst(%dma_wait3A_258 : memref<2x128xi32, #tpu.memory_space<vmem>>)
    %barrier3A_263 = arith.constant 0 : index
    tpu.barrier barrier_id(%barrier3A_263)
    %mul3A_264 = arith.constant 640 : i32
    %mul3A_265 = arith.muli %arg1, %mul3A_264 : i32
    %mul3A_266 = arith.constant 640 : i32
    %mul3A_267 = arith.muli %arg1, %mul3A_266 : i32
    "tpu.region"() ({
      %run_scoped3A_268 = tpu.sem_alloc : memref<!tpu.dma_semaphore, #tpu.memory_space<semaphore_mem>>
      %dma_start3A_269 = arith.constant 0 : i32
      %dma_start3A_270 = tpu.memref_slice %arg4[%arg0, %mul3A_267, %dma_start3A_269] : memref<2x10240x64xf32, #tpu.memory_space<hbm>> -> memref<1x640x64xf32, #tpu.memory_space<hbm>>
      %dma_start3A_271 = tpu.memref_squeeze %dma_start3A_270 : memref<1x640x64xf32, #tpu.memory_space<hbm>> -> memref<640x64xf32, #tpu.memory_space<hbm>>
      %dma_start3A_272 = arith.constant 0 : i32
      %dma_start3A_273 = tpu.memref_slice %arg5[%mul3A_265, %dma_start3A_272] : memref<10240x64xf32, #tpu.memory_space<vmem_shared>> -> memref<640x64xf32, #tpu.memory_space<vmem_shared>>
      tpu.enqueue_dma source(%dma_start3A_273 : memref<640x64xf32, #tpu.memory_space<vmem_shared>>) target(%dma_start3A_271 : memref<640x64xf32, #tpu.memory_space<hbm>>) target_semaphore(%run_scoped3A_268 : memref<!tpu.dma_semaphore, #tpu.memory_space<semaphore_mem>>)
      %dma_wait3A_274 = arith.constant 0 : i32
      %dma_wait3A_275 = tpu.memref_slice %arg4[%arg0, %mul3A_267, %dma_wait3A_274] : memref<2x10240x64xf32, #tpu.memory_space<hbm>> -> memref<1x640x64xf32, #tpu.memory_space<hbm>>
      %dma_wait3A_276 = tpu.memref_squeeze %dma_wait3A_275 : memref<1x640x64xf32, #tpu.memory_space<hbm>> -> memref<640x64xf32, #tpu.memory_space<hbm>>
      %dma_wait3A_277 = arith.constant 0 : i32
      %dma_wait3A_278 = tpu.memref_slice %arg5[%mul3A_265, %dma_wait3A_277] : memref<10240x64xf32, #tpu.memory_space<vmem_shared>> -> memref<640x64xf32, #tpu.memory_space<vmem_shared>>
      tpu.wait_dma2 semaphore(%run_scoped3A_268 : memref<!tpu.dma_semaphore, #tpu.memory_space<semaphore_mem>>) src(%dma_wait3A_278 : memref<640x64xf32, #tpu.memory_space<vmem_shared>>) dst(%dma_wait3A_276 : memref<640x64xf32, #tpu.memory_space<hbm>>)
      tpu.yield
    }) : () -> ()
    return
  }
}

#map = affine_map<(d0, d1) -> (0, 0, 0, 0)>
#map1 = affine_map<(d0, d1) -> (0, 0, 0)>
module attributes {stable_mosaic.version = 14 : i64} {
  func.func @deg_kernel(%arg0: i32, %arg1: i32, %arg2: memref<32x80x2x128xi32, #tpu.memory_space<hbm>>, %arg3: memref<2x10240x16xf32, #tpu.memory_space<hbm>>, %arg4: memref<10240x16xf32, #tpu.memory_space<vmem_shared>>, %arg5: memref<80x2x128xi32, #tpu.memory_space<vmem>>, %arg6: memref<128x16xf32, #tpu.memory_space<vmem>>, %arg7: memref<128x16xf32, #tpu.memory_space<vmem>>) attributes {dimension_semantics = [#tpu.dimension_semantics<core_parallel>, #tpu.dimension_semantics<subcore_parallel>], iteration_bounds = array<i64: 2, 16>, scalar_prefetch = 0 : i64, scratch_operands = 4 : i64, tpu.core_type = #tpu.core_type<sc_vector_subcore>, window_params = [{transform_indices = #map}, {transform_indices = #map1}]} {
    %mul3A = arith.constant 2 : i32
    %mul3A_0 = arith.muli %arg1, %mul3A : i32
    %add3A = arith.addi %mul3A_0, %arg0 : i32
    %scan3A = arith.constant 0 : i32
    %scan3A_1 = arith.constant 0 : i32
    %scan3A_2 = arith.constant 128 : i32
    %scan3A_3 = arith.addi %scan3A_1, %scan3A_2 : i32
    %scan3A_4 = arith.constant 1 : i32
    %scan3A_5 = scf.for %scan3A_46 = %scan3A_1 to %scan3A_3 step %scan3A_4 iter_args(%scan3A_47 = %scan3A) -> (i32)  : i32 {
      %broadcast_in_dim3A = arith.constant 1.000000e+00 : f32
      %broadcast_in_dim3A_48 = vector.broadcast %broadcast_in_dim3A : f32 to vector<16xf32>
      %swap3A = arith.index_cast %scan3A_46 : i32 to index
      %swap3A_49 = arith.constant 0 : index
      %swap3A_50 = tpu.vector_load %arg6[%swap3A, %swap3A_49] {strides = array<i32>} : memref<128x16xf32, #tpu.memory_space<vmem>>, vector<1x16xf32>,
      %swap3A_51 = vector.shape_cast %swap3A_50 : vector<1x16xf32> to vector<16xf32>
      %swap3A_52 = vector.shape_cast %broadcast_in_dim3A_48 : vector<16xf32> to vector<1x16xf32>
      tpu.vector_store %arg6[%swap3A, %swap3A_49], %swap3A_52 {strides = array<i32>} : memref<128x16xf32, #tpu.memory_space<vmem>>, vector<1x16xf32>,
      %scan3A_53 = arith.constant 0 : i32
      scf.yield %scan3A_53 : i32
    }
    %scan3A_6 = arith.constant 128 : i32
    %scan3A_7 = arith.constant 0 : i32
    %scan3A_8 = arith.constant 0 : i32
    %scan3A_9 = arith.constant 128 : i32
    %scan3A_10 = arith.addi %scan3A_8, %scan3A_9 : i32
    %scan3A_11 = arith.constant 1 : i32
    %scan3A_12 = scf.for %scan3A_46 = %scan3A_8 to %scan3A_10 step %scan3A_11 iter_args(%scan3A_47 = %scan3A_7) -> (i32)  : i32 {
      %broadcast_in_dim3A = arith.constant 0.000000e+00 : f32
      %broadcast_in_dim3A_48 = vector.broadcast %broadcast_in_dim3A : f32 to vector<16xf32>
      %swap3A = arith.index_cast %scan3A_46 : i32 to index
      %swap3A_49 = arith.constant 0 : index
      %swap3A_50 = tpu.vector_load %arg7[%swap3A, %swap3A_49] {strides = array<i32>} : memref<128x16xf32, #tpu.memory_space<vmem>>, vector<1x16xf32>,
      %swap3A_51 = vector.shape_cast %swap3A_50 : vector<1x16xf32> to vector<16xf32>
      %swap3A_52 = vector.shape_cast %broadcast_in_dim3A_48 : vector<16xf32> to vector<1x16xf32>
      tpu.vector_store %arg7[%swap3A, %swap3A_49], %swap3A_52 {strides = array<i32>} : memref<128x16xf32, #tpu.memory_space<vmem>>, vector<1x16xf32>,
      %scan3A_53 = arith.constant 0 : i32
      scf.yield %scan3A_53 : i32
    }
    %scan3A_13 = arith.constant 128 : i32
    %mul3A_14 = arith.constant 640 : i32
    %mul3A_15 = arith.muli %arg1, %mul3A_14 : i32
    %add3A_16 = arith.constant 0 : i32
    %add3A_17 = arith.addi %mul3A_15, %add3A_16 : i32
    "tpu.region"() ({
      %run_scoped3A = tpu.sem_alloc : memref<!tpu.dma_semaphore, #tpu.memory_space<semaphore_mem>>
      %dma_start3A = arith.constant 0 : i32
      %dma_start3A_46 = tpu.memref_slice %arg4[%add3A_17, %dma_start3A] : memref<10240x16xf32, #tpu.memory_space<vmem_shared>> -> memref<128x16xf32, #tpu.memory_space<vmem_shared>>
      %dma_start3A_47 = arith.constant 0 : i32
      %dma_start3A_48 = tpu.memref_slice %arg4[%add3A_17, %dma_start3A_47] : memref<10240x16xf32, #tpu.memory_space<vmem_shared>> -> memref<128x16xf32, #tpu.memory_space<vmem_shared>>
      tpu.enqueue_dma source(%arg7 : memref<128x16xf32, #tpu.memory_space<vmem>>) target(%dma_start3A_48 : memref<128x16xf32, #tpu.memory_space<vmem_shared>>) target_semaphore(%run_scoped3A : memref<!tpu.dma_semaphore, #tpu.memory_space<semaphore_mem>>)
      %dma_wait3A = arith.constant 0 : i32
      %dma_wait3A_49 = tpu.memref_slice %arg4[%add3A_17, %dma_wait3A] : memref<10240x16xf32, #tpu.memory_space<vmem_shared>> -> memref<128x16xf32, #tpu.memory_space<vmem_shared>>
      %dma_wait3A_50 = arith.constant 0 : i32
      %dma_wait3A_51 = tpu.memref_slice %arg4[%add3A_17, %dma_wait3A_50] : memref<10240x16xf32, #tpu.memory_space<vmem_shared>> -> memref<128x16xf32, #tpu.memory_space<vmem_shared>>
      tpu.wait_dma2 semaphore(%run_scoped3A : memref<!tpu.dma_semaphore, #tpu.memory_space<semaphore_mem>>) src(%arg7 : memref<128x16xf32, #tpu.memory_space<vmem>>) dst(%dma_wait3A_51 : memref<128x16xf32, #tpu.memory_space<vmem_shared>>)
      tpu.yield
    }) : () -> ()
    %mul3A_18 = arith.constant 640 : i32
    %mul3A_19 = arith.muli %arg1, %mul3A_18 : i32
    %add3A_20 = arith.constant 128 : i32
    %add3A_21 = arith.addi %mul3A_19, %add3A_20 : i32
    "tpu.region"() ({
      %run_scoped3A = tpu.sem_alloc : memref<!tpu.dma_semaphore, #tpu.memory_space<semaphore_mem>>
      %dma_start3A = arith.constant 0 : i32
      %dma_start3A_46 = tpu.memref_slice %arg4[%add3A_21, %dma_start3A] : memref<10240x16xf32, #tpu.memory_space<vmem_shared>> -> memref<128x16xf32, #tpu.memory_space<vmem_shared>>
      %dma_start3A_47 = arith.constant 0 : i32
      %dma_start3A_48 = tpu.memref_slice %arg4[%add3A_21, %dma_start3A_47] : memref<10240x16xf32, #tpu.memory_space<vmem_shared>> -> memref<128x16xf32, #tpu.memory_space<vmem_shared>>
      tpu.enqueue_dma source(%arg7 : memref<128x16xf32, #tpu.memory_space<vmem>>) target(%dma_start3A_48 : memref<128x16xf32, #tpu.memory_space<vmem_shared>>) target_semaphore(%run_scoped3A : memref<!tpu.dma_semaphore, #tpu.memory_space<semaphore_mem>>)
      %dma_wait3A = arith.constant 0 : i32
      %dma_wait3A_49 = tpu.memref_slice %arg4[%add3A_21, %dma_wait3A] : memref<10240x16xf32, #tpu.memory_space<vmem_shared>> -> memref<128x16xf32, #tpu.memory_space<vmem_shared>>
      %dma_wait3A_50 = arith.constant 0 : i32
      %dma_wait3A_51 = tpu.memref_slice %arg4[%add3A_21, %dma_wait3A_50] : memref<10240x16xf32, #tpu.memory_space<vmem_shared>> -> memref<128x16xf32, #tpu.memory_space<vmem_shared>>
      tpu.wait_dma2 semaphore(%run_scoped3A : memref<!tpu.dma_semaphore, #tpu.memory_space<semaphore_mem>>) src(%arg7 : memref<128x16xf32, #tpu.memory_space<vmem>>) dst(%dma_wait3A_51 : memref<128x16xf32, #tpu.memory_space<vmem_shared>>)
      tpu.yield
    }) : () -> ()
    %mul3A_22 = arith.constant 640 : i32
    %mul3A_23 = arith.muli %arg1, %mul3A_22 : i32
    %add3A_24 = arith.constant 256 : i32
    %add3A_25 = arith.addi %mul3A_23, %add3A_24 : i32
    "tpu.region"() ({
      %run_scoped3A = tpu.sem_alloc : memref<!tpu.dma_semaphore, #tpu.memory_space<semaphore_mem>>
      %dma_start3A = arith.constant 0 : i32
      %dma_start3A_46 = tpu.memref_slice %arg4[%add3A_25, %dma_start3A] : memref<10240x16xf32, #tpu.memory_space<vmem_shared>> -> memref<128x16xf32, #tpu.memory_space<vmem_shared>>
      %dma_start3A_47 = arith.constant 0 : i32
      %dma_start3A_48 = tpu.memref_slice %arg4[%add3A_25, %dma_start3A_47] : memref<10240x16xf32, #tpu.memory_space<vmem_shared>> -> memref<128x16xf32, #tpu.memory_space<vmem_shared>>
      tpu.enqueue_dma source(%arg7 : memref<128x16xf32, #tpu.memory_space<vmem>>) target(%dma_start3A_48 : memref<128x16xf32, #tpu.memory_space<vmem_shared>>) target_semaphore(%run_scoped3A : memref<!tpu.dma_semaphore, #tpu.memory_space<semaphore_mem>>)
      %dma_wait3A = arith.constant 0 : i32
      %dma_wait3A_49 = tpu.memref_slice %arg4[%add3A_25, %dma_wait3A] : memref<10240x16xf32, #tpu.memory_space<vmem_shared>> -> memref<128x16xf32, #tpu.memory_space<vmem_shared>>
      %dma_wait3A_50 = arith.constant 0 : i32
      %dma_wait3A_51 = tpu.memref_slice %arg4[%add3A_25, %dma_wait3A_50] : memref<10240x16xf32, #tpu.memory_space<vmem_shared>> -> memref<128x16xf32, #tpu.memory_space<vmem_shared>>
      tpu.wait_dma2 semaphore(%run_scoped3A : memref<!tpu.dma_semaphore, #tpu.memory_space<semaphore_mem>>) src(%arg7 : memref<128x16xf32, #tpu.memory_space<vmem>>) dst(%dma_wait3A_51 : memref<128x16xf32, #tpu.memory_space<vmem_shared>>)
      tpu.yield
    }) : () -> ()
    %mul3A_26 = arith.constant 640 : i32
    %mul3A_27 = arith.muli %arg1, %mul3A_26 : i32
    %add3A_28 = arith.constant 384 : i32
    %add3A_29 = arith.addi %mul3A_27, %add3A_28 : i32
    "tpu.region"() ({
      %run_scoped3A = tpu.sem_alloc : memref<!tpu.dma_semaphore, #tpu.memory_space<semaphore_mem>>
      %dma_start3A = arith.constant 0 : i32
      %dma_start3A_46 = tpu.memref_slice %arg4[%add3A_29, %dma_start3A] : memref<10240x16xf32, #tpu.memory_space<vmem_shared>> -> memref<128x16xf32, #tpu.memory_space<vmem_shared>>
      %dma_start3A_47 = arith.constant 0 : i32
      %dma_start3A_48 = tpu.memref_slice %arg4[%add3A_29, %dma_start3A_47] : memref<10240x16xf32, #tpu.memory_space<vmem_shared>> -> memref<128x16xf32, #tpu.memory_space<vmem_shared>>
      tpu.enqueue_dma source(%arg7 : memref<128x16xf32, #tpu.memory_space<vmem>>) target(%dma_start3A_48 : memref<128x16xf32, #tpu.memory_space<vmem_shared>>) target_semaphore(%run_scoped3A : memref<!tpu.dma_semaphore, #tpu.memory_space<semaphore_mem>>)
      %dma_wait3A = arith.constant 0 : i32
      %dma_wait3A_49 = tpu.memref_slice %arg4[%add3A_29, %dma_wait3A] : memref<10240x16xf32, #tpu.memory_space<vmem_shared>> -> memref<128x16xf32, #tpu.memory_space<vmem_shared>>
      %dma_wait3A_50 = arith.constant 0 : i32
      %dma_wait3A_51 = tpu.memref_slice %arg4[%add3A_29, %dma_wait3A_50] : memref<10240x16xf32, #tpu.memory_space<vmem_shared>> -> memref<128x16xf32, #tpu.memory_space<vmem_shared>>
      tpu.wait_dma2 semaphore(%run_scoped3A : memref<!tpu.dma_semaphore, #tpu.memory_space<semaphore_mem>>) src(%arg7 : memref<128x16xf32, #tpu.memory_space<vmem>>) dst(%dma_wait3A_51 : memref<128x16xf32, #tpu.memory_space<vmem_shared>>)
      tpu.yield
    }) : () -> ()
    %mul3A_30 = arith.constant 640 : i32
    %mul3A_31 = arith.muli %arg1, %mul3A_30 : i32
    %add3A_32 = arith.constant 512 : i32
    %add3A_33 = arith.addi %mul3A_31, %add3A_32 : i32
    "tpu.region"() ({
      %run_scoped3A = tpu.sem_alloc : memref<!tpu.dma_semaphore, #tpu.memory_space<semaphore_mem>>
      %dma_start3A = arith.constant 0 : i32
      %dma_start3A_46 = tpu.memref_slice %arg4[%add3A_33, %dma_start3A] : memref<10240x16xf32, #tpu.memory_space<vmem_shared>> -> memref<128x16xf32, #tpu.memory_space<vmem_shared>>
      %dma_start3A_47 = arith.constant 0 : i32
      %dma_start3A_48 = tpu.memref_slice %arg4[%add3A_33, %dma_start3A_47] : memref<10240x16xf32, #tpu.memory_space<vmem_shared>> -> memref<128x16xf32, #tpu.memory_space<vmem_shared>>
      tpu.enqueue_dma source(%arg7 : memref<128x16xf32, #tpu.memory_space<vmem>>) target(%dma_start3A_48 : memref<128x16xf32, #tpu.memory_space<vmem_shared>>) target_semaphore(%run_scoped3A : memref<!tpu.dma_semaphore, #tpu.memory_space<semaphore_mem>>)
      %dma_wait3A = arith.constant 0 : i32
      %dma_wait3A_49 = tpu.memref_slice %arg4[%add3A_33, %dma_wait3A] : memref<10240x16xf32, #tpu.memory_space<vmem_shared>> -> memref<128x16xf32, #tpu.memory_space<vmem_shared>>
      %dma_wait3A_50 = arith.constant 0 : i32
      %dma_wait3A_51 = tpu.memref_slice %arg4[%add3A_33, %dma_wait3A_50] : memref<10240x16xf32, #tpu.memory_space<vmem_shared>> -> memref<128x16xf32, #tpu.memory_space<vmem_shared>>
      tpu.wait_dma2 semaphore(%run_scoped3A : memref<!tpu.dma_semaphore, #tpu.memory_space<semaphore_mem>>) src(%arg7 : memref<128x16xf32, #tpu.memory_space<vmem>>) dst(%dma_wait3A_51 : memref<128x16xf32, #tpu.memory_space<vmem_shared>>)
      tpu.yield
    }) : () -> ()
    %barrier3A = arith.constant 0 : index
    tpu.barrier barrier_id(%barrier3A)
    "tpu.region"() ({
      %run_scoped3A = tpu.sem_alloc : memref<!tpu.dma_semaphore, #tpu.memory_space<semaphore_mem>>
      %dma_start3A = arith.constant 0 : i32
      %dma_start3A_46 = arith.constant 0 : i32
      %dma_start3A_47 = arith.constant 0 : i32
      %dma_start3A_48 = tpu.memref_slice %arg2[%add3A, %dma_start3A, %dma_start3A_46, %dma_start3A_47] : memref<32x80x2x128xi32, #tpu.memory_space<hbm>> -> memref<1x80x2x128xi32, #tpu.memory_space<hbm>>
      %dma_start3A_49 = tpu.memref_squeeze %dma_start3A_48 : memref<1x80x2x128xi32, #tpu.memory_space<hbm>> -> memref<80x2x128xi32, #tpu.memory_space<hbm>>
      %dma_start3A_50 = arith.constant 0 : i32
      %dma_start3A_51 = arith.constant 0 : i32
      %dma_start3A_52 = arith.constant 0 : i32
      %dma_start3A_53 = tpu.memref_slice %arg2[%add3A, %dma_start3A_50, %dma_start3A_51, %dma_start3A_52] : memref<32x80x2x128xi32, #tpu.memory_space<hbm>> -> memref<1x80x2x128xi32, #tpu.memory_space<hbm>>
      %dma_start3A_54 = tpu.memref_squeeze %dma_start3A_53 : memref<1x80x2x128xi32, #tpu.memory_space<hbm>> -> memref<80x2x128xi32, #tpu.memory_space<hbm>>
      tpu.enqueue_dma source(%dma_start3A_54 : memref<80x2x128xi32, #tpu.memory_space<hbm>>) target(%arg5 : memref<80x2x128xi32, #tpu.memory_space<vmem>>) target_semaphore(%run_scoped3A : memref<!tpu.dma_semaphore, #tpu.memory_space<semaphore_mem>>)
      %dma_wait3A = arith.constant 0 : i32
      %dma_wait3A_55 = arith.constant 0 : i32
      %dma_wait3A_56 = arith.constant 0 : i32
      %dma_wait3A_57 = tpu.memref_slice %arg2[%add3A, %dma_wait3A, %dma_wait3A_55, %dma_wait3A_56] : memref<32x80x2x128xi32, #tpu.memory_space<hbm>> -> memref<1x80x2x128xi32, #tpu.memory_space<hbm>>
      %dma_wait3A_58 = tpu.memref_squeeze %dma_wait3A_57 : memref<1x80x2x128xi32, #tpu.memory_space<hbm>> -> memref<80x2x128xi32, #tpu.memory_space<hbm>>
      %dma_wait3A_59 = arith.constant 0 : i32
      %dma_wait3A_60 = arith.constant 0 : i32
      %dma_wait3A_61 = arith.constant 0 : i32
      %dma_wait3A_62 = tpu.memref_slice %arg2[%add3A, %dma_wait3A_59, %dma_wait3A_60, %dma_wait3A_61] : memref<32x80x2x128xi32, #tpu.memory_space<hbm>> -> memref<1x80x2x128xi32, #tpu.memory_space<hbm>>
      %dma_wait3A_63 = tpu.memref_squeeze %dma_wait3A_62 : memref<1x80x2x128xi32, #tpu.memory_space<hbm>> -> memref<80x2x128xi32, #tpu.memory_space<hbm>>
      tpu.wait_dma2 semaphore(%run_scoped3A : memref<!tpu.dma_semaphore, #tpu.memory_space<semaphore_mem>>) src(%dma_wait3A_63 : memref<80x2x128xi32, #tpu.memory_space<hbm>>) dst(%arg5 : memref<80x2x128xi32, #tpu.memory_space<vmem>>)
      tpu.yield
    }) : () -> ()
    %scan3A_34 = arith.constant 0 : i32
    %scan3A_35 = arith.constant 0 : i32
    %scan3A_36 = arith.constant 79 : i32
    %scan3A_37 = arith.addi %scan3A_35, %scan3A_36 : i32
    %scan3A_38 = arith.constant 1 : i32
    %scan3A_39 = scf.for %scan3A_46 = %scan3A_35 to %scan3A_37 step %scan3A_38 iter_args(%scan3A_47 = %scan3A_34) -> (i32)  : i32 {
      %run_scoped3A = arith.constant 1 : i32
      "tpu.region"() ({
        %run_scoped3A_49 = tpu.sem_alloc : memref<!tpu.dma_semaphore, #tpu.memory_space<semaphore_mem>>
        %dma_start3A = arith.constant 0 : i32
        %dma_start3A_50 = tpu.memref_slice %arg5[%scan3A_46, %run_scoped3A, %dma_start3A] : memref<80x2x128xi32, #tpu.memory_space<vmem>> -> memref<1x1x128xi32, #tpu.memory_space<vmem>>
        %dma_start3A_51 = tpu.memref_squeeze %dma_start3A_50 : memref<1x1x128xi32, #tpu.memory_space<vmem>> -> memref<128xi32, #tpu.memory_space<vmem>>
        %dma_start3A_52 = arith.constant 0 : i32
        %dma_start3A_53 = arith.constant 0 : i32
        %dma_start3A_54 = tpu.memref_slice %arg4[%dma_start3A_52, %dma_start3A_53] : memref<10240x16xf32, #tpu.memory_space<vmem_shared>> -> memref<10240x16xf32, #tpu.memory_space<vmem_shared>>
        tpu.enqueue_indirect_dma source(%arg6 : memref<128x16xf32, #tpu.memory_space<vmem>>) target(%dma_start3A_54 : memref<10240x16xf32, #tpu.memory_space<vmem_shared>>) offsets(%dma_start3A_51 : memref<128xi32, #tpu.memory_space<vmem>>) semaphore(%run_scoped3A_49 : memref<!tpu.dma_semaphore, #tpu.memory_space<semaphore_mem>>) {add = true}
        %dma_wait3A = arith.constant 0 : i32
        %dma_wait3A_55 = tpu.memref_slice %arg5[%scan3A_46, %run_scoped3A, %dma_wait3A] : memref<80x2x128xi32, #tpu.memory_space<vmem>> -> memref<1x1x128xi32, #tpu.memory_space<vmem>>
        %dma_wait3A_56 = tpu.memref_squeeze %dma_wait3A_55 : memref<1x1x128xi32, #tpu.memory_space<vmem>> -> memref<128xi32, #tpu.memory_space<vmem>>
        %dma_wait3A_57 = arith.constant 0 : i32
        %dma_wait3A_58 = arith.constant 0 : i32
        %dma_wait3A_59 = tpu.memref_slice %arg4[%dma_wait3A_57, %dma_wait3A_58] : memref<10240x16xf32, #tpu.memory_space<vmem_shared>> -> memref<10240x16xf32, #tpu.memory_space<vmem_shared>>
        tpu.wait_indirect_dma semaphore(%run_scoped3A_49 : memref<!tpu.dma_semaphore, #tpu.memory_space<semaphore_mem>>) src(%arg6 : memref<128x16xf32, #tpu.memory_space<vmem>>) dst(%dma_wait3A_59 : memref<10240x16xf32, #tpu.memory_space<vmem_shared>>)
        tpu.yield
      }) : () -> ()
      %scan3A_48 = arith.constant 0 : i32
      scf.yield %scan3A_48 : i32
    }
    %scan3A_40 = arith.constant 79 : i32
    %barrier3A_41 = arith.constant 0 : index
    tpu.barrier barrier_id(%barrier3A_41)
    %mul3A_42 = arith.constant 640 : i32
    %mul3A_43 = arith.muli %arg1, %mul3A_42 : i32
    %mul3A_44 = arith.constant 640 : i32
    %mul3A_45 = arith.muli %arg1, %mul3A_44 : i32
    "tpu.region"() ({
      %run_scoped3A = tpu.sem_alloc : memref<!tpu.dma_semaphore, #tpu.memory_space<semaphore_mem>>
      %dma_start3A = arith.constant 0 : i32
      %dma_start3A_46 = tpu.memref_slice %arg3[%arg0, %mul3A_45, %dma_start3A] : memref<2x10240x16xf32, #tpu.memory_space<hbm>> -> memref<1x640x16xf32, #tpu.memory_space<hbm>>
      %dma_start3A_47 = tpu.memref_squeeze %dma_start3A_46 : memref<1x640x16xf32, #tpu.memory_space<hbm>> -> memref<640x16xf32, #tpu.memory_space<hbm>>
      %dma_start3A_48 = arith.constant 0 : i32
      %dma_start3A_49 = tpu.memref_slice %arg4[%mul3A_43, %dma_start3A_48] : memref<10240x16xf32, #tpu.memory_space<vmem_shared>> -> memref<640x16xf32, #tpu.memory_space<vmem_shared>>
      tpu.enqueue_dma source(%dma_start3A_49 : memref<640x16xf32, #tpu.memory_space<vmem_shared>>) target(%dma_start3A_47 : memref<640x16xf32, #tpu.memory_space<hbm>>) target_semaphore(%run_scoped3A : memref<!tpu.dma_semaphore, #tpu.memory_space<semaphore_mem>>)
      %dma_wait3A = arith.constant 0 : i32
      %dma_wait3A_50 = tpu.memref_slice %arg3[%arg0, %mul3A_45, %dma_wait3A] : memref<2x10240x16xf32, #tpu.memory_space<hbm>> -> memref<1x640x16xf32, #tpu.memory_space<hbm>>
      %dma_wait3A_51 = tpu.memref_squeeze %dma_wait3A_50 : memref<1x640x16xf32, #tpu.memory_space<hbm>> -> memref<640x16xf32, #tpu.memory_space<hbm>>
      %dma_wait3A_52 = arith.constant 0 : i32
      %dma_wait3A_53 = tpu.memref_slice %arg4[%mul3A_43, %dma_wait3A_52] : memref<10240x16xf32, #tpu.memory_space<vmem_shared>> -> memref<640x16xf32, #tpu.memory_space<vmem_shared>>
      tpu.wait_dma2 semaphore(%run_scoped3A : memref<!tpu.dma_semaphore, #tpu.memory_space<semaphore_mem>>) src(%dma_wait3A_53 : memref<640x16xf32, #tpu.memory_space<vmem_shared>>) dst(%dma_wait3A_51 : memref<640x16xf32, #tpu.memory_space<hbm>>)
      tpu.yield
    }) : () -> ()
    return
  }
}

#map = affine_map<(d0, d1) -> (0, 0, 0)>
#map1 = affine_map<(d0, d1) -> (0, 0, 0, 0)>
module attributes {stable_mosaic.version = 14 : i64} {
  func.func @agg_kernel(%arg0: i32, %arg1: i32, %arg2: memref<2x10240x64xf32, #tpu.memory_space<hbm>>, %arg3: memref<32x80x2x128xi32, #tpu.memory_space<hbm>>, %arg4: memref<2x10240x64xf32, #tpu.memory_space<hbm>>, %arg5: memref<10240x64xf32, #tpu.memory_space<vmem_shared>>, %arg6: memref<10240x64xf32, #tpu.memory_space<vmem_shared>>, %arg7: memref<2x2x128xi32, #tpu.memory_space<vmem>>, %arg8: memref<2x128xi32, #tpu.memory_space<vmem>>, %arg9: memref<2x128x64xf32, #tpu.memory_space<vmem>>, %arg10: memref<!tpu.dma_semaphore, #tpu.memory_space<semaphore_mem>>, %arg11: memref<!tpu.dma_semaphore, #tpu.memory_space<semaphore_mem>>, %arg12: memref<!tpu.dma_semaphore, #tpu.memory_space<semaphore_mem>>, %arg13: memref<!tpu.dma_semaphore, #tpu.memory_space<semaphore_mem>>) attributes {dimension_semantics = [#tpu.dimension_semantics<core_parallel>, #tpu.dimension_semantics<subcore_parallel>], iteration_bounds = array<i64: 2, 16>, scalar_prefetch = 0 : i64, scratch_operands = 9 : i64, tpu.core_type = #tpu.core_type<sc_vector_subcore>, window_params = [{transform_indices = #map}, {transform_indices = #map1}, {transform_indices = #map}]} {
    %mul3A = arith.constant 640 : i32
    %mul3A_0 = arith.muli %arg1, %mul3A : i32
    %mul3A_1 = arith.constant 640 : i32
    %mul3A_2 = arith.muli %arg1, %mul3A_1 : i32
    "tpu.region"() ({
      %run_scoped3A_268 = tpu.sem_alloc : memref<!tpu.dma_semaphore, #tpu.memory_space<semaphore_mem>>
      %dma_start3A_269 = arith.constant 0 : i32
      %dma_start3A_270 = tpu.memref_slice %arg6[%mul3A_2, %dma_start3A_269] : memref<10240x64xf32, #tpu.memory_space<vmem_shared>> -> memref<640x64xf32, #tpu.memory_space<vmem_shared>>
      %dma_start3A_271 = arith.constant 0 : i32
      %dma_start3A_272 = tpu.memref_slice %arg2[%arg0, %mul3A_0, %dma_start3A_271] : memref<2x10240x64xf32, #tpu.memory_space<hbm>> -> memref<1x640x64xf32, #tpu.memory_space<hbm>>
      %dma_start3A_273 = tpu.memref_squeeze %dma_start3A_272 : memref<1x640x64xf32, #tpu.memory_space<hbm>> -> memref<640x64xf32, #tpu.memory_space<hbm>>
      tpu.enqueue_dma source(%dma_start3A_273 : memref<640x64xf32, #tpu.memory_space<hbm>>) target(%dma_start3A_270 : memref<640x64xf32, #tpu.memory_space<vmem_shared>>) target_semaphore(%run_scoped3A_268 : memref<!tpu.dma_semaphore, #tpu.memory_space<semaphore_mem>>)
      %dma_wait3A_274 = arith.constant 0 : i32
      %dma_wait3A_275 = tpu.memref_slice %arg6[%mul3A_2, %dma_wait3A_274] : memref<10240x64xf32, #tpu.memory_space<vmem_shared>> -> memref<640x64xf32, #tpu.memory_space<vmem_shared>>
      %dma_wait3A_276 = arith.constant 0 : i32
      %dma_wait3A_277 = tpu.memref_slice %arg2[%arg0, %mul3A_0, %dma_wait3A_276] : memref<2x10240x64xf32, #tpu.memory_space<hbm>> -> memref<1x640x64xf32, #tpu.memory_space<hbm>>
      %dma_wait3A_278 = tpu.memref_squeeze %dma_wait3A_277 : memref<1x640x64xf32, #tpu.memory_space<hbm>> -> memref<640x64xf32, #tpu.memory_space<hbm>>
      tpu.wait_dma2 semaphore(%run_scoped3A_268 : memref<!tpu.dma_semaphore, #tpu.memory_space<semaphore_mem>>) src(%dma_wait3A_278 : memref<640x64xf32, #tpu.memory_space<hbm>>) dst(%dma_wait3A_275 : memref<640x64xf32, #tpu.memory_space<vmem_shared>>)
      tpu.yield
    }) : () -> ()
    %mul3A_3 = arith.constant 640 : i32
    %mul3A_4 = arith.muli %arg1, %mul3A_3 : i32
    %add3A = arith.constant 0 : i32
    %add3A_5 = arith.addi %mul3A_4, %add3A : i32
    "tpu.region"() ({
      %run_scoped3A_268 = tpu.sem_alloc : memref<!tpu.dma_semaphore, #tpu.memory_space<semaphore_mem>>
      %dma_start3A_269 = arith.constant 0 : i32
      %dma_start3A_270 = tpu.memref_slice %arg5[%add3A_5, %dma_start3A_269] : memref<10240x64xf32, #tpu.memory_space<vmem_shared>> -> memref<128x64xf32, #tpu.memory_space<vmem_shared>>
      %dma_start3A_271 = arith.constant 10112 : i32
      %dma_start3A_272 = arith.constant 0 : i32
      %dma_start3A_273 = tpu.memref_slice %arg2[%arg0, %dma_start3A_271, %dma_start3A_272] : memref<2x10240x64xf32, #tpu.memory_space<hbm>> -> memref<1x128x64xf32, #tpu.memory_space<hbm>>
      %dma_start3A_274 = tpu.memref_squeeze %dma_start3A_273 : memref<1x128x64xf32, #tpu.memory_space<hbm>> -> memref<128x64xf32, #tpu.memory_space<hbm>>
      tpu.enqueue_dma source(%dma_start3A_274 : memref<128x64xf32, #tpu.memory_space<hbm>>) target(%dma_start3A_270 : memref<128x64xf32, #tpu.memory_space<vmem_shared>>) target_semaphore(%run_scoped3A_268 : memref<!tpu.dma_semaphore, #tpu.memory_space<semaphore_mem>>)
      %dma_wait3A_275 = arith.constant 0 : i32
      %dma_wait3A_276 = tpu.memref_slice %arg5[%add3A_5, %dma_wait3A_275] : memref<10240x64xf32, #tpu.memory_space<vmem_shared>> -> memref<128x64xf32, #tpu.memory_space<vmem_shared>>
      %dma_wait3A_277 = arith.constant 10112 : i32
      %dma_wait3A_278 = arith.constant 0 : i32
      %dma_wait3A_279 = tpu.memref_slice %arg2[%arg0, %dma_wait3A_277, %dma_wait3A_278] : memref<2x10240x64xf32, #tpu.memory_space<hbm>> -> memref<1x128x64xf32, #tpu.memory_space<hbm>>
      %dma_wait3A_280 = tpu.memref_squeeze %dma_wait3A_279 : memref<1x128x64xf32, #tpu.memory_space<hbm>> -> memref<128x64xf32, #tpu.memory_space<hbm>>
      tpu.wait_dma2 semaphore(%run_scoped3A_268 : memref<!tpu.dma_semaphore, #tpu.memory_space<semaphore_mem>>) src(%dma_wait3A_280 : memref<128x64xf32, #tpu.memory_space<hbm>>) dst(%dma_wait3A_276 : memref<128x64xf32, #tpu.memory_space<vmem_shared>>)
      tpu.yield
    }) : () -> ()
    %mul3A_6 = arith.constant 640 : i32
    %mul3A_7 = arith.muli %arg1, %mul3A_6 : i32
    %add3A_8 = arith.constant 128 : i32
    %add3A_9 = arith.addi %mul3A_7, %add3A_8 : i32
    "tpu.region"() ({
      %run_scoped3A_268 = tpu.sem_alloc : memref<!tpu.dma_semaphore, #tpu.memory_space<semaphore_mem>>
      %dma_start3A_269 = arith.constant 0 : i32
      %dma_start3A_270 = tpu.memref_slice %arg5[%add3A_9, %dma_start3A_269] : memref<10240x64xf32, #tpu.memory_space<vmem_shared>> -> memref<128x64xf32, #tpu.memory_space<vmem_shared>>
      %dma_start3A_271 = arith.constant 10112 : i32
      %dma_start3A_272 = arith.constant 0 : i32
      %dma_start3A_273 = tpu.memref_slice %arg2[%arg0, %dma_start3A_271, %dma_start3A_272] : memref<2x10240x64xf32, #tpu.memory_space<hbm>> -> memref<1x128x64xf32, #tpu.memory_space<hbm>>
      %dma_start3A_274 = tpu.memref_squeeze %dma_start3A_273 : memref<1x128x64xf32, #tpu.memory_space<hbm>> -> memref<128x64xf32, #tpu.memory_space<hbm>>
      tpu.enqueue_dma source(%dma_start3A_274 : memref<128x64xf32, #tpu.memory_space<hbm>>) target(%dma_start3A_270 : memref<128x64xf32, #tpu.memory_space<vmem_shared>>) target_semaphore(%run_scoped3A_268 : memref<!tpu.dma_semaphore, #tpu.memory_space<semaphore_mem>>)
      %dma_wait3A_275 = arith.constant 0 : i32
      %dma_wait3A_276 = tpu.memref_slice %arg5[%add3A_9, %dma_wait3A_275] : memref<10240x64xf32, #tpu.memory_space<vmem_shared>> -> memref<128x64xf32, #tpu.memory_space<vmem_shared>>
      %dma_wait3A_277 = arith.constant 10112 : i32
      %dma_wait3A_278 = arith.constant 0 : i32
      %dma_wait3A_279 = tpu.memref_slice %arg2[%arg0, %dma_wait3A_277, %dma_wait3A_278] : memref<2x10240x64xf32, #tpu.memory_space<hbm>> -> memref<1x128x64xf32, #tpu.memory_space<hbm>>
      %dma_wait3A_280 = tpu.memref_squeeze %dma_wait3A_279 : memref<1x128x64xf32, #tpu.memory_space<hbm>> -> memref<128x64xf32, #tpu.memory_space<hbm>>
      tpu.wait_dma2 semaphore(%run_scoped3A_268 : memref<!tpu.dma_semaphore, #tpu.memory_space<semaphore_mem>>) src(%dma_wait3A_280 : memref<128x64xf32, #tpu.memory_space<hbm>>) dst(%dma_wait3A_276 : memref<128x64xf32, #tpu.memory_space<vmem_shared>>)
      tpu.yield
    }) : () -> ()
    %mul3A_10 = arith.constant 640 : i32
    %mul3A_11 = arith.muli %arg1, %mul3A_10 : i32
    %add3A_12 = arith.constant 256 : i32
    %add3A_13 = arith.addi %mul3A_11, %add3A_12 : i32
    "tpu.region"() ({
      %run_scoped3A_268 = tpu.sem_alloc : memref<!tpu.dma_semaphore, #tpu.memory_space<semaphore_mem>>
      %dma_start3A_269 = arith.constant 0 : i32
      %dma_start3A_270 = tpu.memref_slice %arg5[%add3A_13, %dma_start3A_269] : memref<10240x64xf32, #tpu.memory_space<vmem_shared>> -> memref<128x64xf32, #tpu.memory_space<vmem_shared>>
      %dma_start3A_271 = arith.constant 10112 : i32
      %dma_start3A_272 = arith.constant 0 : i32
      %dma_start3A_273 = tpu.memref_slice %arg2[%arg0, %dma_start3A_271, %dma_start3A_272] : memref<2x10240x64xf32, #tpu.memory_space<hbm>> -> memref<1x128x64xf32, #tpu.memory_space<hbm>>
      %dma_start3A_274 = tpu.memref_squeeze %dma_start3A_273 : memref<1x128x64xf32, #tpu.memory_space<hbm>> -> memref<128x64xf32, #tpu.memory_space<hbm>>
      tpu.enqueue_dma source(%dma_start3A_274 : memref<128x64xf32, #tpu.memory_space<hbm>>) target(%dma_start3A_270 : memref<128x64xf32, #tpu.memory_space<vmem_shared>>) target_semaphore(%run_scoped3A_268 : memref<!tpu.dma_semaphore, #tpu.memory_space<semaphore_mem>>)
      %dma_wait3A_275 = arith.constant 0 : i32
      %dma_wait3A_276 = tpu.memref_slice %arg5[%add3A_13, %dma_wait3A_275] : memref<10240x64xf32, #tpu.memory_space<vmem_shared>> -> memref<128x64xf32, #tpu.memory_space<vmem_shared>>
      %dma_wait3A_277 = arith.constant 10112 : i32
      %dma_wait3A_278 = arith.constant 0 : i32
      %dma_wait3A_279 = tpu.memref_slice %arg2[%arg0, %dma_wait3A_277, %dma_wait3A_278] : memref<2x10240x64xf32, #tpu.memory_space<hbm>> -> memref<1x128x64xf32, #tpu.memory_space<hbm>>
      %dma_wait3A_280 = tpu.memref_squeeze %dma_wait3A_279 : memref<1x128x64xf32, #tpu.memory_space<hbm>> -> memref<128x64xf32, #tpu.memory_space<hbm>>
      tpu.wait_dma2 semaphore(%run_scoped3A_268 : memref<!tpu.dma_semaphore, #tpu.memory_space<semaphore_mem>>) src(%dma_wait3A_280 : memref<128x64xf32, #tpu.memory_space<hbm>>) dst(%dma_wait3A_276 : memref<128x64xf32, #tpu.memory_space<vmem_shared>>)
      tpu.yield
    }) : () -> ()
    %mul3A_14 = arith.constant 640 : i32
    %mul3A_15 = arith.muli %arg1, %mul3A_14 : i32
    %add3A_16 = arith.constant 384 : i32
    %add3A_17 = arith.addi %mul3A_15, %add3A_16 : i32
    "tpu.region"() ({
      %run_scoped3A_268 = tpu.sem_alloc : memref<!tpu.dma_semaphore, #tpu.memory_space<semaphore_mem>>
      %dma_start3A_269 = arith.constant 0 : i32
      %dma_start3A_270 = tpu.memref_slice %arg5[%add3A_17, %dma_start3A_269] : memref<10240x64xf32, #tpu.memory_space<vmem_shared>> -> memref<128x64xf32, #tpu.memory_space<vmem_shared>>
      %dma_start3A_271 = arith.constant 10112 : i32
      %dma_start3A_272 = arith.constant 0 : i32
      %dma_start3A_273 = tpu.memref_slice %arg2[%arg0, %dma_start3A_271, %dma_start3A_272] : memref<2x10240x64xf32, #tpu.memory_space<hbm>> -> memref<1x128x64xf32, #tpu.memory_space<hbm>>
      %dma_start3A_274 = tpu.memref_squeeze %dma_start3A_273 : memref<1x128x64xf32, #tpu.memory_space<hbm>> -> memref<128x64xf32, #tpu.memory_space<hbm>>
      tpu.enqueue_dma source(%dma_start3A_274 : memref<128x64xf32, #tpu.memory_space<hbm>>) target(%dma_start3A_270 : memref<128x64xf32, #tpu.memory_space<vmem_shared>>) target_semaphore(%run_scoped3A_268 : memref<!tpu.dma_semaphore, #tpu.memory_space<semaphore_mem>>)
      %dma_wait3A_275 = arith.constant 0 : i32
      %dma_wait3A_276 = tpu.memref_slice %arg5[%add3A_17, %dma_wait3A_275] : memref<10240x64xf32, #tpu.memory_space<vmem_shared>> -> memref<128x64xf32, #tpu.memory_space<vmem_shared>>
      %dma_wait3A_277 = arith.constant 10112 : i32
      %dma_wait3A_278 = arith.constant 0 : i32
      %dma_wait3A_279 = tpu.memref_slice %arg2[%arg0, %dma_wait3A_277, %dma_wait3A_278] : memref<2x10240x64xf32, #tpu.memory_space<hbm>> -> memref<1x128x64xf32, #tpu.memory_space<hbm>>
      %dma_wait3A_280 = tpu.memref_squeeze %dma_wait3A_279 : memref<1x128x64xf32, #tpu.memory_space<hbm>> -> memref<128x64xf32, #tpu.memory_space<hbm>>
      tpu.wait_dma2 semaphore(%run_scoped3A_268 : memref<!tpu.dma_semaphore, #tpu.memory_space<semaphore_mem>>) src(%dma_wait3A_280 : memref<128x64xf32, #tpu.memory_space<hbm>>) dst(%dma_wait3A_276 : memref<128x64xf32, #tpu.memory_space<vmem_shared>>)
      tpu.yield
    }) : () -> ()
    %mul3A_18 = arith.constant 640 : i32
    %mul3A_19 = arith.muli %arg1, %mul3A_18 : i32
    %add3A_20 = arith.constant 512 : i32
    %add3A_21 = arith.addi %mul3A_19, %add3A_20 : i32
    "tpu.region"() ({
      %run_scoped3A_268 = tpu.sem_alloc : memref<!tpu.dma_semaphore, #tpu.memory_space<semaphore_mem>>
      %dma_start3A_269 = arith.constant 0 : i32
      %dma_start3A_270 = tpu.memref_slice %arg5[%add3A_21, %dma_start3A_269] : memref<10240x64xf32, #tpu.memory_space<vmem_shared>> -> memref<128x64xf32, #tpu.memory_space<vmem_shared>>
      %dma_start3A_271 = arith.constant 10112 : i32
      %dma_start3A_272 = arith.constant 0 : i32
      %dma_start3A_273 = tpu.memref_slice %arg2[%arg0, %dma_start3A_271, %dma_start3A_272] : memref<2x10240x64xf32, #tpu.memory_space<hbm>> -> memref<1x128x64xf32, #tpu.memory_space<hbm>>
      %dma_start3A_274 = tpu.memref_squeeze %dma_start3A_273 : memref<1x128x64xf32, #tpu.memory_space<hbm>> -> memref<128x64xf32, #tpu.memory_space<hbm>>
      tpu.enqueue_dma source(%dma_start3A_274 : memref<128x64xf32, #tpu.memory_space<hbm>>) target(%dma_start3A_270 : memref<128x64xf32, #tpu.memory_space<vmem_shared>>) target_semaphore(%run_scoped3A_268 : memref<!tpu.dma_semaphore, #tpu.memory_space<semaphore_mem>>)
      %dma_wait3A_275 = arith.constant 0 : i32
      %dma_wait3A_276 = tpu.memref_slice %arg5[%add3A_21, %dma_wait3A_275] : memref<10240x64xf32, #tpu.memory_space<vmem_shared>> -> memref<128x64xf32, #tpu.memory_space<vmem_shared>>
      %dma_wait3A_277 = arith.constant 10112 : i32
      %dma_wait3A_278 = arith.constant 0 : i32
      %dma_wait3A_279 = tpu.memref_slice %arg2[%arg0, %dma_wait3A_277, %dma_wait3A_278] : memref<2x10240x64xf32, #tpu.memory_space<hbm>> -> memref<1x128x64xf32, #tpu.memory_space<hbm>>
      %dma_wait3A_280 = tpu.memref_squeeze %dma_wait3A_279 : memref<1x128x64xf32, #tpu.memory_space<hbm>> -> memref<128x64xf32, #tpu.memory_space<hbm>>
      tpu.wait_dma2 semaphore(%run_scoped3A_268 : memref<!tpu.dma_semaphore, #tpu.memory_space<semaphore_mem>>) src(%dma_wait3A_280 : memref<128x64xf32, #tpu.memory_space<hbm>>) dst(%dma_wait3A_276 : memref<128x64xf32, #tpu.memory_space<vmem_shared>>)
      tpu.yield
    }) : () -> ()
    %barrier3A = arith.constant 0 : index
    tpu.barrier barrier_id(%barrier3A)
    %mul3A_22 = arith.constant 2 : i32
    %mul3A_23 = arith.muli %mul3A_22, %arg1 : i32
    %mul3A_24 = arith.constant 2 : i32
    %mul3A_25 = arith.muli %mul3A_24, %arg1 : i32
    %add3A_26 = arith.constant 1 : i32
    %add3A_27 = arith.addi %mul3A_25, %add3A_26 : i32
    %mul3A_28 = arith.constant 2 : i32
    %mul3A_29 = arith.muli %mul3A_28, %arg1 : i32
    %jit3A = arith.constant false
    %select_n3A = arith.select %jit3A, %add3A_27, %mul3A_29 : i32
    %jit3A_30 = arith.constant false
    %select_n3A_31 = arith.select %jit3A_30, %mul3A_23, %select_n3A : i32
    %jit3A_32 = arith.constant false
    %jit3A_33 = arith.constant -79 : i32
    %jit3A_34 = arith.constant 0 : i32
    %select_n3A_35 = arith.select %jit3A_32, %jit3A_33, %jit3A_34 : i32
    %jit3A_36 = arith.constant false
    %jit3A_37 = arith.constant 79 : i32
    %select_n3A_38 = arith.select %jit3A_36, %jit3A_37, %select_n3A_35 : i32
    %dma_start3A = arith.constant 0 : i32
    %dma_start3A_39 = arith.constant 0 : i32
    %dma_start3A_40 = arith.constant 0 : i32
    %dma_start3A_41 = tpu.memref_slice %arg7[%dma_start3A, %dma_start3A_39, %dma_start3A_40] : memref<2x2x128xi32, #tpu.memory_space<vmem>> -> memref<1x2x128xi32, #tpu.memory_space<vmem>>
    %dma_start3A_42 = tpu.memref_squeeze %dma_start3A_41 : memref<1x2x128xi32, #tpu.memory_space<vmem>> -> memref<2x128xi32, #tpu.memory_space<vmem>>
    %dma_start3A_43 = arith.constant 0 : i32
    %dma_start3A_44 = arith.constant 0 : i32
    %dma_start3A_45 = tpu.memref_slice %arg3[%select_n3A_31, %select_n3A_38, %dma_start3A_43, %dma_start3A_44] : memref<32x80x2x128xi32, #tpu.memory_space<hbm>> -> memref<1x1x2x128xi32, #tpu.memory_space<hbm>>
    %dma_start3A_46 = tpu.memref_squeeze %dma_start3A_45 : memref<1x1x2x128xi32, #tpu.memory_space<hbm>> -> memref<2x128xi32, #tpu.memory_space<hbm>>
    %dma_start3A_47 = arith.constant 0 : i32
    %dma_start3A_48 = arith.constant 0 : i32
    %dma_start3A_49 = tpu.memref_slice %arg7[%dma_start3A, %dma_start3A_47, %dma_start3A_48] : memref<2x2x128xi32, #tpu.memory_space<vmem>> -> memref<1x2x128xi32, #tpu.memory_space<vmem>>
    %dma_start3A_50 = tpu.memref_squeeze %dma_start3A_49 : memref<1x2x128xi32, #tpu.memory_space<vmem>> -> memref<2x128xi32, #tpu.memory_space<vmem>>
    %dma_start3A_51 = arith.constant 0 : i32
    %dma_start3A_52 = arith.constant 0 : i32
    %dma_start3A_53 = tpu.memref_slice %arg3[%select_n3A_31, %select_n3A_38, %dma_start3A_51, %dma_start3A_52] : memref<32x80x2x128xi32, #tpu.memory_space<hbm>> -> memref<1x1x2x128xi32, #tpu.memory_space<hbm>>
    %dma_start3A_54 = tpu.memref_squeeze %dma_start3A_53 : memref<1x1x2x128xi32, #tpu.memory_space<hbm>> -> memref<2x128xi32, #tpu.memory_space<hbm>>
    tpu.enqueue_dma source(%dma_start3A_54 : memref<2x128xi32, #tpu.memory_space<hbm>>) target(%dma_start3A_50 : memref<2x128xi32, #tpu.memory_space<vmem>>) target_semaphore(%arg12 : memref<!tpu.dma_semaphore, #tpu.memory_space<semaphore_mem>>)
    %dma_wait3A = arith.constant 0 : i32
    %dma_wait3A_55 = arith.constant 0 : i32
    %dma_wait3A_56 = arith.constant 0 : i32
    %dma_wait3A_57 = arith.constant 0 : i32
    %dma_wait3A_58 = arith.constant 0 : i32
    %dma_wait3A_59 = tpu.memref_slice %arg7[%dma_wait3A_56, %dma_wait3A_57, %dma_wait3A_58] : memref<2x2x128xi32, #tpu.memory_space<vmem>> -> memref<1x2x128xi32, #tpu.memory_space<vmem>>
    %dma_wait3A_60 = tpu.memref_squeeze %dma_wait3A_59 : memref<1x2x128xi32, #tpu.memory_space<vmem>> -> memref<2x128xi32, #tpu.memory_space<vmem>>
    %dma_wait3A_61 = arith.constant 0 : i32
    %dma_wait3A_62 = arith.constant 0 : i32
    %dma_wait3A_63 = tpu.memref_slice %arg3[%dma_wait3A, %dma_wait3A_55, %dma_wait3A_61, %dma_wait3A_62] : memref<32x80x2x128xi32, #tpu.memory_space<hbm>> -> memref<1x1x2x128xi32, #tpu.memory_space<hbm>>
    %dma_wait3A_64 = tpu.memref_squeeze %dma_wait3A_63 : memref<1x1x2x128xi32, #tpu.memory_space<hbm>> -> memref<2x128xi32, #tpu.memory_space<hbm>>
    %dma_wait3A_65 = arith.constant 0 : i32
    %dma_wait3A_66 = arith.constant 0 : i32
    %dma_wait3A_67 = tpu.memref_slice %arg7[%dma_wait3A_56, %dma_wait3A_65, %dma_wait3A_66] : memref<2x2x128xi32, #tpu.memory_space<vmem>> -> memref<1x2x128xi32, #tpu.memory_space<vmem>>
    %dma_wait3A_68 = tpu.memref_squeeze %dma_wait3A_67 : memref<1x2x128xi32, #tpu.memory_space<vmem>> -> memref<2x128xi32, #tpu.memory_space<vmem>>
    %dma_wait3A_69 = arith.constant 0 : i32
    %dma_wait3A_70 = arith.constant 0 : i32
    %dma_wait3A_71 = tpu.memref_slice %arg3[%dma_wait3A, %dma_wait3A_55, %dma_wait3A_69, %dma_wait3A_70] : memref<32x80x2x128xi32, #tpu.memory_space<hbm>> -> memref<1x1x2x128xi32, #tpu.memory_space<hbm>>
    %dma_wait3A_72 = tpu.memref_squeeze %dma_wait3A_71 : memref<1x1x2x128xi32, #tpu.memory_space<hbm>> -> memref<2x128xi32, #tpu.memory_space<hbm>>
    tpu.wait_dma2 semaphore(%arg12 : memref<!tpu.dma_semaphore, #tpu.memory_space<semaphore_mem>>) src(%dma_wait3A_72 : memref<2x128xi32, #tpu.memory_space<hbm>>) dst(%dma_wait3A_68 : memref<2x128xi32, #tpu.memory_space<vmem>>)
    %dma_start3A_73 = arith.constant 0 : i32
    %dma_start3A_74 = arith.constant 0 : i32
    %dma_start3A_75 = arith.constant 0 : i32
    %dma_start3A_76 = arith.constant 0 : i32
    %dma_start3A_77 = arith.constant 0 : i32
    %dma_start3A_78 = tpu.memref_slice %arg9[%dma_start3A_75, %dma_start3A_76, %dma_start3A_77] : memref<2x128x64xf32, #tpu.memory_space<vmem>> -> memref<1x128x64xf32, #tpu.memory_space<vmem>>
    %dma_start3A_79 = tpu.memref_squeeze %dma_start3A_78 : memref<1x128x64xf32, #tpu.memory_space<vmem>> -> memref<128x64xf32, #tpu.memory_space<vmem>>
    %dma_start3A_80 = arith.constant 0 : i32
    %dma_start3A_81 = tpu.memref_slice %arg7[%dma_start3A_73, %dma_start3A_74, %dma_start3A_80] : memref<2x2x128xi32, #tpu.memory_space<vmem>> -> memref<1x1x128xi32, #tpu.memory_space<vmem>>
    %dma_start3A_82 = tpu.memref_squeeze %dma_start3A_81 : memref<1x1x128xi32, #tpu.memory_space<vmem>> -> memref<128xi32, #tpu.memory_space<vmem>>
    %dma_start3A_83 = arith.constant 0 : i32
    %dma_start3A_84 = arith.constant 0 : i32
    %dma_start3A_85 = tpu.memref_slice %arg6[%dma_start3A_83, %dma_start3A_84] : memref<10240x64xf32, #tpu.memory_space<vmem_shared>> -> memref<10240x64xf32, #tpu.memory_space<vmem_shared>>
    tpu.enqueue_indirect_dma source(%dma_start3A_85 : memref<10240x64xf32, #tpu.memory_space<vmem_shared>>) target(%dma_start3A_79 : memref<128x64xf32, #tpu.memory_space<vmem>>) offsets(%dma_start3A_82 : memref<128xi32, #tpu.memory_space<vmem>>) semaphore(%arg10 : memref<!tpu.dma_semaphore, #tpu.memory_space<semaphore_mem>>)
    %get3A = arith.constant 0 : i32
    %get3A_86 = arith.constant 1 : i32
    %get3A_87 = arith.index_cast %get3A : i32 to index
    %get3A_88 = arith.index_cast %get3A_86 : i32 to index
    %get3A_89 = arith.constant 0 : index
    %get3A_90 = tpu.vector_load %arg7[%get3A_87, %get3A_88, %get3A_89] {strides = array<i32>} : memref<2x2x128xi32, #tpu.memory_space<vmem>>, vector<1x1x16xi32>,
    %get3A_91 = vector.shape_cast %get3A_90 : vector<1x1x16xi32> to vector<16xi32>
    %swap3A = arith.constant 0 : i32
    %swap3A_92 = arith.index_cast %swap3A : i32 to index
    %swap3A_93 = arith.constant 0 : index
    %swap3A_94 = tpu.vector_load %arg8[%swap3A_92, %swap3A_93] {strides = array<i32>} : memref<2x128xi32, #tpu.memory_space<vmem>>, vector<1x16xi32>,
    %swap3A_95 = vector.shape_cast %swap3A_94 : vector<1x16xi32> to vector<16xi32>
    %swap3A_96 = vector.shape_cast %get3A_91 : vector<16xi32> to vector<1x16xi32>
    tpu.vector_store %arg8[%swap3A_92, %swap3A_93], %swap3A_96 {strides = array<i32>} : memref<2x128xi32, #tpu.memory_space<vmem>>, vector<1x16xi32>,
    %get3A_97 = arith.constant 0 : i32
    %get3A_98 = arith.constant 1 : i32
    %get3A_99 = arith.index_cast %get3A_97 : i32 to index
    %get3A_100 = arith.index_cast %get3A_98 : i32 to index
    %get3A_101 = arith.constant 16 : index
    %get3A_102 = tpu.vector_load %arg7[%get3A_99, %get3A_100, %get3A_101] {strides = array<i32>} : memref<2x2x128xi32, #tpu.memory_space<vmem>>, vector<1x1x16xi32>,
    %get3A_103 = vector.shape_cast %get3A_102 : vector<1x1x16xi32> to vector<16xi32>
    %swap3A_104 = arith.constant 0 : i32
    %swap3A_105 = arith.index_cast %swap3A_104 : i32 to index
    %swap3A_106 = arith.constant 16 : index
    %swap3A_107 = tpu.vector_load %arg8[%swap3A_105, %swap3A_106] {strides = array<i32>} : memref<2x128xi32, #tpu.memory_space<vmem>>, vector<1x16xi32>,
    %swap3A_108 = vector.shape_cast %swap3A_107 : vector<1x16xi32> to vector<16xi32>
    %swap3A_109 = vector.shape_cast %get3A_103 : vector<16xi32> to vector<1x16xi32>
    tpu.vector_store %arg8[%swap3A_105, %swap3A_106], %swap3A_109 {strides = array<i32>} : memref<2x128xi32, #tpu.memory_space<vmem>>, vector<1x16xi32>,
    %get3A_110 = arith.constant 0 : i32
    %get3A_111 = arith.constant 1 : i32
    %get3A_112 = arith.index_cast %get3A_110 : i32 to index
    %get3A_113 = arith.index_cast %get3A_111 : i32 to index
    %get3A_114 = arith.constant 32 : index
    %get3A_115 = tpu.vector_load %arg7[%get3A_112, %get3A_113, %get3A_114] {strides = array<i32>} : memref<2x2x128xi32, #tpu.memory_space<vmem>>, vector<1x1x16xi32>,
    %get3A_116 = vector.shape_cast %get3A_115 : vector<1x1x16xi32> to vector<16xi32>
    %swap3A_117 = arith.constant 0 : i32
    %swap3A_118 = arith.index_cast %swap3A_117 : i32 to index
    %swap3A_119 = arith.constant 32 : index
    %swap3A_120 = tpu.vector_load %arg8[%swap3A_118, %swap3A_119] {strides = array<i32>} : memref<2x128xi32, #tpu.memory_space<vmem>>, vector<1x16xi32>,
    %swap3A_121 = vector.shape_cast %swap3A_120 : vector<1x16xi32> to vector<16xi32>
    %swap3A_122 = vector.shape_cast %get3A_116 : vector<16xi32> to vector<1x16xi32>
    tpu.vector_store %arg8[%swap3A_118, %swap3A_119], %swap3A_122 {strides = array<i32>} : memref<2x128xi32, #tpu.memory_space<vmem>>, vector<1x16xi32>,
    %get3A_123 = arith.constant 0 : i32
    %get3A_124 = arith.constant 1 : i32
    %get3A_125 = arith.index_cast %get3A_123 : i32 to index
    %get3A_126 = arith.index_cast %get3A_124 : i32 to index
    %get3A_127 = arith.constant 48 : index
    %get3A_128 = tpu.vector_load %arg7[%get3A_125, %get3A_126, %get3A_127] {strides = array<i32>} : memref<2x2x128xi32, #tpu.memory_space<vmem>>, vector<1x1x16xi32>,
    %get3A_129 = vector.shape_cast %get3A_128 : vector<1x1x16xi32> to vector<16xi32>
    %swap3A_130 = arith.constant 0 : i32
    %swap3A_131 = arith.index_cast %swap3A_130 : i32 to index
    %swap3A_132 = arith.constant 48 : index
    %swap3A_133 = tpu.vector_load %arg8[%swap3A_131, %swap3A_132] {strides = array<i32>} : memref<2x128xi32, #tpu.memory_space<vmem>>, vector<1x16xi32>,
    %swap3A_134 = vector.shape_cast %swap3A_133 : vector<1x16xi32> to vector<16xi32>
    %swap3A_135 = vector.shape_cast %get3A_129 : vector<16xi32> to vector<1x16xi32>
    tpu.vector_store %arg8[%swap3A_131, %swap3A_132], %swap3A_135 {strides = array<i32>} : memref<2x128xi32, #tpu.memory_space<vmem>>, vector<1x16xi32>,
    %get3A_136 = arith.constant 0 : i32
    %get3A_137 = arith.constant 1 : i32
    %get3A_138 = arith.index_cast %get3A_136 : i32 to index
    %get3A_139 = arith.index_cast %get3A_137 : i32 to index
    %get3A_140 = arith.constant 64 : index
    %get3A_141 = tpu.vector_load %arg7[%get3A_138, %get3A_139, %get3A_140] {strides = array<i32>} : memref<2x2x128xi32, #tpu.memory_space<vmem>>, vector<1x1x16xi32>,
    %get3A_142 = vector.shape_cast %get3A_141 : vector<1x1x16xi32> to vector<16xi32>
    %swap3A_143 = arith.constant 0 : i32
    %swap3A_144 = arith.index_cast %swap3A_143 : i32 to index
    %swap3A_145 = arith.constant 64 : index
    %swap3A_146 = tpu.vector_load %arg8[%swap3A_144, %swap3A_145] {strides = array<i32>} : memref<2x128xi32, #tpu.memory_space<vmem>>, vector<1x16xi32>,
    %swap3A_147 = vector.shape_cast %swap3A_146 : vector<1x16xi32> to vector<16xi32>
    %swap3A_148 = vector.shape_cast %get3A_142 : vector<16xi32> to vector<1x16xi32>
    tpu.vector_store %arg8[%swap3A_144, %swap3A_145], %swap3A_148 {strides = array<i32>} : memref<2x128xi32, #tpu.memory_space<vmem>>, vector<1x16xi32>,
    %get3A_149 = arith.constant 0 : i32
    %get3A_150 = arith.constant 1 : i32
    %get3A_151 = arith.index_cast %get3A_149 : i32 to index
    %get3A_152 = arith.index_cast %get3A_150 : i32 to index
    %get3A_153 = arith.constant 80 : index
    %get3A_154 = tpu.vector_load %arg7[%get3A_151, %get3A_152, %get3A_153] {strides = array<i32>} : memref<2x2x128xi32, #tpu.memory_space<vmem>>, vector<1x1x16xi32>,
    %get3A_155 = vector.shape_cast %get3A_154 : vector<1x1x16xi32> to vector<16xi32>
    %swap3A_156 = arith.constant 0 : i32
    %swap3A_157 = arith.index_cast %swap3A_156 : i32 to index
    %swap3A_158 = arith.constant 80 : index
    %swap3A_159 = tpu.vector_load %arg8[%swap3A_157, %swap3A_158] {strides = array<i32>} : memref<2x128xi32, #tpu.memory_space<vmem>>, vector<1x16xi32>,
    %swap3A_160 = vector.shape_cast %swap3A_159 : vector<1x16xi32> to vector<16xi32>
    %swap3A_161 = vector.shape_cast %get3A_155 : vector<16xi32> to vector<1x16xi32>
    tpu.vector_store %arg8[%swap3A_157, %swap3A_158], %swap3A_161 {strides = array<i32>} : memref<2x128xi32, #tpu.memory_space<vmem>>, vector<1x16xi32>,
    %get3A_162 = arith.constant 0 : i32
    %get3A_163 = arith.constant 1 : i32
    %get3A_164 = arith.index_cast %get3A_162 : i32 to index
    %get3A_165 = arith.index_cast %get3A_163 : i32 to index
    %get3A_166 = arith.constant 96 : index
    %get3A_167 = tpu.vector_load %arg7[%get3A_164, %get3A_165, %get3A_166] {strides = array<i32>} : memref<2x2x128xi32, #tpu.memory_space<vmem>>, vector<1x1x16xi32>,
    %get3A_168 = vector.shape_cast %get3A_167 : vector<1x1x16xi32> to vector<16xi32>
    %swap3A_169 = arith.constant 0 : i32
    %swap3A_170 = arith.index_cast %swap3A_169 : i32 to index
    %swap3A_171 = arith.constant 96 : index
    %swap3A_172 = tpu.vector_load %arg8[%swap3A_170, %swap3A_171] {strides = array<i32>} : memref<2x128xi32, #tpu.memory_space<vmem>>, vector<1x16xi32>,
    %swap3A_173 = vector.shape_cast %swap3A_172 : vector<1x16xi32> to vector<16xi32>
    %swap3A_174 = vector.shape_cast %get3A_168 : vector<16xi32> to vector<1x16xi32>
    tpu.vector_store %arg8[%swap3A_170, %swap3A_171], %swap3A_174 {strides = array<i32>} : memref<2x128xi32, #tpu.memory_space<vmem>>, vector<1x16xi32>,
    %get3A_175 = arith.constant 0 : i32
    %get3A_176 = arith.constant 1 : i32
    %get3A_177 = arith.index_cast %get3A_175 : i32 to index
    %get3A_178 = arith.index_cast %get3A_176 : i32 to index
    %get3A_179 = arith.constant 112 : index
    %get3A_180 = tpu.vector_load %arg7[%get3A_177, %get3A_178, %get3A_179] {strides = array<i32>} : memref<2x2x128xi32, #tpu.memory_space<vmem>>, vector<1x1x16xi32>,
    %get3A_181 = vector.shape_cast %get3A_180 : vector<1x1x16xi32> to vector<16xi32>
    %swap3A_182 = arith.constant 0 : i32
    %swap3A_183 = arith.index_cast %swap3A_182 : i32 to index
    %swap3A_184 = arith.constant 112 : index
    %swap3A_185 = tpu.vector_load %arg8[%swap3A_183, %swap3A_184] {strides = array<i32>} : memref<2x128xi32, #tpu.memory_space<vmem>>, vector<1x16xi32>,
    %swap3A_186 = vector.shape_cast %swap3A_185 : vector<1x16xi32> to vector<16xi32>
    %swap3A_187 = vector.shape_cast %get3A_181 : vector<16xi32> to vector<1x16xi32>
    tpu.vector_store %arg8[%swap3A_183, %swap3A_184], %swap3A_187 {strides = array<i32>} : memref<2x128xi32, #tpu.memory_space<vmem>>, vector<1x16xi32>,
    %mul3A_188 = arith.constant 2 : i32
    %mul3A_189 = arith.muli %mul3A_188, %arg1 : i32
    %mul3A_190 = arith.constant 2 : i32
    %mul3A_191 = arith.muli %mul3A_190, %arg1 : i32
    %add3A_192 = arith.constant 1 : i32
    %add3A_193 = arith.addi %mul3A_191, %add3A_192 : i32
    %mul3A_194 = arith.constant 2 : i32
    %mul3A_195 = arith.muli %mul3A_194, %arg1 : i32
    %jit3A_196 = arith.constant false
    %select_n3A_197 = arith.select %jit3A_196, %add3A_193, %mul3A_195 : i32
    %jit3A_198 = arith.constant false
    %select_n3A_199 = arith.select %jit3A_198, %mul3A_189, %select_n3A_197 : i32
    %jit3A_200 = arith.constant false
    %jit3A_201 = arith.constant -78 : i32
    %jit3A_202 = arith.constant 1 : i32
    %select_n3A_203 = arith.select %jit3A_200, %jit3A_201, %jit3A_202 : i32
    %jit3A_204 = arith.constant false
    %jit3A_205 = arith.constant 79 : i32
    %select_n3A_206 = arith.select %jit3A_204, %jit3A_205, %select_n3A_203 : i32
    %dma_start3A_207 = arith.constant 1 : i32
    %dma_start3A_208 = arith.constant 0 : i32
    %dma_start3A_209 = arith.constant 0 : i32
    %dma_start3A_210 = tpu.memref_slice %arg7[%dma_start3A_207, %dma_start3A_208, %dma_start3A_209] : memref<2x2x128xi32, #tpu.memory_space<vmem>> -> memref<1x2x128xi32, #tpu.memory_space<vmem>>
    %dma_start3A_211 = tpu.memref_squeeze %dma_start3A_210 : memref<1x2x128xi32, #tpu.memory_space<vmem>> -> memref<2x128xi32, #tpu.memory_space<vmem>>
    %dma_start3A_212 = arith.constant 0 : i32
    %dma_start3A_213 = arith.constant 0 : i32
    %dma_start3A_214 = tpu.memref_slice %arg3[%select_n3A_199, %select_n3A_206, %dma_start3A_212, %dma_start3A_213] : memref<32x80x2x128xi32, #tpu.memory_space<hbm>> -> memref<1x1x2x128xi32, #tpu.memory_space<hbm>>
    %dma_start3A_215 = tpu.memref_squeeze %dma_start3A_214 : memref<1x1x2x128xi32, #tpu.memory_space<hbm>> -> memref<2x128xi32, #tpu.memory_space<hbm>>
    %dma_start3A_216 = arith.constant 0 : i32
    %dma_start3A_217 = arith.constant 0 : i32
    %dma_start3A_218 = tpu.memref_slice %arg7[%dma_start3A_207, %dma_start3A_216, %dma_start3A_217] : memref<2x2x128xi32, #tpu.memory_space<vmem>> -> memref<1x2x128xi32, #tpu.memory_space<vmem>>
    %dma_start3A_219 = tpu.memref_squeeze %dma_start3A_218 : memref<1x2x128xi32, #tpu.memory_space<vmem>> -> memref<2x128xi32, #tpu.memory_space<vmem>>
    %dma_start3A_220 = arith.constant 0 : i32
    %dma_start3A_221 = arith.constant 0 : i32
    %dma_start3A_222 = tpu.memref_slice %arg3[%select_n3A_199, %select_n3A_206, %dma_start3A_220, %dma_start3A_221] : memref<32x80x2x128xi32, #tpu.memory_space<hbm>> -> memref<1x1x2x128xi32, #tpu.memory_space<hbm>>
    %dma_start3A_223 = tpu.memref_squeeze %dma_start3A_222 : memref<1x1x2x128xi32, #tpu.memory_space<hbm>> -> memref<2x128xi32, #tpu.memory_space<hbm>>
    tpu.enqueue_dma source(%dma_start3A_223 : memref<2x128xi32, #tpu.memory_space<hbm>>) target(%dma_start3A_219 : memref<2x128xi32, #tpu.memory_space<vmem>>) target_semaphore(%arg13 : memref<!tpu.dma_semaphore, #tpu.memory_space<semaphore_mem>>)
    %scan3A = arith.constant 0 : i32
    %scan3A_224 = arith.constant 0 : i32
    %scan3A_225 = arith.constant 79 : i32
    %scan3A_226 = arith.addi %scan3A_224, %scan3A_225 : i32
    %scan3A_227 = arith.constant 1 : i32
    %scan3A_228 = scf.for %scan3A_268 = %scan3A_224 to %scan3A_226 step %scan3A_227 iter_args(%scan3A_269 = %scan3A) -> (i32)  : i32 {
      %mul3A_270 = arith.constant 2 : i32
      %mul3A_271 = arith.muli %mul3A_270, %scan3A_268 : i32
      %dma_wait3A_272 = arith.constant 0 : i32
      %dma_wait3A_273 = arith.constant 0 : i32
      %dma_wait3A_274 = arith.constant 1 : i32
      %dma_wait3A_275 = arith.constant 0 : i32
      %dma_wait3A_276 = arith.constant 0 : i32
      %dma_wait3A_277 = tpu.memref_slice %arg7[%dma_wait3A_274, %dma_wait3A_275, %dma_wait3A_276] : memref<2x2x128xi32, #tpu.memory_space<vmem>> -> memref<1x2x128xi32, #tpu.memory_space<vmem>>
      %dma_wait3A_278 = tpu.memref_squeeze %dma_wait3A_277 : memref<1x2x128xi32, #tpu.memory_space<vmem>> -> memref<2x128xi32, #tpu.memory_space<vmem>>
      %dma_wait3A_279 = arith.constant 0 : i32
      %dma_wait3A_280 = arith.constant 0 : i32
      %dma_wait3A_281 = tpu.memref_slice %arg3[%dma_wait3A_272, %dma_wait3A_273, %dma_wait3A_279, %dma_wait3A_280] : memref<32x80x2x128xi32, #tpu.memory_space<hbm>> -> memref<1x1x2x128xi32, #tpu.memory_space<hbm>>
      %dma_wait3A_282 = tpu.memref_squeeze %dma_wait3A_281 : memref<1x1x2x128xi32, #tpu.memory_space<hbm>> -> memref<2x128xi32, #tpu.memory_space<hbm>>
      %dma_wait3A_283 = arith.constant 0 : i32
      %dma_wait3A_284 = arith.constant 0 : i32
      %dma_wait3A_285 = tpu.memref_slice %arg7[%dma_wait3A_274, %dma_wait3A_283, %dma_wait3A_284] : memref<2x2x128xi32, #tpu.memory_space<vmem>> -> memref<1x2x128xi32, #tpu.memory_space<vmem>>
      %dma_wait3A_286 = tpu.memref_squeeze %dma_wait3A_285 : memref<1x2x128xi32, #tpu.memory_space<vmem>> -> memref<2x128xi32, #tpu.memory_space<vmem>>
      %dma_wait3A_287 = arith.constant 0 : i32
      %dma_wait3A_288 = arith.constant 0 : i32
      %dma_wait3A_289 = tpu.memref_slice %arg3[%dma_wait3A_272, %dma_wait3A_273, %dma_wait3A_287, %dma_wait3A_288] : memref<32x80x2x128xi32, #tpu.memory_space<hbm>> -> memref<1x1x2x128xi32, #tpu.memory_space<hbm>>
      %dma_wait3A_290 = tpu.memref_squeeze %dma_wait3A_289 : memref<1x1x2x128xi32, #tpu.memory_space<hbm>> -> memref<2x128xi32, #tpu.memory_space<hbm>>
      tpu.wait_dma2 semaphore(%arg13 : memref<!tpu.dma_semaphore, #tpu.memory_space<semaphore_mem>>) src(%dma_wait3A_290 : memref<2x128xi32, #tpu.memory_space<hbm>>) dst(%dma_wait3A_286 : memref<2x128xi32, #tpu.memory_space<vmem>>)
      %dma_start3A_291 = arith.constant 1 : i32
      %dma_start3A_292 = arith.constant 0 : i32
      %dma_start3A_293 = arith.constant 1 : i32
      %dma_start3A_294 = arith.constant 0 : i32
      %dma_start3A_295 = arith.constant 0 : i32
      %dma_start3A_296 = tpu.memref_slice %arg9[%dma_start3A_293, %dma_start3A_294, %dma_start3A_295] : memref<2x128x64xf32, #tpu.memory_space<vmem>> -> memref<1x128x64xf32, #tpu.memory_space<vmem>>
      %dma_start3A_297 = tpu.memref_squeeze %dma_start3A_296 : memref<1x128x64xf32, #tpu.memory_space<vmem>> -> memref<128x64xf32, #tpu.memory_space<vmem>>
      %dma_start3A_298 = arith.constant 0 : i32
      %dma_start3A_299 = tpu.memref_slice %arg7[%dma_start3A_291, %dma_start3A_292, %dma_start3A_298] : memref<2x2x128xi32, #tpu.memory_space<vmem>> -> memref<1x1x128xi32, #tpu.memory_space<vmem>>
      %dma_start3A_300 = tpu.memref_squeeze %dma_start3A_299 : memref<1x1x128xi32, #tpu.memory_space<vmem>> -> memref<128xi32, #tpu.memory_space<vmem>>
      %dma_start3A_301 = arith.constant 0 : i32
      %dma_start3A_302 = arith.constant 0 : i32
      %dma_start3A_303 = tpu.memref_slice %arg6[%dma_start3A_301, %dma_start3A_302] : memref<10240x64xf32, #tpu.memory_space<vmem_shared>> -> memref<10240x64xf32, #tpu.memory_space<vmem_shared>>
      tpu.enqueue_indirect_dma source(%dma_start3A_303 : memref<10240x64xf32, #tpu.memory_space<vmem_shared>>) target(%dma_start3A_297 : memref<128x64xf32, #tpu.memory_space<vmem>>) offsets(%dma_start3A_300 : memref<128xi32, #tpu.memory_space<vmem>>) semaphore(%arg11 : memref<!tpu.dma_semaphore, #tpu.memory_space<semaphore_mem>>)
      %get3A_304 = arith.constant 1 : i32
      %get3A_305 = arith.constant 1 : i32
      %get3A_306 = arith.index_cast %get3A_304 : i32 to index
      %get3A_307 = arith.index_cast %get3A_305 : i32 to index
      %get3A_308 = arith.constant 0 : index
      %get3A_309 = tpu.vector_load %arg7[%get3A_306, %get3A_307, %get3A_308] {strides = array<i32>} : memref<2x2x128xi32, #tpu.memory_space<vmem>>, vector<1x1x16xi32>,
      %get3A_310 = vector.shape_cast %get3A_309 : vector<1x1x16xi32> to vector<16xi32>
      %swap3A_311 = arith.constant 1 : i32
      %swap3A_312 = arith.index_cast %swap3A_311 : i32 to index
      %swap3A_313 = arith.constant 0 : index
      %swap3A_314 = tpu.vector_load %arg8[%swap3A_312, %swap3A_313] {strides = array<i32>} : memref<2x128xi32, #tpu.memory_space<vmem>>, vector<1x16xi32>,
      %swap3A_315 = vector.shape_cast %swap3A_314 : vector<1x16xi32> to vector<16xi32>
      %swap3A_316 = vector.shape_cast %get3A_310 : vector<16xi32> to vector<1x16xi32>
      tpu.vector_store %arg8[%swap3A_312, %swap3A_313], %swap3A_316 {strides = array<i32>} : memref<2x128xi32, #tpu.memory_space<vmem>>, vector<1x16xi32>,
      %get3A_317 = arith.constant 1 : i32
      %get3A_318 = arith.constant 1 : i32
      %get3A_319 = arith.index_cast %get3A_317 : i32 to index
      %get3A_320 = arith.index_cast %get3A_318 : i32 to index
      %get3A_321 = arith.constant 16 : index
      %get3A_322 = tpu.vector_load %arg7[%get3A_319, %get3A_320, %get3A_321] {strides = array<i32>} : memref<2x2x128xi32, #tpu.memory_space<vmem>>, vector<1x1x16xi32>,
      %get3A_323 = vector.shape_cast %get3A_322 : vector<1x1x16xi32> to vector<16xi32>
      %swap3A_324 = arith.constant 1 : i32
      %swap3A_325 = arith.index_cast %swap3A_324 : i32 to index
      %swap3A_326 = arith.constant 16 : index
      %swap3A_327 = tpu.vector_load %arg8[%swap3A_325, %swap3A_326] {strides = array<i32>} : memref<2x128xi32, #tpu.memory_space<vmem>>, vector<1x16xi32>,
      %swap3A_328 = vector.shape_cast %swap3A_327 : vector<1x16xi32> to vector<16xi32>
      %swap3A_329 = vector.shape_cast %get3A_323 : vector<16xi32> to vector<1x16xi32>
      tpu.vector_store %arg8[%swap3A_325, %swap3A_326], %swap3A_329 {strides = array<i32>} : memref<2x128xi32, #tpu.memory_space<vmem>>, vector<1x16xi32>,
      %get3A_330 = arith.constant 1 : i32
      %get3A_331 = arith.constant 1 : i32
      %get3A_332 = arith.index_cast %get3A_330 : i32 to index
      %get3A_333 = arith.index_cast %get3A_331 : i32 to index
      %get3A_334 = arith.constant 32 : index
      %get3A_335 = tpu.vector_load %arg7[%get3A_332, %get3A_333, %get3A_334] {strides = array<i32>} : memref<2x2x128xi32, #tpu.memory_space<vmem>>, vector<1x1x16xi32>,
      %get3A_336 = vector.shape_cast %get3A_335 : vector<1x1x16xi32> to vector<16xi32>
      %swap3A_337 = arith.constant 1 : i32
      %swap3A_338 = arith.index_cast %swap3A_337 : i32 to index
      %swap3A_339 = arith.constant 32 : index
      %swap3A_340 = tpu.vector_load %arg8[%swap3A_338, %swap3A_339] {strides = array<i32>} : memref<2x128xi32, #tpu.memory_space<vmem>>, vector<1x16xi32>,
      %swap3A_341 = vector.shape_cast %swap3A_340 : vector<1x16xi32> to vector<16xi32>
      %swap3A_342 = vector.shape_cast %get3A_336 : vector<16xi32> to vector<1x16xi32>
      tpu.vector_store %arg8[%swap3A_338, %swap3A_339], %swap3A_342 {strides = array<i32>} : memref<2x128xi32, #tpu.memory_space<vmem>>, vector<1x16xi32>,
      %get3A_343 = arith.constant 1 : i32
      %get3A_344 = arith.constant 1 : i32
      %get3A_345 = arith.index_cast %get3A_343 : i32 to index
      %get3A_346 = arith.index_cast %get3A_344 : i32 to index
      %get3A_347 = arith.constant 48 : index
      %get3A_348 = tpu.vector_load %arg7[%get3A_345, %get3A_346, %get3A_347] {strides = array<i32>} : memref<2x2x128xi32, #tpu.memory_space<vmem>>, vector<1x1x16xi32>,
      %get3A_349 = vector.shape_cast %get3A_348 : vector<1x1x16xi32> to vector<16xi32>
      %swap3A_350 = arith.constant 1 : i32
      %swap3A_351 = arith.index_cast %swap3A_350 : i32 to index
      %swap3A_352 = arith.constant 48 : index
      %swap3A_353 = tpu.vector_load %arg8[%swap3A_351, %swap3A_352] {strides = array<i32>} : memref<2x128xi32, #tpu.memory_space<vmem>>, vector<1x16xi32>,
      %swap3A_354 = vector.shape_cast %swap3A_353 : vector<1x16xi32> to vector<16xi32>
      %swap3A_355 = vector.shape_cast %get3A_349 : vector<16xi32> to vector<1x16xi32>
      tpu.vector_store %arg8[%swap3A_351, %swap3A_352], %swap3A_355 {strides = array<i32>} : memref<2x128xi32, #tpu.memory_space<vmem>>, vector<1x16xi32>,
      %get3A_356 = arith.constant 1 : i32
      %get3A_357 = arith.constant 1 : i32
      %get3A_358 = arith.index_cast %get3A_356 : i32 to index
      %get3A_359 = arith.index_cast %get3A_357 : i32 to index
      %get3A_360 = arith.constant 64 : index
      %get3A_361 = tpu.vector_load %arg7[%get3A_358, %get3A_359, %get3A_360] {strides = array<i32>} : memref<2x2x128xi32, #tpu.memory_space<vmem>>, vector<1x1x16xi32>,
      %get3A_362 = vector.shape_cast %get3A_361 : vector<1x1x16xi32> to vector<16xi32>
      %swap3A_363 = arith.constant 1 : i32
      %swap3A_364 = arith.index_cast %swap3A_363 : i32 to index
      %swap3A_365 = arith.constant 64 : index
      %swap3A_366 = tpu.vector_load %arg8[%swap3A_364, %swap3A_365] {strides = array<i32>} : memref<2x128xi32, #tpu.memory_space<vmem>>, vector<1x16xi32>,
      %swap3A_367 = vector.shape_cast %swap3A_366 : vector<1x16xi32> to vector<16xi32>
      %swap3A_368 = vector.shape_cast %get3A_362 : vector<16xi32> to vector<1x16xi32>
      tpu.vector_store %arg8[%swap3A_364, %swap3A_365], %swap3A_368 {strides = array<i32>} : memref<2x128xi32, #tpu.memory_space<vmem>>, vector<1x16xi32>,
      %get3A_369 = arith.constant 1 : i32
      %get3A_370 = arith.constant 1 : i32
      %get3A_371 = arith.index_cast %get3A_369 : i32 to index
      %get3A_372 = arith.index_cast %get3A_370 : i32 to index
      %get3A_373 = arith.constant 80 : index
      %get3A_374 = tpu.vector_load %arg7[%get3A_371, %get3A_372, %get3A_373] {strides = array<i32>} : memref<2x2x128xi32, #tpu.memory_space<vmem>>, vector<1x1x16xi32>,
      %get3A_375 = vector.shape_cast %get3A_374 : vector<1x1x16xi32> to vector<16xi32>
      %swap3A_376 = arith.constant 1 : i32
      %swap3A_377 = arith.index_cast %swap3A_376 : i32 to index
      %swap3A_378 = arith.constant 80 : index
      %swap3A_379 = tpu.vector_load %arg8[%swap3A_377, %swap3A_378] {strides = array<i32>} : memref<2x128xi32, #tpu.memory_space<vmem>>, vector<1x16xi32>,
      %swap3A_380 = vector.shape_cast %swap3A_379 : vector<1x16xi32> to vector<16xi32>
      %swap3A_381 = vector.shape_cast %get3A_375 : vector<16xi32> to vector<1x16xi32>
      tpu.vector_store %arg8[%swap3A_377, %swap3A_378], %swap3A_381 {strides = array<i32>} : memref<2x128xi32, #tpu.memory_space<vmem>>, vector<1x16xi32>,
      %get3A_382 = arith.constant 1 : i32
      %get3A_383 = arith.constant 1 : i32
      %get3A_384 = arith.index_cast %get3A_382 : i32 to index
      %get3A_385 = arith.index_cast %get3A_383 : i32 to index
      %get3A_386 = arith.constant 96 : index
      %get3A_387 = tpu.vector_load %arg7[%get3A_384, %get3A_385, %get3A_386] {strides = array<i32>} : memref<2x2x128xi32, #tpu.memory_space<vmem>>, vector<1x1x16xi32>,
      %get3A_388 = vector.shape_cast %get3A_387 : vector<1x1x16xi32> to vector<16xi32>
      %swap3A_389 = arith.constant 1 : i32
      %swap3A_390 = arith.index_cast %swap3A_389 : i32 to index
      %swap3A_391 = arith.constant 96 : index
      %swap3A_392 = tpu.vector_load %arg8[%swap3A_390, %swap3A_391] {strides = array<i32>} : memref<2x128xi32, #tpu.memory_space<vmem>>, vector<1x16xi32>,
      %swap3A_393 = vector.shape_cast %swap3A_392 : vector<1x16xi32> to vector<16xi32>
      %swap3A_394 = vector.shape_cast %get3A_388 : vector<16xi32> to vector<1x16xi32>
      tpu.vector_store %arg8[%swap3A_390, %swap3A_391], %swap3A_394 {strides = array<i32>} : memref<2x128xi32, #tpu.memory_space<vmem>>, vector<1x16xi32>,
      %get3A_395 = arith.constant 1 : i32
      %get3A_396 = arith.constant 1 : i32
      %get3A_397 = arith.index_cast %get3A_395 : i32 to index
      %get3A_398 = arith.index_cast %get3A_396 : i32 to index
      %get3A_399 = arith.constant 112 : index
      %get3A_400 = tpu.vector_load %arg7[%get3A_397, %get3A_398, %get3A_399] {strides = array<i32>} : memref<2x2x128xi32, #tpu.memory_space<vmem>>, vector<1x1x16xi32>,
      %get3A_401 = vector.shape_cast %get3A_400 : vector<1x1x16xi32> to vector<16xi32>
      %swap3A_402 = arith.constant 1 : i32
      %swap3A_403 = arith.index_cast %swap3A_402 : i32 to index
      %swap3A_404 = arith.constant 112 : index
      %swap3A_405 = tpu.vector_load %arg8[%swap3A_403, %swap3A_404] {strides = array<i32>} : memref<2x128xi32, #tpu.memory_space<vmem>>, vector<1x16xi32>,
      %swap3A_406 = vector.shape_cast %swap3A_405 : vector<1x16xi32> to vector<16xi32>
      %swap3A_407 = vector.shape_cast %get3A_401 : vector<16xi32> to vector<1x16xi32>
      tpu.vector_store %arg8[%swap3A_403, %swap3A_404], %swap3A_407 {strides = array<i32>} : memref<2x128xi32, #tpu.memory_space<vmem>>, vector<1x16xi32>,
      %dma_wait3A_408 = arith.constant 0 : i32
      %dma_wait3A_409 = arith.constant 0 : i32
      %dma_wait3A_410 = arith.constant 0 : i32
      %dma_wait3A_411 = arith.constant 0 : i32
      %dma_wait3A_412 = arith.constant 0 : i32
      %dma_wait3A_413 = tpu.memref_slice %arg9[%dma_wait3A_410, %dma_wait3A_411, %dma_wait3A_412] : memref<2x128x64xf32, #tpu.memory_space<vmem>> -> memref<1x128x64xf32, #tpu.memory_space<vmem>>
      %dma_wait3A_414 = tpu.memref_squeeze %dma_wait3A_413 : memref<1x128x64xf32, #tpu.memory_space<vmem>> -> memref<128x64xf32, #tpu.memory_space<vmem>>
      %dma_wait3A_415 = arith.constant 0 : i32
      %dma_wait3A_416 = tpu.memref_slice %arg7[%dma_wait3A_408, %dma_wait3A_409, %dma_wait3A_415] : memref<2x2x128xi32, #tpu.memory_space<vmem>> -> memref<1x1x128xi32, #tpu.memory_space<vmem>>
      %dma_wait3A_417 = tpu.memref_squeeze %dma_wait3A_416 : memref<1x1x128xi32, #tpu.memory_space<vmem>> -> memref<128xi32, #tpu.memory_space<vmem>>
      %dma_wait3A_418 = arith.constant 0 : i32
      %dma_wait3A_419 = arith.constant 0 : i32
      %dma_wait3A_420 = tpu.memref_slice %arg6[%dma_wait3A_418, %dma_wait3A_419] : memref<10240x64xf32, #tpu.memory_space<vmem_shared>> -> memref<10240x64xf32, #tpu.memory_space<vmem_shared>>
      tpu.wait_indirect_dma semaphore(%arg10 : memref<!tpu.dma_semaphore, #tpu.memory_space<semaphore_mem>>) src(%dma_wait3A_420 : memref<10240x64xf32, #tpu.memory_space<vmem_shared>>) dst(%dma_wait3A_414 : memref<128x64xf32, #tpu.memory_space<vmem>>)
      %add3A_421 = arith.constant 2 : i32
      %add3A_422 = arith.addi %mul3A_271, %add3A_421 : i32
      %ge3A = arith.constant 79 : i32
      %ge3A_423 = arith.cmpi sge, %add3A_422, %ge3A : i32
      %ge3A_424 = arith.constant 158 : i32
      %ge3A_425 = arith.cmpi sge, %add3A_422, %ge3A_424 : i32
      %mul3A_426 = arith.constant 2 : i32
      %mul3A_427 = arith.muli %mul3A_426, %arg1 : i32
      %mul3A_428 = arith.constant 2 : i32
      %mul3A_429 = arith.muli %mul3A_428, %arg1 : i32
      %add3A_430 = arith.constant 1 : i32
      %add3A_431 = arith.addi %mul3A_429, %add3A_430 : i32
      %mul3A_432 = arith.constant 2 : i32
      %mul3A_433 = arith.muli %mul3A_432, %arg1 : i32
      %select_n3A_434 = arith.select %ge3A_423, %add3A_431, %mul3A_433 : i32
      %select_n3A_435 = arith.select %ge3A_425, %mul3A_427, %select_n3A_434 : i32
      %sub3A = arith.constant 79 : i32
      %sub3A_436 = arith.subi %add3A_422, %sub3A : i32
      %select_n3A_437 = arith.select %ge3A_423, %sub3A_436, %add3A_422 : i32
      %jit3A_438 = arith.constant 79 : i32
      %select_n3A_439 = arith.select %ge3A_425, %jit3A_438, %select_n3A_437 : i32
      %dma_start3A_440 = arith.constant 0 : i32
      %dma_start3A_441 = arith.constant 0 : i32
      %dma_start3A_442 = arith.constant 0 : i32
      %dma_start3A_443 = tpu.memref_slice %arg7[%dma_start3A_440, %dma_start3A_441, %dma_start3A_442] : memref<2x2x128xi32, #tpu.memory_space<vmem>> -> memref<1x2x128xi32, #tpu.memory_space<vmem>>
      %dma_start3A_444 = tpu.memref_squeeze %dma_start3A_443 : memref<1x2x128xi32, #tpu.memory_space<vmem>> -> memref<2x128xi32, #tpu.memory_space<vmem>>
      %dma_start3A_445 = arith.constant 0 : i32
      %dma_start3A_446 = arith.constant 0 : i32
      %dma_start3A_447 = tpu.memref_slice %arg3[%select_n3A_435, %select_n3A_439, %dma_start3A_445, %dma_start3A_446] : memref<32x80x2x128xi32, #tpu.memory_space<hbm>> -> memref<1x1x2x128xi32, #tpu.memory_space<hbm>>
      %dma_start3A_448 = tpu.memref_squeeze %dma_start3A_447 : memref<1x1x2x128xi32, #tpu.memory_space<hbm>> -> memref<2x128xi32, #tpu.memory_space<hbm>>
      %dma_start3A_449 = arith.constant 0 : i32
      %dma_start3A_450 = arith.constant 0 : i32
      %dma_start3A_451 = tpu.memref_slice %arg7[%dma_start3A_440, %dma_start3A_449, %dma_start3A_450] : memref<2x2x128xi32, #tpu.memory_space<vmem>> -> memref<1x2x128xi32, #tpu.memory_space<vmem>>
      %dma_start3A_452 = tpu.memref_squeeze %dma_start3A_451 : memref<1x2x128xi32, #tpu.memory_space<vmem>> -> memref<2x128xi32, #tpu.memory_space<vmem>>
      %dma_start3A_453 = arith.constant 0 : i32
      %dma_start3A_454 = arith.constant 0 : i32
      %dma_start3A_455 = tpu.memref_slice %arg3[%select_n3A_435, %select_n3A_439, %dma_start3A_453, %dma_start3A_454] : memref<32x80x2x128xi32, #tpu.memory_space<hbm>> -> memref<1x1x2x128xi32, #tpu.memory_space<hbm>>
      %dma_start3A_456 = tpu.memref_squeeze %dma_start3A_455 : memref<1x1x2x128xi32, #tpu.memory_space<hbm>> -> memref<2x128xi32, #tpu.memory_space<hbm>>
      tpu.enqueue_dma source(%dma_start3A_456 : memref<2x128xi32, #tpu.memory_space<hbm>>) target(%dma_start3A_452 : memref<2x128xi32, #tpu.memory_space<vmem>>) target_semaphore(%arg12 : memref<!tpu.dma_semaphore, #tpu.memory_space<semaphore_mem>>)
      %run_scoped3A_457 = arith.constant 0 : i32
      %run_scoped3A_458 = arith.constant 0 : i32
      "tpu.region"() ({
        %run_scoped3A_649 = tpu.sem_alloc : memref<!tpu.dma_semaphore, #tpu.memory_space<semaphore_mem>>
        %dma_start3A_650 = arith.constant 0 : i32
        %dma_start3A_651 = arith.constant 0 : i32
        %dma_start3A_652 = tpu.memref_slice %arg9[%run_scoped3A_457, %dma_start3A_650, %dma_start3A_651] : memref<2x128x64xf32, #tpu.memory_space<vmem>> -> memref<1x128x64xf32, #tpu.memory_space<vmem>>
        %dma_start3A_653 = tpu.memref_squeeze %dma_start3A_652 : memref<1x128x64xf32, #tpu.memory_space<vmem>> -> memref<128x64xf32, #tpu.memory_space<vmem>>
        %dma_start3A_654 = arith.constant 0 : i32
        %dma_start3A_655 = tpu.memref_slice %arg8[%run_scoped3A_458, %dma_start3A_654] : memref<2x128xi32, #tpu.memory_space<vmem>> -> memref<1x128xi32, #tpu.memory_space<vmem>>
        %dma_start3A_656 = tpu.memref_squeeze %dma_start3A_655 : memref<1x128xi32, #tpu.memory_space<vmem>> -> memref<128xi32, #tpu.memory_space<vmem>>
        %dma_start3A_657 = arith.constant 0 : i32
        %dma_start3A_658 = arith.constant 0 : i32
        %dma_start3A_659 = tpu.memref_slice %arg5[%dma_start3A_657, %dma_start3A_658] : memref<10240x64xf32, #tpu.memory_space<vmem_shared>> -> memref<10240x64xf32, #tpu.memory_space<vmem_shared>>
        tpu.enqueue_indirect_dma source(%dma_start3A_653 : memref<128x64xf32, #tpu.memory_space<vmem>>) target(%dma_start3A_659 : memref<10240x64xf32, #tpu.memory_space<vmem_shared>>) offsets(%dma_start3A_656 : memref<128xi32, #tpu.memory_space<vmem>>) semaphore(%run_scoped3A_649 : memref<!tpu.dma_semaphore, #tpu.memory_space<semaphore_mem>>) {add = true}
        %dma_wait3A_660 = arith.constant 0 : i32
        %dma_wait3A_661 = arith.constant 0 : i32
        %dma_wait3A_662 = tpu.memref_slice %arg9[%run_scoped3A_457, %dma_wait3A_660, %dma_wait3A_661] : memref<2x128x64xf32, #tpu.memory_space<vmem>> -> memref<1x128x64xf32, #tpu.memory_space<vmem>>
        %dma_wait3A_663 = tpu.memref_squeeze %dma_wait3A_662 : memref<1x128x64xf32, #tpu.memory_space<vmem>> -> memref<128x64xf32, #tpu.memory_space<vmem>>
        %dma_wait3A_664 = arith.constant 0 : i32
        %dma_wait3A_665 = tpu.memref_slice %arg8[%run_scoped3A_458, %dma_wait3A_664] : memref<2x128xi32, #tpu.memory_space<vmem>> -> memref<1x128xi32, #tpu.memory_space<vmem>>
        %dma_wait3A_666 = tpu.memref_squeeze %dma_wait3A_665 : memref<1x128xi32, #tpu.memory_space<vmem>> -> memref<128xi32, #tpu.memory_space<vmem>>
        %dma_wait3A_667 = arith.constant 0 : i32
        %dma_wait3A_668 = arith.constant 0 : i32
        %dma_wait3A_669 = tpu.memref_slice %arg5[%dma_wait3A_667, %dma_wait3A_668] : memref<10240x64xf32, #tpu.memory_space<vmem_shared>> -> memref<10240x64xf32, #tpu.memory_space<vmem_shared>>
        tpu.wait_indirect_dma semaphore(%run_scoped3A_649 : memref<!tpu.dma_semaphore, #tpu.memory_space<semaphore_mem>>) src(%dma_wait3A_663 : memref<128x64xf32, #tpu.memory_space<vmem>>) dst(%dma_wait3A_669 : memref<10240x64xf32, #tpu.memory_space<vmem_shared>>)
        tpu.yield
      }) : () -> ()
      %dma_wait3A_459 = arith.constant 0 : i32
      %dma_wait3A_460 = arith.constant 0 : i32
      %dma_wait3A_461 = arith.constant 0 : i32
      %dma_wait3A_462 = arith.constant 0 : i32
      %dma_wait3A_463 = arith.constant 0 : i32
      %dma_wait3A_464 = tpu.memref_slice %arg7[%dma_wait3A_461, %dma_wait3A_462, %dma_wait3A_463] : memref<2x2x128xi32, #tpu.memory_space<vmem>> -> memref<1x2x128xi32, #tpu.memory_space<vmem>>
      %dma_wait3A_465 = tpu.memref_squeeze %dma_wait3A_464 : memref<1x2x128xi32, #tpu.memory_space<vmem>> -> memref<2x128xi32, #tpu.memory_space<vmem>>
      %dma_wait3A_466 = arith.constant 0 : i32
      %dma_wait3A_467 = arith.constant 0 : i32
      %dma_wait3A_468 = tpu.memref_slice %arg3[%dma_wait3A_459, %dma_wait3A_460, %dma_wait3A_466, %dma_wait3A_467] : memref<32x80x2x128xi32, #tpu.memory_space<hbm>> -> memref<1x1x2x128xi32, #tpu.memory_space<hbm>>
      %dma_wait3A_469 = tpu.memref_squeeze %dma_wait3A_468 : memref<1x1x2x128xi32, #tpu.memory_space<hbm>> -> memref<2x128xi32, #tpu.memory_space<hbm>>
      %dma_wait3A_470 = arith.constant 0 : i32
      %dma_wait3A_471 = arith.constant 0 : i32
      %dma_wait3A_472 = tpu.memref_slice %arg7[%dma_wait3A_461, %dma_wait3A_470, %dma_wait3A_471] : memref<2x2x128xi32, #tpu.memory_space<vmem>> -> memref<1x2x128xi32, #tpu.memory_space<vmem>>
      %dma_wait3A_473 = tpu.memref_squeeze %dma_wait3A_472 : memref<1x2x128xi32, #tpu.memory_space<vmem>> -> memref<2x128xi32, #tpu.memory_space<vmem>>
      %dma_wait3A_474 = arith.constant 0 : i32
      %dma_wait3A_475 = arith.constant 0 : i32
      %dma_wait3A_476 = tpu.memref_slice %arg3[%dma_wait3A_459, %dma_wait3A_460, %dma_wait3A_474, %dma_wait3A_475] : memref<32x80x2x128xi32, #tpu.memory_space<hbm>> -> memref<1x1x2x128xi32, #tpu.memory_space<hbm>>
      %dma_wait3A_477 = tpu.memref_squeeze %dma_wait3A_476 : memref<1x1x2x128xi32, #tpu.memory_space<hbm>> -> memref<2x128xi32, #tpu.memory_space<hbm>>
      tpu.wait_dma2 semaphore(%arg12 : memref<!tpu.dma_semaphore, #tpu.memory_space<semaphore_mem>>) src(%dma_wait3A_477 : memref<2x128xi32, #tpu.memory_space<hbm>>) dst(%dma_wait3A_473 : memref<2x128xi32, #tpu.memory_space<vmem>>)
      %dma_start3A_478 = arith.constant 0 : i32
      %dma_start3A_479 = arith.constant 0 : i32
      %dma_start3A_480 = arith.constant 0 : i32
      %dma_start3A_481 = arith.constant 0 : i32
      %dma_start3A_482 = arith.constant 0 : i32
      %dma_start3A_483 = tpu.memref_slice %arg9[%dma_start3A_480, %dma_start3A_481, %dma_start3A_482] : memref<2x128x64xf32, #tpu.memory_space<vmem>> -> memref<1x128x64xf32, #tpu.memory_space<vmem>>
      %dma_start3A_484 = tpu.memref_squeeze %dma_start3A_483 : memref<1x128x64xf32, #tpu.memory_space<vmem>> -> memref<128x64xf32, #tpu.memory_space<vmem>>
      %dma_start3A_485 = arith.constant 0 : i32
      %dma_start3A_486 = tpu.memref_slice %arg7[%dma_start3A_478, %dma_start3A_479, %dma_start3A_485] : memref<2x2x128xi32, #tpu.memory_space<vmem>> -> memref<1x1x128xi32, #tpu.memory_space<vmem>>
      %dma_start3A_487 = tpu.memref_squeeze %dma_start3A_486 : memref<1x1x128xi32, #tpu.memory_space<vmem>> -> memref<128xi32, #tpu.memory_space<vmem>>
      %dma_start3A_488 = arith.constant 0 : i32
      %dma_start3A_489 = arith.constant 0 : i32
      %dma_start3A_490 = tpu.memref_slice %arg6[%dma_start3A_488, %dma_start3A_489] : memref<10240x64xf32, #tpu.memory_space<vmem_shared>> -> memref<10240x64xf32, #tpu.memory_space<vmem_shared>>
      tpu.enqueue_indirect_dma source(%dma_start3A_490 : memref<10240x64xf32, #tpu.memory_space<vmem_shared>>) target(%dma_start3A_484 : memref<128x64xf32, #tpu.memory_space<vmem>>) offsets(%dma_start3A_487 : memref<128xi32, #tpu.memory_space<vmem>>) semaphore(%arg10 : memref<!tpu.dma_semaphore, #tpu.memory_space<semaphore_mem>>)
      %get3A_491 = arith.constant 0 : i32
      %get3A_492 = arith.constant 1 : i32
      %get3A_493 = arith.index_cast %get3A_491 : i32 to index
      %get3A_494 = arith.index_cast %get3A_492 : i32 to index
      %get3A_495 = arith.constant 0 : index
      %get3A_496 = tpu.vector_load %arg7[%get3A_493, %get3A_494, %get3A_495] {strides = array<i32>} : memref<2x2x128xi32, #tpu.memory_space<vmem>>, vector<1x1x16xi32>,
      %get3A_497 = vector.shape_cast %get3A_496 : vector<1x1x16xi32> to vector<16xi32>
      %swap3A_498 = arith.constant 0 : i32
      %swap3A_499 = arith.index_cast %swap3A_498 : i32 to index
      %swap3A_500 = arith.constant 0 : index
      %swap3A_501 = tpu.vector_load %arg8[%swap3A_499, %swap3A_500] {strides = array<i32>} : memref<2x128xi32, #tpu.memory_space<vmem>>, vector<1x16xi32>,
      %swap3A_502 = vector.shape_cast %swap3A_501 : vector<1x16xi32> to vector<16xi32>
      %swap3A_503 = vector.shape_cast %get3A_497 : vector<16xi32> to vector<1x16xi32>
      tpu.vector_store %arg8[%swap3A_499, %swap3A_500], %swap3A_503 {strides = array<i32>} : memref<2x128xi32, #tpu.memory_space<vmem>>, vector<1x16xi32>,
      %get3A_504 = arith.constant 0 : i32
      %get3A_505 = arith.constant 1 : i32
      %get3A_506 = arith.index_cast %get3A_504 : i32 to index
      %get3A_507 = arith.index_cast %get3A_505 : i32 to index
      %get3A_508 = arith.constant 16 : index
      %get3A_509 = tpu.vector_load %arg7[%get3A_506, %get3A_507, %get3A_508] {strides = array<i32>} : memref<2x2x128xi32, #tpu.memory_space<vmem>>, vector<1x1x16xi32>,
      %get3A_510 = vector.shape_cast %get3A_509 : vector<1x1x16xi32> to vector<16xi32>
      %swap3A_511 = arith.constant 0 : i32
      %swap3A_512 = arith.index_cast %swap3A_511 : i32 to index
      %swap3A_513 = arith.constant 16 : index
      %swap3A_514 = tpu.vector_load %arg8[%swap3A_512, %swap3A_513] {strides = array<i32>} : memref<2x128xi32, #tpu.memory_space<vmem>>, vector<1x16xi32>,
      %swap3A_515 = vector.shape_cast %swap3A_514 : vector<1x16xi32> to vector<16xi32>
      %swap3A_516 = vector.shape_cast %get3A_510 : vector<16xi32> to vector<1x16xi32>
      tpu.vector_store %arg8[%swap3A_512, %swap3A_513], %swap3A_516 {strides = array<i32>} : memref<2x128xi32, #tpu.memory_space<vmem>>, vector<1x16xi32>,
      %get3A_517 = arith.constant 0 : i32
      %get3A_518 = arith.constant 1 : i32
      %get3A_519 = arith.index_cast %get3A_517 : i32 to index
      %get3A_520 = arith.index_cast %get3A_518 : i32 to index
      %get3A_521 = arith.constant 32 : index
      %get3A_522 = tpu.vector_load %arg7[%get3A_519, %get3A_520, %get3A_521] {strides = array<i32>} : memref<2x2x128xi32, #tpu.memory_space<vmem>>, vector<1x1x16xi32>,
      %get3A_523 = vector.shape_cast %get3A_522 : vector<1x1x16xi32> to vector<16xi32>
      %swap3A_524 = arith.constant 0 : i32
      %swap3A_525 = arith.index_cast %swap3A_524 : i32 to index
      %swap3A_526 = arith.constant 32 : index
      %swap3A_527 = tpu.vector_load %arg8[%swap3A_525, %swap3A_526] {strides = array<i32>} : memref<2x128xi32, #tpu.memory_space<vmem>>, vector<1x16xi32>,
      %swap3A_528 = vector.shape_cast %swap3A_527 : vector<1x16xi32> to vector<16xi32>
      %swap3A_529 = vector.shape_cast %get3A_523 : vector<16xi32> to vector<1x16xi32>
      tpu.vector_store %arg8[%swap3A_525, %swap3A_526], %swap3A_529 {strides = array<i32>} : memref<2x128xi32, #tpu.memory_space<vmem>>, vector<1x16xi32>,
      %get3A_530 = arith.constant 0 : i32
      %get3A_531 = arith.constant 1 : i32
      %get3A_532 = arith.index_cast %get3A_530 : i32 to index
      %get3A_533 = arith.index_cast %get3A_531 : i32 to index
      %get3A_534 = arith.constant 48 : index
      %get3A_535 = tpu.vector_load %arg7[%get3A_532, %get3A_533, %get3A_534] {strides = array<i32>} : memref<2x2x128xi32, #tpu.memory_space<vmem>>, vector<1x1x16xi32>,
      %get3A_536 = vector.shape_cast %get3A_535 : vector<1x1x16xi32> to vector<16xi32>
      %swap3A_537 = arith.constant 0 : i32
      %swap3A_538 = arith.index_cast %swap3A_537 : i32 to index
      %swap3A_539 = arith.constant 48 : index
      %swap3A_540 = tpu.vector_load %arg8[%swap3A_538, %swap3A_539] {strides = array<i32>} : memref<2x128xi32, #tpu.memory_space<vmem>>, vector<1x16xi32>,
      %swap3A_541 = vector.shape_cast %swap3A_540 : vector<1x16xi32> to vector<16xi32>
      %swap3A_542 = vector.shape_cast %get3A_536 : vector<16xi32> to vector<1x16xi32>
      tpu.vector_store %arg8[%swap3A_538, %swap3A_539], %swap3A_542 {strides = array<i32>} : memref<2x128xi32, #tpu.memory_space<vmem>>, vector<1x16xi32>,
      %get3A_543 = arith.constant 0 : i32
      %get3A_544 = arith.constant 1 : i32
      %get3A_545 = arith.index_cast %get3A_543 : i32 to index
      %get3A_546 = arith.index_cast %get3A_544 : i32 to index
      %get3A_547 = arith.constant 64 : index
      %get3A_548 = tpu.vector_load %arg7[%get3A_545, %get3A_546, %get3A_547] {strides = array<i32>} : memref<2x2x128xi32, #tpu.memory_space<vmem>>, vector<1x1x16xi32>,
      %get3A_549 = vector.shape_cast %get3A_548 : vector<1x1x16xi32> to vector<16xi32>
      %swap3A_550 = arith.constant 0 : i32
      %swap3A_551 = arith.index_cast %swap3A_550 : i32 to index
      %swap3A_552 = arith.constant 64 : index
      %swap3A_553 = tpu.vector_load %arg8[%swap3A_551, %swap3A_552] {strides = array<i32>} : memref<2x128xi32, #tpu.memory_space<vmem>>, vector<1x16xi32>,
      %swap3A_554 = vector.shape_cast %swap3A_553 : vector<1x16xi32> to vector<16xi32>
      %swap3A_555 = vector.shape_cast %get3A_549 : vector<16xi32> to vector<1x16xi32>
      tpu.vector_store %arg8[%swap3A_551, %swap3A_552], %swap3A_555 {strides = array<i32>} : memref<2x128xi32, #tpu.memory_space<vmem>>, vector<1x16xi32>,
      %get3A_556 = arith.constant 0 : i32
      %get3A_557 = arith.constant 1 : i32
      %get3A_558 = arith.index_cast %get3A_556 : i32 to index
      %get3A_559 = arith.index_cast %get3A_557 : i32 to index
      %get3A_560 = arith.constant 80 : index
      %get3A_561 = tpu.vector_load %arg7[%get3A_558, %get3A_559, %get3A_560] {strides = array<i32>} : memref<2x2x128xi32, #tpu.memory_space<vmem>>, vector<1x1x16xi32>,
      %get3A_562 = vector.shape_cast %get3A_561 : vector<1x1x16xi32> to vector<16xi32>
      %swap3A_563 = arith.constant 0 : i32
      %swap3A_564 = arith.index_cast %swap3A_563 : i32 to index
      %swap3A_565 = arith.constant 80 : index
      %swap3A_566 = tpu.vector_load %arg8[%swap3A_564, %swap3A_565] {strides = array<i32>} : memref<2x128xi32, #tpu.memory_space<vmem>>, vector<1x16xi32>,
      %swap3A_567 = vector.shape_cast %swap3A_566 : vector<1x16xi32> to vector<16xi32>
      %swap3A_568 = vector.shape_cast %get3A_562 : vector<16xi32> to vector<1x16xi32>
      tpu.vector_store %arg8[%swap3A_564, %swap3A_565], %swap3A_568 {strides = array<i32>} : memref<2x128xi32, #tpu.memory_space<vmem>>, vector<1x16xi32>,
      %get3A_569 = arith.constant 0 : i32
      %get3A_570 = arith.constant 1 : i32
      %get3A_571 = arith.index_cast %get3A_569 : i32 to index
      %get3A_572 = arith.index_cast %get3A_570 : i32 to index
      %get3A_573 = arith.constant 96 : index
      %get3A_574 = tpu.vector_load %arg7[%get3A_571, %get3A_572, %get3A_573] {strides = array<i32>} : memref<2x2x128xi32, #tpu.memory_space<vmem>>, vector<1x1x16xi32>,
      %get3A_575 = vector.shape_cast %get3A_574 : vector<1x1x16xi32> to vector<16xi32>
      %swap3A_576 = arith.constant 0 : i32
      %swap3A_577 = arith.index_cast %swap3A_576 : i32 to index
      %swap3A_578 = arith.constant 96 : index
      %swap3A_579 = tpu.vector_load %arg8[%swap3A_577, %swap3A_578] {strides = array<i32>} : memref<2x128xi32, #tpu.memory_space<vmem>>, vector<1x16xi32>,
      %swap3A_580 = vector.shape_cast %swap3A_579 : vector<1x16xi32> to vector<16xi32>
      %swap3A_581 = vector.shape_cast %get3A_575 : vector<16xi32> to vector<1x16xi32>
      tpu.vector_store %arg8[%swap3A_577, %swap3A_578], %swap3A_581 {strides = array<i32>} : memref<2x128xi32, #tpu.memory_space<vmem>>, vector<1x16xi32>,
      %get3A_582 = arith.constant 0 : i32
      %get3A_583 = arith.constant 1 : i32
      %get3A_584 = arith.index_cast %get3A_582 : i32 to index
      %get3A_585 = arith.index_cast %get3A_583 : i32 to index
      %get3A_586 = arith.constant 112 : index
      %get3A_587 = tpu.vector_load %arg7[%get3A_584, %get3A_585, %get3A_586] {strides = array<i32>} : memref<2x2x128xi32, #tpu.memory_space<vmem>>, vector<1x1x16xi32>,
      %get3A_588 = vector.shape_cast %get3A_587 : vector<1x1x16xi32> to vector<16xi32>
      %swap3A_589 = arith.constant 0 : i32
      %swap3A_590 = arith.index_cast %swap3A_589 : i32 to index
      %swap3A_591 = arith.constant 112 : index
      %swap3A_592 = tpu.vector_load %arg8[%swap3A_590, %swap3A_591] {strides = array<i32>} : memref<2x128xi32, #tpu.memory_space<vmem>>, vector<1x16xi32>,
      %swap3A_593 = vector.shape_cast %swap3A_592 : vector<1x16xi32> to vector<16xi32>
      %swap3A_594 = vector.shape_cast %get3A_588 : vector<16xi32> to vector<1x16xi32>
      tpu.vector_store %arg8[%swap3A_590, %swap3A_591], %swap3A_594 {strides = array<i32>} : memref<2x128xi32, #tpu.memory_space<vmem>>, vector<1x16xi32>,
      %dma_wait3A_595 = arith.constant 1 : i32
      %dma_wait3A_596 = arith.constant 0 : i32
      %dma_wait3A_597 = arith.constant 1 : i32
      %dma_wait3A_598 = arith.constant 0 : i32
      %dma_wait3A_599 = arith.constant 0 : i32
      %dma_wait3A_600 = tpu.memref_slice %arg9[%dma_wait3A_597, %dma_wait3A_598, %dma_wait3A_599] : memref<2x128x64xf32, #tpu.memory_space<vmem>> -> memref<1x128x64xf32, #tpu.memory_space<vmem>>
      %dma_wait3A_601 = tpu.memref_squeeze %dma_wait3A_600 : memref<1x128x64xf32, #tpu.memory_space<vmem>> -> memref<128x64xf32, #tpu.memory_space<vmem>>
      %dma_wait3A_602 = arith.constant 0 : i32
      %dma_wait3A_603 = tpu.memref_slice %arg7[%dma_wait3A_595, %dma_wait3A_596, %dma_wait3A_602] : memref<2x2x128xi32, #tpu.memory_space<vmem>> -> memref<1x1x128xi32, #tpu.memory_space<vmem>>
      %dma_wait3A_604 = tpu.memref_squeeze %dma_wait3A_603 : memref<1x1x128xi32, #tpu.memory_space<vmem>> -> memref<128xi32, #tpu.memory_space<vmem>>
      %dma_wait3A_605 = arith.constant 0 : i32
      %dma_wait3A_606 = arith.constant 0 : i32
      %dma_wait3A_607 = tpu.memref_slice %arg6[%dma_wait3A_605, %dma_wait3A_606] : memref<10240x64xf32, #tpu.memory_space<vmem_shared>> -> memref<10240x64xf32, #tpu.memory_space<vmem_shared>>
      tpu.wait_indirect_dma semaphore(%arg11 : memref<!tpu.dma_semaphore, #tpu.memory_space<semaphore_mem>>) src(%dma_wait3A_607 : memref<10240x64xf32, #tpu.memory_space<vmem_shared>>) dst(%dma_wait3A_601 : memref<128x64xf32, #tpu.memory_space<vmem>>)
      %add3A_608 = arith.constant 3 : i32
      %add3A_609 = arith.addi %mul3A_271, %add3A_608 : i32
      %ge3A_610 = arith.constant 79 : i32
      %ge3A_611 = arith.cmpi sge, %add3A_609, %ge3A_610 : i32
      %ge3A_612 = arith.constant 158 : i32
      %ge3A_613 = arith.cmpi sge, %add3A_609, %ge3A_612 : i32
      %mul3A_614 = arith.constant 2 : i32
      %mul3A_615 = arith.muli %mul3A_614, %arg1 : i32
      %mul3A_616 = arith.constant 2 : i32
      %mul3A_617 = arith.muli %mul3A_616, %arg1 : i32
      %add3A_618 = arith.constant 1 : i32
      %add3A_619 = arith.addi %mul3A_617, %add3A_618 : i32
      %mul3A_620 = arith.constant 2 : i32
      %mul3A_621 = arith.muli %mul3A_620, %arg1 : i32
      %select_n3A_622 = arith.select %ge3A_611, %add3A_619, %mul3A_621 : i32
      %select_n3A_623 = arith.select %ge3A_613, %mul3A_615, %select_n3A_622 : i32
      %sub3A_624 = arith.constant 79 : i32
      %sub3A_625 = arith.subi %add3A_609, %sub3A_624 : i32
      %select_n3A_626 = arith.select %ge3A_611, %sub3A_625, %add3A_609 : i32
      %jit3A_627 = arith.constant 79 : i32
      %select_n3A_628 = arith.select %ge3A_613, %jit3A_627, %select_n3A_626 : i32
      %dma_start3A_629 = arith.constant 1 : i32
      %dma_start3A_630 = arith.constant 0 : i32
      %dma_start3A_631 = arith.constant 0 : i32
      %dma_start3A_632 = tpu.memref_slice %arg7[%dma_start3A_629, %dma_start3A_630, %dma_start3A_631] : memref<2x2x128xi32, #tpu.memory_space<vmem>> -> memref<1x2x128xi32, #tpu.memory_space<vmem>>
      %dma_start3A_633 = tpu.memref_squeeze %dma_start3A_632 : memref<1x2x128xi32, #tpu.memory_space<vmem>> -> memref<2x128xi32, #tpu.memory_space<vmem>>
      %dma_start3A_634 = arith.constant 0 : i32
      %dma_start3A_635 = arith.constant 0 : i32
      %dma_start3A_636 = tpu.memref_slice %arg3[%select_n3A_623, %select_n3A_628, %dma_start3A_634, %dma_start3A_635] : memref<32x80x2x128xi32, #tpu.memory_space<hbm>> -> memref<1x1x2x128xi32, #tpu.memory_space<hbm>>
      %dma_start3A_637 = tpu.memref_squeeze %dma_start3A_636 : memref<1x1x2x128xi32, #tpu.memory_space<hbm>> -> memref<2x128xi32, #tpu.memory_space<hbm>>
      %dma_start3A_638 = arith.constant 0 : i32
      %dma_start3A_639 = arith.constant 0 : i32
      %dma_start3A_640 = tpu.memref_slice %arg7[%dma_start3A_629, %dma_start3A_638, %dma_start3A_639] : memref<2x2x128xi32, #tpu.memory_space<vmem>> -> memref<1x2x128xi32, #tpu.memory_space<vmem>>
      %dma_start3A_641 = tpu.memref_squeeze %dma_start3A_640 : memref<1x2x128xi32, #tpu.memory_space<vmem>> -> memref<2x128xi32, #tpu.memory_space<vmem>>
      %dma_start3A_642 = arith.constant 0 : i32
      %dma_start3A_643 = arith.constant 0 : i32
      %dma_start3A_644 = tpu.memref_slice %arg3[%select_n3A_623, %select_n3A_628, %dma_start3A_642, %dma_start3A_643] : memref<32x80x2x128xi32, #tpu.memory_space<hbm>> -> memref<1x1x2x128xi32, #tpu.memory_space<hbm>>
      %dma_start3A_645 = tpu.memref_squeeze %dma_start3A_644 : memref<1x1x2x128xi32, #tpu.memory_space<hbm>> -> memref<2x128xi32, #tpu.memory_space<hbm>>
      tpu.enqueue_dma source(%dma_start3A_645 : memref<2x128xi32, #tpu.memory_space<hbm>>) target(%dma_start3A_641 : memref<2x128xi32, #tpu.memory_space<vmem>>) target_semaphore(%arg13 : memref<!tpu.dma_semaphore, #tpu.memory_space<semaphore_mem>>)
      %run_scoped3A_646 = arith.constant 1 : i32
      %run_scoped3A_647 = arith.constant 1 : i32
      "tpu.region"() ({
        %run_scoped3A_649 = tpu.sem_alloc : memref<!tpu.dma_semaphore, #tpu.memory_space<semaphore_mem>>
        %dma_start3A_650 = arith.constant 0 : i32
        %dma_start3A_651 = arith.constant 0 : i32
        %dma_start3A_652 = tpu.memref_slice %arg9[%run_scoped3A_646, %dma_start3A_650, %dma_start3A_651] : memref<2x128x64xf32, #tpu.memory_space<vmem>> -> memref<1x128x64xf32, #tpu.memory_space<vmem>>
        %dma_start3A_653 = tpu.memref_squeeze %dma_start3A_652 : memref<1x128x64xf32, #tpu.memory_space<vmem>> -> memref<128x64xf32, #tpu.memory_space<vmem>>
        %dma_start3A_654 = arith.constant 0 : i32
        %dma_start3A_655 = tpu.memref_slice %arg8[%run_scoped3A_647, %dma_start3A_654] : memref<2x128xi32, #tpu.memory_space<vmem>> -> memref<1x128xi32, #tpu.memory_space<vmem>>
        %dma_start3A_656 = tpu.memref_squeeze %dma_start3A_655 : memref<1x128xi32, #tpu.memory_space<vmem>> -> memref<128xi32, #tpu.memory_space<vmem>>
        %dma_start3A_657 = arith.constant 0 : i32
        %dma_start3A_658 = arith.constant 0 : i32
        %dma_start3A_659 = tpu.memref_slice %arg5[%dma_start3A_657, %dma_start3A_658] : memref<10240x64xf32, #tpu.memory_space<vmem_shared>> -> memref<10240x64xf32, #tpu.memory_space<vmem_shared>>
        tpu.enqueue_indirect_dma source(%dma_start3A_653 : memref<128x64xf32, #tpu.memory_space<vmem>>) target(%dma_start3A_659 : memref<10240x64xf32, #tpu.memory_space<vmem_shared>>) offsets(%dma_start3A_656 : memref<128xi32, #tpu.memory_space<vmem>>) semaphore(%run_scoped3A_649 : memref<!tpu.dma_semaphore, #tpu.memory_space<semaphore_mem>>) {add = true}
        %dma_wait3A_660 = arith.constant 0 : i32
        %dma_wait3A_661 = arith.constant 0 : i32
        %dma_wait3A_662 = tpu.memref_slice %arg9[%run_scoped3A_646, %dma_wait3A_660, %dma_wait3A_661] : memref<2x128x64xf32, #tpu.memory_space<vmem>> -> memref<1x128x64xf32, #tpu.memory_space<vmem>>
        %dma_wait3A_663 = tpu.memref_squeeze %dma_wait3A_662 : memref<1x128x64xf32, #tpu.memory_space<vmem>> -> memref<128x64xf32, #tpu.memory_space<vmem>>
        %dma_wait3A_664 = arith.constant 0 : i32
        %dma_wait3A_665 = tpu.memref_slice %arg8[%run_scoped3A_647, %dma_wait3A_664] : memref<2x128xi32, #tpu.memory_space<vmem>> -> memref<1x128xi32, #tpu.memory_space<vmem>>
        %dma_wait3A_666 = tpu.memref_squeeze %dma_wait3A_665 : memref<1x128xi32, #tpu.memory_space<vmem>> -> memref<128xi32, #tpu.memory_space<vmem>>
        %dma_wait3A_667 = arith.constant 0 : i32
        %dma_wait3A_668 = arith.constant 0 : i32
        %dma_wait3A_669 = tpu.memref_slice %arg5[%dma_wait3A_667, %dma_wait3A_668] : memref<10240x64xf32, #tpu.memory_space<vmem_shared>> -> memref<10240x64xf32, #tpu.memory_space<vmem_shared>>
        tpu.wait_indirect_dma semaphore(%run_scoped3A_649 : memref<!tpu.dma_semaphore, #tpu.memory_space<semaphore_mem>>) src(%dma_wait3A_663 : memref<128x64xf32, #tpu.memory_space<vmem>>) dst(%dma_wait3A_669 : memref<10240x64xf32, #tpu.memory_space<vmem_shared>>)
        tpu.yield
      }) : () -> ()
      %scan3A_648 = arith.constant 0 : i32
      scf.yield %scan3A_648 : i32
    }
    %scan3A_229 = arith.constant 79 : i32
    %dma_wait3A_230 = arith.constant 0 : i32
    %dma_wait3A_231 = arith.constant 0 : i32
    %dma_wait3A_232 = arith.constant 0 : i32
    %dma_wait3A_233 = arith.constant 0 : i32
    %dma_wait3A_234 = arith.constant 0 : i32
    %dma_wait3A_235 = tpu.memref_slice %arg9[%dma_wait3A_232, %dma_wait3A_233, %dma_wait3A_234] : memref<2x128x64xf32, #tpu.memory_space<vmem>> -> memref<1x128x64xf32, #tpu.memory_space<vmem>>
    %dma_wait3A_236 = tpu.memref_squeeze %dma_wait3A_235 : memref<1x128x64xf32, #tpu.memory_space<vmem>> -> memref<128x64xf32, #tpu.memory_space<vmem>>
    %dma_wait3A_237 = arith.constant 0 : i32
    %dma_wait3A_238 = tpu.memref_slice %arg7[%dma_wait3A_230, %dma_wait3A_231, %dma_wait3A_237] : memref<2x2x128xi32, #tpu.memory_space<vmem>> -> memref<1x1x128xi32, #tpu.memory_space<vmem>>
    %dma_wait3A_239 = tpu.memref_squeeze %dma_wait3A_238 : memref<1x1x128xi32, #tpu.memory_space<vmem>> -> memref<128xi32, #tpu.memory_space<vmem>>
    %dma_wait3A_240 = arith.constant 0 : i32
    %dma_wait3A_241 = arith.constant 0 : i32
    %dma_wait3A_242 = tpu.memref_slice %arg6[%dma_wait3A_240, %dma_wait3A_241] : memref<10240x64xf32, #tpu.memory_space<vmem_shared>> -> memref<10240x64xf32, #tpu.memory_space<vmem_shared>>
    tpu.wait_indirect_dma semaphore(%arg10 : memref<!tpu.dma_semaphore, #tpu.memory_space<semaphore_mem>>) src(%dma_wait3A_242 : memref<10240x64xf32, #tpu.memory_space<vmem_shared>>) dst(%dma_wait3A_236 : memref<128x64xf32, #tpu.memory_space<vmem>>)
    %run_scoped3A = arith.constant 0 : i32
    %run_scoped3A_243 = arith.constant 0 : i32
    "tpu.region"() ({
      %run_scoped3A_268 = tpu.sem_alloc : memref<!tpu.dma_semaphore, #tpu.memory_space<semaphore_mem>>
      %dma_start3A_269 = arith.constant 0 : i32
      %dma_start3A_270 = arith.constant 0 : i32
      %dma_start3A_271 = tpu.memref_slice %arg9[%run_scoped3A, %dma_start3A_269, %dma_start3A_270] : memref<2x128x64xf32, #tpu.memory_space<vmem>> -> memref<1x128x64xf32, #tpu.memory_space<vmem>>
      %dma_start3A_272 = tpu.memref_squeeze %dma_start3A_271 : memref<1x128x64xf32, #tpu.memory_space<vmem>> -> memref<128x64xf32, #tpu.memory_space<vmem>>
      %dma_start3A_273 = arith.constant 0 : i32
      %dma_start3A_274 = tpu.memref_slice %arg8[%run_scoped3A_243, %dma_start3A_273] : memref<2x128xi32, #tpu.memory_space<vmem>> -> memref<1x128xi32, #tpu.memory_space<vmem>>
      %dma_start3A_275 = tpu.memref_squeeze %dma_start3A_274 : memref<1x128xi32, #tpu.memory_space<vmem>> -> memref<128xi32, #tpu.memory_space<vmem>>
      %dma_start3A_276 = arith.constant 0 : i32
      %dma_start3A_277 = arith.constant 0 : i32
      %dma_start3A_278 = tpu.memref_slice %arg5[%dma_start3A_276, %dma_start3A_277] : memref<10240x64xf32, #tpu.memory_space<vmem_shared>> -> memref<10240x64xf32, #tpu.memory_space<vmem_shared>>
      tpu.enqueue_indirect_dma source(%dma_start3A_272 : memref<128x64xf32, #tpu.memory_space<vmem>>) target(%dma_start3A_278 : memref<10240x64xf32, #tpu.memory_space<vmem_shared>>) offsets(%dma_start3A_275 : memref<128xi32, #tpu.memory_space<vmem>>) semaphore(%run_scoped3A_268 : memref<!tpu.dma_semaphore, #tpu.memory_space<semaphore_mem>>) {add = true}
      %dma_wait3A_279 = arith.constant 0 : i32
      %dma_wait3A_280 = arith.constant 0 : i32
      %dma_wait3A_281 = tpu.memref_slice %arg9[%run_scoped3A, %dma_wait3A_279, %dma_wait3A_280] : memref<2x128x64xf32, #tpu.memory_space<vmem>> -> memref<1x128x64xf32, #tpu.memory_space<vmem>>
      %dma_wait3A_282 = tpu.memref_squeeze %dma_wait3A_281 : memref<1x128x64xf32, #tpu.memory_space<vmem>> -> memref<128x64xf32, #tpu.memory_space<vmem>>
      %dma_wait3A_283 = arith.constant 0 : i32
      %dma_wait3A_284 = tpu.memref_slice %arg8[%run_scoped3A_243, %dma_wait3A_283] : memref<2x128xi32, #tpu.memory_space<vmem>> -> memref<1x128xi32, #tpu.memory_space<vmem>>
      %dma_wait3A_285 = tpu.memref_squeeze %dma_wait3A_284 : memref<1x128xi32, #tpu.memory_space<vmem>> -> memref<128xi32, #tpu.memory_space<vmem>>
      %dma_wait3A_286 = arith.constant 0 : i32
      %dma_wait3A_287 = arith.constant 0 : i32
      %dma_wait3A_288 = tpu.memref_slice %arg5[%dma_wait3A_286, %dma_wait3A_287] : memref<10240x64xf32, #tpu.memory_space<vmem_shared>> -> memref<10240x64xf32, #tpu.memory_space<vmem_shared>>
      tpu.wait_indirect_dma semaphore(%run_scoped3A_268 : memref<!tpu.dma_semaphore, #tpu.memory_space<semaphore_mem>>) src(%dma_wait3A_282 : memref<128x64xf32, #tpu.memory_space<vmem>>) dst(%dma_wait3A_288 : memref<10240x64xf32, #tpu.memory_space<vmem_shared>>)
      tpu.yield
    }) : () -> ()
    %dma_wait3A_244 = arith.constant 0 : i32
    %dma_wait3A_245 = arith.constant 0 : i32
    %dma_wait3A_246 = arith.constant 1 : i32
    %dma_wait3A_247 = arith.constant 0 : i32
    %dma_wait3A_248 = arith.constant 0 : i32
    %dma_wait3A_249 = tpu.memref_slice %arg7[%dma_wait3A_246, %dma_wait3A_247, %dma_wait3A_248] : memref<2x2x128xi32, #tpu.memory_space<vmem>> -> memref<1x2x128xi32, #tpu.memory_space<vmem>>
    %dma_wait3A_250 = tpu.memref_squeeze %dma_wait3A_249 : memref<1x2x128xi32, #tpu.memory_space<vmem>> -> memref<2x128xi32, #tpu.memory_space<vmem>>
    %dma_wait3A_251 = arith.constant 0 : i32
    %dma_wait3A_252 = arith.constant 0 : i32
    %dma_wait3A_253 = tpu.memref_slice %arg3[%dma_wait3A_244, %dma_wait3A_245, %dma_wait3A_251, %dma_wait3A_252] : memref<32x80x2x128xi32, #tpu.memory_space<hbm>> -> memref<1x1x2x128xi32, #tpu.memory_space<hbm>>
    %dma_wait3A_254 = tpu.memref_squeeze %dma_wait3A_253 : memref<1x1x2x128xi32, #tpu.memory_space<hbm>> -> memref<2x128xi32, #tpu.memory_space<hbm>>
    %dma_wait3A_255 = arith.constant 0 : i32
    %dma_wait3A_256 = arith.constant 0 : i32
    %dma_wait3A_257 = tpu.memref_slice %arg7[%dma_wait3A_246, %dma_wait3A_255, %dma_wait3A_256] : memref<2x2x128xi32, #tpu.memory_space<vmem>> -> memref<1x2x128xi32, #tpu.memory_space<vmem>>
    %dma_wait3A_258 = tpu.memref_squeeze %dma_wait3A_257 : memref<1x2x128xi32, #tpu.memory_space<vmem>> -> memref<2x128xi32, #tpu.memory_space<vmem>>
    %dma_wait3A_259 = arith.constant 0 : i32
    %dma_wait3A_260 = arith.constant 0 : i32
    %dma_wait3A_261 = tpu.memref_slice %arg3[%dma_wait3A_244, %dma_wait3A_245, %dma_wait3A_259, %dma_wait3A_260] : memref<32x80x2x128xi32, #tpu.memory_space<hbm>> -> memref<1x1x2x128xi32, #tpu.memory_space<hbm>>
    %dma_wait3A_262 = tpu.memref_squeeze %dma_wait3A_261 : memref<1x1x2x128xi32, #tpu.memory_space<hbm>> -> memref<2x128xi32, #tpu.memory_space<hbm>>
    tpu.wait_dma2 semaphore(%arg13 : memref<!tpu.dma_semaphore, #tpu.memory_space<semaphore_mem>>) src(%dma_wait3A_262 : memref<2x128xi32, #tpu.memory_space<hbm>>) dst(%dma_wait3A_258 : memref<2x128xi32, #tpu.memory_space<vmem>>)
    %barrier3A_263 = arith.constant 0 : index
    tpu.barrier barrier_id(%barrier3A_263)
    %mul3A_264 = arith.constant 640 : i32
    %mul3A_265 = arith.muli %arg1, %mul3A_264 : i32
    %mul3A_266 = arith.constant 640 : i32
    %mul3A_267 = arith.muli %arg1, %mul3A_266 : i32
    "tpu.region"() ({
      %run_scoped3A_268 = tpu.sem_alloc : memref<!tpu.dma_semaphore, #tpu.memory_space<semaphore_mem>>
      %dma_start3A_269 = arith.constant 0 : i32
      %dma_start3A_270 = tpu.memref_slice %arg4[%arg0, %mul3A_267, %dma_start3A_269] : memref<2x10240x64xf32, #tpu.memory_space<hbm>> -> memref<1x640x64xf32, #tpu.memory_space<hbm>>
      %dma_start3A_271 = tpu.memref_squeeze %dma_start3A_270 : memref<1x640x64xf32, #tpu.memory_space<hbm>> -> memref<640x64xf32, #tpu.memory_space<hbm>>
      %dma_start3A_272 = arith.constant 0 : i32
      %dma_start3A_273 = tpu.memref_slice %arg5[%mul3A_265, %dma_start3A_272] : memref<10240x64xf32, #tpu.memory_space<vmem_shared>> -> memref<640x64xf32, #tpu.memory_space<vmem_shared>>
      tpu.enqueue_dma source(%dma_start3A_273 : memref<640x64xf32, #tpu.memory_space<vmem_shared>>) target(%dma_start3A_271 : memref<640x64xf32, #tpu.memory_space<hbm>>) target_semaphore(%run_scoped3A_268 : memref<!tpu.dma_semaphore, #tpu.memory_space<semaphore_mem>>)
      %dma_wait3A_274 = arith.constant 0 : i32
      %dma_wait3A_275 = tpu.memref_slice %arg4[%arg0, %mul3A_267, %dma_wait3A_274] : memref<2x10240x64xf32, #tpu.memory_space<hbm>> -> memref<1x640x64xf32, #tpu.memory_space<hbm>>
      %dma_wait3A_276 = tpu.memref_squeeze %dma_wait3A_275 : memref<1x640x64xf32, #tpu.memory_space<hbm>> -> memref<640x64xf32, #tpu.memory_space<hbm>>
      %dma_wait3A_277 = arith.constant 0 : i32
      %dma_wait3A_278 = tpu.memref_slice %arg5[%mul3A_265, %dma_wait3A_277] : memref<10240x64xf32, #tpu.memory_space<vmem_shared>> -> memref<640x64xf32, #tpu.memory_space<vmem_shared>>
      tpu.wait_dma2 semaphore(%run_scoped3A_268 : memref<!tpu.dma_semaphore, #tpu.memory_space<semaphore_mem>>) src(%dma_wait3A_278 : memref<640x64xf32, #tpu.memory_space<vmem_shared>>) dst(%dma_wait3A_276 : memref<640x64xf32, #tpu.memory_space<hbm>>)
      tpu.yield
    }) : () -> ()
    return
  }
}

#map = affine_map<(d0, d1) -> (0, 0, 0)>
#map1 = affine_map<(d0, d1) -> (0, 0, 0, 0)>
module attributes {stable_mosaic.version = 14 : i64} {
  func.func @agg_kernel(%arg0: i32, %arg1: i32, %arg2: memref<2x10240x64xf32, #tpu.memory_space<hbm>>, %arg3: memref<32x80x2x128xi32, #tpu.memory_space<hbm>>, %arg4: memref<2x10240x64xf32, #tpu.memory_space<hbm>>, %arg5: memref<10240x64xf32, #tpu.memory_space<vmem_shared>>, %arg6: memref<10240x64xf32, #tpu.memory_space<vmem_shared>>, %arg7: memref<2x2x128xi32, #tpu.memory_space<vmem>>, %arg8: memref<2x128xi32, #tpu.memory_space<vmem>>, %arg9: memref<2x128x64xf32, #tpu.memory_space<vmem>>, %arg10: memref<!tpu.dma_semaphore, #tpu.memory_space<semaphore_mem>>, %arg11: memref<!tpu.dma_semaphore, #tpu.memory_space<semaphore_mem>>, %arg12: memref<!tpu.dma_semaphore, #tpu.memory_space<semaphore_mem>>, %arg13: memref<!tpu.dma_semaphore, #tpu.memory_space<semaphore_mem>>) attributes {dimension_semantics = [#tpu.dimension_semantics<core_parallel>, #tpu.dimension_semantics<subcore_parallel>], iteration_bounds = array<i64: 2, 16>, scalar_prefetch = 0 : i64, scratch_operands = 9 : i64, tpu.core_type = #tpu.core_type<sc_vector_subcore>, window_params = [{transform_indices = #map}, {transform_indices = #map1}, {transform_indices = #map}]} {
    %mul3A = arith.constant 640 : i32
    %mul3A_0 = arith.muli %arg1, %mul3A : i32
    %mul3A_1 = arith.constant 640 : i32
    %mul3A_2 = arith.muli %arg1, %mul3A_1 : i32
    "tpu.region"() ({
      %run_scoped3A_268 = tpu.sem_alloc : memref<!tpu.dma_semaphore, #tpu.memory_space<semaphore_mem>>
      %dma_start3A_269 = arith.constant 0 : i32
      %dma_start3A_270 = tpu.memref_slice %arg6[%mul3A_2, %dma_start3A_269] : memref<10240x64xf32, #tpu.memory_space<vmem_shared>> -> memref<640x64xf32, #tpu.memory_space<vmem_shared>>
      %dma_start3A_271 = arith.constant 0 : i32
      %dma_start3A_272 = tpu.memref_slice %arg2[%arg0, %mul3A_0, %dma_start3A_271] : memref<2x10240x64xf32, #tpu.memory_space<hbm>> -> memref<1x640x64xf32, #tpu.memory_space<hbm>>
      %dma_start3A_273 = tpu.memref_squeeze %dma_start3A_272 : memref<1x640x64xf32, #tpu.memory_space<hbm>> -> memref<640x64xf32, #tpu.memory_space<hbm>>
      tpu.enqueue_dma source(%dma_start3A_273 : memref<640x64xf32, #tpu.memory_space<hbm>>) target(%dma_start3A_270 : memref<640x64xf32, #tpu.memory_space<vmem_shared>>) target_semaphore(%run_scoped3A_268 : memref<!tpu.dma_semaphore, #tpu.memory_space<semaphore_mem>>)
      %dma_wait3A_274 = arith.constant 0 : i32
      %dma_wait3A_275 = tpu.memref_slice %arg6[%mul3A_2, %dma_wait3A_274] : memref<10240x64xf32, #tpu.memory_space<vmem_shared>> -> memref<640x64xf32, #tpu.memory_space<vmem_shared>>
      %dma_wait3A_276 = arith.constant 0 : i32
      %dma_wait3A_277 = tpu.memref_slice %arg2[%arg0, %mul3A_0, %dma_wait3A_276] : memref<2x10240x64xf32, #tpu.memory_space<hbm>> -> memref<1x640x64xf32, #tpu.memory_space<hbm>>
      %dma_wait3A_278 = tpu.memref_squeeze %dma_wait3A_277 : memref<1x640x64xf32, #tpu.memory_space<hbm>> -> memref<640x64xf32, #tpu.memory_space<hbm>>
      tpu.wait_dma2 semaphore(%run_scoped3A_268 : memref<!tpu.dma_semaphore, #tpu.memory_space<semaphore_mem>>) src(%dma_wait3A_278 : memref<640x64xf32, #tpu.memory_space<hbm>>) dst(%dma_wait3A_275 : memref<640x64xf32, #tpu.memory_space<vmem_shared>>)
      tpu.yield
    }) : () -> ()
    %mul3A_3 = arith.constant 640 : i32
    %mul3A_4 = arith.muli %arg1, %mul3A_3 : i32
    %add3A = arith.constant 0 : i32
    %add3A_5 = arith.addi %mul3A_4, %add3A : i32
    "tpu.region"() ({
      %run_scoped3A_268 = tpu.sem_alloc : memref<!tpu.dma_semaphore, #tpu.memory_space<semaphore_mem>>
      %dma_start3A_269 = arith.constant 0 : i32
      %dma_start3A_270 = tpu.memref_slice %arg5[%add3A_5, %dma_start3A_269] : memref<10240x64xf32, #tpu.memory_space<vmem_shared>> -> memref<128x64xf32, #tpu.memory_space<vmem_shared>>
      %dma_start3A_271 = arith.constant 10112 : i32
      %dma_start3A_272 = arith.constant 0 : i32
      %dma_start3A_273 = tpu.memref_slice %arg2[%arg0, %dma_start3A_271, %dma_start3A_272] : memref<2x10240x64xf32, #tpu.memory_space<hbm>> -> memref<1x128x64xf32, #tpu.memory_space<hbm>>
      %dma_start3A_274 = tpu.memref_squeeze %dma_start3A_273 : memref<1x128x64xf32, #tpu.memory_space<hbm>> -> memref<128x64xf32, #tpu.memory_space<hbm>>
      tpu.enqueue_dma source(%dma_start3A_274 : memref<128x64xf32, #tpu.memory_space<hbm>>) target(%dma_start3A_270 : memref<128x64xf32, #tpu.memory_space<vmem_shared>>) target_semaphore(%run_scoped3A_268 : memref<!tpu.dma_semaphore, #tpu.memory_space<semaphore_mem>>)
      %dma_wait3A_275 = arith.constant 0 : i32
      %dma_wait3A_276 = tpu.memref_slice %arg5[%add3A_5, %dma_wait3A_275] : memref<10240x64xf32, #tpu.memory_space<vmem_shared>> -> memref<128x64xf32, #tpu.memory_space<vmem_shared>>
      %dma_wait3A_277 = arith.constant 10112 : i32
      %dma_wait3A_278 = arith.constant 0 : i32
      %dma_wait3A_279 = tpu.memref_slice %arg2[%arg0, %dma_wait3A_277, %dma_wait3A_278] : memref<2x10240x64xf32, #tpu.memory_space<hbm>> -> memref<1x128x64xf32, #tpu.memory_space<hbm>>
      %dma_wait3A_280 = tpu.memref_squeeze %dma_wait3A_279 : memref<1x128x64xf32, #tpu.memory_space<hbm>> -> memref<128x64xf32, #tpu.memory_space<hbm>>
      tpu.wait_dma2 semaphore(%run_scoped3A_268 : memref<!tpu.dma_semaphore, #tpu.memory_space<semaphore_mem>>) src(%dma_wait3A_280 : memref<128x64xf32, #tpu.memory_space<hbm>>) dst(%dma_wait3A_276 : memref<128x64xf32, #tpu.memory_space<vmem_shared>>)
      tpu.yield
    }) : () -> ()
    %mul3A_6 = arith.constant 640 : i32
    %mul3A_7 = arith.muli %arg1, %mul3A_6 : i32
    %add3A_8 = arith.constant 128 : i32
    %add3A_9 = arith.addi %mul3A_7, %add3A_8 : i32
    "tpu.region"() ({
      %run_scoped3A_268 = tpu.sem_alloc : memref<!tpu.dma_semaphore, #tpu.memory_space<semaphore_mem>>
      %dma_start3A_269 = arith.constant 0 : i32
      %dma_start3A_270 = tpu.memref_slice %arg5[%add3A_9, %dma_start3A_269] : memref<10240x64xf32, #tpu.memory_space<vmem_shared>> -> memref<128x64xf32, #tpu.memory_space<vmem_shared>>
      %dma_start3A_271 = arith.constant 10112 : i32
      %dma_start3A_272 = arith.constant 0 : i32
      %dma_start3A_273 = tpu.memref_slice %arg2[%arg0, %dma_start3A_271, %dma_start3A_272] : memref<2x10240x64xf32, #tpu.memory_space<hbm>> -> memref<1x128x64xf32, #tpu.memory_space<hbm>>
      %dma_start3A_274 = tpu.memref_squeeze %dma_start3A_273 : memref<1x128x64xf32, #tpu.memory_space<hbm>> -> memref<128x64xf32, #tpu.memory_space<hbm>>
      tpu.enqueue_dma source(%dma_start3A_274 : memref<128x64xf32, #tpu.memory_space<hbm>>) target(%dma_start3A_270 : memref<128x64xf32, #tpu.memory_space<vmem_shared>>) target_semaphore(%run_scoped3A_268 : memref<!tpu.dma_semaphore, #tpu.memory_space<semaphore_mem>>)
      %dma_wait3A_275 = arith.constant 0 : i32
      %dma_wait3A_276 = tpu.memref_slice %arg5[%add3A_9, %dma_wait3A_275] : memref<10240x64xf32, #tpu.memory_space<vmem_shared>> -> memref<128x64xf32, #tpu.memory_space<vmem_shared>>
      %dma_wait3A_277 = arith.constant 10112 : i32
      %dma_wait3A_278 = arith.constant 0 : i32
      %dma_wait3A_279 = tpu.memref_slice %arg2[%arg0, %dma_wait3A_277, %dma_wait3A_278] : memref<2x10240x64xf32, #tpu.memory_space<hbm>> -> memref<1x128x64xf32, #tpu.memory_space<hbm>>
      %dma_wait3A_280 = tpu.memref_squeeze %dma_wait3A_279 : memref<1x128x64xf32, #tpu.memory_space<hbm>> -> memref<128x64xf32, #tpu.memory_space<hbm>>
      tpu.wait_dma2 semaphore(%run_scoped3A_268 : memref<!tpu.dma_semaphore, #tpu.memory_space<semaphore_mem>>) src(%dma_wait3A_280 : memref<128x64xf32, #tpu.memory_space<hbm>>) dst(%dma_wait3A_276 : memref<128x64xf32, #tpu.memory_space<vmem_shared>>)
      tpu.yield
    }) : () -> ()
    %mul3A_10 = arith.constant 640 : i32
    %mul3A_11 = arith.muli %arg1, %mul3A_10 : i32
    %add3A_12 = arith.constant 256 : i32
    %add3A_13 = arith.addi %mul3A_11, %add3A_12 : i32
    "tpu.region"() ({
      %run_scoped3A_268 = tpu.sem_alloc : memref<!tpu.dma_semaphore, #tpu.memory_space<semaphore_mem>>
      %dma_start3A_269 = arith.constant 0 : i32
      %dma_start3A_270 = tpu.memref_slice %arg5[%add3A_13, %dma_start3A_269] : memref<10240x64xf32, #tpu.memory_space<vmem_shared>> -> memref<128x64xf32, #tpu.memory_space<vmem_shared>>
      %dma_start3A_271 = arith.constant 10112 : i32
      %dma_start3A_272 = arith.constant 0 : i32
      %dma_start3A_273 = tpu.memref_slice %arg2[%arg0, %dma_start3A_271, %dma_start3A_272] : memref<2x10240x64xf32, #tpu.memory_space<hbm>> -> memref<1x128x64xf32, #tpu.memory_space<hbm>>
      %dma_start3A_274 = tpu.memref_squeeze %dma_start3A_273 : memref<1x128x64xf32, #tpu.memory_space<hbm>> -> memref<128x64xf32, #tpu.memory_space<hbm>>
      tpu.enqueue_dma source(%dma_start3A_274 : memref<128x64xf32, #tpu.memory_space<hbm>>) target(%dma_start3A_270 : memref<128x64xf32, #tpu.memory_space<vmem_shared>>) target_semaphore(%run_scoped3A_268 : memref<!tpu.dma_semaphore, #tpu.memory_space<semaphore_mem>>)
      %dma_wait3A_275 = arith.constant 0 : i32
      %dma_wait3A_276 = tpu.memref_slice %arg5[%add3A_13, %dma_wait3A_275] : memref<10240x64xf32, #tpu.memory_space<vmem_shared>> -> memref<128x64xf32, #tpu.memory_space<vmem_shared>>
      %dma_wait3A_277 = arith.constant 10112 : i32
      %dma_wait3A_278 = arith.constant 0 : i32
      %dma_wait3A_279 = tpu.memref_slice %arg2[%arg0, %dma_wait3A_277, %dma_wait3A_278] : memref<2x10240x64xf32, #tpu.memory_space<hbm>> -> memref<1x128x64xf32, #tpu.memory_space<hbm>>
      %dma_wait3A_280 = tpu.memref_squeeze %dma_wait3A_279 : memref<1x128x64xf32, #tpu.memory_space<hbm>> -> memref<128x64xf32, #tpu.memory_space<hbm>>
      tpu.wait_dma2 semaphore(%run_scoped3A_268 : memref<!tpu.dma_semaphore, #tpu.memory_space<semaphore_mem>>) src(%dma_wait3A_280 : memref<128x64xf32, #tpu.memory_space<hbm>>) dst(%dma_wait3A_276 : memref<128x64xf32, #tpu.memory_space<vmem_shared>>)
      tpu.yield
    }) : () -> ()
    %mul3A_14 = arith.constant 640 : i32
    %mul3A_15 = arith.muli %arg1, %mul3A_14 : i32
    %add3A_16 = arith.constant 384 : i32
    %add3A_17 = arith.addi %mul3A_15, %add3A_16 : i32
    "tpu.region"() ({
      %run_scoped3A_268 = tpu.sem_alloc : memref<!tpu.dma_semaphore, #tpu.memory_space<semaphore_mem>>
      %dma_start3A_269 = arith.constant 0 : i32
      %dma_start3A_270 = tpu.memref_slice %arg5[%add3A_17, %dma_start3A_269] : memref<10240x64xf32, #tpu.memory_space<vmem_shared>> -> memref<128x64xf32, #tpu.memory_space<vmem_shared>>
      %dma_start3A_271 = arith.constant 10112 : i32
      %dma_start3A_272 = arith.constant 0 : i32
      %dma_start3A_273 = tpu.memref_slice %arg2[%arg0, %dma_start3A_271, %dma_start3A_272] : memref<2x10240x64xf32, #tpu.memory_space<hbm>> -> memref<1x128x64xf32, #tpu.memory_space<hbm>>
      %dma_start3A_274 = tpu.memref_squeeze %dma_start3A_273 : memref<1x128x64xf32, #tpu.memory_space<hbm>> -> memref<128x64xf32, #tpu.memory_space<hbm>>
      tpu.enqueue_dma source(%dma_start3A_274 : memref<128x64xf32, #tpu.memory_space<hbm>>) target(%dma_start3A_270 : memref<128x64xf32, #tpu.memory_space<vmem_shared>>) target_semaphore(%run_scoped3A_268 : memref<!tpu.dma_semaphore, #tpu.memory_space<semaphore_mem>>)
      %dma_wait3A_275 = arith.constant 0 : i32
      %dma_wait3A_276 = tpu.memref_slice %arg5[%add3A_17, %dma_wait3A_275] : memref<10240x64xf32, #tpu.memory_space<vmem_shared>> -> memref<128x64xf32, #tpu.memory_space<vmem_shared>>
      %dma_wait3A_277 = arith.constant 10112 : i32
      %dma_wait3A_278 = arith.constant 0 : i32
      %dma_wait3A_279 = tpu.memref_slice %arg2[%arg0, %dma_wait3A_277, %dma_wait3A_278] : memref<2x10240x64xf32, #tpu.memory_space<hbm>> -> memref<1x128x64xf32, #tpu.memory_space<hbm>>
      %dma_wait3A_280 = tpu.memref_squeeze %dma_wait3A_279 : memref<1x128x64xf32, #tpu.memory_space<hbm>> -> memref<128x64xf32, #tpu.memory_space<hbm>>
      tpu.wait_dma2 semaphore(%run_scoped3A_268 : memref<!tpu.dma_semaphore, #tpu.memory_space<semaphore_mem>>) src(%dma_wait3A_280 : memref<128x64xf32, #tpu.memory_space<hbm>>) dst(%dma_wait3A_276 : memref<128x64xf32, #tpu.memory_space<vmem_shared>>)
      tpu.yield
    }) : () -> ()
    %mul3A_18 = arith.constant 640 : i32
    %mul3A_19 = arith.muli %arg1, %mul3A_18 : i32
    %add3A_20 = arith.constant 512 : i32
    %add3A_21 = arith.addi %mul3A_19, %add3A_20 : i32
    "tpu.region"() ({
      %run_scoped3A_268 = tpu.sem_alloc : memref<!tpu.dma_semaphore, #tpu.memory_space<semaphore_mem>>
      %dma_start3A_269 = arith.constant 0 : i32
      %dma_start3A_270 = tpu.memref_slice %arg5[%add3A_21, %dma_start3A_269] : memref<10240x64xf32, #tpu.memory_space<vmem_shared>> -> memref<128x64xf32, #tpu.memory_space<vmem_shared>>
      %dma_start3A_271 = arith.constant 10112 : i32
      %dma_start3A_272 = arith.constant 0 : i32
      %dma_start3A_273 = tpu.memref_slice %arg2[%arg0, %dma_start3A_271, %dma_start3A_272] : memref<2x10240x64xf32, #tpu.memory_space<hbm>> -> memref<1x128x64xf32, #tpu.memory_space<hbm>>
      %dma_start3A_274 = tpu.memref_squeeze %dma_start3A_273 : memref<1x128x64xf32, #tpu.memory_space<hbm>> -> memref<128x64xf32, #tpu.memory_space<hbm>>
      tpu.enqueue_dma source(%dma_start3A_274 : memref<128x64xf32, #tpu.memory_space<hbm>>) target(%dma_start3A_270 : memref<128x64xf32, #tpu.memory_space<vmem_shared>>) target_semaphore(%run_scoped3A_268 : memref<!tpu.dma_semaphore, #tpu.memory_space<semaphore_mem>>)
      %dma_wait3A_275 = arith.constant 0 : i32
      %dma_wait3A_276 = tpu.memref_slice %arg5[%add3A_21, %dma_wait3A_275] : memref<10240x64xf32, #tpu.memory_space<vmem_shared>> -> memref<128x64xf32, #tpu.memory_space<vmem_shared>>
      %dma_wait3A_277 = arith.constant 10112 : i32
      %dma_wait3A_278 = arith.constant 0 : i32
      %dma_wait3A_279 = tpu.memref_slice %arg2[%arg0, %dma_wait3A_277, %dma_wait3A_278] : memref<2x10240x64xf32, #tpu.memory_space<hbm>> -> memref<1x128x64xf32, #tpu.memory_space<hbm>>
      %dma_wait3A_280 = tpu.memref_squeeze %dma_wait3A_279 : memref<1x128x64xf32, #tpu.memory_space<hbm>> -> memref<128x64xf32, #tpu.memory_space<hbm>>
      tpu.wait_dma2 semaphore(%run_scoped3A_268 : memref<!tpu.dma_semaphore, #tpu.memory_space<semaphore_mem>>) src(%dma_wait3A_280 : memref<128x64xf32, #tpu.memory_space<hbm>>) dst(%dma_wait3A_276 : memref<128x64xf32, #tpu.memory_space<vmem_shared>>)
      tpu.yield
    }) : () -> ()
    %barrier3A = arith.constant 0 : index
    tpu.barrier barrier_id(%barrier3A)
    %mul3A_22 = arith.constant 2 : i32
    %mul3A_23 = arith.muli %mul3A_22, %arg1 : i32
    %mul3A_24 = arith.constant 2 : i32
    %mul3A_25 = arith.muli %mul3A_24, %arg1 : i32
    %add3A_26 = arith.constant 1 : i32
    %add3A_27 = arith.addi %mul3A_25, %add3A_26 : i32
    %mul3A_28 = arith.constant 2 : i32
    %mul3A_29 = arith.muli %mul3A_28, %arg1 : i32
    %jit3A = arith.constant false
    %select_n3A = arith.select %jit3A, %add3A_27, %mul3A_29 : i32
    %jit3A_30 = arith.constant false
    %select_n3A_31 = arith.select %jit3A_30, %mul3A_23, %select_n3A : i32
    %jit3A_32 = arith.constant false
    %jit3A_33 = arith.constant -79 : i32
    %jit3A_34 = arith.constant 0 : i32
    %select_n3A_35 = arith.select %jit3A_32, %jit3A_33, %jit3A_34 : i32
    %jit3A_36 = arith.constant false
    %jit3A_37 = arith.constant 79 : i32
    %select_n3A_38 = arith.select %jit3A_36, %jit3A_37, %select_n3A_35 : i32
    %dma_start3A = arith.constant 0 : i32
    %dma_start3A_39 = arith.constant 0 : i32
    %dma_start3A_40 = arith.constant 0 : i32
    %dma_start3A_41 = tpu.memref_slice %arg7[%dma_start3A, %dma_start3A_39, %dma_start3A_40] : memref<2x2x128xi32, #tpu.memory_space<vmem>> -> memref<1x2x128xi32, #tpu.memory_space<vmem>>
    %dma_start3A_42 = tpu.memref_squeeze %dma_start3A_41 : memref<1x2x128xi32, #tpu.memory_space<vmem>> -> memref<2x128xi32, #tpu.memory_space<vmem>>
    %dma_start3A_43 = arith.constant 0 : i32
    %dma_start3A_44 = arith.constant 0 : i32
    %dma_start3A_45 = tpu.memref_slice %arg3[%select_n3A_31, %select_n3A_38, %dma_start3A_43, %dma_start3A_44] : memref<32x80x2x128xi32, #tpu.memory_space<hbm>> -> memref<1x1x2x128xi32, #tpu.memory_space<hbm>>
    %dma_start3A_46 = tpu.memref_squeeze %dma_start3A_45 : memref<1x1x2x128xi32, #tpu.memory_space<hbm>> -> memref<2x128xi32, #tpu.memory_space<hbm>>
    %dma_start3A_47 = arith.constant 0 : i32
    %dma_start3A_48 = arith.constant 0 : i32
    %dma_start3A_49 = tpu.memref_slice %arg7[%dma_start3A, %dma_start3A_47, %dma_start3A_48] : memref<2x2x128xi32, #tpu.memory_space<vmem>> -> memref<1x2x128xi32, #tpu.memory_space<vmem>>
    %dma_start3A_50 = tpu.memref_squeeze %dma_start3A_49 : memref<1x2x128xi32, #tpu.memory_space<vmem>> -> memref<2x128xi32, #tpu.memory_space<vmem>>
    %dma_start3A_51 = arith.constant 0 : i32
    %dma_start3A_52 = arith.constant 0 : i32
    %dma_start3A_53 = tpu.memref_slice %arg3[%select_n3A_31, %select_n3A_38, %dma_start3A_51, %dma_start3A_52] : memref<32x80x2x128xi32, #tpu.memory_space<hbm>> -> memref<1x1x2x128xi32, #tpu.memory_space<hbm>>
    %dma_start3A_54 = tpu.memref_squeeze %dma_start3A_53 : memref<1x1x2x128xi32, #tpu.memory_space<hbm>> -> memref<2x128xi32, #tpu.memory_space<hbm>>
    tpu.enqueue_dma source(%dma_start3A_54 : memref<2x128xi32, #tpu.memory_space<hbm>>) target(%dma_start3A_50 : memref<2x128xi32, #tpu.memory_space<vmem>>) target_semaphore(%arg12 : memref<!tpu.dma_semaphore, #tpu.memory_space<semaphore_mem>>)
    %dma_wait3A = arith.constant 0 : i32
    %dma_wait3A_55 = arith.constant 0 : i32
    %dma_wait3A_56 = arith.constant 0 : i32
    %dma_wait3A_57 = arith.constant 0 : i32
    %dma_wait3A_58 = arith.constant 0 : i32
    %dma_wait3A_59 = tpu.memref_slice %arg7[%dma_wait3A_56, %dma_wait3A_57, %dma_wait3A_58] : memref<2x2x128xi32, #tpu.memory_space<vmem>> -> memref<1x2x128xi32, #tpu.memory_space<vmem>>
    %dma_wait3A_60 = tpu.memref_squeeze %dma_wait3A_59 : memref<1x2x128xi32, #tpu.memory_space<vmem>> -> memref<2x128xi32, #tpu.memory_space<vmem>>
    %dma_wait3A_61 = arith.constant 0 : i32
    %dma_wait3A_62 = arith.constant 0 : i32
    %dma_wait3A_63 = tpu.memref_slice %arg3[%dma_wait3A, %dma_wait3A_55, %dma_wait3A_61, %dma_wait3A_62] : memref<32x80x2x128xi32, #tpu.memory_space<hbm>> -> memref<1x1x2x128xi32, #tpu.memory_space<hbm>>
    %dma_wait3A_64 = tpu.memref_squeeze %dma_wait3A_63 : memref<1x1x2x128xi32, #tpu.memory_space<hbm>> -> memref<2x128xi32, #tpu.memory_space<hbm>>
    %dma_wait3A_65 = arith.constant 0 : i32
    %dma_wait3A_66 = arith.constant 0 : i32
    %dma_wait3A_67 = tpu.memref_slice %arg7[%dma_wait3A_56, %dma_wait3A_65, %dma_wait3A_66] : memref<2x2x128xi32, #tpu.memory_space<vmem>> -> memref<1x2x128xi32, #tpu.memory_space<vmem>>
    %dma_wait3A_68 = tpu.memref_squeeze %dma_wait3A_67 : memref<1x2x128xi32, #tpu.memory_space<vmem>> -> memref<2x128xi32, #tpu.memory_space<vmem>>
    %dma_wait3A_69 = arith.constant 0 : i32
    %dma_wait3A_70 = arith.constant 0 : i32
    %dma_wait3A_71 = tpu.memref_slice %arg3[%dma_wait3A, %dma_wait3A_55, %dma_wait3A_69, %dma_wait3A_70] : memref<32x80x2x128xi32, #tpu.memory_space<hbm>> -> memref<1x1x2x128xi32, #tpu.memory_space<hbm>>
    %dma_wait3A_72 = tpu.memref_squeeze %dma_wait3A_71 : memref<1x1x2x128xi32, #tpu.memory_space<hbm>> -> memref<2x128xi32, #tpu.memory_space<hbm>>
    tpu.wait_dma2 semaphore(%arg12 : memref<!tpu.dma_semaphore, #tpu.memory_space<semaphore_mem>>) src(%dma_wait3A_72 : memref<2x128xi32, #tpu.memory_space<hbm>>) dst(%dma_wait3A_68 : memref<2x128xi32, #tpu.memory_space<vmem>>)
    %dma_start3A_73 = arith.constant 0 : i32
    %dma_start3A_74 = arith.constant 0 : i32
    %dma_start3A_75 = arith.constant 0 : i32
    %dma_start3A_76 = arith.constant 0 : i32
    %dma_start3A_77 = arith.constant 0 : i32
    %dma_start3A_78 = tpu.memref_slice %arg9[%dma_start3A_75, %dma_start3A_76, %dma_start3A_77] : memref<2x128x64xf32, #tpu.memory_space<vmem>> -> memref<1x128x64xf32, #tpu.memory_space<vmem>>
    %dma_start3A_79 = tpu.memref_squeeze %dma_start3A_78 : memref<1x128x64xf32, #tpu.memory_space<vmem>> -> memref<128x64xf32, #tpu.memory_space<vmem>>
    %dma_start3A_80 = arith.constant 0 : i32
    %dma_start3A_81 = tpu.memref_slice %arg7[%dma_start3A_73, %dma_start3A_74, %dma_start3A_80] : memref<2x2x128xi32, #tpu.memory_space<vmem>> -> memref<1x1x128xi32, #tpu.memory_space<vmem>>
    %dma_start3A_82 = tpu.memref_squeeze %dma_start3A_81 : memref<1x1x128xi32, #tpu.memory_space<vmem>> -> memref<128xi32, #tpu.memory_space<vmem>>
    %dma_start3A_83 = arith.constant 0 : i32
    %dma_start3A_84 = arith.constant 0 : i32
    %dma_start3A_85 = tpu.memref_slice %arg6[%dma_start3A_83, %dma_start3A_84] : memref<10240x64xf32, #tpu.memory_space<vmem_shared>> -> memref<10240x64xf32, #tpu.memory_space<vmem_shared>>
    tpu.enqueue_indirect_dma source(%dma_start3A_85 : memref<10240x64xf32, #tpu.memory_space<vmem_shared>>) target(%dma_start3A_79 : memref<128x64xf32, #tpu.memory_space<vmem>>) offsets(%dma_start3A_82 : memref<128xi32, #tpu.memory_space<vmem>>) semaphore(%arg10 : memref<!tpu.dma_semaphore, #tpu.memory_space<semaphore_mem>>)
    %get3A = arith.constant 0 : i32
    %get3A_86 = arith.constant 1 : i32
    %get3A_87 = arith.index_cast %get3A : i32 to index
    %get3A_88 = arith.index_cast %get3A_86 : i32 to index
    %get3A_89 = arith.constant 0 : index
    %get3A_90 = tpu.vector_load %arg7[%get3A_87, %get3A_88, %get3A_89] {strides = array<i32>} : memref<2x2x128xi32, #tpu.memory_space<vmem>>, vector<1x1x16xi32>,
    %get3A_91 = vector.shape_cast %get3A_90 : vector<1x1x16xi32> to vector<16xi32>
    %swap3A = arith.constant 0 : i32
    %swap3A_92 = arith.index_cast %swap3A : i32 to index
    %swap3A_93 = arith.constant 0 : index
    %swap3A_94 = tpu.vector_load %arg8[%swap3A_92, %swap3A_93] {strides = array<i32>} : memref<2x128xi32, #tpu.memory_space<vmem>>, vector<1x16xi32>,
    %swap3A_95 = vector.shape_cast %swap3A_94 : vector<1x16xi32> to vector<16xi32>
    %swap3A_96 = vector.shape_cast %get3A_91 : vector<16xi32> to vector<1x16xi32>
    tpu.vector_store %arg8[%swap3A_92, %swap3A_93], %swap3A_96 {strides = array<i32>} : memref<2x128xi32, #tpu.memory_space<vmem>>, vector<1x16xi32>,
    %get3A_97 = arith.constant 0 : i32
    %get3A_98 = arith.constant 1 : i32
    %get3A_99 = arith.index_cast %get3A_97 : i32 to index
    %get3A_100 = arith.index_cast %get3A_98 : i32 to index
    %get3A_101 = arith.constant 16 : index
    %get3A_102 = tpu.vector_load %arg7[%get3A_99, %get3A_100, %get3A_101] {strides = array<i32>} : memref<2x2x128xi32, #tpu.memory_space<vmem>>, vector<1x1x16xi32>,
    %get3A_103 = vector.shape_cast %get3A_102 : vector<1x1x16xi32> to vector<16xi32>
    %swap3A_104 = arith.constant 0 : i32
    %swap3A_105 = arith.index_cast %swap3A_104 : i32 to index
    %swap3A_106 = arith.constant 16 : index
    %swap3A_107 = tpu.vector_load %arg8[%swap3A_105, %swap3A_106] {strides = array<i32>} : memref<2x128xi32, #tpu.memory_space<vmem>>, vector<1x16xi32>,
    %swap3A_108 = vector.shape_cast %swap3A_107 : vector<1x16xi32> to vector<16xi32>
    %swap3A_109 = vector.shape_cast %get3A_103 : vector<16xi32> to vector<1x16xi32>
    tpu.vector_store %arg8[%swap3A_105, %swap3A_106], %swap3A_109 {strides = array<i32>} : memref<2x128xi32, #tpu.memory_space<vmem>>, vector<1x16xi32>,
    %get3A_110 = arith.constant 0 : i32
    %get3A_111 = arith.constant 1 : i32
    %get3A_112 = arith.index_cast %get3A_110 : i32 to index
    %get3A_113 = arith.index_cast %get3A_111 : i32 to index
    %get3A_114 = arith.constant 32 : index
    %get3A_115 = tpu.vector_load %arg7[%get3A_112, %get3A_113, %get3A_114] {strides = array<i32>} : memref<2x2x128xi32, #tpu.memory_space<vmem>>, vector<1x1x16xi32>,
    %get3A_116 = vector.shape_cast %get3A_115 : vector<1x1x16xi32> to vector<16xi32>
    %swap3A_117 = arith.constant 0 : i32
    %swap3A_118 = arith.index_cast %swap3A_117 : i32 to index
    %swap3A_119 = arith.constant 32 : index
    %swap3A_120 = tpu.vector_load %arg8[%swap3A_118, %swap3A_119] {strides = array<i32>} : memref<2x128xi32, #tpu.memory_space<vmem>>, vector<1x16xi32>,
    %swap3A_121 = vector.shape_cast %swap3A_120 : vector<1x16xi32> to vector<16xi32>
    %swap3A_122 = vector.shape_cast %get3A_116 : vector<16xi32> to vector<1x16xi32>
    tpu.vector_store %arg8[%swap3A_118, %swap3A_119], %swap3A_122 {strides = array<i32>} : memref<2x128xi32, #tpu.memory_space<vmem>>, vector<1x16xi32>,
    %get3A_123 = arith.constant 0 : i32
    %get3A_124 = arith.constant 1 : i32
    %get3A_125 = arith.index_cast %get3A_123 : i32 to index
    %get3A_126 = arith.index_cast %get3A_124 : i32 to index
    %get3A_127 = arith.constant 48 : index
    %get3A_128 = tpu.vector_load %arg7[%get3A_125, %get3A_126, %get3A_127] {strides = array<i32>} : memref<2x2x128xi32, #tpu.memory_space<vmem>>, vector<1x1x16xi32>,
    %get3A_129 = vector.shape_cast %get3A_128 : vector<1x1x16xi32> to vector<16xi32>
    %swap3A_130 = arith.constant 0 : i32
    %swap3A_131 = arith.index_cast %swap3A_130 : i32 to index
    %swap3A_132 = arith.constant 48 : index
    %swap3A_133 = tpu.vector_load %arg8[%swap3A_131, %swap3A_132] {strides = array<i32>} : memref<2x128xi32, #tpu.memory_space<vmem>>, vector<1x16xi32>,
    %swap3A_134 = vector.shape_cast %swap3A_133 : vector<1x16xi32> to vector<16xi32>
    %swap3A_135 = vector.shape_cast %get3A_129 : vector<16xi32> to vector<1x16xi32>
    tpu.vector_store %arg8[%swap3A_131, %swap3A_132], %swap3A_135 {strides = array<i32>} : memref<2x128xi32, #tpu.memory_space<vmem>>, vector<1x16xi32>,
    %get3A_136 = arith.constant 0 : i32
    %get3A_137 = arith.constant 1 : i32
    %get3A_138 = arith.index_cast %get3A_136 : i32 to index
    %get3A_139 = arith.index_cast %get3A_137 : i32 to index
    %get3A_140 = arith.constant 64 : index
    %get3A_141 = tpu.vector_load %arg7[%get3A_138, %get3A_139, %get3A_140] {strides = array<i32>} : memref<2x2x128xi32, #tpu.memory_space<vmem>>, vector<1x1x16xi32>,
    %get3A_142 = vector.shape_cast %get3A_141 : vector<1x1x16xi32> to vector<16xi32>
    %swap3A_143 = arith.constant 0 : i32
    %swap3A_144 = arith.index_cast %swap3A_143 : i32 to index
    %swap3A_145 = arith.constant 64 : index
    %swap3A_146 = tpu.vector_load %arg8[%swap3A_144, %swap3A_145] {strides = array<i32>} : memref<2x128xi32, #tpu.memory_space<vmem>>, vector<1x16xi32>,
    %swap3A_147 = vector.shape_cast %swap3A_146 : vector<1x16xi32> to vector<16xi32>
    %swap3A_148 = vector.shape_cast %get3A_142 : vector<16xi32> to vector<1x16xi32>
    tpu.vector_store %arg8[%swap3A_144, %swap3A_145], %swap3A_148 {strides = array<i32>} : memref<2x128xi32, #tpu.memory_space<vmem>>, vector<1x16xi32>,
    %get3A_149 = arith.constant 0 : i32
    %get3A_150 = arith.constant 1 : i32
    %get3A_151 = arith.index_cast %get3A_149 : i32 to index
    %get3A_152 = arith.index_cast %get3A_150 : i32 to index
    %get3A_153 = arith.constant 80 : index
    %get3A_154 = tpu.vector_load %arg7[%get3A_151, %get3A_152, %get3A_153] {strides = array<i32>} : memref<2x2x128xi32, #tpu.memory_space<vmem>>, vector<1x1x16xi32>,
    %get3A_155 = vector.shape_cast %get3A_154 : vector<1x1x16xi32> to vector<16xi32>
    %swap3A_156 = arith.constant 0 : i32
    %swap3A_157 = arith.index_cast %swap3A_156 : i32 to index
    %swap3A_158 = arith.constant 80 : index
    %swap3A_159 = tpu.vector_load %arg8[%swap3A_157, %swap3A_158] {strides = array<i32>} : memref<2x128xi32, #tpu.memory_space<vmem>>, vector<1x16xi32>,
    %swap3A_160 = vector.shape_cast %swap3A_159 : vector<1x16xi32> to vector<16xi32>
    %swap3A_161 = vector.shape_cast %get3A_155 : vector<16xi32> to vector<1x16xi32>
    tpu.vector_store %arg8[%swap3A_157, %swap3A_158], %swap3A_161 {strides = array<i32>} : memref<2x128xi32, #tpu.memory_space<vmem>>, vector<1x16xi32>,
    %get3A_162 = arith.constant 0 : i32
    %get3A_163 = arith.constant 1 : i32
    %get3A_164 = arith.index_cast %get3A_162 : i32 to index
    %get3A_165 = arith.index_cast %get3A_163 : i32 to index
    %get3A_166 = arith.constant 96 : index
    %get3A_167 = tpu.vector_load %arg7[%get3A_164, %get3A_165, %get3A_166] {strides = array<i32>} : memref<2x2x128xi32, #tpu.memory_space<vmem>>, vector<1x1x16xi32>,
    %get3A_168 = vector.shape_cast %get3A_167 : vector<1x1x16xi32> to vector<16xi32>
    %swap3A_169 = arith.constant 0 : i32
    %swap3A_170 = arith.index_cast %swap3A_169 : i32 to index
    %swap3A_171 = arith.constant 96 : index
    %swap3A_172 = tpu.vector_load %arg8[%swap3A_170, %swap3A_171] {strides = array<i32>} : memref<2x128xi32, #tpu.memory_space<vmem>>, vector<1x16xi32>,
    %swap3A_173 = vector.shape_cast %swap3A_172 : vector<1x16xi32> to vector<16xi32>
    %swap3A_174 = vector.shape_cast %get3A_168 : vector<16xi32> to vector<1x16xi32>
    tpu.vector_store %arg8[%swap3A_170, %swap3A_171], %swap3A_174 {strides = array<i32>} : memref<2x128xi32, #tpu.memory_space<vmem>>, vector<1x16xi32>,
    %get3A_175 = arith.constant 0 : i32
    %get3A_176 = arith.constant 1 : i32
    %get3A_177 = arith.index_cast %get3A_175 : i32 to index
    %get3A_178 = arith.index_cast %get3A_176 : i32 to index
    %get3A_179 = arith.constant 112 : index
    %get3A_180 = tpu.vector_load %arg7[%get3A_177, %get3A_178, %get3A_179] {strides = array<i32>} : memref<2x2x128xi32, #tpu.memory_space<vmem>>, vector<1x1x16xi32>,
    %get3A_181 = vector.shape_cast %get3A_180 : vector<1x1x16xi32> to vector<16xi32>
    %swap3A_182 = arith.constant 0 : i32
    %swap3A_183 = arith.index_cast %swap3A_182 : i32 to index
    %swap3A_184 = arith.constant 112 : index
    %swap3A_185 = tpu.vector_load %arg8[%swap3A_183, %swap3A_184] {strides = array<i32>} : memref<2x128xi32, #tpu.memory_space<vmem>>, vector<1x16xi32>,
    %swap3A_186 = vector.shape_cast %swap3A_185 : vector<1x16xi32> to vector<16xi32>
    %swap3A_187 = vector.shape_cast %get3A_181 : vector<16xi32> to vector<1x16xi32>
    tpu.vector_store %arg8[%swap3A_183, %swap3A_184], %swap3A_187 {strides = array<i32>} : memref<2x128xi32, #tpu.memory_space<vmem>>, vector<1x16xi32>,
    %mul3A_188 = arith.constant 2 : i32
    %mul3A_189 = arith.muli %mul3A_188, %arg1 : i32
    %mul3A_190 = arith.constant 2 : i32
    %mul3A_191 = arith.muli %mul3A_190, %arg1 : i32
    %add3A_192 = arith.constant 1 : i32
    %add3A_193 = arith.addi %mul3A_191, %add3A_192 : i32
    %mul3A_194 = arith.constant 2 : i32
    %mul3A_195 = arith.muli %mul3A_194, %arg1 : i32
    %jit3A_196 = arith.constant false
    %select_n3A_197 = arith.select %jit3A_196, %add3A_193, %mul3A_195 : i32
    %jit3A_198 = arith.constant false
    %select_n3A_199 = arith.select %jit3A_198, %mul3A_189, %select_n3A_197 : i32
    %jit3A_200 = arith.constant false
    %jit3A_201 = arith.constant -78 : i32
    %jit3A_202 = arith.constant 1 : i32
    %select_n3A_203 = arith.select %jit3A_200, %jit3A_201, %jit3A_202 : i32
    %jit3A_204 = arith.constant false
    %jit3A_205 = arith.constant 79 : i32
    %select_n3A_206 = arith.select %jit3A_204, %jit3A_205, %select_n3A_203 : i32
    %dma_start3A_207 = arith.constant 1 : i32
    %dma_start3A_208 = arith.constant 0 : i32
    %dma_start3A_209 = arith.constant 0 : i32
    %dma_start3A_210 = tpu.memref_slice %arg7[%dma_start3A_207, %dma_start3A_208, %dma_start3A_209] : memref<2x2x128xi32, #tpu.memory_space<vmem>> -> memref<1x2x128xi32, #tpu.memory_space<vmem>>
    %dma_start3A_211 = tpu.memref_squeeze %dma_start3A_210 : memref<1x2x128xi32, #tpu.memory_space<vmem>> -> memref<2x128xi32, #tpu.memory_space<vmem>>
    %dma_start3A_212 = arith.constant 0 : i32
    %dma_start3A_213 = arith.constant 0 : i32
    %dma_start3A_214 = tpu.memref_slice %arg3[%select_n3A_199, %select_n3A_206, %dma_start3A_212, %dma_start3A_213] : memref<32x80x2x128xi32, #tpu.memory_space<hbm>> -> memref<1x1x2x128xi32, #tpu.memory_space<hbm>>
    %dma_start3A_215 = tpu.memref_squeeze %dma_start3A_214 : memref<1x1x2x128xi32, #tpu.memory_space<hbm>> -> memref<2x128xi32, #tpu.memory_space<hbm>>
    %dma_start3A_216 = arith.constant 0 : i32
    %dma_start3A_217 = arith.constant 0 : i32
    %dma_start3A_218 = tpu.memref_slice %arg7[%dma_start3A_207, %dma_start3A_216, %dma_start3A_217] : memref<2x2x128xi32, #tpu.memory_space<vmem>> -> memref<1x2x128xi32, #tpu.memory_space<vmem>>
    %dma_start3A_219 = tpu.memref_squeeze %dma_start3A_218 : memref<1x2x128xi32, #tpu.memory_space<vmem>> -> memref<2x128xi32, #tpu.memory_space<vmem>>
    %dma_start3A_220 = arith.constant 0 : i32
    %dma_start3A_221 = arith.constant 0 : i32
    %dma_start3A_222 = tpu.memref_slice %arg3[%select_n3A_199, %select_n3A_206, %dma_start3A_220, %dma_start3A_221] : memref<32x80x2x128xi32, #tpu.memory_space<hbm>> -> memref<1x1x2x128xi32, #tpu.memory_space<hbm>>
    %dma_start3A_223 = tpu.memref_squeeze %dma_start3A_222 : memref<1x1x2x128xi32, #tpu.memory_space<hbm>> -> memref<2x128xi32, #tpu.memory_space<hbm>>
    tpu.enqueue_dma source(%dma_start3A_223 : memref<2x128xi32, #tpu.memory_space<hbm>>) target(%dma_start3A_219 : memref<2x128xi32, #tpu.memory_space<vmem>>) target_semaphore(%arg13 : memref<!tpu.dma_semaphore, #tpu.memory_space<semaphore_mem>>)
    %scan3A = arith.constant 0 : i32
    %scan3A_224 = arith.constant 0 : i32
    %scan3A_225 = arith.constant 79 : i32
    %scan3A_226 = arith.addi %scan3A_224, %scan3A_225 : i32
    %scan3A_227 = arith.constant 1 : i32
    %scan3A_228 = scf.for %scan3A_268 = %scan3A_224 to %scan3A_226 step %scan3A_227 iter_args(%scan3A_269 = %scan3A) -> (i32)  : i32 {
      %mul3A_270 = arith.constant 2 : i32
      %mul3A_271 = arith.muli %mul3A_270, %scan3A_268 : i32
      %dma_wait3A_272 = arith.constant 0 : i32
      %dma_wait3A_273 = arith.constant 0 : i32
      %dma_wait3A_274 = arith.constant 1 : i32
      %dma_wait3A_275 = arith.constant 0 : i32
      %dma_wait3A_276 = arith.constant 0 : i32
      %dma_wait3A_277 = tpu.memref_slice %arg7[%dma_wait3A_274, %dma_wait3A_275, %dma_wait3A_276] : memref<2x2x128xi32, #tpu.memory_space<vmem>> -> memref<1x2x128xi32, #tpu.memory_space<vmem>>
      %dma_wait3A_278 = tpu.memref_squeeze %dma_wait3A_277 : memref<1x2x128xi32, #tpu.memory_space<vmem>> -> memref<2x128xi32, #tpu.memory_space<vmem>>
      %dma_wait3A_279 = arith.constant 0 : i32
      %dma_wait3A_280 = arith.constant 0 : i32
      %dma_wait3A_281 = tpu.memref_slice %arg3[%dma_wait3A_272, %dma_wait3A_273, %dma_wait3A_279, %dma_wait3A_280] : memref<32x80x2x128xi32, #tpu.memory_space<hbm>> -> memref<1x1x2x128xi32, #tpu.memory_space<hbm>>
      %dma_wait3A_282 = tpu.memref_squeeze %dma_wait3A_281 : memref<1x1x2x128xi32, #tpu.memory_space<hbm>> -> memref<2x128xi32, #tpu.memory_space<hbm>>
      %dma_wait3A_283 = arith.constant 0 : i32
      %dma_wait3A_284 = arith.constant 0 : i32
      %dma_wait3A_285 = tpu.memref_slice %arg7[%dma_wait3A_274, %dma_wait3A_283, %dma_wait3A_284] : memref<2x2x128xi32, #tpu.memory_space<vmem>> -> memref<1x2x128xi32, #tpu.memory_space<vmem>>
      %dma_wait3A_286 = tpu.memref_squeeze %dma_wait3A_285 : memref<1x2x128xi32, #tpu.memory_space<vmem>> -> memref<2x128xi32, #tpu.memory_space<vmem>>
      %dma_wait3A_287 = arith.constant 0 : i32
      %dma_wait3A_288 = arith.constant 0 : i32
      %dma_wait3A_289 = tpu.memref_slice %arg3[%dma_wait3A_272, %dma_wait3A_273, %dma_wait3A_287, %dma_wait3A_288] : memref<32x80x2x128xi32, #tpu.memory_space<hbm>> -> memref<1x1x2x128xi32, #tpu.memory_space<hbm>>
      %dma_wait3A_290 = tpu.memref_squeeze %dma_wait3A_289 : memref<1x1x2x128xi32, #tpu.memory_space<hbm>> -> memref<2x128xi32, #tpu.memory_space<hbm>>
      tpu.wait_dma2 semaphore(%arg13 : memref<!tpu.dma_semaphore, #tpu.memory_space<semaphore_mem>>) src(%dma_wait3A_290 : memref<2x128xi32, #tpu.memory_space<hbm>>) dst(%dma_wait3A_286 : memref<2x128xi32, #tpu.memory_space<vmem>>)
      %dma_start3A_291 = arith.constant 1 : i32
      %dma_start3A_292 = arith.constant 0 : i32
      %dma_start3A_293 = arith.constant 1 : i32
      %dma_start3A_294 = arith.constant 0 : i32
      %dma_start3A_295 = arith.constant 0 : i32
      %dma_start3A_296 = tpu.memref_slice %arg9[%dma_start3A_293, %dma_start3A_294, %dma_start3A_295] : memref<2x128x64xf32, #tpu.memory_space<vmem>> -> memref<1x128x64xf32, #tpu.memory_space<vmem>>
      %dma_start3A_297 = tpu.memref_squeeze %dma_start3A_296 : memref<1x128x64xf32, #tpu.memory_space<vmem>> -> memref<128x64xf32, #tpu.memory_space<vmem>>
      %dma_start3A_298 = arith.constant 0 : i32
      %dma_start3A_299 = tpu.memref_slice %arg7[%dma_start3A_291, %dma_start3A_292, %dma_start3A_298] : memref<2x2x128xi32, #tpu.memory_space<vmem>> -> memref<1x1x128xi32, #tpu.memory_space<vmem>>
      %dma_start3A_300 = tpu.memref_squeeze %dma_start3A_299 : memref<1x1x128xi32, #tpu.memory_space<vmem>> -> memref<128xi32, #tpu.memory_space<vmem>>
      %dma_start3A_301 = arith.constant 0 : i32
      %dma_start3A_302 = arith.constant 0 : i32
      %dma_start3A_303 = tpu.memref_slice %arg6[%dma_start3A_301, %dma_start3A_302] : memref<10240x64xf32, #tpu.memory_space<vmem_shared>> -> memref<10240x64xf32, #tpu.memory_space<vmem_shared>>
      tpu.enqueue_indirect_dma source(%dma_start3A_303 : memref<10240x64xf32, #tpu.memory_space<vmem_shared>>) target(%dma_start3A_297 : memref<128x64xf32, #tpu.memory_space<vmem>>) offsets(%dma_start3A_300 : memref<128xi32, #tpu.memory_space<vmem>>) semaphore(%arg11 : memref<!tpu.dma_semaphore, #tpu.memory_space<semaphore_mem>>)
      %get3A_304 = arith.constant 1 : i32
      %get3A_305 = arith.constant 1 : i32
      %get3A_306 = arith.index_cast %get3A_304 : i32 to index
      %get3A_307 = arith.index_cast %get3A_305 : i32 to index
      %get3A_308 = arith.constant 0 : index
      %get3A_309 = tpu.vector_load %arg7[%get3A_306, %get3A_307, %get3A_308] {strides = array<i32>} : memref<2x2x128xi32, #tpu.memory_space<vmem>>, vector<1x1x16xi32>,
      %get3A_310 = vector.shape_cast %get3A_309 : vector<1x1x16xi32> to vector<16xi32>
      %swap3A_311 = arith.constant 1 : i32
      %swap3A_312 = arith.index_cast %swap3A_311 : i32 to index
      %swap3A_313 = arith.constant 0 : index
      %swap3A_314 = tpu.vector_load %arg8[%swap3A_312, %swap3A_313] {strides = array<i32>} : memref<2x128xi32, #tpu.memory_space<vmem>>, vector<1x16xi32>,
      %swap3A_315 = vector.shape_cast %swap3A_314 : vector<1x16xi32> to vector<16xi32>
      %swap3A_316 = vector.shape_cast %get3A_310 : vector<16xi32> to vector<1x16xi32>
      tpu.vector_store %arg8[%swap3A_312, %swap3A_313], %swap3A_316 {strides = array<i32>} : memref<2x128xi32, #tpu.memory_space<vmem>>, vector<1x16xi32>,
      %get3A_317 = arith.constant 1 : i32
      %get3A_318 = arith.constant 1 : i32
      %get3A_319 = arith.index_cast %get3A_317 : i32 to index
      %get3A_320 = arith.index_cast %get3A_318 : i32 to index
      %get3A_321 = arith.constant 16 : index
      %get3A_322 = tpu.vector_load %arg7[%get3A_319, %get3A_320, %get3A_321] {strides = array<i32>} : memref<2x2x128xi32, #tpu.memory_space<vmem>>, vector<1x1x16xi32>,
      %get3A_323 = vector.shape_cast %get3A_322 : vector<1x1x16xi32> to vector<16xi32>
      %swap3A_324 = arith.constant 1 : i32
      %swap3A_325 = arith.index_cast %swap3A_324 : i32 to index
      %swap3A_326 = arith.constant 16 : index
      %swap3A_327 = tpu.vector_load %arg8[%swap3A_325, %swap3A_326] {strides = array<i32>} : memref<2x128xi32, #tpu.memory_space<vmem>>, vector<1x16xi32>,
      %swap3A_328 = vector.shape_cast %swap3A_327 : vector<1x16xi32> to vector<16xi32>
      %swap3A_329 = vector.shape_cast %get3A_323 : vector<16xi32> to vector<1x16xi32>
      tpu.vector_store %arg8[%swap3A_325, %swap3A_326], %swap3A_329 {strides = array<i32>} : memref<2x128xi32, #tpu.memory_space<vmem>>, vector<1x16xi32>,
      %get3A_330 = arith.constant 1 : i32
      %get3A_331 = arith.constant 1 : i32
      %get3A_332 = arith.index_cast %get3A_330 : i32 to index
      %get3A_333 = arith.index_cast %get3A_331 : i32 to index
      %get3A_334 = arith.constant 32 : index
      %get3A_335 = tpu.vector_load %arg7[%get3A_332, %get3A_333, %get3A_334] {strides = array<i32>} : memref<2x2x128xi32, #tpu.memory_space<vmem>>, vector<1x1x16xi32>,
      %get3A_336 = vector.shape_cast %get3A_335 : vector<1x1x16xi32> to vector<16xi32>
      %swap3A_337 = arith.constant 1 : i32
      %swap3A_338 = arith.index_cast %swap3A_337 : i32 to index
      %swap3A_339 = arith.constant 32 : index
      %swap3A_340 = tpu.vector_load %arg8[%swap3A_338, %swap3A_339] {strides = array<i32>} : memref<2x128xi32, #tpu.memory_space<vmem>>, vector<1x16xi32>,
      %swap3A_341 = vector.shape_cast %swap3A_340 : vector<1x16xi32> to vector<16xi32>
      %swap3A_342 = vector.shape_cast %get3A_336 : vector<16xi32> to vector<1x16xi32>
      tpu.vector_store %arg8[%swap3A_338, %swap3A_339], %swap3A_342 {strides = array<i32>} : memref<2x128xi32, #tpu.memory_space<vmem>>, vector<1x16xi32>,
      %get3A_343 = arith.constant 1 : i32
      %get3A_344 = arith.constant 1 : i32
      %get3A_345 = arith.index_cast %get3A_343 : i32 to index
      %get3A_346 = arith.index_cast %get3A_344 : i32 to index
      %get3A_347 = arith.constant 48 : index
      %get3A_348 = tpu.vector_load %arg7[%get3A_345, %get3A_346, %get3A_347] {strides = array<i32>} : memref<2x2x128xi32, #tpu.memory_space<vmem>>, vector<1x1x16xi32>,
      %get3A_349 = vector.shape_cast %get3A_348 : vector<1x1x16xi32> to vector<16xi32>
      %swap3A_350 = arith.constant 1 : i32
      %swap3A_351 = arith.index_cast %swap3A_350 : i32 to index
      %swap3A_352 = arith.constant 48 : index
      %swap3A_353 = tpu.vector_load %arg8[%swap3A_351, %swap3A_352] {strides = array<i32>} : memref<2x128xi32, #tpu.memory_space<vmem>>, vector<1x16xi32>,
      %swap3A_354 = vector.shape_cast %swap3A_353 : vector<1x16xi32> to vector<16xi32>
      %swap3A_355 = vector.shape_cast %get3A_349 : vector<16xi32> to vector<1x16xi32>
      tpu.vector_store %arg8[%swap3A_351, %swap3A_352], %swap3A_355 {strides = array<i32>} : memref<2x128xi32, #tpu.memory_space<vmem>>, vector<1x16xi32>,
      %get3A_356 = arith.constant 1 : i32
      %get3A_357 = arith.constant 1 : i32
      %get3A_358 = arith.index_cast %get3A_356 : i32 to index
      %get3A_359 = arith.index_cast %get3A_357 : i32 to index
      %get3A_360 = arith.constant 64 : index
      %get3A_361 = tpu.vector_load %arg7[%get3A_358, %get3A_359, %get3A_360] {strides = array<i32>} : memref<2x2x128xi32, #tpu.memory_space<vmem>>, vector<1x1x16xi32>,
      %get3A_362 = vector.shape_cast %get3A_361 : vector<1x1x16xi32> to vector<16xi32>
      %swap3A_363 = arith.constant 1 : i32
      %swap3A_364 = arith.index_cast %swap3A_363 : i32 to index
      %swap3A_365 = arith.constant 64 : index
      %swap3A_366 = tpu.vector_load %arg8[%swap3A_364, %swap3A_365] {strides = array<i32>} : memref<2x128xi32, #tpu.memory_space<vmem>>, vector<1x16xi32>,
      %swap3A_367 = vector.shape_cast %swap3A_366 : vector<1x16xi32> to vector<16xi32>
      %swap3A_368 = vector.shape_cast %get3A_362 : vector<16xi32> to vector<1x16xi32>
      tpu.vector_store %arg8[%swap3A_364, %swap3A_365], %swap3A_368 {strides = array<i32>} : memref<2x128xi32, #tpu.memory_space<vmem>>, vector<1x16xi32>,
      %get3A_369 = arith.constant 1 : i32
      %get3A_370 = arith.constant 1 : i32
      %get3A_371 = arith.index_cast %get3A_369 : i32 to index
      %get3A_372 = arith.index_cast %get3A_370 : i32 to index
      %get3A_373 = arith.constant 80 : index
      %get3A_374 = tpu.vector_load %arg7[%get3A_371, %get3A_372, %get3A_373] {strides = array<i32>} : memref<2x2x128xi32, #tpu.memory_space<vmem>>, vector<1x1x16xi32>,
      %get3A_375 = vector.shape_cast %get3A_374 : vector<1x1x16xi32> to vector<16xi32>
      %swap3A_376 = arith.constant 1 : i32
      %swap3A_377 = arith.index_cast %swap3A_376 : i32 to index
      %swap3A_378 = arith.constant 80 : index
      %swap3A_379 = tpu.vector_load %arg8[%swap3A_377, %swap3A_378] {strides = array<i32>} : memref<2x128xi32, #tpu.memory_space<vmem>>, vector<1x16xi32>,
      %swap3A_380 = vector.shape_cast %swap3A_379 : vector<1x16xi32> to vector<16xi32>
      %swap3A_381 = vector.shape_cast %get3A_375 : vector<16xi32> to vector<1x16xi32>
      tpu.vector_store %arg8[%swap3A_377, %swap3A_378], %swap3A_381 {strides = array<i32>} : memref<2x128xi32, #tpu.memory_space<vmem>>, vector<1x16xi32>,
      %get3A_382 = arith.constant 1 : i32
      %get3A_383 = arith.constant 1 : i32
      %get3A_384 = arith.index_cast %get3A_382 : i32 to index
      %get3A_385 = arith.index_cast %get3A_383 : i32 to index
      %get3A_386 = arith.constant 96 : index
      %get3A_387 = tpu.vector_load %arg7[%get3A_384, %get3A_385, %get3A_386] {strides = array<i32>} : memref<2x2x128xi32, #tpu.memory_space<vmem>>, vector<1x1x16xi32>,
      %get3A_388 = vector.shape_cast %get3A_387 : vector<1x1x16xi32> to vector<16xi32>
      %swap3A_389 = arith.constant 1 : i32
      %swap3A_390 = arith.index_cast %swap3A_389 : i32 to index
      %swap3A_391 = arith.constant 96 : index
      %swap3A_392 = tpu.vector_load %arg8[%swap3A_390, %swap3A_391] {strides = array<i32>} : memref<2x128xi32, #tpu.memory_space<vmem>>, vector<1x16xi32>,
      %swap3A_393 = vector.shape_cast %swap3A_392 : vector<1x16xi32> to vector<16xi32>
      %swap3A_394 = vector.shape_cast %get3A_388 : vector<16xi32> to vector<1x16xi32>
      tpu.vector_store %arg8[%swap3A_390, %swap3A_391], %swap3A_394 {strides = array<i32>} : memref<2x128xi32, #tpu.memory_space<vmem>>, vector<1x16xi32>,
      %get3A_395 = arith.constant 1 : i32
      %get3A_396 = arith.constant 1 : i32
      %get3A_397 = arith.index_cast %get3A_395 : i32 to index
      %get3A_398 = arith.index_cast %get3A_396 : i32 to index
      %get3A_399 = arith.constant 112 : index
      %get3A_400 = tpu.vector_load %arg7[%get3A_397, %get3A_398, %get3A_399] {strides = array<i32>} : memref<2x2x128xi32, #tpu.memory_space<vmem>>, vector<1x1x16xi32>,
      %get3A_401 = vector.shape_cast %get3A_400 : vector<1x1x16xi32> to vector<16xi32>
      %swap3A_402 = arith.constant 1 : i32
      %swap3A_403 = arith.index_cast %swap3A_402 : i32 to index
      %swap3A_404 = arith.constant 112 : index
      %swap3A_405 = tpu.vector_load %arg8[%swap3A_403, %swap3A_404] {strides = array<i32>} : memref<2x128xi32, #tpu.memory_space<vmem>>, vector<1x16xi32>,
      %swap3A_406 = vector.shape_cast %swap3A_405 : vector<1x16xi32> to vector<16xi32>
      %swap3A_407 = vector.shape_cast %get3A_401 : vector<16xi32> to vector<1x16xi32>
      tpu.vector_store %arg8[%swap3A_403, %swap3A_404], %swap3A_407 {strides = array<i32>} : memref<2x128xi32, #tpu.memory_space<vmem>>, vector<1x16xi32>,
      %dma_wait3A_408 = arith.constant 0 : i32
      %dma_wait3A_409 = arith.constant 0 : i32
      %dma_wait3A_410 = arith.constant 0 : i32
      %dma_wait3A_411 = arith.constant 0 : i32
      %dma_wait3A_412 = arith.constant 0 : i32
      %dma_wait3A_413 = tpu.memref_slice %arg9[%dma_wait3A_410, %dma_wait3A_411, %dma_wait3A_412] : memref<2x128x64xf32, #tpu.memory_space<vmem>> -> memref<1x128x64xf32, #tpu.memory_space<vmem>>
      %dma_wait3A_414 = tpu.memref_squeeze %dma_wait3A_413 : memref<1x128x64xf32, #tpu.memory_space<vmem>> -> memref<128x64xf32, #tpu.memory_space<vmem>>
      %dma_wait3A_415 = arith.constant 0 : i32
      %dma_wait3A_416 = tpu.memref_slice %arg7[%dma_wait3A_408, %dma_wait3A_409, %dma_wait3A_415] : memref<2x2x128xi32, #tpu.memory_space<vmem>> -> memref<1x1x128xi32, #tpu.memory_space<vmem>>
      %dma_wait3A_417 = tpu.memref_squeeze %dma_wait3A_416 : memref<1x1x128xi32, #tpu.memory_space<vmem>> -> memref<128xi32, #tpu.memory_space<vmem>>
      %dma_wait3A_418 = arith.constant 0 : i32
      %dma_wait3A_419 = arith.constant 0 : i32
      %dma_wait3A_420 = tpu.memref_slice %arg6[%dma_wait3A_418, %dma_wait3A_419] : memref<10240x64xf32, #tpu.memory_space<vmem_shared>> -> memref<10240x64xf32, #tpu.memory_space<vmem_shared>>
      tpu.wait_indirect_dma semaphore(%arg10 : memref<!tpu.dma_semaphore, #tpu.memory_space<semaphore_mem>>) src(%dma_wait3A_420 : memref<10240x64xf32, #tpu.memory_space<vmem_shared>>) dst(%dma_wait3A_414 : memref<128x64xf32, #tpu.memory_space<vmem>>)
      %add3A_421 = arith.constant 2 : i32
      %add3A_422 = arith.addi %mul3A_271, %add3A_421 : i32
      %ge3A = arith.constant 79 : i32
      %ge3A_423 = arith.cmpi sge, %add3A_422, %ge3A : i32
      %ge3A_424 = arith.constant 158 : i32
      %ge3A_425 = arith.cmpi sge, %add3A_422, %ge3A_424 : i32
      %mul3A_426 = arith.constant 2 : i32
      %mul3A_427 = arith.muli %mul3A_426, %arg1 : i32
      %mul3A_428 = arith.constant 2 : i32
      %mul3A_429 = arith.muli %mul3A_428, %arg1 : i32
      %add3A_430 = arith.constant 1 : i32
      %add3A_431 = arith.addi %mul3A_429, %add3A_430 : i32
      %mul3A_432 = arith.constant 2 : i32
      %mul3A_433 = arith.muli %mul3A_432, %arg1 : i32
      %select_n3A_434 = arith.select %ge3A_423, %add3A_431, %mul3A_433 : i32
      %select_n3A_435 = arith.select %ge3A_425, %mul3A_427, %select_n3A_434 : i32
      %sub3A = arith.constant 79 : i32
      %sub3A_436 = arith.subi %add3A_422, %sub3A : i32
      %select_n3A_437 = arith.select %ge3A_423, %sub3A_436, %add3A_422 : i32
      %jit3A_438 = arith.constant 79 : i32
      %select_n3A_439 = arith.select %ge3A_425, %jit3A_438, %select_n3A_437 : i32
      %dma_start3A_440 = arith.constant 0 : i32
      %dma_start3A_441 = arith.constant 0 : i32
      %dma_start3A_442 = arith.constant 0 : i32
      %dma_start3A_443 = tpu.memref_slice %arg7[%dma_start3A_440, %dma_start3A_441, %dma_start3A_442] : memref<2x2x128xi32, #tpu.memory_space<vmem>> -> memref<1x2x128xi32, #tpu.memory_space<vmem>>
      %dma_start3A_444 = tpu.memref_squeeze %dma_start3A_443 : memref<1x2x128xi32, #tpu.memory_space<vmem>> -> memref<2x128xi32, #tpu.memory_space<vmem>>
      %dma_start3A_445 = arith.constant 0 : i32
      %dma_start3A_446 = arith.constant 0 : i32
      %dma_start3A_447 = tpu.memref_slice %arg3[%select_n3A_435, %select_n3A_439, %dma_start3A_445, %dma_start3A_446] : memref<32x80x2x128xi32, #tpu.memory_space<hbm>> -> memref<1x1x2x128xi32, #tpu.memory_space<hbm>>
      %dma_start3A_448 = tpu.memref_squeeze %dma_start3A_447 : memref<1x1x2x128xi32, #tpu.memory_space<hbm>> -> memref<2x128xi32, #tpu.memory_space<hbm>>
      %dma_start3A_449 = arith.constant 0 : i32
      %dma_start3A_450 = arith.constant 0 : i32
      %dma_start3A_451 = tpu.memref_slice %arg7[%dma_start3A_440, %dma_start3A_449, %dma_start3A_450] : memref<2x2x128xi32, #tpu.memory_space<vmem>> -> memref<1x2x128xi32, #tpu.memory_space<vmem>>
      %dma_start3A_452 = tpu.memref_squeeze %dma_start3A_451 : memref<1x2x128xi32, #tpu.memory_space<vmem>> -> memref<2x128xi32, #tpu.memory_space<vmem>>
      %dma_start3A_453 = arith.constant 0 : i32
      %dma_start3A_454 = arith.constant 0 : i32
      %dma_start3A_455 = tpu.memref_slice %arg3[%select_n3A_435, %select_n3A_439, %dma_start3A_453, %dma_start3A_454] : memref<32x80x2x128xi32, #tpu.memory_space<hbm>> -> memref<1x1x2x128xi32, #tpu.memory_space<hbm>>
      %dma_start3A_456 = tpu.memref_squeeze %dma_start3A_455 : memref<1x1x2x128xi32, #tpu.memory_space<hbm>> -> memref<2x128xi32, #tpu.memory_space<hbm>>
      tpu.enqueue_dma source(%dma_start3A_456 : memref<2x128xi32, #tpu.memory_space<hbm>>) target(%dma_start3A_452 : memref<2x128xi32, #tpu.memory_space<vmem>>) target_semaphore(%arg12 : memref<!tpu.dma_semaphore, #tpu.memory_space<semaphore_mem>>)
      %run_scoped3A_457 = arith.constant 0 : i32
      %run_scoped3A_458 = arith.constant 0 : i32
      "tpu.region"() ({
        %run_scoped3A_649 = tpu.sem_alloc : memref<!tpu.dma_semaphore, #tpu.memory_space<semaphore_mem>>
        %dma_start3A_650 = arith.constant 0 : i32
        %dma_start3A_651 = arith.constant 0 : i32
        %dma_start3A_652 = tpu.memref_slice %arg9[%run_scoped3A_457, %dma_start3A_650, %dma_start3A_651] : memref<2x128x64xf32, #tpu.memory_space<vmem>> -> memref<1x128x64xf32, #tpu.memory_space<vmem>>
        %dma_start3A_653 = tpu.memref_squeeze %dma_start3A_652 : memref<1x128x64xf32, #tpu.memory_space<vmem>> -> memref<128x64xf32, #tpu.memory_space<vmem>>
        %dma_start3A_654 = arith.constant 0 : i32
        %dma_start3A_655 = tpu.memref_slice %arg8[%run_scoped3A_458, %dma_start3A_654] : memref<2x128xi32, #tpu.memory_space<vmem>> -> memref<1x128xi32, #tpu.memory_space<vmem>>
        %dma_start3A_656 = tpu.memref_squeeze %dma_start3A_655 : memref<1x128xi32, #tpu.memory_space<vmem>> -> memref<128xi32, #tpu.memory_space<vmem>>
        %dma_start3A_657 = arith.constant 0 : i32
        %dma_start3A_658 = arith.constant 0 : i32
        %dma_start3A_659 = tpu.memref_slice %arg5[%dma_start3A_657, %dma_start3A_658] : memref<10240x64xf32, #tpu.memory_space<vmem_shared>> -> memref<10240x64xf32, #tpu.memory_space<vmem_shared>>
        tpu.enqueue_indirect_dma source(%dma_start3A_653 : memref<128x64xf32, #tpu.memory_space<vmem>>) target(%dma_start3A_659 : memref<10240x64xf32, #tpu.memory_space<vmem_shared>>) offsets(%dma_start3A_656 : memref<128xi32, #tpu.memory_space<vmem>>) semaphore(%run_scoped3A_649 : memref<!tpu.dma_semaphore, #tpu.memory_space<semaphore_mem>>) {add = true}
        %dma_wait3A_660 = arith.constant 0 : i32
        %dma_wait3A_661 = arith.constant 0 : i32
        %dma_wait3A_662 = tpu.memref_slice %arg9[%run_scoped3A_457, %dma_wait3A_660, %dma_wait3A_661] : memref<2x128x64xf32, #tpu.memory_space<vmem>> -> memref<1x128x64xf32, #tpu.memory_space<vmem>>
        %dma_wait3A_663 = tpu.memref_squeeze %dma_wait3A_662 : memref<1x128x64xf32, #tpu.memory_space<vmem>> -> memref<128x64xf32, #tpu.memory_space<vmem>>
        %dma_wait3A_664 = arith.constant 0 : i32
        %dma_wait3A_665 = tpu.memref_slice %arg8[%run_scoped3A_458, %dma_wait3A_664] : memref<2x128xi32, #tpu.memory_space<vmem>> -> memref<1x128xi32, #tpu.memory_space<vmem>>
        %dma_wait3A_666 = tpu.memref_squeeze %dma_wait3A_665 : memref<1x128xi32, #tpu.memory_space<vmem>> -> memref<128xi32, #tpu.memory_space<vmem>>
        %dma_wait3A_667 = arith.constant 0 : i32
        %dma_wait3A_668 = arith.constant 0 : i32
        %dma_wait3A_669 = tpu.memref_slice %arg5[%dma_wait3A_667, %dma_wait3A_668] : memref<10240x64xf32, #tpu.memory_space<vmem_shared>> -> memref<10240x64xf32, #tpu.memory_space<vmem_shared>>
        tpu.wait_indirect_dma semaphore(%run_scoped3A_649 : memref<!tpu.dma_semaphore, #tpu.memory_space<semaphore_mem>>) src(%dma_wait3A_663 : memref<128x64xf32, #tpu.memory_space<vmem>>) dst(%dma_wait3A_669 : memref<10240x64xf32, #tpu.memory_space<vmem_shared>>)
        tpu.yield
      }) : () -> ()
      %dma_wait3A_459 = arith.constant 0 : i32
      %dma_wait3A_460 = arith.constant 0 : i32
      %dma_wait3A_461 = arith.constant 0 : i32
      %dma_wait3A_462 = arith.constant 0 : i32
      %dma_wait3A_463 = arith.constant 0 : i32
      %dma_wait3A_464 = tpu.memref_slice %arg7[%dma_wait3A_461, %dma_wait3A_462, %dma_wait3A_463] : memref<2x2x128xi32, #tpu.memory_space<vmem>> -> memref<1x2x128xi32, #tpu.memory_space<vmem>>
      %dma_wait3A_465 = tpu.memref_squeeze %dma_wait3A_464 : memref<1x2x128xi32, #tpu.memory_space<vmem>> -> memref<2x128xi32, #tpu.memory_space<vmem>>
      %dma_wait3A_466 = arith.constant 0 : i32
      %dma_wait3A_467 = arith.constant 0 : i32
      %dma_wait3A_468 = tpu.memref_slice %arg3[%dma_wait3A_459, %dma_wait3A_460, %dma_wait3A_466, %dma_wait3A_467] : memref<32x80x2x128xi32, #tpu.memory_space<hbm>> -> memref<1x1x2x128xi32, #tpu.memory_space<hbm>>
      %dma_wait3A_469 = tpu.memref_squeeze %dma_wait3A_468 : memref<1x1x2x128xi32, #tpu.memory_space<hbm>> -> memref<2x128xi32, #tpu.memory_space<hbm>>
      %dma_wait3A_470 = arith.constant 0 : i32
      %dma_wait3A_471 = arith.constant 0 : i32
      %dma_wait3A_472 = tpu.memref_slice %arg7[%dma_wait3A_461, %dma_wait3A_470, %dma_wait3A_471] : memref<2x2x128xi32, #tpu.memory_space<vmem>> -> memref<1x2x128xi32, #tpu.memory_space<vmem>>
      %dma_wait3A_473 = tpu.memref_squeeze %dma_wait3A_472 : memref<1x2x128xi32, #tpu.memory_space<vmem>> -> memref<2x128xi32, #tpu.memory_space<vmem>>
      %dma_wait3A_474 = arith.constant 0 : i32
      %dma_wait3A_475 = arith.constant 0 : i32
      %dma_wait3A_476 = tpu.memref_slice %arg3[%dma_wait3A_459, %dma_wait3A_460, %dma_wait3A_474, %dma_wait3A_475] : memref<32x80x2x128xi32, #tpu.memory_space<hbm>> -> memref<1x1x2x128xi32, #tpu.memory_space<hbm>>
      %dma_wait3A_477 = tpu.memref_squeeze %dma_wait3A_476 : memref<1x1x2x128xi32, #tpu.memory_space<hbm>> -> memref<2x128xi32, #tpu.memory_space<hbm>>
      tpu.wait_dma2 semaphore(%arg12 : memref<!tpu.dma_semaphore, #tpu.memory_space<semaphore_mem>>) src(%dma_wait3A_477 : memref<2x128xi32, #tpu.memory_space<hbm>>) dst(%dma_wait3A_473 : memref<2x128xi32, #tpu.memory_space<vmem>>)
      %dma_start3A_478 = arith.constant 0 : i32
      %dma_start3A_479 = arith.constant 0 : i32
      %dma_start3A_480 = arith.constant 0 : i32
      %dma_start3A_481 = arith.constant 0 : i32
      %dma_start3A_482 = arith.constant 0 : i32
      %dma_start3A_483 = tpu.memref_slice %arg9[%dma_start3A_480, %dma_start3A_481, %dma_start3A_482] : memref<2x128x64xf32, #tpu.memory_space<vmem>> -> memref<1x128x64xf32, #tpu.memory_space<vmem>>
      %dma_start3A_484 = tpu.memref_squeeze %dma_start3A_483 : memref<1x128x64xf32, #tpu.memory_space<vmem>> -> memref<128x64xf32, #tpu.memory_space<vmem>>
      %dma_start3A_485 = arith.constant 0 : i32
      %dma_start3A_486 = tpu.memref_slice %arg7[%dma_start3A_478, %dma_start3A_479, %dma_start3A_485] : memref<2x2x128xi32, #tpu.memory_space<vmem>> -> memref<1x1x128xi32, #tpu.memory_space<vmem>>
      %dma_start3A_487 = tpu.memref_squeeze %dma_start3A_486 : memref<1x1x128xi32, #tpu.memory_space<vmem>> -> memref<128xi32, #tpu.memory_space<vmem>>
      %dma_start3A_488 = arith.constant 0 : i32
      %dma_start3A_489 = arith.constant 0 : i32
      %dma_start3A_490 = tpu.memref_slice %arg6[%dma_start3A_488, %dma_start3A_489] : memref<10240x64xf32, #tpu.memory_space<vmem_shared>> -> memref<10240x64xf32, #tpu.memory_space<vmem_shared>>
      tpu.enqueue_indirect_dma source(%dma_start3A_490 : memref<10240x64xf32, #tpu.memory_space<vmem_shared>>) target(%dma_start3A_484 : memref<128x64xf32, #tpu.memory_space<vmem>>) offsets(%dma_start3A_487 : memref<128xi32, #tpu.memory_space<vmem>>) semaphore(%arg10 : memref<!tpu.dma_semaphore, #tpu.memory_space<semaphore_mem>>)
      %get3A_491 = arith.constant 0 : i32
      %get3A_492 = arith.constant 1 : i32
      %get3A_493 = arith.index_cast %get3A_491 : i32 to index
      %get3A_494 = arith.index_cast %get3A_492 : i32 to index
      %get3A_495 = arith.constant 0 : index
      %get3A_496 = tpu.vector_load %arg7[%get3A_493, %get3A_494, %get3A_495] {strides = array<i32>} : memref<2x2x128xi32, #tpu.memory_space<vmem>>, vector<1x1x16xi32>,
      %get3A_497 = vector.shape_cast %get3A_496 : vector<1x1x16xi32> to vector<16xi32>
      %swap3A_498 = arith.constant 0 : i32
      %swap3A_499 = arith.index_cast %swap3A_498 : i32 to index
      %swap3A_500 = arith.constant 0 : index
      %swap3A_501 = tpu.vector_load %arg8[%swap3A_499, %swap3A_500] {strides = array<i32>} : memref<2x128xi32, #tpu.memory_space<vmem>>, vector<1x16xi32>,
      %swap3A_502 = vector.shape_cast %swap3A_501 : vector<1x16xi32> to vector<16xi32>
      %swap3A_503 = vector.shape_cast %get3A_497 : vector<16xi32> to vector<1x16xi32>
      tpu.vector_store %arg8[%swap3A_499, %swap3A_500], %swap3A_503 {strides = array<i32>} : memref<2x128xi32, #tpu.memory_space<vmem>>, vector<1x16xi32>,
      %get3A_504 = arith.constant 0 : i32
      %get3A_505 = arith.constant 1 : i32
      %get3A_506 = arith.index_cast %get3A_504 : i32 to index
      %get3A_507 = arith.index_cast %get3A_505 : i32 to index
      %get3A_508 = arith.constant 16 : index
      %get3A_509 = tpu.vector_load %arg7[%get3A_506, %get3A_507, %get3A_508] {strides = array<i32>} : memref<2x2x128xi32, #tpu.memory_space<vmem>>, vector<1x1x16xi32>,
      %get3A_510 = vector.shape_cast %get3A_509 : vector<1x1x16xi32> to vector<16xi32>
      %swap3A_511 = arith.constant 0 : i32
      %swap3A_512 = arith.index_cast %swap3A_511 : i32 to index
      %swap3A_513 = arith.constant 16 : index
      %swap3A_514 = tpu.vector_load %arg8[%swap3A_512, %swap3A_513] {strides = array<i32>} : memref<2x128xi32, #tpu.memory_space<vmem>>, vector<1x16xi32>,
      %swap3A_515 = vector.shape_cast %swap3A_514 : vector<1x16xi32> to vector<16xi32>
      %swap3A_516 = vector.shape_cast %get3A_510 : vector<16xi32> to vector<1x16xi32>
      tpu.vector_store %arg8[%swap3A_512, %swap3A_513], %swap3A_516 {strides = array<i32>} : memref<2x128xi32, #tpu.memory_space<vmem>>, vector<1x16xi32>,
      %get3A_517 = arith.constant 0 : i32
      %get3A_518 = arith.constant 1 : i32
      %get3A_519 = arith.index_cast %get3A_517 : i32 to index
      %get3A_520 = arith.index_cast %get3A_518 : i32 to index
      %get3A_521 = arith.constant 32 : index
      %get3A_522 = tpu.vector_load %arg7[%get3A_519, %get3A_520, %get3A_521] {strides = array<i32>} : memref<2x2x128xi32, #tpu.memory_space<vmem>>, vector<1x1x16xi32>,
      %get3A_523 = vector.shape_cast %get3A_522 : vector<1x1x16xi32> to vector<16xi32>
      %swap3A_524 = arith.constant 0 : i32
      %swap3A_525 = arith.index_cast %swap3A_524 : i32 to index
      %swap3A_526 = arith.constant 32 : index
      %swap3A_527 = tpu.vector_load %arg8[%swap3A_525, %swap3A_526] {strides = array<i32>} : memref<2x128xi32, #tpu.memory_space<vmem>>, vector<1x16xi32>,
      %swap3A_528 = vector.shape_cast %swap3A_527 : vector<1x16xi32> to vector<16xi32>
      %swap3A_529 = vector.shape_cast %get3A_523 : vector<16xi32> to vector<1x16xi32>
      tpu.vector_store %arg8[%swap3A_525, %swap3A_526], %swap3A_529 {strides = array<i32>} : memref<2x128xi32, #tpu.memory_space<vmem>>, vector<1x16xi32>,
      %get3A_530 = arith.constant 0 : i32
      %get3A_531 = arith.constant 1 : i32
      %get3A_532 = arith.index_cast %get3A_530 : i32 to index
      %get3A_533 = arith.index_cast %get3A_531 : i32 to index
      %get3A_534 = arith.constant 48 : index
      %get3A_535 = tpu.vector_load %arg7[%get3A_532, %get3A_533, %get3A_534] {strides = array<i32>} : memref<2x2x128xi32, #tpu.memory_space<vmem>>, vector<1x1x16xi32>,
      %get3A_536 = vector.shape_cast %get3A_535 : vector<1x1x16xi32> to vector<16xi32>
      %swap3A_537 = arith.constant 0 : i32
      %swap3A_538 = arith.index_cast %swap3A_537 : i32 to index
      %swap3A_539 = arith.constant 48 : index
      %swap3A_540 = tpu.vector_load %arg8[%swap3A_538, %swap3A_539] {strides = array<i32>} : memref<2x128xi32, #tpu.memory_space<vmem>>, vector<1x16xi32>,
      %swap3A_541 = vector.shape_cast %swap3A_540 : vector<1x16xi32> to vector<16xi32>
      %swap3A_542 = vector.shape_cast %get3A_536 : vector<16xi32> to vector<1x16xi32>
      tpu.vector_store %arg8[%swap3A_538, %swap3A_539], %swap3A_542 {strides = array<i32>} : memref<2x128xi32, #tpu.memory_space<vmem>>, vector<1x16xi32>,
      %get3A_543 = arith.constant 0 : i32
      %get3A_544 = arith.constant 1 : i32
      %get3A_545 = arith.index_cast %get3A_543 : i32 to index
      %get3A_546 = arith.index_cast %get3A_544 : i32 to index
      %get3A_547 = arith.constant 64 : index
      %get3A_548 = tpu.vector_load %arg7[%get3A_545, %get3A_546, %get3A_547] {strides = array<i32>} : memref<2x2x128xi32, #tpu.memory_space<vmem>>, vector<1x1x16xi32>,
      %get3A_549 = vector.shape_cast %get3A_548 : vector<1x1x16xi32> to vector<16xi32>
      %swap3A_550 = arith.constant 0 : i32
      %swap3A_551 = arith.index_cast %swap3A_550 : i32 to index
      %swap3A_552 = arith.constant 64 : index
      %swap3A_553 = tpu.vector_load %arg8[%swap3A_551, %swap3A_552] {strides = array<i32>} : memref<2x128xi32, #tpu.memory_space<vmem>>, vector<1x16xi32>,
      %swap3A_554 = vector.shape_cast %swap3A_553 : vector<1x16xi32> to vector<16xi32>
      %swap3A_555 = vector.shape_cast %get3A_549 : vector<16xi32> to vector<1x16xi32>
      tpu.vector_store %arg8[%swap3A_551, %swap3A_552], %swap3A_555 {strides = array<i32>} : memref<2x128xi32, #tpu.memory_space<vmem>>, vector<1x16xi32>,
      %get3A_556 = arith.constant 0 : i32
      %get3A_557 = arith.constant 1 : i32
      %get3A_558 = arith.index_cast %get3A_556 : i32 to index
      %get3A_559 = arith.index_cast %get3A_557 : i32 to index
      %get3A_560 = arith.constant 80 : index
      %get3A_561 = tpu.vector_load %arg7[%get3A_558, %get3A_559, %get3A_560] {strides = array<i32>} : memref<2x2x128xi32, #tpu.memory_space<vmem>>, vector<1x1x16xi32>,
      %get3A_562 = vector.shape_cast %get3A_561 : vector<1x1x16xi32> to vector<16xi32>
      %swap3A_563 = arith.constant 0 : i32
      %swap3A_564 = arith.index_cast %swap3A_563 : i32 to index
      %swap3A_565 = arith.constant 80 : index
      %swap3A_566 = tpu.vector_load %arg8[%swap3A_564, %swap3A_565] {strides = array<i32>} : memref<2x128xi32, #tpu.memory_space<vmem>>, vector<1x16xi32>,
      %swap3A_567 = vector.shape_cast %swap3A_566 : vector<1x16xi32> to vector<16xi32>
      %swap3A_568 = vector.shape_cast %get3A_562 : vector<16xi32> to vector<1x16xi32>
      tpu.vector_store %arg8[%swap3A_564, %swap3A_565], %swap3A_568 {strides = array<i32>} : memref<2x128xi32, #tpu.memory_space<vmem>>, vector<1x16xi32>,
      %get3A_569 = arith.constant 0 : i32
      %get3A_570 = arith.constant 1 : i32
      %get3A_571 = arith.index_cast %get3A_569 : i32 to index
      %get3A_572 = arith.index_cast %get3A_570 : i32 to index
      %get3A_573 = arith.constant 96 : index
      %get3A_574 = tpu.vector_load %arg7[%get3A_571, %get3A_572, %get3A_573] {strides = array<i32>} : memref<2x2x128xi32, #tpu.memory_space<vmem>>, vector<1x1x16xi32>,
      %get3A_575 = vector.shape_cast %get3A_574 : vector<1x1x16xi32> to vector<16xi32>
      %swap3A_576 = arith.constant 0 : i32
      %swap3A_577 = arith.index_cast %swap3A_576 : i32 to index
      %swap3A_578 = arith.constant 96 : index
      %swap3A_579 = tpu.vector_load %arg8[%swap3A_577, %swap3A_578] {strides = array<i32>} : memref<2x128xi32, #tpu.memory_space<vmem>>, vector<1x16xi32>,
      %swap3A_580 = vector.shape_cast %swap3A_579 : vector<1x16xi32> to vector<16xi32>
      %swap3A_581 = vector.shape_cast %get3A_575 : vector<16xi32> to vector<1x16xi32>
      tpu.vector_store %arg8[%swap3A_577, %swap3A_578], %swap3A_581 {strides = array<i32>} : memref<2x128xi32, #tpu.memory_space<vmem>>, vector<1x16xi32>,
      %get3A_582 = arith.constant 0 : i32
      %get3A_583 = arith.constant 1 : i32
      %get3A_584 = arith.index_cast %get3A_582 : i32 to index
      %get3A_585 = arith.index_cast %get3A_583 : i32 to index
      %get3A_586 = arith.constant 112 : index
      %get3A_587 = tpu.vector_load %arg7[%get3A_584, %get3A_585, %get3A_586] {strides = array<i32>} : memref<2x2x128xi32, #tpu.memory_space<vmem>>, vector<1x1x16xi32>,
      %get3A_588 = vector.shape_cast %get3A_587 : vector<1x1x16xi32> to vector<16xi32>
      %swap3A_589 = arith.constant 0 : i32
      %swap3A_590 = arith.index_cast %swap3A_589 : i32 to index
      %swap3A_591 = arith.constant 112 : index
      %swap3A_592 = tpu.vector_load %arg8[%swap3A_590, %swap3A_591] {strides = array<i32>} : memref<2x128xi32, #tpu.memory_space<vmem>>, vector<1x16xi32>,
      %swap3A_593 = vector.shape_cast %swap3A_592 : vector<1x16xi32> to vector<16xi32>
      %swap3A_594 = vector.shape_cast %get3A_588 : vector<16xi32> to vector<1x16xi32>
      tpu.vector_store %arg8[%swap3A_590, %swap3A_591], %swap3A_594 {strides = array<i32>} : memref<2x128xi32, #tpu.memory_space<vmem>>, vector<1x16xi32>,
      %dma_wait3A_595 = arith.constant 1 : i32
      %dma_wait3A_596 = arith.constant 0 : i32
      %dma_wait3A_597 = arith.constant 1 : i32
      %dma_wait3A_598 = arith.constant 0 : i32
      %dma_wait3A_599 = arith.constant 0 : i32
      %dma_wait3A_600 = tpu.memref_slice %arg9[%dma_wait3A_597, %dma_wait3A_598, %dma_wait3A_599] : memref<2x128x64xf32, #tpu.memory_space<vmem>> -> memref<1x128x64xf32, #tpu.memory_space<vmem>>
      %dma_wait3A_601 = tpu.memref_squeeze %dma_wait3A_600 : memref<1x128x64xf32, #tpu.memory_space<vmem>> -> memref<128x64xf32, #tpu.memory_space<vmem>>
      %dma_wait3A_602 = arith.constant 0 : i32
      %dma_wait3A_603 = tpu.memref_slice %arg7[%dma_wait3A_595, %dma_wait3A_596, %dma_wait3A_602] : memref<2x2x128xi32, #tpu.memory_space<vmem>> -> memref<1x1x128xi32, #tpu.memory_space<vmem>>
      %dma_wait3A_604 = tpu.memref_squeeze %dma_wait3A_603 : memref<1x1x128xi32, #tpu.memory_space<vmem>> -> memref<128xi32, #tpu.memory_space<vmem>>
      %dma_wait3A_605 = arith.constant 0 : i32
      %dma_wait3A_606 = arith.constant 0 : i32
      %dma_wait3A_607 = tpu.memref_slice %arg6[%dma_wait3A_605, %dma_wait3A_606] : memref<10240x64xf32, #tpu.memory_space<vmem_shared>> -> memref<10240x64xf32, #tpu.memory_space<vmem_shared>>
      tpu.wait_indirect_dma semaphore(%arg11 : memref<!tpu.dma_semaphore, #tpu.memory_space<semaphore_mem>>) src(%dma_wait3A_607 : memref<10240x64xf32, #tpu.memory_space<vmem_shared>>) dst(%dma_wait3A_601 : memref<128x64xf32, #tpu.memory_space<vmem>>)
      %add3A_608 = arith.constant 3 : i32
      %add3A_609 = arith.addi %mul3A_271, %add3A_608 : i32
      %ge3A_610 = arith.constant 79 : i32
      %ge3A_611 = arith.cmpi sge, %add3A_609, %ge3A_610 : i32
      %ge3A_612 = arith.constant 158 : i32
      %ge3A_613 = arith.cmpi sge, %add3A_609, %ge3A_612 : i32
      %mul3A_614 = arith.constant 2 : i32
      %mul3A_615 = arith.muli %mul3A_614, %arg1 : i32
      %mul3A_616 = arith.constant 2 : i32
      %mul3A_617 = arith.muli %mul3A_616, %arg1 : i32
      %add3A_618 = arith.constant 1 : i32
      %add3A_619 = arith.addi %mul3A_617, %add3A_618 : i32
      %mul3A_620 = arith.constant 2 : i32
      %mul3A_621 = arith.muli %mul3A_620, %arg1 : i32
      %select_n3A_622 = arith.select %ge3A_611, %add3A_619, %mul3A_621 : i32
      %select_n3A_623 = arith.select %ge3A_613, %mul3A_615, %select_n3A_622 : i32
      %sub3A_624 = arith.constant 79 : i32
      %sub3A_625 = arith.subi %add3A_609, %sub3A_624 : i32
      %select_n3A_626 = arith.select %ge3A_611, %sub3A_625, %add3A_609 : i32
      %jit3A_627 = arith.constant 79 : i32
      %select_n3A_628 = arith.select %ge3A_613, %jit3A_627, %select_n3A_626 : i32
      %dma_start3A_629 = arith.constant 1 : i32
      %dma_start3A_630 = arith.constant 0 : i32
      %dma_start3A_631 = arith.constant 0 : i32
      %dma_start3A_632 = tpu.memref_slice %arg7[%dma_start3A_629, %dma_start3A_630, %dma_start3A_631] : memref<2x2x128xi32, #tpu.memory_space<vmem>> -> memref<1x2x128xi32, #tpu.memory_space<vmem>>
      %dma_start3A_633 = tpu.memref_squeeze %dma_start3A_632 : memref<1x2x128xi32, #tpu.memory_space<vmem>> -> memref<2x128xi32, #tpu.memory_space<vmem>>
      %dma_start3A_634 = arith.constant 0 : i32
      %dma_start3A_635 = arith.constant 0 : i32
      %dma_start3A_636 = tpu.memref_slice %arg3[%select_n3A_623, %select_n3A_628, %dma_start3A_634, %dma_start3A_635] : memref<32x80x2x128xi32, #tpu.memory_space<hbm>> -> memref<1x1x2x128xi32, #tpu.memory_space<hbm>>
      %dma_start3A_637 = tpu.memref_squeeze %dma_start3A_636 : memref<1x1x2x128xi32, #tpu.memory_space<hbm>> -> memref<2x128xi32, #tpu.memory_space<hbm>>
      %dma_start3A_638 = arith.constant 0 : i32
      %dma_start3A_639 = arith.constant 0 : i32
      %dma_start3A_640 = tpu.memref_slice %arg7[%dma_start3A_629, %dma_start3A_638, %dma_start3A_639] : memref<2x2x128xi32, #tpu.memory_space<vmem>> -> memref<1x2x128xi32, #tpu.memory_space<vmem>>
      %dma_start3A_641 = tpu.memref_squeeze %dma_start3A_640 : memref<1x2x128xi32, #tpu.memory_space<vmem>> -> memref<2x128xi32, #tpu.memory_space<vmem>>
      %dma_start3A_642 = arith.constant 0 : i32
      %dma_start3A_643 = arith.constant 0 : i32
      %dma_start3A_644 = tpu.memref_slice %arg3[%select_n3A_623, %select_n3A_628, %dma_start3A_642, %dma_start3A_643] : memref<32x80x2x128xi32, #tpu.memory_space<hbm>> -> memref<1x1x2x128xi32, #tpu.memory_space<hbm>>
      %dma_start3A_645 = tpu.memref_squeeze %dma_start3A_644 : memref<1x1x2x128xi32, #tpu.memory_space<hbm>> -> memref<2x128xi32, #tpu.memory_space<hbm>>
      tpu.enqueue_dma source(%dma_start3A_645 : memref<2x128xi32, #tpu.memory_space<hbm>>) target(%dma_start3A_641 : memref<2x128xi32, #tpu.memory_space<vmem>>) target_semaphore(%arg13 : memref<!tpu.dma_semaphore, #tpu.memory_space<semaphore_mem>>)
      %run_scoped3A_646 = arith.constant 1 : i32
      %run_scoped3A_647 = arith.constant 1 : i32
      "tpu.region"() ({
        %run_scoped3A_649 = tpu.sem_alloc : memref<!tpu.dma_semaphore, #tpu.memory_space<semaphore_mem>>
        %dma_start3A_650 = arith.constant 0 : i32
        %dma_start3A_651 = arith.constant 0 : i32
        %dma_start3A_652 = tpu.memref_slice %arg9[%run_scoped3A_646, %dma_start3A_650, %dma_start3A_651] : memref<2x128x64xf32, #tpu.memory_space<vmem>> -> memref<1x128x64xf32, #tpu.memory_space<vmem>>
        %dma_start3A_653 = tpu.memref_squeeze %dma_start3A_652 : memref<1x128x64xf32, #tpu.memory_space<vmem>> -> memref<128x64xf32, #tpu.memory_space<vmem>>
        %dma_start3A_654 = arith.constant 0 : i32
        %dma_start3A_655 = tpu.memref_slice %arg8[%run_scoped3A_647, %dma_start3A_654] : memref<2x128xi32, #tpu.memory_space<vmem>> -> memref<1x128xi32, #tpu.memory_space<vmem>>
        %dma_start3A_656 = tpu.memref_squeeze %dma_start3A_655 : memref<1x128xi32, #tpu.memory_space<vmem>> -> memref<128xi32, #tpu.memory_space<vmem>>
        %dma_start3A_657 = arith.constant 0 : i32
        %dma_start3A_658 = arith.constant 0 : i32
        %dma_start3A_659 = tpu.memref_slice %arg5[%dma_start3A_657, %dma_start3A_658] : memref<10240x64xf32, #tpu.memory_space<vmem_shared>> -> memref<10240x64xf32, #tpu.memory_space<vmem_shared>>
        tpu.enqueue_indirect_dma source(%dma_start3A_653 : memref<128x64xf32, #tpu.memory_space<vmem>>) target(%dma_start3A_659 : memref<10240x64xf32, #tpu.memory_space<vmem_shared>>) offsets(%dma_start3A_656 : memref<128xi32, #tpu.memory_space<vmem>>) semaphore(%run_scoped3A_649 : memref<!tpu.dma_semaphore, #tpu.memory_space<semaphore_mem>>) {add = true}
        %dma_wait3A_660 = arith.constant 0 : i32
        %dma_wait3A_661 = arith.constant 0 : i32
        %dma_wait3A_662 = tpu.memref_slice %arg9[%run_scoped3A_646, %dma_wait3A_660, %dma_wait3A_661] : memref<2x128x64xf32, #tpu.memory_space<vmem>> -> memref<1x128x64xf32, #tpu.memory_space<vmem>>
        %dma_wait3A_663 = tpu.memref_squeeze %dma_wait3A_662 : memref<1x128x64xf32, #tpu.memory_space<vmem>> -> memref<128x64xf32, #tpu.memory_space<vmem>>
        %dma_wait3A_664 = arith.constant 0 : i32
        %dma_wait3A_665 = tpu.memref_slice %arg8[%run_scoped3A_647, %dma_wait3A_664] : memref<2x128xi32, #tpu.memory_space<vmem>> -> memref<1x128xi32, #tpu.memory_space<vmem>>
        %dma_wait3A_666 = tpu.memref_squeeze %dma_wait3A_665 : memref<1x128xi32, #tpu.memory_space<vmem>> -> memref<128xi32, #tpu.memory_space<vmem>>
        %dma_wait3A_667 = arith.constant 0 : i32
        %dma_wait3A_668 = arith.constant 0 : i32
        %dma_wait3A_669 = tpu.memref_slice %arg5[%dma_wait3A_667, %dma_wait3A_668] : memref<10240x64xf32, #tpu.memory_space<vmem_shared>> -> memref<10240x64xf32, #tpu.memory_space<vmem_shared>>
        tpu.wait_indirect_dma semaphore(%run_scoped3A_649 : memref<!tpu.dma_semaphore, #tpu.memory_space<semaphore_mem>>) src(%dma_wait3A_663 : memref<128x64xf32, #tpu.memory_space<vmem>>) dst(%dma_wait3A_669 : memref<10240x64xf32, #tpu.memory_space<vmem_shared>>)
        tpu.yield
      }) : () -> ()
      %scan3A_648 = arith.constant 0 : i32
      scf.yield %scan3A_648 : i32
    }
    %scan3A_229 = arith.constant 79 : i32
    %dma_wait3A_230 = arith.constant 0 : i32
    %dma_wait3A_231 = arith.constant 0 : i32
    %dma_wait3A_232 = arith.constant 0 : i32
    %dma_wait3A_233 = arith.constant 0 : i32
    %dma_wait3A_234 = arith.constant 0 : i32
    %dma_wait3A_235 = tpu.memref_slice %arg9[%dma_wait3A_232, %dma_wait3A_233, %dma_wait3A_234] : memref<2x128x64xf32, #tpu.memory_space<vmem>> -> memref<1x128x64xf32, #tpu.memory_space<vmem>>
    %dma_wait3A_236 = tpu.memref_squeeze %dma_wait3A_235 : memref<1x128x64xf32, #tpu.memory_space<vmem>> -> memref<128x64xf32, #tpu.memory_space<vmem>>
    %dma_wait3A_237 = arith.constant 0 : i32
    %dma_wait3A_238 = tpu.memref_slice %arg7[%dma_wait3A_230, %dma_wait3A_231, %dma_wait3A_237] : memref<2x2x128xi32, #tpu.memory_space<vmem>> -> memref<1x1x128xi32, #tpu.memory_space<vmem>>
    %dma_wait3A_239 = tpu.memref_squeeze %dma_wait3A_238 : memref<1x1x128xi32, #tpu.memory_space<vmem>> -> memref<128xi32, #tpu.memory_space<vmem>>
    %dma_wait3A_240 = arith.constant 0 : i32
    %dma_wait3A_241 = arith.constant 0 : i32
    %dma_wait3A_242 = tpu.memref_slice %arg6[%dma_wait3A_240, %dma_wait3A_241] : memref<10240x64xf32, #tpu.memory_space<vmem_shared>> -> memref<10240x64xf32, #tpu.memory_space<vmem_shared>>
    tpu.wait_indirect_dma semaphore(%arg10 : memref<!tpu.dma_semaphore, #tpu.memory_space<semaphore_mem>>) src(%dma_wait3A_242 : memref<10240x64xf32, #tpu.memory_space<vmem_shared>>) dst(%dma_wait3A_236 : memref<128x64xf32, #tpu.memory_space<vmem>>)
    %run_scoped3A = arith.constant 0 : i32
    %run_scoped3A_243 = arith.constant 0 : i32
    "tpu.region"() ({
      %run_scoped3A_268 = tpu.sem_alloc : memref<!tpu.dma_semaphore, #tpu.memory_space<semaphore_mem>>
      %dma_start3A_269 = arith.constant 0 : i32
      %dma_start3A_270 = arith.constant 0 : i32
      %dma_start3A_271 = tpu.memref_slice %arg9[%run_scoped3A, %dma_start3A_269, %dma_start3A_270] : memref<2x128x64xf32, #tpu.memory_space<vmem>> -> memref<1x128x64xf32, #tpu.memory_space<vmem>>
      %dma_start3A_272 = tpu.memref_squeeze %dma_start3A_271 : memref<1x128x64xf32, #tpu.memory_space<vmem>> -> memref<128x64xf32, #tpu.memory_space<vmem>>
      %dma_start3A_273 = arith.constant 0 : i32
      %dma_start3A_274 = tpu.memref_slice %arg8[%run_scoped3A_243, %dma_start3A_273] : memref<2x128xi32, #tpu.memory_space<vmem>> -> memref<1x128xi32, #tpu.memory_space<vmem>>
      %dma_start3A_275 = tpu.memref_squeeze %dma_start3A_274 : memref<1x128xi32, #tpu.memory_space<vmem>> -> memref<128xi32, #tpu.memory_space<vmem>>
      %dma_start3A_276 = arith.constant 0 : i32
      %dma_start3A_277 = arith.constant 0 : i32
      %dma_start3A_278 = tpu.memref_slice %arg5[%dma_start3A_276, %dma_start3A_277] : memref<10240x64xf32, #tpu.memory_space<vmem_shared>> -> memref<10240x64xf32, #tpu.memory_space<vmem_shared>>
      tpu.enqueue_indirect_dma source(%dma_start3A_272 : memref<128x64xf32, #tpu.memory_space<vmem>>) target(%dma_start3A_278 : memref<10240x64xf32, #tpu.memory_space<vmem_shared>>) offsets(%dma_start3A_275 : memref<128xi32, #tpu.memory_space<vmem>>) semaphore(%run_scoped3A_268 : memref<!tpu.dma_semaphore, #tpu.memory_space<semaphore_mem>>) {add = true}
      %dma_wait3A_279 = arith.constant 0 : i32
      %dma_wait3A_280 = arith.constant 0 : i32
      %dma_wait3A_281 = tpu.memref_slice %arg9[%run_scoped3A, %dma_wait3A_279, %dma_wait3A_280] : memref<2x128x64xf32, #tpu.memory_space<vmem>> -> memref<1x128x64xf32, #tpu.memory_space<vmem>>
      %dma_wait3A_282 = tpu.memref_squeeze %dma_wait3A_281 : memref<1x128x64xf32, #tpu.memory_space<vmem>> -> memref<128x64xf32, #tpu.memory_space<vmem>>
      %dma_wait3A_283 = arith.constant 0 : i32
      %dma_wait3A_284 = tpu.memref_slice %arg8[%run_scoped3A_243, %dma_wait3A_283] : memref<2x128xi32, #tpu.memory_space<vmem>> -> memref<1x128xi32, #tpu.memory_space<vmem>>
      %dma_wait3A_285 = tpu.memref_squeeze %dma_wait3A_284 : memref<1x128xi32, #tpu.memory_space<vmem>> -> memref<128xi32, #tpu.memory_space<vmem>>
      %dma_wait3A_286 = arith.constant 0 : i32
      %dma_wait3A_287 = arith.constant 0 : i32
      %dma_wait3A_288 = tpu.memref_slice %arg5[%dma_wait3A_286, %dma_wait3A_287] : memref<10240x64xf32, #tpu.memory_space<vmem_shared>> -> memref<10240x64xf32, #tpu.memory_space<vmem_shared>>
      tpu.wait_indirect_dma semaphore(%run_scoped3A_268 : memref<!tpu.dma_semaphore, #tpu.memory_space<semaphore_mem>>) src(%dma_wait3A_282 : memref<128x64xf32, #tpu.memory_space<vmem>>) dst(%dma_wait3A_288 : memref<10240x64xf32, #tpu.memory_space<vmem_shared>>)
      tpu.yield
    }) : () -> ()
    %dma_wait3A_244 = arith.constant 0 : i32
    %dma_wait3A_245 = arith.constant 0 : i32
    %dma_wait3A_246 = arith.constant 1 : i32
    %dma_wait3A_247 = arith.constant 0 : i32
    %dma_wait3A_248 = arith.constant 0 : i32
    %dma_wait3A_249 = tpu.memref_slice %arg7[%dma_wait3A_246, %dma_wait3A_247, %dma_wait3A_248] : memref<2x2x128xi32, #tpu.memory_space<vmem>> -> memref<1x2x128xi32, #tpu.memory_space<vmem>>
    %dma_wait3A_250 = tpu.memref_squeeze %dma_wait3A_249 : memref<1x2x128xi32, #tpu.memory_space<vmem>> -> memref<2x128xi32, #tpu.memory_space<vmem>>
    %dma_wait3A_251 = arith.constant 0 : i32
    %dma_wait3A_252 = arith.constant 0 : i32
    %dma_wait3A_253 = tpu.memref_slice %arg3[%dma_wait3A_244, %dma_wait3A_245, %dma_wait3A_251, %dma_wait3A_252] : memref<32x80x2x128xi32, #tpu.memory_space<hbm>> -> memref<1x1x2x128xi32, #tpu.memory_space<hbm>>
    %dma_wait3A_254 = tpu.memref_squeeze %dma_wait3A_253 : memref<1x1x2x128xi32, #tpu.memory_space<hbm>> -> memref<2x128xi32, #tpu.memory_space<hbm>>
    %dma_wait3A_255 = arith.constant 0 : i32
    %dma_wait3A_256 = arith.constant 0 : i32
    %dma_wait3A_257 = tpu.memref_slice %arg7[%dma_wait3A_246, %dma_wait3A_255, %dma_wait3A_256] : memref<2x2x128xi32, #tpu.memory_space<vmem>> -> memref<1x2x128xi32, #tpu.memory_space<vmem>>
    %dma_wait3A_258 = tpu.memref_squeeze %dma_wait3A_257 : memref<1x2x128xi32, #tpu.memory_space<vmem>> -> memref<2x128xi32, #tpu.memory_space<vmem>>
    %dma_wait3A_259 = arith.constant 0 : i32
    %dma_wait3A_260 = arith.constant 0 : i32
    %dma_wait3A_261 = tpu.memref_slice %arg3[%dma_wait3A_244, %dma_wait3A_245, %dma_wait3A_259, %dma_wait3A_260] : memref<32x80x2x128xi32, #tpu.memory_space<hbm>> -> memref<1x1x2x128xi32, #tpu.memory_space<hbm>>
    %dma_wait3A_262 = tpu.memref_squeeze %dma_wait3A_261 : memref<1x1x2x128xi32, #tpu.memory_space<hbm>> -> memref<2x128xi32, #tpu.memory_space<hbm>>
    tpu.wait_dma2 semaphore(%arg13 : memref<!tpu.dma_semaphore, #tpu.memory_space<semaphore_mem>>) src(%dma_wait3A_262 : memref<2x128xi32, #tpu.memory_space<hbm>>) dst(%dma_wait3A_258 : memref<2x128xi32, #tpu.memory_space<vmem>>)
    %barrier3A_263 = arith.constant 0 : index
    tpu.barrier barrier_id(%barrier3A_263)
    %mul3A_264 = arith.constant 640 : i32
    %mul3A_265 = arith.muli %arg1, %mul3A_264 : i32
    %mul3A_266 = arith.constant 640 : i32
    %mul3A_267 = arith.muli %arg1, %mul3A_266 : i32
    "tpu.region"() ({
      %run_scoped3A_268 = tpu.sem_alloc : memref<!tpu.dma_semaphore, #tpu.memory_space<semaphore_mem>>
      %dma_start3A_269 = arith.constant 0 : i32
      %dma_start3A_270 = tpu.memref_slice %arg4[%arg0, %mul3A_267, %dma_start3A_269] : memref<2x10240x64xf32, #tpu.memory_space<hbm>> -> memref<1x640x64xf32, #tpu.memory_space<hbm>>
      %dma_start3A_271 = tpu.memref_squeeze %dma_start3A_270 : memref<1x640x64xf32, #tpu.memory_space<hbm>> -> memref<640x64xf32, #tpu.memory_space<hbm>>
      %dma_start3A_272 = arith.constant 0 : i32
      %dma_start3A_273 = tpu.memref_slice %arg5[%mul3A_265, %dma_start3A_272] : memref<10240x64xf32, #tpu.memory_space<vmem_shared>> -> memref<640x64xf32, #tpu.memory_space<vmem_shared>>
      tpu.enqueue_dma source(%dma_start3A_273 : memref<640x64xf32, #tpu.memory_space<vmem_shared>>) target(%dma_start3A_271 : memref<640x64xf32, #tpu.memory_space<hbm>>) target_semaphore(%run_scoped3A_268 : memref<!tpu.dma_semaphore, #tpu.memory_space<semaphore_mem>>)
      %dma_wait3A_274 = arith.constant 0 : i32
      %dma_wait3A_275 = tpu.memref_slice %arg4[%arg0, %mul3A_267, %dma_wait3A_274] : memref<2x10240x64xf32, #tpu.memory_space<hbm>> -> memref<1x640x64xf32, #tpu.memory_space<hbm>>
      %dma_wait3A_276 = tpu.memref_squeeze %dma_wait3A_275 : memref<1x640x64xf32, #tpu.memory_space<hbm>> -> memref<640x64xf32, #tpu.memory_space<hbm>>
      %dma_wait3A_277 = arith.constant 0 : i32
      %dma_wait3A_278 = tpu.memref_slice %arg5[%mul3A_265, %dma_wait3A_277] : memref<10240x64xf32, #tpu.memory_space<vmem_shared>> -> memref<640x64xf32, #tpu.memory_space<vmem_shared>>
      tpu.wait_dma2 semaphore(%run_scoped3A_268 : memref<!tpu.dma_semaphore, #tpu.memory_space<semaphore_mem>>) src(%dma_wait3A_278 : memref<640x64xf32, #tpu.memory_space<vmem_shared>>) dst(%dma_wait3A_276 : memref<640x64xf32, #tpu.memory_space<hbm>>)
      tpu.yield
    }) : () -> ()
    return
  }
}

module attributes {stable_mosaic.version = 14 : i64} {
  func.func @body(%arg0: memref<10240x128xf32, #tpu.memory_space<vmem>>, %arg1: memref<2x10240x16xf32, #tpu.memory_space<vmem>>, %arg2: memref<128x128xf32, #tpu.memory_space<vmem>>, %arg3: memref<2x10240x64xf32, #tpu.memory_space<vmem>>) attributes {dimension_semantics = [], scalar_prefetch = 0 : i64, scratch_operands = 0 : i64, tpu.core_type = #tpu.core_type<tc>} {
    %get3A = arith.constant 0 : index
    %get3A_0 = arith.constant 0 : index
    %get3A_1 = arith.constant 0 : index
    %get3A_2 = vector.load %arg1[%get3A, %get3A_0, %get3A_1] : memref<2x10240x16xf32, #tpu.memory_space<vmem>>, vector<1x10240x16xf32>
    %get3A_3 = vector.shape_cast %get3A_2 : vector<1x10240x16xf32> to vector<10240x16xf32>
    %slice3A = vector.extract_strided_slice %get3A_3 {offsets = [0, 0], sizes = [10240, 1], strides = [1, 1]} : vector<10240x16xf32> to vector<10240x1xf32>
    %get3A_4 = arith.constant 1 : index
    %get3A_5 = arith.constant 0 : index
    %get3A_6 = arith.constant 0 : index
    %get3A_7 = vector.load %arg1[%get3A_4, %get3A_5, %get3A_6] : memref<2x10240x16xf32, #tpu.memory_space<vmem>>, vector<1x10240x16xf32>
    %get3A_8 = vector.shape_cast %get3A_7 : vector<1x10240x16xf32> to vector<10240x16xf32>
    %slice3A_9 = vector.extract_strided_slice %get3A_8 {offsets = [0, 0], sizes = [10240, 1], strides = [1, 1]} : vector<10240x16xf32> to vector<10240x1xf32>
    %add3A = arith.addf %slice3A, %slice3A_9 : vector<10240x1xf32>
    %add3A_10 = arith.constant 1.000000e+00 : f32
    %add3A_11 = vector.broadcast %add3A_10 : f32 to vector<10240x1xf32>
    %add3A_12 = arith.addf %add3A, %add3A_11 : vector<10240x1xf32>
    %rsqrt3A = math.rsqrt %add3A_12 : vector<10240x1xf32>
    %get3A_13 = arith.constant 0 : index
    %get3A_14 = arith.constant 0 : index
    %get3A_15 = vector.load %arg0[%get3A_13, %get3A_14] : memref<10240x128xf32, #tpu.memory_space<vmem>>, vector<10240x128xf32>
    %get3A_16 = arith.constant 0 : index
    %get3A_17 = arith.constant 0 : index
    %get3A_18 = vector.load %arg2[%get3A_16, %get3A_17] : memref<128x128xf32, #tpu.memory_space<vmem>>, vector<128x128xf32>
    %dot_general3A = arith.constant dense<0.000000e+00> : vector<10240x128xf32>
    %dot_general3A_19 = tpu.matmul %get3A_15, %get3A_18, %dot_general3A {dimension_numbers = #tpu.dot_dimension_numbers<[1], [1], [0], [0], [0, 0, 1, 0], [], []>, transpose_lhs_hint = false} : vector<10240x128xf32>, vector<128x128xf32>, vector<10240x128xf32> -> vector<10240x128xf32>
    %mul3A = vector.broadcast %rsqrt3A : vector<10240x1xf32> to vector<10240x128xf32>
    %mul3A_20 = arith.mulf %mul3A, %dot_general3A_19 : vector<10240x128xf32>
    %slice3A_21 = vector.extract_strided_slice %mul3A_20 {offsets = [0, 0], sizes = [10240, 64], strides = [1, 1]} : vector<10240x128xf32> to vector<10240x64xf32>
    %swap3A = arith.constant 0 : index
    %swap3A_22 = arith.constant 0 : index
    %swap3A_23 = arith.constant 0 : index
    %swap3A_24 = vector.load %arg3[%swap3A, %swap3A_22, %swap3A_23] : memref<2x10240x64xf32, #tpu.memory_space<vmem>>, vector<1x10240x64xf32>
    %swap3A_25 = vector.shape_cast %swap3A_24 : vector<1x10240x64xf32> to vector<10240x64xf32>
    %swap3A_26 = vector.shape_cast %slice3A_21 : vector<10240x64xf32> to vector<1x10240x64xf32>
    tpu.vector_store %arg3[%swap3A, %swap3A_22, %swap3A_23], %swap3A_26 {strides = array<i32>} : memref<2x10240x64xf32, #tpu.memory_space<vmem>>, vector<1x10240x64xf32>,
    %slice3A_27 = vector.extract_strided_slice %mul3A_20 {offsets = [0, 64], sizes = [10240, 64], strides = [1, 1]} : vector<10240x128xf32> to vector<10240x64xf32>
    %swap3A_28 = arith.constant 1 : index
    %swap3A_29 = arith.constant 0 : index
    %swap3A_30 = arith.constant 0 : index
    %swap3A_31 = vector.load %arg3[%swap3A_28, %swap3A_29, %swap3A_30] : memref<2x10240x64xf32, #tpu.memory_space<vmem>>, vector<1x10240x64xf32>
    %swap3A_32 = vector.shape_cast %swap3A_31 : vector<1x10240x64xf32> to vector<10240x64xf32>
    %swap3A_33 = vector.shape_cast %slice3A_27 : vector<10240x64xf32> to vector<1x10240x64xf32>
    tpu.vector_store %arg3[%swap3A_28, %swap3A_29, %swap3A_30], %swap3A_33 {strides = array<i32>} : memref<2x10240x64xf32, #tpu.memory_space<vmem>>, vector<1x10240x64xf32>,
    return
  }
}

module attributes {stable_mosaic.version = 14 : i64} {
  func.func @body(%arg0: memref<2x10240x64xf32, #tpu.memory_space<vmem>>, %arg1: memref<2x10240x64xf32, #tpu.memory_space<vmem>>, %arg2: memref<2x10240x16xf32, #tpu.memory_space<vmem>>, %arg3: memref<1x128xf32, #tpu.memory_space<vmem>>, %arg4: memref<128x128xf32, #tpu.memory_space<vmem>>, %arg5: memref<2x10240x64xf32, #tpu.memory_space<vmem>>) attributes {dimension_semantics = [], scalar_prefetch = 0 : i64, scratch_operands = 0 : i64, tpu.core_type = #tpu.core_type<tc>} {
    %get3A = arith.constant 0 : index
    %get3A_0 = arith.constant 0 : index
    %get3A_1 = arith.constant 0 : index
    %get3A_2 = vector.load %arg2[%get3A, %get3A_0, %get3A_1] : memref<2x10240x16xf32, #tpu.memory_space<vmem>>, vector<1x10240x16xf32>
    %get3A_3 = vector.shape_cast %get3A_2 : vector<1x10240x16xf32> to vector<10240x16xf32>
    %slice3A = vector.extract_strided_slice %get3A_3 {offsets = [0, 0], sizes = [10240, 1], strides = [1, 1]} : vector<10240x16xf32> to vector<10240x1xf32>
    %get3A_4 = arith.constant 1 : index
    %get3A_5 = arith.constant 0 : index
    %get3A_6 = arith.constant 0 : index
    %get3A_7 = vector.load %arg2[%get3A_4, %get3A_5, %get3A_6] : memref<2x10240x16xf32, #tpu.memory_space<vmem>>, vector<1x10240x16xf32>
    %get3A_8 = vector.shape_cast %get3A_7 : vector<1x10240x16xf32> to vector<10240x16xf32>
    %slice3A_9 = vector.extract_strided_slice %get3A_8 {offsets = [0, 0], sizes = [10240, 1], strides = [1, 1]} : vector<10240x16xf32> to vector<10240x1xf32>
    %add3A = arith.addf %slice3A, %slice3A_9 : vector<10240x1xf32>
    %add3A_10 = arith.constant 1.000000e+00 : f32
    %add3A_11 = vector.broadcast %add3A_10 : f32 to vector<10240x1xf32>
    %add3A_12 = arith.addf %add3A, %add3A_11 : vector<10240x1xf32>
    %rsqrt3A = math.rsqrt %add3A_12 : vector<10240x1xf32>
    %get3A_13 = arith.constant 0 : index
    %get3A_14 = arith.constant 0 : index
    %get3A_15 = arith.constant 0 : index
    %get3A_16 = vector.load %arg0[%get3A_13, %get3A_14, %get3A_15] : memref<2x10240x64xf32, #tpu.memory_space<vmem>>, vector<1x10240x64xf32>
    %get3A_17 = vector.shape_cast %get3A_16 : vector<1x10240x64xf32> to vector<10240x64xf32>
    %get3A_18 = arith.constant 0 : index
    %get3A_19 = arith.constant 0 : index
    %get3A_20 = arith.constant 0 : index
    %get3A_21 = vector.load %arg1[%get3A_18, %get3A_19, %get3A_20] : memref<2x10240x64xf32, #tpu.memory_space<vmem>>, vector<1x10240x64xf32>
    %get3A_22 = vector.shape_cast %get3A_21 : vector<1x10240x64xf32> to vector<10240x64xf32>
    %add3A_23 = arith.addf %get3A_17, %get3A_22 : vector<10240x64xf32>
    %get3A_24 = arith.constant 1 : index
    %get3A_25 = arith.constant 0 : index
    %get3A_26 = arith.constant 0 : index
    %get3A_27 = vector.load %arg0[%get3A_24, %get3A_25, %get3A_26] : memref<2x10240x64xf32, #tpu.memory_space<vmem>>, vector<1x10240x64xf32>
    %get3A_28 = vector.shape_cast %get3A_27 : vector<1x10240x64xf32> to vector<10240x64xf32>
    %get3A_29 = arith.constant 1 : index
    %get3A_30 = arith.constant 0 : index
    %get3A_31 = arith.constant 0 : index
    %get3A_32 = vector.load %arg1[%get3A_29, %get3A_30, %get3A_31] : memref<2x10240x64xf32, #tpu.memory_space<vmem>>, vector<1x10240x64xf32>
    %get3A_33 = vector.shape_cast %get3A_32 : vector<1x10240x64xf32> to vector<10240x64xf32>
    %add3A_34 = arith.addf %get3A_28, %get3A_33 : vector<10240x64xf32>
    %concatenate3A = tpu.concatenate %add3A_23, %add3A_34 in 1 : vector<10240x64xf32>, vector<10240x64xf32> -> vector<10240x128xf32>
    %mul3A = vector.broadcast %rsqrt3A : vector<10240x1xf32> to vector<10240x128xf32>
    %mul3A_35 = arith.mulf %mul3A, %concatenate3A : vector<10240x128xf32>
    %get3A_36 = arith.constant 0 : index
    %get3A_37 = arith.constant 0 : index
    %get3A_38 = vector.load %arg3[%get3A_36, %get3A_37] : memref<1x128xf32, #tpu.memory_space<vmem>>, vector<1x128xf32>
    %add3A_39 = vector.broadcast %get3A_38 : vector<1x128xf32> to vector<10240x128xf32>
    %add3A_40 = arith.addf %mul3A_35, %add3A_39 : vector<10240x128xf32>
    %gt3A = arith.constant 0.000000e+00 : f32
    %gt3A_41 = vector.broadcast %gt3A : f32 to vector<10240x128xf32>
    %gt3A_42 = arith.cmpf ogt, %add3A_40, %gt3A_41 : vector<10240x128xf32>
    %exp3A = math.exp %add3A_40 : vector<10240x128xf32>
    %sub3A = arith.constant 1.000000e+00 : f32
    %sub3A_43 = vector.broadcast %sub3A : f32 to vector<10240x128xf32>
    %sub3A_44 = arith.subf %exp3A, %sub3A_43 : vector<10240x128xf32>
    %mul3A_45 = arith.constant 1.67326319 : f32
    %mul3A_46 = vector.broadcast %mul3A_45 : f32 to vector<10240x128xf32>
    %mul3A_47 = arith.mulf %mul3A_46, %sub3A_44 : vector<10240x128xf32>
    %select_n3A = arith.select %gt3A_42, %add3A_40, %mul3A_47 : vector<10240x128xi1>, vector<10240x128xf32>
    %mul3A_48 = arith.constant 1.05070102 : f32
    %mul3A_49 = vector.broadcast %mul3A_48 : f32 to vector<10240x128xf32>
    %mul3A_50 = arith.mulf %mul3A_49, %select_n3A : vector<10240x128xf32>
    %get3A_51 = arith.constant 0 : index
    %get3A_52 = arith.constant 0 : index
    %get3A_53 = vector.load %arg4[%get3A_51, %get3A_52] : memref<128x128xf32, #tpu.memory_space<vmem>>, vector<128x128xf32>
    %dot_general3A = arith.constant dense<0.000000e+00> : vector<10240x128xf32>
    %dot_general3A_54 = tpu.matmul %mul3A_50, %get3A_53, %dot_general3A {dimension_numbers = #tpu.dot_dimension_numbers<[1], [1], [0], [0], [0, 0, 1, 0], [], []>, transpose_lhs_hint = false} : vector<10240x128xf32>, vector<128x128xf32>, vector<10240x128xf32> -> vector<10240x128xf32>
    %iota3A = tpu.iota {dimensions = array<i32: 0>} : vector<10240x1xi32>
    %lt3A = arith.constant 10000 : i32
    %lt3A_55 = vector.broadcast %lt3A : i32 to vector<10240x1xi32>
    %lt3A_56 = arith.cmpi slt, %iota3A, %lt3A_55 : vector<10240x1xi32>
    %mul3A_57 = vector.broadcast %rsqrt3A : vector<10240x1xf32> to vector<10240x128xf32>
    %mul3A_58 = arith.mulf %mul3A_57, %dot_general3A_54 : vector<10240x128xf32>
    %jit3A = arith.constant 0.000000e+00 : f32
    %broadcast_in_dim3A = vector.shape_cast %lt3A_56 : vector<10240x1xi1> to vector<10240x1xi1>
    %broadcast_in_dim3A_59 = vector.broadcast %broadcast_in_dim3A : vector<10240x1xi1> to vector<10240x128xi1>
    %broadcast_in_dim3A_60 = vector.broadcast %jit3A : f32 to vector<10240x128xf32>
    %select_n3A_61 = arith.select %broadcast_in_dim3A_59, %mul3A_58, %broadcast_in_dim3A_60 : vector<10240x128xi1>, vector<10240x128xf32>
    %slice3A_62 = vector.extract_strided_slice %select_n3A_61 {offsets = [0, 0], sizes = [10240, 64], strides = [1, 1]} : vector<10240x128xf32> to vector<10240x64xf32>
    %swap3A = arith.constant 0 : index
    %swap3A_63 = arith.constant 0 : index
    %swap3A_64 = arith.constant 0 : index
    %swap3A_65 = vector.load %arg5[%swap3A, %swap3A_63, %swap3A_64] : memref<2x10240x64xf32, #tpu.memory_space<vmem>>, vector<1x10240x64xf32>
    %swap3A_66 = vector.shape_cast %swap3A_65 : vector<1x10240x64xf32> to vector<10240x64xf32>
    %swap3A_67 = vector.shape_cast %slice3A_62 : vector<10240x64xf32> to vector<1x10240x64xf32>
    tpu.vector_store %arg5[%swap3A, %swap3A_63, %swap3A_64], %swap3A_67 {strides = array<i32>} : memref<2x10240x64xf32, #tpu.memory_space<vmem>>, vector<1x10240x64xf32>,
    %slice3A_68 = vector.extract_strided_slice %select_n3A_61 {offsets = [0, 64], sizes = [10240, 64], strides = [1, 1]} : vector<10240x128xf32> to vector<10240x64xf32>
    %swap3A_69 = arith.constant 1 : index
    %swap3A_70 = arith.constant 0 : index
    %swap3A_71 = arith.constant 0 : index
    %swap3A_72 = vector.load %arg5[%swap3A_69, %swap3A_70, %swap3A_71] : memref<2x10240x64xf32, #tpu.memory_space<vmem>>, vector<1x10240x64xf32>
    %swap3A_73 = vector.shape_cast %swap3A_72 : vector<1x10240x64xf32> to vector<10240x64xf32>
    %swap3A_74 = vector.shape_cast %slice3A_68 : vector<10240x64xf32> to vector<1x10240x64xf32>
    tpu.vector_store %arg5[%swap3A_69, %swap3A_70, %swap3A_71], %swap3A_74 {strides = array<i32>} : memref<2x10240x64xf32, #tpu.memory_space<vmem>>, vector<1x10240x64xf32>,
    return
  }
}

module attributes {stable_mosaic.version = 14 : i64} {
  func.func @body(%arg0: memref<2x10240x64xf32, #tpu.memory_space<vmem>>, %arg1: memref<2x10240x64xf32, #tpu.memory_space<vmem>>, %arg2: memref<2x10240x16xf32, #tpu.memory_space<vmem>>, %arg3: memref<1x128xf32, #tpu.memory_space<vmem>>, %arg4: memref<10240x128xf32, #tpu.memory_space<vmem>>) attributes {dimension_semantics = [], scalar_prefetch = 0 : i64, scratch_operands = 0 : i64, tpu.core_type = #tpu.core_type<tc>} {
    %get3A = arith.constant 0 : index
    %get3A_0 = arith.constant 0 : index
    %get3A_1 = arith.constant 0 : index
    %get3A_2 = vector.load %arg2[%get3A, %get3A_0, %get3A_1] : memref<2x10240x16xf32, #tpu.memory_space<vmem>>, vector<1x10240x16xf32>
    %get3A_3 = vector.shape_cast %get3A_2 : vector<1x10240x16xf32> to vector<10240x16xf32>
    %slice3A = vector.extract_strided_slice %get3A_3 {offsets = [0, 0], sizes = [10240, 1], strides = [1, 1]} : vector<10240x16xf32> to vector<10240x1xf32>
    %get3A_4 = arith.constant 1 : index
    %get3A_5 = arith.constant 0 : index
    %get3A_6 = arith.constant 0 : index
    %get3A_7 = vector.load %arg2[%get3A_4, %get3A_5, %get3A_6] : memref<2x10240x16xf32, #tpu.memory_space<vmem>>, vector<1x10240x16xf32>
    %get3A_8 = vector.shape_cast %get3A_7 : vector<1x10240x16xf32> to vector<10240x16xf32>
    %slice3A_9 = vector.extract_strided_slice %get3A_8 {offsets = [0, 0], sizes = [10240, 1], strides = [1, 1]} : vector<10240x16xf32> to vector<10240x1xf32>
    %add3A = arith.addf %slice3A, %slice3A_9 : vector<10240x1xf32>
    %add3A_10 = arith.constant 1.000000e+00 : f32
    %add3A_11 = vector.broadcast %add3A_10 : f32 to vector<10240x1xf32>
    %add3A_12 = arith.addf %add3A, %add3A_11 : vector<10240x1xf32>
    %rsqrt3A = math.rsqrt %add3A_12 : vector<10240x1xf32>
    %get3A_13 = arith.constant 0 : index
    %get3A_14 = arith.constant 0 : index
    %get3A_15 = arith.constant 0 : index
    %get3A_16 = vector.load %arg0[%get3A_13, %get3A_14, %get3A_15] : memref<2x10240x64xf32, #tpu.memory_space<vmem>>, vector<1x10240x64xf32>
    %get3A_17 = vector.shape_cast %get3A_16 : vector<1x10240x64xf32> to vector<10240x64xf32>
    %get3A_18 = arith.constant 0 : index
    %get3A_19 = arith.constant 0 : index
    %get3A_20 = arith.constant 0 : index
    %get3A_21 = vector.load %arg1[%get3A_18, %get3A_19, %get3A_20] : memref<2x10240x64xf32, #tpu.memory_space<vmem>>, vector<1x10240x64xf32>
    %get3A_22 = vector.shape_cast %get3A_21 : vector<1x10240x64xf32> to vector<10240x64xf32>
    %add3A_23 = arith.addf %get3A_17, %get3A_22 : vector<10240x64xf32>
    %get3A_24 = arith.constant 1 : index
    %get3A_25 = arith.constant 0 : index
    %get3A_26 = arith.constant 0 : index
    %get3A_27 = vector.load %arg0[%get3A_24, %get3A_25, %get3A_26] : memref<2x10240x64xf32, #tpu.memory_space<vmem>>, vector<1x10240x64xf32>
    %get3A_28 = vector.shape_cast %get3A_27 : vector<1x10240x64xf32> to vector<10240x64xf32>
    %get3A_29 = arith.constant 1 : index
    %get3A_30 = arith.constant 0 : index
    %get3A_31 = arith.constant 0 : index
    %get3A_32 = vector.load %arg1[%get3A_29, %get3A_30, %get3A_31] : memref<2x10240x64xf32, #tpu.memory_space<vmem>>, vector<1x10240x64xf32>
    %get3A_33 = vector.shape_cast %get3A_32 : vector<1x10240x64xf32> to vector<10240x64xf32>
    %add3A_34 = arith.addf %get3A_28, %get3A_33 : vector<10240x64xf32>
    %concatenate3A = tpu.concatenate %add3A_23, %add3A_34 in 1 : vector<10240x64xf32>, vector<10240x64xf32> -> vector<10240x128xf32>
    %mul3A = vector.broadcast %rsqrt3A : vector<10240x1xf32> to vector<10240x128xf32>
    %mul3A_35 = arith.mulf %mul3A, %concatenate3A : vector<10240x128xf32>
    %get3A_36 = arith.constant 0 : index
    %get3A_37 = arith.constant 0 : index
    %get3A_38 = vector.load %arg3[%get3A_36, %get3A_37] : memref<1x128xf32, #tpu.memory_space<vmem>>, vector<1x128xf32>
    %add3A_39 = vector.broadcast %get3A_38 : vector<1x128xf32> to vector<10240x128xf32>
    %add3A_40 = arith.addf %mul3A_35, %add3A_39 : vector<10240x128xf32>
    %mul3A_41 = arith.mulf %add3A_40, %add3A_40 : vector<10240x128xf32>
    %reduce_sum3A = arith.constant dense<0.000000e+00> : vector<10240xf32>
    %reduce_sum3A_42 = vector.multi_reduction <add>, %mul3A_41, %reduce_sum3A [1] : vector<10240x128xf32> to vector<10240xf32>
    %broadcast_in_dim3A = vector.shape_cast %reduce_sum3A_42 : vector<10240xf32> to vector<10240x1xf32>
    %sqrt3A = math.sqrt %broadcast_in_dim3A : vector<10240x1xf32>
    %max3A = arith.constant 9.99999996E-13 : f32
    %max3A_43 = vector.broadcast %max3A : f32 to vector<10240x1xf32>
    %max3A_44 = arith.maximumf %sqrt3A, %max3A_43 : vector<10240x1xf32>
    %div3A = vector.broadcast %max3A_44 : vector<10240x1xf32> to vector<10240x128xf32>
    %div3A_45 = arith.divf %add3A_40, %div3A : vector<10240x128xf32>
    %swap3A = arith.constant 0 : index
    %swap3A_46 = arith.constant 0 : index
    %swap3A_47 = vector.load %arg4[%swap3A, %swap3A_46] : memref<10240x128xf32, #tpu.memory_space<vmem>>, vector<10240x128xf32>
    tpu.vector_store %arg4[%swap3A, %swap3A_46], %div3A_45 {strides = array<i32>} : memref<10240x128xf32, #tpu.memory_space<vmem>>, vector<10240x128xf32>,
    return
  }
}

</mosaic_0001>

<sc_bundles>
// kernel: kernel.12.cloned.1.call-start
scs
__scs_entry_jumppad:
0x0: {  	(pc) =	sbr.rel $0x88, $3  }
0x1: {  	(tag) =	ssettag $0x0;
	lr =	simm.s32 $0x1  }
0x2: {  	[smem:$0x3F97] =	sst lr;
	_ =	strace $0xD0000000  }
0x3: {  	_ = 	snop  }
0x4: {  	_ = 	snop  }
0x5: {  	_ = 	snop  }
0x6: {  	_ = 	snop  }
0x7: {  	_ = 	snop  }
__scs_overlays_trampoline_lowered:
0x8: {  	[smem:$0x3FA6] =	sst s0  }
0x9: {  	[smem:$0x3FA7] =	sst s1  }
0xa: {  	[smem:$0x3FA8] =	sst s2  }
0xb: {  	[smem:$0x3FA9] =	sst s3  }
0xc: {  	[smem:$0x3FAA] =	sst s4  }
0xd: {  	[smem:$0x3FAB] =	sst s5  }
0xe: {  	[smem:$0x3FAC] =	sst s6  }
0xf: {  	[smem:$0x3FAD] =	sst s7  }
0x10: {  	[smem:$0x3FAE] =	sst s8  }
0x11: {  	[smem:$0x3FAF] =	sst s9;
	s0 =	simm.s32 @!p0 $0x0  }
0x12: {  	s1 =	sld [smem:$0x3F95];
	s0 =	simm.s32 @p0 $0x1  }
0x13: {  	[smem:$0x3FB0] =	sst s0;
	s0 =	simm.s32 @!p1 $0x0  }
0x14: {  	s2 =	sld [smem:$0x3F94];
	s0 =	simm.s32 @p1 $0x1  }
0x15: {  	[smem:$0x3FB1] =	sst s0;
	s0 =	simm.s32 @!p2 $0x0  }
0x16: {  	s3 =	sld [smem:$0x3FDB];
	s0 =	simm.s32 @p2 $0x1  }
0x17: {  	s4 =	simm.s32 $0x1BF5;
	[smem:$0x3FB3] =	sst s0  }
0x18: {  	s0 =	sld [smem:$0x3F96];
	_ =	swait.ge [sflag:s4], $0x0  }
0x19: {  	s7 =	sld [smem:$0x3F97]  }
0x1a: {  	s8 =	sadd.s32 $0xFFFFE003, lr  }
0x1b: {  	s9 =	sadd.s32 $0xFFFFFEF7, lr;
	s5 =	simm.s32 $0xFFFFFFFF;
	p2 =	slt.u32 s8, $0xFFFFF086  }
0x1c: {  	p1 =	slt.u32 s9, $0xF7A;
	s5 =	simm.s32 @!p2 $0x0  }
0x1d: {  	s5 =	simm.s32 @p1 $0x1;
	p0 =	seq.s32 s7, s2  }
0x1e: {  	s7 =	smul.u32 @!p0 $0xF7A, s2;
	p2 =	seq.s32 @!p0 s5, $0x0  }
0x1f: {  	s9 =	smul.u32 $0xF7A, s1;
	s8 =	simm.s32 @!p0 $0x1BF5;
	p2 =	por !p2, p0  }
0x20: {  	[sflag:s8] =	ssyncset.s32 @!p0 $0xFFFFF086;
	s6 =	sadd.s32 @!p0 s3, s7;
	s7 =	simm.s32 @!p0 $0x108  }
0x21: {  	s3 =	sadd.s32 s3, s9;
	s6 =	sadd.s32 @!p0 $0x88, s6;
	s7 =	simm.s32 @p2 $0x1082  }
0x22: {  	[simem:s7], [sflag:s8] =	dma.local @!p0 [hbm:s6], $0xF7A  }
0x23: {  	s9 =	sor.u32 $0xD0000000, s2;
	s6 =	simm.s32 $0x108;
	_ =	swait.ge @!p0 [sflag:s8], $0x0  }
0x24: {  	s3 =	sadd.s32 $0x88, s3;
	s6 =	simm.s32 @!p1 $0x1082;
	[sflag:s4] =	ssyncset.s32 $0xFFFFF086  }
0x25: {  	[simem:s6], [sflag:s4] =	dma.local [hbm:s3], $0xF7A  }
0x26: {  	[smem:$0x3F97] =	sst s1;
	(tag) =	ssettag s2;
	_ =	strace s9  }
0x27: {  	s1 =	sld [smem:$0x3FA7]  }
0x28: {  	s2 =	sld [smem:$0x3FA8]  }
0x29: {  	s4 =	sld [smem:$0x3FAA]  }
0x2a: {  	p0 =	seq.s32 s5, $0x0;
	s5 =	sld [smem:$0x3FAB]  }
0x2b: {  	s6 =	sld [smem:$0x3FAC]  }
0x2c: {  	s7 =	sld [smem:$0x3FAD]  }
0x2d: {  	s3 =	simm.s32 $0x108;
	s8 =	sld [smem:$0x3FAE]  }
0x2e: {  	s3 =	simm.s32 @!p0 $0x1082;
	s9 =	sld [smem:$0x3FAF]  }
0x2f: {  	lr =	sadd.s32 s0, s3;
	s0 =	sld [smem:$0x3FA6]  }
0x30: {  	s3 =	sld [smem:$0x3FA9]  }
0x31: {  	[smem:$0x3FB2] =	sst s10  }
0x32: {  	s10 =	sld [smem:$0x3FB0];
	_ =	sdelay $0x3  }
0x33: {  	p0 =	seq.s32 s10, $0x1;
	s10 =	sld [smem:$0x3FB2];
	_ =	sdelay $0x3  }
0x34: {  	[smem:$0x3FB2] =	sst s10  }
0x35: {  	s10 =	sld [smem:$0x3FB1];
	_ =	sdelay $0x3  }
0x36: {  	p1 =	seq.s32 s10, $0x1;
	s10 =	sld [smem:$0x3FB2];
	_ =	sdelay $0x3  }
0x37: {  	[smem:$0x3FB2] =	sst s10  }
0x38: {  	s10 =	sld [smem:$0x3FB3]  }
0x39: {  	_ = 	snop;
	(pc) =	sbr.ind lr, $3  }
0x3a: {  	_ = 	snop  }
0x3b: {  	_ = 	snop  }
0x3c: {  	p2 =	seq.s32 s10, $0x1;
	s10 =	sld [smem:$0x3FB2]  }
0x3d: {  	_ =	shalt  }
0x3e: {  	_ =	shalt  }
0x3f: {  	_ =	shalt  }
0x40: {  	_ =	shalt  }
0x41: {  	_ =	shalt  }
0x42: {  	_ =	shalt  }
0x43: {  	_ =	shalt  }
0x44: {  	_ =	shalt  }
0x45: {  	_ =	shalt  }
0x46: {  	_ =	shalt  }
0x47: {  	_ =	shalt  }
0x48: {  	_ =	shalt  }
0x49: {  	_ =	shalt  }
0x4a: {  	_ =	shalt  }
0x4b: {  	_ =	shalt  }
0x4c: {  	_ =	shalt  }
0x4d: {  	_ =	shalt  }
0x4e: {  	_ =	shalt  }
0x4f: {  	_ =	shalt  }
0x50: {  	_ =	shalt  }
0x51: {  	_ =	shalt  }
0x52: {  	_ =	shalt  }
0x53: {  	_ =	shalt  }
0x54: {  	_ =	shalt  }
0x55: {  	_ =	shalt  }
0x56: {  	_ =	shalt  }
0x57: {  	_ =	shalt  }
0x58: {  	_ =	shalt  }
0x59: {  	_ =	shalt  }
0x5a: {  	_ =	shalt  }
0x5b: {  	_ =	shalt  }
0x5c: {  	_ =	shalt  }
0x5d: {  	_ =	shalt  }
0x5e: {  	_ =	shalt  }
0x5f: {  	_ =	shalt  }
0x60: {  	_ =	shalt  }
0x61: {  	_ =	shalt  }
0x62: {  	_ =	shalt  }
0x63: {  	_ =	shalt  }
0x64: {  	_ =	shalt  }
0x65: {  	_ =	shalt  }
0x66: {  	_ =	shalt  }
0x67: {  	_ =	shalt  }
0x68: {  	_ =	shalt  }
0x69: {  	_ =	shalt  }
0x6a: {  	_ =	shalt  }
0x6b: {  	_ =	shalt  }
0x6c: {  	_ =	shalt  }
0x6d: {  	_ =	shalt  }
0x6e: {  	_ =	shalt  }
0x6f: {  	_ =	shalt  }
0x70: {  	_ =	shalt  }
0x71: {  	_ =	shalt  }
0x72: {  	_ =	shalt  }
0x73: {  	_ =	shalt  }
0x74: {  	_ =	shalt  }
0x75: {  	_ =	shalt  }
0x76: {  	_ =	shalt  }
0x77: {  	_ =	shalt  }
0x78: {  	_ =	shalt  }
0x79: {  	_ =	shalt  }
0x7a: {  	_ =	shalt  }
0x7b: {  	_ =	shalt  }
0x7c: {  	_ =	shalt  }
0x7d: {  	_ =	shalt  }
0x7e: {  	_ =	shalt  }
0x7f: {  	_ =	shalt  }
0x80: {  	_ =	shalt  }
0x81: {  	_ =	shalt  }
0x82: {  	_ =	shalt  }
0x83: {  	_ =	shalt  }
0x84: {  	_ =	shalt  }
0x85: {  	_ =	shalt  }
0x86: {  	_ =	shalt  }
0x87: {  	_ =	shalt  }
.Lfunc_end0:
.L_simem_size_0:
called_computation_lowered:
.L_overlay_start_0:
0x88: {  	s2 =	sld [smem:$0x3FD9]  }
0x89: {  	s3 =	sld [smem:$0x3FFE];
	_ =	sdelay $0x1  }
0x8a: {  	s1 =	srdreg.scid  }
0x8b: {  	s0 =	sand.u32 $0x1, s1  }
0x8c: {  	s17 =	sshll.u32 s0, $0xA;
	s2 =	sadd.s32 s3, s2  }
0x8d: {  	s2 =	sadd.s32 s2, s17  }
0x8e: {  	[smem:$0x3FBE] =	sst s2  }
0x8f: {  	_ = 	snop  }
0x90: {  	s2 =	sld [smem:$0x3FD0];
	(tm) =	ssettm $0x1  }
0x91: {  	s18 =	sld [smem:$0x3FFB];
	_ =	sdelay $0x3  }
0x92: {  	_ =	strace s18  }
0x93: {  	s3 =	sld [smem:$0x3FFC];
	_ =	sdelay $0x3  }
0x94: {  	_ =	strace s3  }
0x95: {  	s3 =	sld [smem:$0x3FFD];
	_ =	sdelay $0x3  }
0x96: {  	_ =	strace s3  }
0x97: {  	_ =	strace $0x8FFFFFFF  }
0x98: {  	s19 =	sld [smem:$0x3FDB];
	_ =	sdelay $0x1  }
0x99: {  	s4 =	simm.s32 $_scs_section_size  }
0x9a: {  	s5 =	simm.s32 $_size__tile_overlayer_lowered;
	s6 =	simm.s32 $_tile_overlayer_lowered  }
0x9b: {  	s22 =	simm.s32 $0x1BFF;
	s21 =	sshll.u32 s6, $0x1;
	s3 =	sadd.s32 s4, s19  }
0x9c: {  	s7 =	simm.s32 $0x0;
	s20 =	sshll.u32 s5, $0x1;
	s5 =	sadd.s32 s21, s3  }
0x9d: {  	[timem:s7], [sflag:s22] =	dma.local [hbm:s5], s20  }
0x9e: {  	_ =	swait.ge [sflag:s22], s20  }
0x9f: {  	s4 =	ssub.s32 $0x0, s20;
	[sflag:s22] =	ssyncset.done $0x0  }
0xa0: {  	[sflag:s22] =	ssyncadd.s32 s4;
	_ =	sdelay $0x1  }
0xa1: {  	s23 =	simm.s32 $0x1B8B  }
0xa2: {  	_ =	swait.ge [sflag:s23], $0x1  }
0xa3: {  	[sflag:s23] =	ssyncset.done $0x0  }
0xa4: {  	s25 =	simm.s32 $0x1B8E;
	s24 =	sld [smem:$0x3FFE];
	[sflag:s23] =	ssyncadd.s32 $0xFFFFFFFF  }
0xa5: {  	s26 =	simm.s32 $execute0_lowered;
	[smem:$0x3FD2] =	sst s25  }
0xa6: {  	s5 =	sshll.u32 s26, $0x1;
	_ =	strace $0x80000046;
	[dreg:$0x1] =	wrdreg $0xFFFFFFFF  }
0xa7: {  	s28 =	simm.s32 $_size_execute0_lowered;
	s3 =	sadd.s32 s3, s5;
	[dreg:$0x0] =	wrdreg $0x0  }
0xa8: {  	s5 =	sshll.u32 s28, $0x1;
	[dreg:$0x2] =	wrdreg s3  }
0xa9: {  	[dreg:$0x3] =	wrdreg s5  }
0xaa: {  	[dreg:$0x4] =	wrdreg $0xC0  }
0xab: {  	_ =	task [dreg:s7], $0x5FFFF  }
0xac: {  	[dreg:$0x1] =	wrdreg $0xFFFFFFFF  }
0xad: {  	[dreg:$0x0] =	wrdreg $0x60  }
0xae: {  	[dreg:$0x2] =	wrdreg s2  }
0xaf: {  	[dreg:$0x3] =	wrdreg s24  }
0xb0: {  	[dreg:$0x4] =	wrdreg $0x0  }
0xb1: {  	[dreg:$0x5] =	wrdreg $0x9  }
0xb2: {  	_ =	task.clear_ibuf [dreg:s7], $0x6FFFF;
	_ =	strace $0x90000046  }
0xb3: {  	s29 =	simm.s32 $0x9;
	_ =	strace $0x80000048  }
0xb4: {  	_ =	swait.ge [sflag:s29], $0x1  }
0xb5: {  	[sflag:s29] =	ssyncadd.s32 $0xFFFFFFFF  }
0xb6: {  	_ =	strace $0x90000048  }
0xb7: {  	_ =	sfence  }
0xb8: {  	s30 =	sld [smem:$0x0];
	_ =	sdelay $0x2  }
0xb9: {  	s31 =	sshll.u32 s1, $0xD;
	s1 =	sshrl.u32 s1, $0x2  }
0xba: {  	s3 =	sand.u32 $0x4000, s31;
	s1 =	sadd.s32 s1, s30  }
0xbb: {  	s0 =	sor.u32 s3, s0;
	s1 =	sshll.u32 s1, $0x11  }
0xbc: {  	s0 =	sor.u32 s1, s0  }
0xbd: {  	s0 =	sadd.s32 $0x8F2B, s0  }
0xbe: {  	[sflag:s0] =	ssyncadd.remote.s32 $0x1  }
0xbf: {  	_ =	sfence.sel $0xFFFF  }
0xc0: {  	[dreg:$0x0] =	wrdreg $0xFFFFFFFF;
	(pc) =	sbr.abs _section_cstart, $3  }
0xc1: {  	[dreg:$0x1] =	wrdreg $0xFFFFFFFF  }
0xc2: {  	_ =	task.clear_ibuf [dreg:s7], $0x2FFFF;
	_ =	strace $0x9FFFFFFF  }
0xc3: {  	(tm) =	ssettm $0x7FFFFFFF  }
tec
execute0_lowered:
.L_overlay_start_1:
0x0: {  	(tag) =	ssettag $0x1  }
0x1: {  	s9 =	rddreg [dreg:$0x0]  }
0x2: {  	s6 =	rddreg [dreg:$0x1]  }
0x3: {  	s0 =	srdreg.scid;
	s2 =	rddreg [dreg:$0x2]  }
0x4: {  	s1 =	rddreg [dreg:$0x3];
	s3 =	simm.s32 $0x0;
	s13 =	simm.s32 $0x1  }
0x5: {  	s14 =	simm.s32 $0x2800;
	s15 =	simm.s32 $0x80;
	s4 =	sand.u32 $0x1, s0  }
0x6: {  	s16 =	simm.s32 $0x7800;
	s0 =	stileid.u32;
	s5 =	smul.u32 $0x140000, s4  }
0x7: {  	s19 =	simm.s32 $0x0;
	[smem:$0x7FF] =	sst s3;
	s7 =	smul.u32 $0x14000, s0  }
0x8: {  	s29 =	smul.u32 $0x50000, s0;
	_ =	strace $0x80000047;
	s30 =	ssub.s32 $0x2, s4  }
0x9: {  	s31 =	sshll.u32 s0, $0x1;
	s17 =	sshll.u32 s0, $0x6;
	s8 =	sshrl.u32 s30, $0x1  }
0xa: {  	s17 =	sor.u32 $0x1C01, s17;
	s5 =	sadd.s32 s7, s5;
	s11 =	ssub.s32 s30, s8  }
0xb: {  	s7 =	sshrl.u32 s29, $0x2;
	s5 =	sshrl.u32 s5, $0x3;
	s11 =	smax.u32 s11, $0x1  }
0xc: {  	s10 =	sadd.s32 s5, s6;
	s6 =	sor.u32 s4, s31;
	s4 =	sadd.s32 s7, s2  }
0xd: {  	s5 =	sadd.s32 $0x4000, s4;
	s12 =	smul.u32 $0xA00, s6;
	s6 =	sadd.s32 $0x8000, s4  }
0xe: {  	s7 =	sadd.s32 $0xC000, s4;
	s8 =	sadd.s32 $0x10000, s4;
	s10 =	sadd.s32 $0x3600, s10  }
0xf: {  	v0 =	vimm.f32 $1.000000000e+00;
	v1 =	vimm.f32 $0.0e+00;
	s18 =	sshrl.u32 s4, $0x3;
	s9 =	sadd.s32 s9, s12;
	s12 =	simm.s32 $0xB800  }
.LBB2_1:
0x10: {  	s20 =	simm.s32 $0x0  }
.LBB2_2:
0x11: {  	p0 =	sne.s32 s20, $0xFE00  }
.Ltmp0:
0x12: {  	_ = 	snop;
	(pc) =	sbr.rel @p0 .LBB2_2-.Ltmp0, $3  }
0x13: {  	_ =	sdelay $0x1  }
0x14: {  	s21 =	sshra.s32 s20, $0x2  }
0x15: {  	s20 =	sadd.s32 $0x200, s20;
	[tilespmem:s21+$0x7800] =	vst v0  }
0x16: {  	s20 =	simm.s32 $0x200;
	s21 =	simm.s32 $0x0  }
.LBB2_4:
0x17: {  	p0 =	sne.s32 s20, $0xFE00;
	[tilespmem:s21+$0xB800] =	vst v1;
	s21 =	smov.u32 s20;
	s20 =	sadd.s32 $0x200, s20  }
.Ltmp1:
0x18: {  	(pc) =	sbr.rel @p0 .LBB2_4-.Ltmp1, $2  }
0x19: {  	_ =	sdelay $0x2  }
0x1a: {  	s21 =	sshra.s32 s21, $0x2  }
0x1b: {  	[tilespmem:s21+$0xB800] =	vst v1  }
0x1c: {  	[spmem:s4] =	stream.linear.scatter [tilespmem:s12], [sflag:$0x1], $0x4000, $0x38;
	[tilespmem:$0xF800] =	vst v63  }
0x1d: {  	_ =	swait.ge [sflag:s13], $0x4000  }
0x1e: {  	[sflag:s13] =	ssyncset.done $0x0  }
0x1f: {  	[sflag:s13] =	ssyncadd.s32 $0xFFFFC000  }
0x20: {  	[spmem:s5] =	stream.linear.scatter [tilespmem:s12], [sflag:$0x1], $0x4000, $0x38;
	[tilespmem:$0xF800] =	vst v63  }
0x21: {  	_ =	swait.ge [sflag:s13], $0x4000  }
0x22: {  	[sflag:s13] =	ssyncset.done $0x0  }
0x23: {  	[sflag:s13] =	ssyncadd.s32 $0xFFFFC000  }
0x24: {  	[spmem:s6] =	stream.linear.scatter [tilespmem:s12], [sflag:$0x1], $0x4000, $0x38;
	[tilespmem:$0xF800] =	vst v63  }
0x25: {  	_ =	swait.ge [sflag:s13], $0x4000  }
0x26: {  	[sflag:s13] =	ssyncset.done $0x0  }
0x27: {  	[sflag:s13] =	ssyncadd.s32 $0xFFFFC000  }
0x28: {  	[spmem:s7] =	stream.linear.scatter [tilespmem:s12], [sflag:$0x1], $0x4000, $0x38;
	[tilespmem:$0xF800] =	vst v63  }
0x29: {  	_ =	swait.ge [sflag:s13], $0x4000  }
0x2a: {  	[sflag:s13] =	ssyncset.done $0x0  }
0x2b: {  	[sflag:s13] =	ssyncadd.s32 $0xFFFFC000  }
0x2c: {  	[spmem:s8] =	stream.linear.scatter [tilespmem:s12], [sflag:$0x1], $0x4000, $0x38;
	[tilespmem:$0xF800] =	vst v63  }
0x2d: {  	_ =	swait.ge [sflag:s13], $0x4000  }
0x2e: {  	[sflag:s13] =	ssyncset.done $0x0  }
0x2f: {  	[sflag:s13] =	ssyncadd.s32 $0xFFFFC000  }
0x30: {  	[bflag:$0x0] =	sbarrier.arrive $0xFFFF  }
0x31: {  	[tilespmem:s14], [sflag:$0x1] =	stream.linear.gather [hbm4b:s9+s3], $0x5000, $0x38;
	[tilespmem:$0xF800] =	vst v63  }
0x32: {  	_ =	swait.ge [sflag:s13], $0x5000  }
0x33: {  	[sflag:s13] =	ssyncset.done $0x0  }
0x34: {  	s20 =	simm.s32 $0x2880;
	[sflag:s13] =	ssyncadd.s32 $0xFFFFB000  }
0x35: {  	[spmem:s2] =	stream.indirect.scatter.add.f32 [tilespmem:s16], [sflag:$0x1], $0x10, s20, s15, $0xb8;
	[tilespmem:$0xF800] =	vst v63  }
0x36: {  	s20 =	simm.s32 $0x600;
	_ =	swait.ge [sflag:s13], $0x800  }
.LBB2_6:
0x37: {  	s21 =	sshra.s32 s20, $0x2;
	[sflag:s13] =	ssyncset.done $0x0;
	p0 =	sne.s32 s20, $0x13A00  }
.Ltmp2:
0x38: {  	s21 =	sadd.s32 $0x2800, s21;
	[sflag:s13] =	ssyncadd.s32 $0xFFFFF800;
	(pc) =	sbr.rel @p0 .LBB2_6-.Ltmp2, $3  }
0x39: {  	[spmem:s2] =	stream.indirect.scatter.add.f32 [tilespmem:s16], [sflag:$0x1], $0x10, s21, s15, $0xb8;
	[tilespmem:$0xF800] =	vst v63  }
0x3a: {  	s20 =	sadd.s32 $0x400, s20;
	_ =	sdelay $0x1  }
0x3b: {  	_ =	swait.ge [sflag:s13], $0x800  }
0x3c: {  	[sflag:s13] =	ssyncset.done $0x0;
	s19 =	sadd.s32 $0x1, s19  }
0x3d: {  	[sflag:s13] =	ssyncadd.s32 $0xFFFFF800;
	p0 =	sne.s32 s19, s11  }
.Ltmp3:
0x3e: {  	[bflag:$0x0] =	sbarrier.arrive $0xFFFF;
	(pc) =	sbr.rel @p0 .LBB2_1-.Ltmp3, $4  }
0x3f: {  	[hbm:s10], [sflag:s17] =	dma.local [spmem:s18], $0x2800  }
0x40: {  	_ =	swait.ge [sflag:s13], $0x2800  }
0x41: {  	[sflag:s13] =	ssyncset.done $0x0  }
0x42: {  	[sflag:s13] =	ssyncadd.s32 $0xFFFFD800  }
0x43: {  	_ =	sfence.sel $0x180000  }
0x44: {  	[bflag:$0x0] =	sbarrier.arrive $0xFFFF  }
0x45: {  	p0 =	sne.s32 s0, $0x0;
	_ =	strace $0x90000047  }
0x46: {  	s0 =	sadd.s32 @!p0 $0x100000, s1;
	[bflag:$0x2] =	sbarrier.arrive $0xFFFF  }
0x47: {  	[sflag:s0] =	ssyncadd.tile.s32 @!p0 $0x1;
	_ =	shalt  }
.Lfunc_end2:
_tile_overlayer_lowered:
.L_overlay_start_2:
0x48: {  	(tag) =	ssettag $0x2  }
0x49: {  	s0 =	rddreg [dreg:$0x0];
	s2 =	stileid.u32  }
0x4a: {  	s1 =	rddreg [dreg:$0x1];
	p0 =	sne.s32 s2, $0x0  }
0x4b: {  	s3 =	rddreg [dreg:$0x2];
	[bflag:$0x3] =	sbarrier.arrive $0xFFFF;
	s2 =	simm.s32 @!p0 $0x1C01  }
0x4c: {  	[timem:s3], [sflag:s2] =	dma.local @!p0 [hbm:s0], s1  }
0x4d: {  	s0 =	simm.s32 @!p0 $0x1  }
0x4e: {  	_ =	swait.ge @!p0 [sflag:s0], s1  }
0x4f: {  	s1 =	ssub.s32 @!p0 $0x0, s1;
	[sflag:s0] =	ssyncset.done @!p0 $0x0  }
0x50: {  	[sflag:s0] =	ssyncadd.s32 @!p0 s1  }
0x51: {  	[bflag:$0x3] =	sbarrier.arrive $0xFFFF  }
0x52: {  	_ =	shalt  }

// kernel: kernel.15.cloned.1.call-start
scs
__scs_entry_jumppad:
0x0: {  	(pc) =	sbr.rel $0x88, $3  }
0x1: {  	(tag) =	ssettag $0x0;
	lr =	simm.s32 $0x1  }
0x2: {  	[smem:$0x3F97] =	sst lr;
	_ =	strace $0xD0000000  }
0x3: {  	_ = 	snop  }
0x4: {  	_ = 	snop  }
0x5: {  	_ = 	snop  }
0x6: {  	_ = 	snop  }
0x7: {  	_ = 	snop  }
__scs_overlays_trampoline_lowered:
0x8: {  	[smem:$0x3FA6] =	sst s0  }
0x9: {  	[smem:$0x3FA7] =	sst s1  }
0xa: {  	[smem:$0x3FA8] =	sst s2  }
0xb: {  	[smem:$0x3FA9] =	sst s3  }
0xc: {  	[smem:$0x3FAA] =	sst s4  }
0xd: {  	[smem:$0x3FAB] =	sst s5  }
0xe: {  	[smem:$0x3FAC] =	sst s6  }
0xf: {  	[smem:$0x3FAD] =	sst s7  }
0x10: {  	[smem:$0x3FAE] =	sst s8  }
0x11: {  	[smem:$0x3FAF] =	sst s9;
	s0 =	simm.s32 @!p0 $0x0  }
0x12: {  	s1 =	sld [smem:$0x3F95];
	s0 =	simm.s32 @p0 $0x1  }
0x13: {  	[smem:$0x3FB0] =	sst s0;
	s0 =	simm.s32 @!p1 $0x0  }
0x14: {  	s2 =	sld [smem:$0x3F94];
	s0 =	simm.s32 @p1 $0x1  }
0x15: {  	[smem:$0x3FB1] =	sst s0;
	s0 =	simm.s32 @!p2 $0x0  }
0x16: {  	s3 =	sld [smem:$0x3FDB];
	s0 =	simm.s32 @p2 $0x1  }
0x17: {  	s4 =	simm.s32 $0x1BF5;
	[smem:$0x3FB3] =	sst s0  }
0x18: {  	s0 =	sld [smem:$0x3F96];
	_ =	swait.ge [sflag:s4], $0x0  }
0x19: {  	s7 =	sld [smem:$0x3F97]  }
0x1a: {  	s8 =	sadd.s32 $0xFFFFE003, lr  }
0x1b: {  	s9 =	sadd.s32 $0xFFFFFEF7, lr;
	s5 =	simm.s32 $0xFFFFFFFF;
	p2 =	slt.u32 s8, $0xFFFFF086  }
0x1c: {  	p1 =	slt.u32 s9, $0xF7A;
	s5 =	simm.s32 @!p2 $0x0  }
0x1d: {  	s5 =	simm.s32 @p1 $0x1;
	p0 =	seq.s32 s7, s2  }
0x1e: {  	s7 =	smul.u32 @!p0 $0xF7A, s2;
	p2 =	seq.s32 @!p0 s5, $0x0  }
0x1f: {  	s9 =	smul.u32 $0xF7A, s1;
	s8 =	simm.s32 @!p0 $0x1BF5;
	p2 =	por !p2, p0  }
0x20: {  	[sflag:s8] =	ssyncset.s32 @!p0 $0xFFFFF086;
	s6 =	sadd.s32 @!p0 s3, s7;
	s7 =	simm.s32 @!p0 $0x108  }
0x21: {  	s3 =	sadd.s32 s3, s9;
	s6 =	sadd.s32 @!p0 $0x88, s6;
	s7 =	simm.s32 @p2 $0x1082  }
0x22: {  	[simem:s7], [sflag:s8] =	dma.local @!p0 [hbm:s6], $0xF7A  }
0x23: {  	s9 =	sor.u32 $0xD0000000, s2;
	s6 =	simm.s32 $0x108;
	_ =	swait.ge @!p0 [sflag:s8], $0x0  }
0x24: {  	s3 =	sadd.s32 $0x88, s3;
	s6 =	simm.s32 @!p1 $0x1082;
	[sflag:s4] =	ssyncset.s32 $0xFFFFF086  }
0x25: {  	[simem:s6], [sflag:s4] =	dma.local [hbm:s3], $0xF7A  }
0x26: {  	[smem:$0x3F97] =	sst s1;
	(tag) =	ssettag s2;
	_ =	strace s9  }
0x27: {  	s1 =	sld [smem:$0x3FA7]  }
0x28: {  	s2 =	sld [smem:$0x3FA8]  }
0x29: {  	s4 =	sld [smem:$0x3FAA]  }
0x2a: {  	p0 =	seq.s32 s5, $0x0;
	s5 =	sld [smem:$0x3FAB]  }
0x2b: {  	s6 =	sld [smem:$0x3FAC]  }
0x2c: {  	s7 =	sld [smem:$0x3FAD]  }
0x2d: {  	s3 =	simm.s32 $0x108;
	s8 =	sld [smem:$0x3FAE]  }
0x2e: {  	s3 =	simm.s32 @!p0 $0x1082;
	s9 =	sld [smem:$0x3FAF]  }
0x2f: {  	lr =	sadd.s32 s0, s3;
	s0 =	sld [smem:$0x3FA6]  }
0x30: {  	s3 =	sld [smem:$0x3FA9]  }
0x31: {  	[smem:$0x3FB2] =	sst s10  }
0x32: {  	s10 =	sld [smem:$0x3FB0];
	_ =	sdelay $0x3  }
0x33: {  	p0 =	seq.s32 s10, $0x1;
	s10 =	sld [smem:$0x3FB2];
	_ =	sdelay $0x3  }
0x34: {  	[smem:$0x3FB2] =	sst s10  }
0x35: {  	s10 =	sld [smem:$0x3FB1];
	_ =	sdelay $0x3  }
0x36: {  	p1 =	seq.s32 s10, $0x1;
	s10 =	sld [smem:$0x3FB2];
	_ =	sdelay $0x3  }
0x37: {  	[smem:$0x3FB2] =	sst s10  }
0x38: {  	s10 =	sld [smem:$0x3FB3]  }
0x39: {  	_ = 	snop;
	(pc) =	sbr.ind lr, $3  }
0x3a: {  	_ = 	snop  }
0x3b: {  	_ = 	snop  }
0x3c: {  	p2 =	seq.s32 s10, $0x1;
	s10 =	sld [smem:$0x3FB2]  }
0x3d: {  	_ =	shalt  }
0x3e: {  	_ =	shalt  }
0x3f: {  	_ =	shalt  }
0x40: {  	_ =	shalt  }
0x41: {  	_ =	shalt  }
0x42: {  	_ =	shalt  }
0x43: {  	_ =	shalt  }
0x44: {  	_ =	shalt  }
0x45: {  	_ =	shalt  }
0x46: {  	_ =	shalt  }
0x47: {  	_ =	shalt  }
0x48: {  	_ =	shalt  }
0x49: {  	_ =	shalt  }
0x4a: {  	_ =	shalt  }
0x4b: {  	_ =	shalt  }
0x4c: {  	_ =	shalt  }
0x4d: {  	_ =	shalt  }
0x4e: {  	_ =	shalt  }
0x4f: {  	_ =	shalt  }
0x50: {  	_ =	shalt  }
0x51: {  	_ =	shalt  }
0x52: {  	_ =	shalt  }
0x53: {  	_ =	shalt  }
0x54: {  	_ =	shalt  }
0x55: {  	_ =	shalt  }
0x56: {  	_ =	shalt  }
0x57: {  	_ =	shalt  }
0x58: {  	_ =	shalt  }
0x59: {  	_ =	shalt  }
0x5a: {  	_ =	shalt  }
0x5b: {  	_ =	shalt  }
0x5c: {  	_ =	shalt  }
0x5d: {  	_ =	shalt  }
0x5e: {  	_ =	shalt  }
0x5f: {  	_ =	shalt  }
0x60: {  	_ =	shalt  }
0x61: {  	_ =	shalt  }
0x62: {  	_ =	shalt  }
0x63: {  	_ =	shalt  }
0x64: {  	_ =	shalt  }
0x65: {  	_ =	shalt  }
0x66: {  	_ =	shalt  }
0x67: {  	_ =	shalt  }
0x68: {  	_ =	shalt  }
0x69: {  	_ =	shalt  }
0x6a: {  	_ =	shalt  }
0x6b: {  	_ =	shalt  }
0x6c: {  	_ =	shalt  }
0x6d: {  	_ =	shalt  }
0x6e: {  	_ =	shalt  }
0x6f: {  	_ =	shalt  }
0x70: {  	_ =	shalt  }
0x71: {  	_ =	shalt  }
0x72: {  	_ =	shalt  }
0x73: {  	_ =	shalt  }
0x74: {  	_ =	shalt  }
0x75: {  	_ =	shalt  }
0x76: {  	_ =	shalt  }
0x77: {  	_ =	shalt  }
0x78: {  	_ =	shalt  }
0x79: {  	_ =	shalt  }
0x7a: {  	_ =	shalt  }
0x7b: {  	_ =	shalt  }
0x7c: {  	_ =	shalt  }
0x7d: {  	_ =	shalt  }
0x7e: {  	_ =	shalt  }
0x7f: {  	_ =	shalt  }
0x80: {  	_ =	shalt  }
0x81: {  	_ =	shalt  }
0x82: {  	_ =	shalt  }
0x83: {  	_ =	shalt  }
0x84: {  	_ =	shalt  }
0x85: {  	_ =	shalt  }
0x86: {  	_ =	shalt  }
0x87: {  	_ =	shalt  }
.Lfunc_end0:
.L_simem_size_0:
called_computation.1_lowered:
.L_overlay_start_0:
0x88: {  	s2 =	sld [smem:$0x3FD9]  }
0x89: {  	s3 =	sld [smem:$0x3FFE];
	_ =	sdelay $0x1  }
0x8a: {  	s1 =	srdreg.scid  }
0x8b: {  	s0 =	sand.u32 $0x1, s1  }
0x8c: {  	s17 =	sshll.u32 s0, $0xA;
	s2 =	sadd.s32 s3, s2  }
0x8d: {  	s2 =	sadd.s32 s2, s17  }
0x8e: {  	[smem:$0x3FBE] =	sst s2  }
0x8f: {  	_ = 	snop  }
0x90: {  	s2 =	sld [smem:$0x3FD0];
	(tm) =	ssettm $0x1  }
0x91: {  	s18 =	sld [smem:$0x3FFB];
	_ =	sdelay $0x3  }
0x92: {  	_ =	strace s18  }
0x93: {  	s3 =	sld [smem:$0x3FFC];
	_ =	sdelay $0x3  }
0x94: {  	_ =	strace s3  }
0x95: {  	s3 =	sld [smem:$0x3FFD];
	_ =	sdelay $0x3  }
0x96: {  	_ =	strace s3  }
0x97: {  	_ =	strace $0x8FFFFFFF  }
0x98: {  	s19 =	sld [smem:$0x3FDB];
	_ =	sdelay $0x1  }
0x99: {  	s4 =	simm.s32 $_scs_section_size  }
0x9a: {  	s5 =	simm.s32 $_size__tile_overlayer_lowered;
	s6 =	simm.s32 $_tile_overlayer_lowered  }
0x9b: {  	s22 =	simm.s32 $0x1BFF;
	s21 =	sshll.u32 s6, $0x1;
	s3 =	sadd.s32 s4, s19  }
0x9c: {  	s7 =	simm.s32 $0x0;
	s20 =	sshll.u32 s5, $0x1;
	s5 =	sadd.s32 s21, s3  }
0x9d: {  	[timem:s7], [sflag:s22] =	dma.local [hbm:s5], s20  }
0x9e: {  	_ =	swait.ge [sflag:s22], s20  }
0x9f: {  	s4 =	ssub.s32 $0x0, s20;
	[sflag:s22] =	ssyncset.done $0x0  }
0xa0: {  	[sflag:s22] =	ssyncadd.s32 s4;
	_ =	sdelay $0x1  }
0xa1: {  	s23 =	simm.s32 $0x1B8B  }
0xa2: {  	_ =	swait.ge [sflag:s23], $0x1  }
0xa3: {  	[sflag:s23] =	ssyncset.done $0x0  }
0xa4: {  	s25 =	simm.s32 $0x1B8E;
	s24 =	sld [smem:$0x3FFE];
	[sflag:s23] =	ssyncadd.s32 $0xFFFFFFFF  }
0xa5: {  	s26 =	simm.s32 $execute0_lowered;
	[smem:$0x3FD2] =	sst s25  }
0xa6: {  	s5 =	sshll.u32 s26, $0x1;
	_ =	strace $0x80000049;
	[dreg:$0x1] =	wrdreg $0xFFFFFFFF  }
0xa7: {  	s28 =	simm.s32 $_size_execute0_lowered;
	s3 =	sadd.s32 s3, s5;
	[dreg:$0x0] =	wrdreg $0x0  }
0xa8: {  	s5 =	sshll.u32 s28, $0x1;
	[dreg:$0x2] =	wrdreg s3  }
0xa9: {  	[dreg:$0x3] =	wrdreg s5  }
0xaa: {  	[dreg:$0x4] =	wrdreg $0xC0  }
0xab: {  	_ =	task [dreg:s7], $0x5FFFF  }
0xac: {  	[dreg:$0x1] =	wrdreg $0xFFFFFFFF  }
0xad: {  	[dreg:$0x0] =	wrdreg $0x60  }
0xae: {  	[dreg:$0x2] =	wrdreg s24  }
0xaf: {  	[dreg:$0x3] =	wrdreg s2  }
0xb0: {  	[dreg:$0x4] =	wrdreg $0x0  }
0xb1: {  	[dreg:$0x5] =	wrdreg $0xA0000  }
0xb2: {  	[dreg:$0x6] =	wrdreg $0x9  }
0xb3: {  	_ =	task.clear_ibuf [dreg:s7], $0x7FFFF;
	_ =	strace $0x90000049  }
0xb4: {  	s29 =	simm.s32 $0x9;
	_ =	strace $0x8000004B  }
0xb5: {  	_ =	swait.ge [sflag:s29], $0x1  }
0xb6: {  	[sflag:s29] =	ssyncadd.s32 $0xFFFFFFFF  }
0xb7: {  	_ =	strace $0x9000004B  }
0xb8: {  	_ =	sfence  }
0xb9: {  	s30 =	sld [smem:$0x0];
	_ =	sdelay $0x2  }
0xba: {  	s31 =	sshll.u32 s1, $0xD;
	s1 =	sshrl.u32 s1, $0x2  }
0xbb: {  	s3 =	sand.u32 $0x4000, s31;
	s1 =	sadd.s32 s1, s30  }
0xbc: {  	s0 =	sor.u32 s3, s0;
	s1 =	sshll.u32 s1, $0x11  }
0xbd: {  	s0 =	sor.u32 s1, s0  }
0xbe: {  	s0 =	sadd.s32 $0x8F2B, s0  }
0xbf: {  	[sflag:s0] =	ssyncadd.remote.s32 $0x1  }
0xc0: {  	_ =	sfence.sel $0xFFFF  }
0xc1: {  	[dreg:$0x0] =	wrdreg $0xFFFFFFFF;
	(pc) =	sbr.abs _section_cstart, $3  }
0xc2: {  	[dreg:$0x1] =	wrdreg $0xFFFFFFFF  }
0xc3: {  	_ =	task.clear_ibuf [dreg:s7], $0x2FFFF;
	_ =	strace $0x9FFFFFFF  }
0xc4: {  	(tm) =	ssettm $0x7FFFFFFF  }
0xc5: {  	_ =	shalt  }
tec
execute0_lowered:
.L_overlay_start_1:
0x0: {  	(tag) =	ssettag $0x1  }
0x1: {  	s0 =	rddreg [dreg:$0x0]  }
0x2: {  	s1 =	rddreg [dreg:$0x1]  }
0x3: {  	s2 =	srdreg.scid;
	s3 =	rddreg [dreg:$0x2]  }
0x4: {  	s14 =	stileid.u32;
	s4 =	rddreg [dreg:$0x3];
	s5 =	simm.s32 $0x0  }
0x5: {  	s26 =	simm.s32 $0x14280;
	s28 =	simm.s32 $0x4;
	s29 =	simm.s32 $0x18300  }
0x6: {  	s30 =	simm.s32 $0x1;
	s31 =	simm.s32 $0x2;
	s8 =	smul.u32 $0x14000, s14  }
0x7: {  	s2 =	sand.u32 $0x1, s2;
	[smem:$0x7FF] =	sst s5;
	s12 =	smul.u32 $0x50000, s14  }
0x8: {  	s10 =	sadd.s32 $0x53600, s0;
	s16 =	sshll.u32 s14, $0x6;
	s21 =	smul.u32 $0x1400, s14  }
0x9: {  	s6 =	smul.u32 $0x140000, s2;
	s2 =	ssub.s32 $0x2, s2;
	_ =	strace $0x8000004A  }
0xa: {  	[dreg:$0x5] =	wrdreg s26;
	s26 =	simm.s32 $0x14100;
	s9 =	sshrl.u32 s2, $0x1  }
0xb: {  	s11 =	sadd.s32 s8, s4;
	s13 =	sadd.s32 s8, s3;
	s17 =	sshrl.u32 s12, $0x2  }
0xc: {  	s7 =	sadd.s32 s8, s6;
	s2 =	ssub.s32 s2, s9;
	s6 =	sshrl.u32 s6, $0x3  }
0xd: {  	s18 =	sadd.s32 s17, s3;
	s9 =	sshll.u32 s14, $0x1;
	s24 =	sshrl.u32 s11, $0x3  }
0xe: {  	s17 =	sshrl.u32 s13, $0x3;
	s7 =	sshrl.u32 s7, $0x3;
	s6 =	sadd.s32 s10, s6  }
0xf: {  	s22 =	sadd.s32 $0x4000, s18;
	s19 =	sadd.s32 $0x8000, s18;
	s20 =	sadd.s32 $0xC000, s18  }
0x10: {  	s23 =	smax.u32 s2, $0x1;
	[dreg:$0xa] =	wrdreg s24;
	s24 =	simm.s32 $0x80  }
0x11: {  	s2 =	simm.s32 $0x14200;
	s0 =	sadd.s32 s7, s0;
	s7 =	sadd.s32 s10, s7  }
0x12: {  	s8 =	sadd.s32 $0x27800, s6;
	s6 =	sadd.s32 $0x10000, s18;
	s10 =	sadd.s32 s1, s21  }
0x13: {  	s18 =	sshllo.u32 s14, $0x1;
	[dreg:$0x9] =	wrdreg s23;
	s25 =	sshrl.u32 s22, $0x3  }
0x14: {  	s19 =	sshrl.u32 s19, $0x3;
	s20 =	sshrl.u32 s20, $0x3;
	s22 =	simm.s32 $0x14000  }
0x15: {  	s23 =	simm.s32 $0x3;
	[dreg:$0x6] =	wrdreg s7;
	s7 =	sor.u32 $0x1C05, s16  }
0x16: {  	s15 =	sadd.s32 $0x20, s10;
	s0 =	sadd.s32 $0xA3600, s0;
	[dreg:$0xb] =	wrdreg s25  }
0x17: {  	s16 =	simm.s32 $0x5;
	s21 =	sshrl.u32 s6, $0x3;
	[dreg:$0x7] =	wrdreg s15  }
0x18: {  	s25 =	simm.s32 $0x14300;
	[dreg:$0x8] =	wrdreg s0;
	s0 =	simm.s32 $0x0  }
.LBB2_1:
0x19: {  	s6 =	rddreg [dreg:$0x6]  }
0x1a: {  	s11 =	rddreg [dreg:$0xa]  }
0x1b: {  	[spmem:s11], [sflag:s7] =	dma.local [hbm:s6], $0x2800  }
0x1c: {  	_ =	swait.ge [sflag:s16], $0x2800  }
0x1d: {  	[sflag:s16] =	ssyncset.done $0x0  }
0x1e: {  	[sflag:s16] =	ssyncadd.s32 $0xFFFFD800  }
0x1f: {  	[spmem:s17], [sflag:s7] =	dma.local [hbm:s8], $0x800  }
0x20: {  	_ =	swait.ge [sflag:s16], $0x800  }
0x21: {  	[sflag:s16] =	ssyncset.done $0x0  }
0x22: {  	s14 =	rddreg [dreg:$0xb];
	[sflag:s16] =	ssyncadd.s32 $0xFFFFF800  }
0x23: {  	[spmem:s14], [sflag:s7] =	dma.local [hbm:s8], $0x800  }
0x24: {  	_ =	swait.ge [sflag:s16], $0x800  }
0x25: {  	[sflag:s16] =	ssyncset.done $0x0  }
0x26: {  	[sflag:s16] =	ssyncadd.s32 $0xFFFFF800  }
0x27: {  	[spmem:s19], [sflag:s7] =	dma.local [hbm:s8], $0x800  }
0x28: {  	_ =	swait.ge [sflag:s16], $0x800  }
0x29: {  	[sflag:s16] =	ssyncset.done $0x0  }
0x2a: {  	[sflag:s16] =	ssyncadd.s32 $0xFFFFF800  }
0x2b: {  	[spmem:s20], [sflag:s7] =	dma.local [hbm:s8], $0x800  }
0x2c: {  	_ =	swait.ge [sflag:s16], $0x800  }
0x2d: {  	[sflag:s16] =	ssyncset.done $0x0  }
0x2e: {  	[sflag:s16] =	ssyncadd.s32 $0xFFFFF800  }
0x2f: {  	[spmem:s21], [sflag:s7] =	dma.local [hbm:s8], $0x800  }
0x30: {  	_ =	swait.ge [sflag:s16], $0x800  }
0x31: {  	[sflag:s16] =	ssyncset.done $0x0  }
0x32: {  	[sflag:s16] =	ssyncadd.s32 $0xFFFFF800  }
0x33: {  	[bflag:$0x0] =	sbarrier.arrive $0xFFFF  }
0x34: {  	[tilespmem:s22], [sflag:$0x3] =	stream.linear.gather [hbm4b:s10+s5], $0x100, $0x38;
	[tilespmem:$0x1C300] =	vst v63  }
0x35: {  	_ =	swait.ge [sflag:s23], $0x100  }
0x36: {  	[sflag:s23] =	ssyncset.done $0x0  }
0x37: {  	[sflag:s23] =	ssyncadd.s32 $0xFFFFFF00  }
0x38: {  	[tilespmem:s25], [sflag:$0x1] =	stream.indirect.gather [spmem:s4], $0x40, s22, s24, $0xb8;
	[tilespmem:$0x1C300] =	vst v63  }
0x39: {  	v0 =	vld [tilespmem:$0x14080]  }
0x3a: {  	v1 =	vld [tilespmem:$0x14090]  }
0x3b: {  	v2 =	vld [tilespmem:$0x140A0]  }
0x3c: {  	v3 =	vld [tilespmem:$0x140B0]  }
0x3d: {  	v4 =	vld [tilespmem:$0x140C0]  }
0x3e: {  	[tilespmem:$0x14200] =	vst v0;
	v0 =	vld [tilespmem:$0x140D0]  }
0x3f: {  	[tilespmem:$0x14210] =	vst v1;
	v1 =	vld [tilespmem:$0x140E0]  }
0x40: {  	[tilespmem:$0x14220] =	vst v2;
	v2 =	vld [tilespmem:$0x140F0]  }
0x41: {  	[tilespmem:$0x14230] =	vst v3  }
0x42: {  	[tilespmem:$0x14240] =	vst v4  }
0x43: {  	[tilespmem:$0x14250] =	vst v0  }
0x44: {  	[tilespmem:$0x14260] =	vst v1  }
0x45: {  	s15 =	rddreg [dreg:$0x7];
	[tilespmem:$0x14270] =	vst v2  }
0x46: {  	[tilespmem:s26], [sflag:$0x4] =	stream.linear.gather [hbm4b:s15+s5], $0x100, $0x38;
	[tilespmem:$0x1C300] =	vst v63  }
0x47: {  	_ =	swait.ge [sflag:s28], $0x100  }
0x48: {  	[sflag:s28] =	ssyncset.done $0x0  }
0x49: {  	[sflag:s28] =	ssyncadd.s32 $0xFFFFFF00  }
0x4a: {  	[tilespmem:s29], [sflag:$0x2] =	stream.indirect.gather [spmem:s4], $0x40, s26, s24, $0xb8;
	[tilespmem:$0x1C300] =	vst v63  }
0x4b: {  	v0 =	vld [tilespmem:$0x141F0]  }
0x4c: {  	v1 =	vld [tilespmem:$0x141D0]  }
0x4d: {  	v2 =	vld [tilespmem:$0x141E0]  }
0x4e: {  	v3 =	vld [tilespmem:$0x141B0]  }
0x4f: {  	v4 =	vld [tilespmem:$0x141C0]  }
0x50: {  	v5 =	vld [tilespmem:$0x14180];
	[tilespmem:$0x142F0] =	vst v0  }
0x51: {  	v0 =	vld [tilespmem:$0x141A0];
	[tilespmem:$0x142D0] =	vst v1  }
0x52: {  	v1 =	vld [tilespmem:$0x14190];
	[tilespmem:$0x142E0] =	vst v2  }
0x53: {  	p0 =	por $0x1, $0x1;
	s6 =	simm.s32 $0x2;
	[tilespmem:$0x142B0] =	vst v3  }
0x54: {  	p1 =	por $0x1, $0x1;
	s11 =	smov.u32 s18;
	s6 =	simm.s32 @!p0 $0xFFFFFFB3;
	[tilespmem:$0x142C0] =	vst v4  }
0x55: {  	s11 =	smov.u32 @p1 s9;
	s6 =	sadd.s32 $0x0, s6;
	[tilespmem:$0x14280] =	vst v5  }
0x56: {  	p1 =	por $0x0, $0x0;
	s11 =	smul.u32 $0x5000, s11;
	s6 =	sshll.u32 s6, $0x8;
	[tilespmem:$0x142A0] =	vst v0  }
0x57: {  	s6 =	simm.s32 @p1 $0x4F00;
	[tilespmem:$0x14290] =	vst v1  }
0x58: {  	s6 =	sadd.s32 s6, s11;
	_ =	swait.ge [sflag:s30], $0x2000  }
0x59: {  	s6 =	sshrl.u32 s6, $0x3;
	[sflag:s30] =	ssyncset.done $0x0  }
0x5a: {  	s6 =	sadd.s32 s1, s6;
	[sflag:s30] =	ssyncadd.s32 $0xFFFFE000  }
0x5b: {  	[tilespmem:s22], [sflag:$0x3] =	stream.linear.gather [hbm4b:s6+s5], $0x100, $0x38;
	[tilespmem:$0x1C300] =	vst v63  }
0x5c: {  	_ = 	snop  }
0x5d: {  	[spmem:s3] =	stream.indirect.scatter.add.f32 [tilespmem:s25], [sflag:$0x5], $0x40, s2, s24, $0xb8;
	[tilespmem:$0x1C300] =	vst v63  }
0x5e: {  	_ =	swait.ge [sflag:s16], $0x2000  }
0x5f: {  	[sflag:s16] =	ssyncset.done $0x0  }
0x60: {  	[sflag:s16] =	ssyncadd.s32 $0xFFFFE000  }
0x61: {  	_ =	swait.ge [sflag:s23], $0x100  }
0x62: {  	[sflag:s23] =	ssyncset.done $0x0  }
0x63: {  	[sflag:s23] =	ssyncadd.s32 $0xFFFFFF00  }
0x64: {  	[tilespmem:s25], [sflag:$0x1] =	stream.indirect.gather [spmem:s4], $0x40, s22, s24, $0xb8;
	[tilespmem:$0x1C300] =	vst v63  }
0x65: {  	v0 =	vld [tilespmem:$0x14080]  }
0x66: {  	v5 =	vld [tilespmem:$0x140D0]  }
0x67: {  	v4 =	vld [tilespmem:$0x140F0]  }
0x68: {  	v3 =	vld [tilespmem:$0x140E0]  }
0x69: {  	v2 =	vld [tilespmem:$0x140A0]  }
0x6a: {  	v1 =	vld [tilespmem:$0x14090];
	[tilespmem:$0x14200] =	vst v0  }
0x6b: {  	s13 =	simm.s32 $0x2;
	s11 =	simm.s32 $0x0;
	s6 =	simm.s32 $0x0;
	v0 =	vld [tilespmem:$0x140B0];
	[tilespmem:$0x14250] =	vst v5  }
.LBB2_2:
0x6c: {  	v5 =	vld [tilespmem:$0x140C0];
	s14 =	sadd.s32 $0xFFFFFF65, s6;
	[tilespmem:$0x14270] =	vst v4  }
0x6d: {  	p2 =	slt.u32 s11, $0x26;
	p3 =	slt.u32 s14, $0xFFFFFFB1;
	s14 =	simm.s32 $0x3;
	[tilespmem:$0x14260] =	vst v3  }
0x6e: {  	s12 =	smov.u32 s18;
	s14 =	simm.s32 @!p2 $0xFFFFFFB4;
	[tilespmem:$0x14220] =	vst v2  }
0x6f: {  	s12 =	smov.u32 @p3 s9;
	s14 =	sadd.s32 s6, s14;
	[tilespmem:$0x14210] =	vst v1  }
0x70: {  	s12 =	smul.u32 $0x5000, s12;
	s14 =	sshll.u32 s14, $0x8;
	[tilespmem:$0x14230] =	vst v0  }
0x71: {  	s14 =	simm.s32 @p1 $0x4F00;
	[tilespmem:$0x14240] =	vst v5  }
0x72: {  	s12 =	sadd.s32 s14, s12;
	_ =	swait.ge [sflag:s31], $0x2000  }
0x73: {  	s12 =	sshrl.u32 s12, $0x3;
	[sflag:s31] =	ssyncset.done $0x0  }
0x74: {  	s15 =	smov.u32 s13;
	s12 =	sadd.s32 s1, s12;
	[sflag:s31] =	ssyncadd.s32 $0xFFFFE000  }
0x75: {  	[tilespmem:s26], [sflag:$0x4] =	stream.linear.gather [hbm4b:s12+s5], $0x100, $0x38;
	[tilespmem:$0x1C300] =	vst v63  }
0x76: {  	s6 =	smov.u32 s15;
	s15 =	rddreg [dreg:$0x5]  }
0x77: {  	[spmem:s3] =	stream.indirect.scatter.add.f32 [tilespmem:s29], [sflag:$0x5], $0x40, s15, s24, $0xb8;
	[tilespmem:$0x1C300] =	vst v63  }
0x78: {  	_ =	swait.ge [sflag:s16], $0x2000  }
0x79: {  	[sflag:s16] =	ssyncset.done $0x0  }
0x7a: {  	[sflag:s16] =	ssyncadd.s32 $0xFFFFE000  }
0x7b: {  	_ =	swait.ge [sflag:s28], $0x100  }
0x7c: {  	[sflag:s28] =	ssyncset.done $0x0  }
0x7d: {  	[sflag:s28] =	ssyncadd.s32 $0xFFFFFF00  }
0x7e: {  	[tilespmem:s29], [sflag:$0x2] =	stream.indirect.gather [spmem:s4], $0x40, s26, s24, $0xb8;
	[tilespmem:$0x1C300] =	vst v63  }
0x7f: {  	v0 =	vld [tilespmem:$0x141F0]  }
0x80: {  	v1 =	vld [tilespmem:$0x141D0]  }
0x81: {  	v2 =	vld [tilespmem:$0x141E0]  }
0x82: {  	v3 =	vld [tilespmem:$0x141B0]  }
0x83: {  	v4 =	vld [tilespmem:$0x141C0]  }
0x84: {  	v5 =	vld [tilespmem:$0x14180];
	[tilespmem:$0x142F0] =	vst v0  }
0x85: {  	v0 =	vld [tilespmem:$0x141A0];
	[tilespmem:$0x142D0] =	vst v1  }
0x86: {  	s11 =	sadd.s32 $0x1, s11;
	v1 =	vld [tilespmem:$0x14190];
	[tilespmem:$0x142E0] =	vst v2  }
0x87: {  	p1 =	slt.u32 s11, $0x27;
	s12 =	simm.s32 $0x2;
	s15 =	sadd.s32 $0xFFFFFF64, s6;
	[tilespmem:$0x142B0] =	vst v3  }
0x88: {  	s14 =	smov.u32 s18;
	s12 =	simm.s32 @!p1 $0xFFFFFFB3;
	p2 =	slt.u32 s15, $0xFFFFFFB1;
	[tilespmem:$0x142C0] =	vst v4  }
0x89: {  	s12 =	sadd.s32 s6, s12;
	s14 =	smov.u32 @p2 s9;
	[tilespmem:$0x14280] =	vst v5  }
0x8a: {  	p1 =	seq.s32 s11, $0x4E;
	s12 =	sshll.u32 s12, $0x8;
	s14 =	smul.u32 $0x5000, s14;
	[tilespmem:$0x142A0] =	vst v0  }
0x8b: {  	s12 =	simm.s32 @p1 $0x4F00;
	[tilespmem:$0x14290] =	vst v1  }
0x8c: {  	s12 =	sadd.s32 s12, s14;
	_ =	swait.ge [sflag:s30], $0x2000  }
0x8d: {  	s12 =	sshrl.u32 s12, $0x3;
	[sflag:s30] =	ssyncset.done $0x0  }
0x8e: {  	s12 =	sadd.s32 s1, s12;
	[sflag:s30] =	ssyncadd.s32 $0xFFFFE000  }
0x8f: {  	[tilespmem:s22], [sflag:$0x3] =	stream.linear.gather [hbm4b:s12+s5], $0x100, $0x38;
	[tilespmem:$0x1C300] =	vst v63  }
0x90: {  	_ = 	snop  }
0x91: {  	[spmem:s3] =	stream.indirect.scatter.add.f32 [tilespmem:s25], [sflag:$0x5], $0x40, s2, s24, $0xb8;
	[tilespmem:$0x1C300] =	vst v63  }
0x92: {  	_ =	swait.ge [sflag:s16], $0x2000  }
0x93: {  	[sflag:s16] =	ssyncset.done $0x0  }
0x94: {  	[sflag:s16] =	ssyncadd.s32 $0xFFFFE000  }
0x95: {  	_ =	swait.ge [sflag:s23], $0x100  }
0x96: {  	[sflag:s23] =	ssyncset.done $0x0  }
0x97: {  	[sflag:s23] =	ssyncadd.s32 $0xFFFFFF00  }
0x98: {  	[tilespmem:s25], [sflag:$0x1] =	stream.indirect.gather [spmem:s4], $0x40, s22, s24, $0xb8;
	[tilespmem:$0x1C300] =	vst v63  }
0x99: {  	v0 =	vld [tilespmem:$0x14080]  }
0x9a: {  	p0 =	sne.s32 s13, $0x9C;
	v5 =	vld [tilespmem:$0x140D0]  }
.Ltmp0:
0x9b: {  	v4 =	vld [tilespmem:$0x140F0];
	(pc) =	sbr.rel @p0 .LBB2_2-.Ltmp0, $4  }
0x9c: {  	v3 =	vld [tilespmem:$0x140E0]  }
0x9d: {  	v2 =	vld [tilespmem:$0x140A0]  }
0x9e: {  	v1 =	vld [tilespmem:$0x14090];
	[tilespmem:$0x14200] =	vst v0  }
0x9f: {  	s13 =	sadd.s32 $0x2, s13;
	v0 =	vld [tilespmem:$0x140B0];
	[tilespmem:$0x14250] =	vst v5  }
0xa0: {  	v5 =	vld [tilespmem:$0x140C0];
	[tilespmem:$0x14270] =	vst v4  }
0xa1: {  	s12 =	sadd.s32 $0xFFFFFF65, s6;
	p0 =	slt.u32 s11, $0x26;
	s11 =	simm.s32 $0x3;
	[tilespmem:$0x14260] =	vst v3  }
0xa2: {  	p2 =	slt.u32 s12, $0xFFFFFFB1;
	s11 =	simm.s32 @!p0 $0xFFFFFFB4;
	s12 =	smov.u32 s18;
	[tilespmem:$0x14220] =	vst v2  }
0xa3: {  	s12 =	smov.u32 @p2 s9;
	s11 =	sadd.s32 s6, s11;
	[tilespmem:$0x14210] =	vst v1  }
0xa4: {  	s12 =	smul.u32 $0x5000, s12;
	s6 =	sshll.u32 s11, $0x8;
	[tilespmem:$0x14230] =	vst v0  }
0xa5: {  	s6 =	simm.s32 @p1 $0x4F00;
	[tilespmem:$0x14240] =	vst v5  }
0xa6: {  	s6 =	sadd.s32 s6, s12;
	_ =	swait.ge [sflag:s31], $0x2000  }
0xa7: {  	s6 =	sshrl.u32 s6, $0x3;
	[sflag:s31] =	ssyncset.done $0x0  }
0xa8: {  	s6 =	sadd.s32 s1, s6;
	[sflag:s31] =	ssyncadd.s32 $0xFFFFE000  }
0xa9: {  	[tilespmem:s26], [sflag:$0x4] =	stream.linear.gather [hbm4b:s6+s5], $0x100, $0x38;
	[tilespmem:$0x1C300] =	vst v63  }
0xaa: {  	s13 =	rddreg [dreg:$0x5]  }
0xab: {  	[spmem:s3] =	stream.indirect.scatter.add.f32 [tilespmem:s29], [sflag:$0x5], $0x40, s13, s24, $0xb8;
	[tilespmem:$0x1C300] =	vst v63  }
0xac: {  	_ =	swait.ge [sflag:s16], $0x2000  }
0xad: {  	[sflag:s16] =	ssyncset.done $0x0  }
0xae: {  	[sflag:s16] =	ssyncadd.s32 $0xFFFFE000  }
0xaf: {  	_ =	swait.ge [sflag:s30], $0x2000  }
0xb0: {  	[sflag:s30] =	ssyncset.done $0x0  }
0xb1: {  	[sflag:s30] =	ssyncadd.s32 $0xFFFFE000  }
0xb2: {  	[spmem:s3] =	stream.indirect.scatter.add.f32 [tilespmem:s25], [sflag:$0x5], $0x40, s2, s24, $0xb8;
	[tilespmem:$0x1C300] =	vst v63  }
0xb3: {  	_ =	swait.ge [sflag:s16], $0x2000  }
0xb4: {  	[sflag:s16] =	ssyncset.done $0x0  }
0xb5: {  	[sflag:s16] =	ssyncadd.s32 $0xFFFFE000  }
0xb6: {  	_ =	swait.ge [sflag:s28], $0x100  }
0xb7: {  	[sflag:s28] =	ssyncset.done $0x0  }
0xb8: {  	[sflag:s28] =	ssyncadd.s32 $0xFFFFFF00  }
0xb9: {  	[bflag:$0x0] =	sbarrier.arrive $0xFFFF  }
0xba: {  	s14 =	rddreg [dreg:$0x8]  }
0xbb: {  	[hbm:s14], [sflag:s7] =	dma.local [spmem:s17], $0x2800  }
0xbc: {  	_ =	swait.ge [sflag:s16], $0x2800  }
0xbd: {  	s0 =	sadd.s32 $0x1, s0;
	s15 =	rddreg [dreg:$0x9]  }
0xbe: {  	p0 =	sne.s32 s0, s15  }
.Ltmp1:
0xbf: {  	_ = 	snop;
	(pc) =	sbr.rel @p0 .LBB2_1-.Ltmp1, $3  }
0xc0: {  	_ =	sdelay $0x1  }
0xc1: {  	[sflag:s16] =	ssyncset.done $0x0  }
0xc2: {  	[sflag:s16] =	ssyncadd.s32 $0xFFFFD800  }
0xc3: {  	_ =	sfence.sel $0x180000  }
0xc4: {  	[bflag:$0x0] =	sbarrier.arrive $0xFFFF  }
0xc5: {  	_ =	strace $0x9000004A  }
0xc6: {  	s0 =	stileid.u32;
	[bflag:$0x2] =	sbarrier.arrive $0xFFFF  }
0xc7: {  	p0 =	sne.s32 s0, $0x0;
	s0 =	rddreg [dreg:$0x4]  }
0xc8: {  	s0 =	sadd.s32 @!p0 $0x100000, s0  }
0xc9: {  	[sflag:s0] =	ssyncadd.tile.s32 @!p0 $0x1;
	_ =	shalt  }
.Lfunc_end2:
_tile_overlayer_lowered:
.L_overlay_start_2:
0xca: {  	(tag) =	ssettag $0x2  }
0xcb: {  	s0 =	rddreg [dreg:$0x0];
	s2 =	stileid.u32  }
0xcc: {  	s1 =	rddreg [dreg:$0x1];
	p0 =	sne.s32 s2, $0x0  }
0xcd: {  	s3 =	rddreg [dreg:$0x2];
	[bflag:$0x3] =	sbarrier.arrive $0xFFFF;
	s2 =	simm.s32 @!p0 $0x1C05  }
0xce: {  	[timem:s3], [sflag:s2] =	dma.local @!p0 [hbm:s0], s1  }
0xcf: {  	s0 =	simm.s32 @!p0 $0x5  }
0xd0: {  	_ =	swait.ge @!p0 [sflag:s0], s1  }
0xd1: {  	s1 =	ssub.s32 @!p0 $0x0, s1;
	[sflag:s0] =	ssyncset.done @!p0 $0x0  }
0xd2: {  	[sflag:s0] =	ssyncadd.s32 @!p0 s1  }
0xd3: {  	[bflag:$0x3] =	sbarrier.arrive $0xFFFF  }
0xd4: {  	_ =	shalt  }

// kernel: kernel.18.cloned.1.call-start
scs
__scs_entry_jumppad:
0x0: {  	(pc) =	sbr.rel $0x88, $3  }
0x1: {  	(tag) =	ssettag $0x0;
	lr =	simm.s32 $0x1  }
0x2: {  	[smem:$0x3F97] =	sst lr;
	_ =	strace $0xD0000000  }
0x3: {  	_ = 	snop  }
0x4: {  	_ = 	snop  }
0x5: {  	_ = 	snop  }
0x6: {  	_ = 	snop  }
0x7: {  	_ = 	snop  }
__scs_overlays_trampoline_lowered:
0x8: {  	[smem:$0x3FA6] =	sst s0  }
0x9: {  	[smem:$0x3FA7] =	sst s1  }
0xa: {  	[smem:$0x3FA8] =	sst s2  }
0xb: {  	[smem:$0x3FA9] =	sst s3  }
0xc: {  	[smem:$0x3FAA] =	sst s4  }
0xd: {  	[smem:$0x3FAB] =	sst s5  }
0xe: {  	[smem:$0x3FAC] =	sst s6  }
0xf: {  	[smem:$0x3FAD] =	sst s7  }
0x10: {  	[smem:$0x3FAE] =	sst s8  }
0x11: {  	[smem:$0x3FAF] =	sst s9;
	s0 =	simm.s32 @!p0 $0x0  }
0x12: {  	s1 =	sld [smem:$0x3F95];
	s0 =	simm.s32 @p0 $0x1  }
0x13: {  	[smem:$0x3FB0] =	sst s0;
	s0 =	simm.s32 @!p1 $0x0  }
0x14: {  	s2 =	sld [smem:$0x3F94];
	s0 =	simm.s32 @p1 $0x1  }
0x15: {  	[smem:$0x3FB1] =	sst s0;
	s0 =	simm.s32 @!p2 $0x0  }
0x16: {  	s3 =	sld [smem:$0x3FDB];
	s0 =	simm.s32 @p2 $0x1  }
0x17: {  	s4 =	simm.s32 $0x1BF5;
	[smem:$0x3FB3] =	sst s0  }
0x18: {  	s0 =	sld [smem:$0x3F96];
	_ =	swait.ge [sflag:s4], $0x0  }
0x19: {  	s7 =	sld [smem:$0x3F97]  }
0x1a: {  	s8 =	sadd.s32 $0xFFFFE003, lr  }
0x1b: {  	s9 =	sadd.s32 $0xFFFFFEF7, lr;
	s5 =	simm.s32 $0xFFFFFFFF;
	p2 =	slt.u32 s8, $0xFFFFF086  }
0x1c: {  	p1 =	slt.u32 s9, $0xF7A;
	s5 =	simm.s32 @!p2 $0x0  }
0x1d: {  	s5 =	simm.s32 @p1 $0x1;
	p0 =	seq.s32 s7, s2  }
0x1e: {  	s7 =	smul.u32 @!p0 $0xF7A, s2;
	p2 =	seq.s32 @!p0 s5, $0x0  }
0x1f: {  	s9 =	smul.u32 $0xF7A, s1;
	s8 =	simm.s32 @!p0 $0x1BF5;
	p2 =	por !p2, p0  }
0x20: {  	[sflag:s8] =	ssyncset.s32 @!p0 $0xFFFFF086;
	s6 =	sadd.s32 @!p0 s3, s7;
	s7 =	simm.s32 @!p0 $0x108  }
0x21: {  	s3 =	sadd.s32 s3, s9;
	s6 =	sadd.s32 @!p0 $0x88, s6;
	s7 =	simm.s32 @p2 $0x1082  }
0x22: {  	[simem:s7], [sflag:s8] =	dma.local @!p0 [hbm:s6], $0xF7A  }
0x23: {  	s9 =	sor.u32 $0xD0000000, s2;
	s6 =	simm.s32 $0x108;
	_ =	swait.ge @!p0 [sflag:s8], $0x0  }
0x24: {  	s3 =	sadd.s32 $0x88, s3;
	s6 =	simm.s32 @!p1 $0x1082;
	[sflag:s4] =	ssyncset.s32 $0xFFFFF086  }
0x25: {  	[simem:s6], [sflag:s4] =	dma.local [hbm:s3], $0xF7A  }
0x26: {  	[smem:$0x3F97] =	sst s1;
	(tag) =	ssettag s2;
	_ =	strace s9  }
0x27: {  	s1 =	sld [smem:$0x3FA7]  }
0x28: {  	s2 =	sld [smem:$0x3FA8]  }
0x29: {  	s4 =	sld [smem:$0x3FAA]  }
0x2a: {  	p0 =	seq.s32 s5, $0x0;
	s5 =	sld [smem:$0x3FAB]  }
0x2b: {  	s6 =	sld [smem:$0x3FAC]  }
0x2c: {  	s7 =	sld [smem:$0x3FAD]  }
0x2d: {  	s3 =	simm.s32 $0x108;
	s8 =	sld [smem:$0x3FAE]  }
0x2e: {  	s3 =	simm.s32 @!p0 $0x1082;
	s9 =	sld [smem:$0x3FAF]  }
0x2f: {  	lr =	sadd.s32 s0, s3;
	s0 =	sld [smem:$0x3FA6]  }
0x30: {  	s3 =	sld [smem:$0x3FA9]  }
0x31: {  	[smem:$0x3FB2] =	sst s10  }
0x32: {  	s10 =	sld [smem:$0x3FB0];
	_ =	sdelay $0x3  }
0x33: {  	p0 =	seq.s32 s10, $0x1;
	s10 =	sld [smem:$0x3FB2];
	_ =	sdelay $0x3  }
0x34: {  	[smem:$0x3FB2] =	sst s10  }
0x35: {  	s10 =	sld [smem:$0x3FB1];
	_ =	sdelay $0x3  }
0x36: {  	p1 =	seq.s32 s10, $0x1;
	s10 =	sld [smem:$0x3FB2];
	_ =	sdelay $0x3  }
0x37: {  	[smem:$0x3FB2] =	sst s10  }
0x38: {  	s10 =	sld [smem:$0x3FB3]  }
0x39: {  	_ = 	snop;
	(pc) =	sbr.ind lr, $3  }
0x3a: {  	_ = 	snop  }
0x3b: {  	_ = 	snop  }
0x3c: {  	p2 =	seq.s32 s10, $0x1;
	s10 =	sld [smem:$0x3FB2]  }
0x3d: {  	_ =	shalt  }
0x3e: {  	_ =	shalt  }
0x3f: {  	_ =	shalt  }
0x40: {  	_ =	shalt  }
0x41: {  	_ =	shalt  }
0x42: {  	_ =	shalt  }
0x43: {  	_ =	shalt  }
0x44: {  	_ =	shalt  }
0x45: {  	_ =	shalt  }
0x46: {  	_ =	shalt  }
0x47: {  	_ =	shalt  }
0x48: {  	_ =	shalt  }
0x49: {  	_ =	shalt  }
0x4a: {  	_ =	shalt  }
0x4b: {  	_ =	shalt  }
0x4c: {  	_ =	shalt  }
0x4d: {  	_ =	shalt  }
0x4e: {  	_ =	shalt  }
0x4f: {  	_ =	shalt  }
0x50: {  	_ =	shalt  }
0x51: {  	_ =	shalt  }
0x52: {  	_ =	shalt  }
0x53: {  	_ =	shalt  }
0x54: {  	_ =	shalt  }
0x55: {  	_ =	shalt  }
0x56: {  	_ =	shalt  }
0x57: {  	_ =	shalt  }
0x58: {  	_ =	shalt  }
0x59: {  	_ =	shalt  }
0x5a: {  	_ =	shalt  }
0x5b: {  	_ =	shalt  }
0x5c: {  	_ =	shalt  }
0x5d: {  	_ =	shalt  }
0x5e: {  	_ =	shalt  }
0x5f: {  	_ =	shalt  }
0x60: {  	_ =	shalt  }
0x61: {  	_ =	shalt  }
0x62: {  	_ =	shalt  }
0x63: {  	_ =	shalt  }
0x64: {  	_ =	shalt  }
0x65: {  	_ =	shalt  }
0x66: {  	_ =	shalt  }
0x67: {  	_ =	shalt  }
0x68: {  	_ =	shalt  }
0x69: {  	_ =	shalt  }
0x6a: {  	_ =	shalt  }
0x6b: {  	_ =	shalt  }
0x6c: {  	_ =	shalt  }
0x6d: {  	_ =	shalt  }
0x6e: {  	_ =	shalt  }
0x6f: {  	_ =	shalt  }
0x70: {  	_ =	shalt  }
0x71: {  	_ =	shalt  }
0x72: {  	_ =	shalt  }
0x73: {  	_ =	shalt  }
0x74: {  	_ =	shalt  }
0x75: {  	_ =	shalt  }
0x76: {  	_ =	shalt  }
0x77: {  	_ =	shalt  }
0x78: {  	_ =	shalt  }
0x79: {  	_ =	shalt  }
0x7a: {  	_ =	shalt  }
0x7b: {  	_ =	shalt  }
0x7c: {  	_ =	shalt  }
0x7d: {  	_ =	shalt  }
0x7e: {  	_ =	shalt  }
0x7f: {  	_ =	shalt  }
0x80: {  	_ =	shalt  }
0x81: {  	_ =	shalt  }
0x82: {  	_ =	shalt  }
0x83: {  	_ =	shalt  }
0x84: {  	_ =	shalt  }
0x85: {  	_ =	shalt  }
0x86: {  	_ =	shalt  }
0x87: {  	_ =	shalt  }
.Lfunc_end0:
.L_simem_size_0:
called_computation.2_lowered:
.L_overlay_start_0:
0x88: {  	s2 =	sld [smem:$0x3FD9]  }
0x89: {  	s3 =	sld [smem:$0x3FFE];
	_ =	sdelay $0x1  }
0x8a: {  	s1 =	srdreg.scid  }
0x8b: {  	s0 =	sand.u32 $0x1, s1  }
0x8c: {  	s17 =	sshll.u32 s0, $0xA;
	s2 =	sadd.s32 s3, s2  }
0x8d: {  	s2 =	sadd.s32 s2, s17  }
0x8e: {  	[smem:$0x3FBE] =	sst s2  }
0x8f: {  	_ = 	snop  }
0x90: {  	s2 =	sld [smem:$0x3FD0];
	(tm) =	ssettm $0x1  }
0x91: {  	s18 =	sld [smem:$0x3FFB];
	_ =	sdelay $0x3  }
0x92: {  	_ =	strace s18  }
0x93: {  	s3 =	sld [smem:$0x3FFC];
	_ =	sdelay $0x3  }
0x94: {  	_ =	strace s3  }
0x95: {  	s3 =	sld [smem:$0x3FFD];
	_ =	sdelay $0x3  }
0x96: {  	_ =	strace s3  }
0x97: {  	_ =	strace $0x8FFFFFFF  }
0x98: {  	s19 =	sld [smem:$0x3FDB];
	_ =	sdelay $0x1  }
0x99: {  	s4 =	simm.s32 $_scs_section_size  }
0x9a: {  	s5 =	simm.s32 $_size__tile_overlayer_lowered;
	s6 =	simm.s32 $_tile_overlayer_lowered  }
0x9b: {  	s22 =	simm.s32 $0x1BFF;
	s21 =	sshll.u32 s6, $0x1;
	s3 =	sadd.s32 s4, s19  }
0x9c: {  	s7 =	simm.s32 $0x0;
	s20 =	sshll.u32 s5, $0x1;
	s5 =	sadd.s32 s21, s3  }
0x9d: {  	[timem:s7], [sflag:s22] =	dma.local [hbm:s5], s20  }
0x9e: {  	_ =	swait.ge [sflag:s22], s20  }
0x9f: {  	s4 =	ssub.s32 $0x0, s20;
	[sflag:s22] =	ssyncset.done $0x0  }
0xa0: {  	[sflag:s22] =	ssyncadd.s32 s4;
	_ =	sdelay $0x1  }
0xa1: {  	s23 =	simm.s32 $0x1B8B  }
0xa2: {  	_ =	swait.ge [sflag:s23], $0x1  }
0xa3: {  	[sflag:s23] =	ssyncset.done $0x0  }
0xa4: {  	s25 =	simm.s32 $0x1B8E;
	s24 =	sld [smem:$0x3FFE];
	[sflag:s23] =	ssyncadd.s32 $0xFFFFFFFF  }
0xa5: {  	s26 =	simm.s32 $execute0_lowered;
	[smem:$0x3FD2] =	sst s25  }
0xa6: {  	s5 =	sshll.u32 s26, $0x1;
	_ =	strace $0x8000004C;
	[dreg:$0x1] =	wrdreg $0xFFFFFFFF  }
0xa7: {  	s28 =	simm.s32 $_size_execute0_lowered;
	s3 =	sadd.s32 s3, s5;
	[dreg:$0x0] =	wrdreg $0x0  }
0xa8: {  	s5 =	sshll.u32 s28, $0x1;
	[dreg:$0x2] =	wrdreg s3  }
0xa9: {  	[dreg:$0x3] =	wrdreg s5  }
0xaa: {  	[dreg:$0x4] =	wrdreg $0xC0  }
0xab: {  	_ =	task [dreg:s7], $0x5FFFF  }
0xac: {  	[dreg:$0x1] =	wrdreg $0xFFFFFFFF  }
0xad: {  	[dreg:$0x0] =	wrdreg $0x60  }
0xae: {  	[dreg:$0x2] =	wrdreg s24  }
0xaf: {  	[dreg:$0x3] =	wrdreg s2  }
0xb0: {  	[dreg:$0x4] =	wrdreg $0x0  }
0xb1: {  	[dreg:$0x5] =	wrdreg $0xA0000  }
0xb2: {  	[dreg:$0x6] =	wrdreg $0x9  }
0xb3: {  	_ =	task.clear_ibuf [dreg:s7], $0x7FFFF;
	_ =	strace $0x9000004C  }
0xb4: {  	s29 =	simm.s32 $0x9;
	_ =	strace $0x8000004E  }
0xb5: {  	_ =	swait.ge [sflag:s29], $0x1  }
0xb6: {  	[sflag:s29] =	ssyncadd.s32 $0xFFFFFFFF  }
0xb7: {  	_ =	strace $0x9000004E  }
0xb8: {  	_ =	sfence  }
0xb9: {  	s30 =	sld [smem:$0x0];
	_ =	sdelay $0x2  }
0xba: {  	s31 =	sshll.u32 s1, $0xD;
	s1 =	sshrl.u32 s1, $0x2  }
0xbb: {  	s3 =	sand.u32 $0x4000, s31;
	s1 =	sadd.s32 s1, s30  }
0xbc: {  	s0 =	sor.u32 s3, s0;
	s1 =	sshll.u32 s1, $0x11  }
0xbd: {  	s0 =	sor.u32 s1, s0  }
0xbe: {  	s0 =	sadd.s32 $0x8F2B, s0  }
0xbf: {  	[sflag:s0] =	ssyncadd.remote.s32 $0x1  }
0xc0: {  	_ =	sfence.sel $0xFFFF  }
0xc1: {  	[dreg:$0x0] =	wrdreg $0xFFFFFFFF;
	(pc) =	sbr.abs _section_cstart, $3  }
0xc2: {  	[dreg:$0x1] =	wrdreg $0xFFFFFFFF  }
0xc3: {  	_ =	task.clear_ibuf [dreg:s7], $0x2FFFF;
	_ =	strace $0x9FFFFFFF  }
0xc4: {  	(tm) =	ssettm $0x7FFFFFFF  }
0xc5: {  	_ =	shalt  }
tec
execute0_lowered:
.L_overlay_start_1:
0x0: {  	(tag) =	ssettag $0x1  }
0x1: {  	s0 =	rddreg [dreg:$0x0]  }
0x2: {  	s1 =	rddreg [dreg:$0x1]  }
0x3: {  	s2 =	srdreg.scid;
	s3 =	rddreg [dreg:$0x2]  }
0x4: {  	s14 =	stileid.u32;
	s4 =	rddreg [dreg:$0x3];
	s5 =	simm.s32 $0x0  }
0x5: {  	s26 =	simm.s32 $0x14280;
	s28 =	simm.s32 $0x4;
	s29 =	simm.s32 $0x18300  }
0x6: {  	s30 =	simm.s32 $0x1;
	s31 =	simm.s32 $0x2;
	s8 =	smul.u32 $0x14000, s14  }
0x7: {  	s2 =	sand.u32 $0x1, s2;
	[smem:$0x7FF] =	sst s5;
	s12 =	smul.u32 $0x50000, s14  }
0x8: {  	s10 =	sadd.s32 $0x53600, s0;
	s16 =	sshll.u32 s14, $0x6;
	s21 =	smul.u32 $0x1400, s14  }
0x9: {  	s6 =	smul.u32 $0x140000, s2;
	s2 =	ssub.s32 $0x2, s2;
	_ =	strace $0x8000004D  }
0xa: {  	[dreg:$0x5] =	wrdreg s26;
	s26 =	simm.s32 $0x14100;
	s9 =	sshrl.u32 s2, $0x1  }
0xb: {  	s11 =	sadd.s32 s8, s4;
	s13 =	sadd.s32 s8, s3;
	s17 =	sshrl.u32 s12, $0x2  }
0xc: {  	s7 =	sadd.s32 s8, s6;
	s2 =	ssub.s32 s2, s9;
	s6 =	sshrl.u32 s6, $0x3  }
0xd: {  	s18 =	sadd.s32 s17, s3;
	s9 =	sshll.u32 s14, $0x1;
	s24 =	sshrl.u32 s11, $0x3  }
0xe: {  	s17 =	sshrl.u32 s13, $0x3;
	s7 =	sshrl.u32 s7, $0x3;
	s6 =	sadd.s32 s10, s6  }
0xf: {  	s22 =	sadd.s32 $0x4000, s18;
	s19 =	sadd.s32 $0x8000, s18;
	s20 =	sadd.s32 $0xC000, s18  }
0x10: {  	s23 =	smax.u32 s2, $0x1;
	[dreg:$0xa] =	wrdreg s24;
	s24 =	simm.s32 $0x80  }
0x11: {  	s2 =	simm.s32 $0x14200;
	s0 =	sadd.s32 s7, s0;
	s7 =	sadd.s32 s10, s7  }
0x12: {  	s8 =	sadd.s32 $0x27800, s6;
	s6 =	sadd.s32 $0x10000, s18;
	s10 =	sadd.s32 s1, s21  }
0x13: {  	s18 =	sshllo.u32 s14, $0x1;
	[dreg:$0x9] =	wrdreg s23;
	s25 =	sshrl.u32 s22, $0x3  }
0x14: {  	s19 =	sshrl.u32 s19, $0x3;
	s20 =	sshrl.u32 s20, $0x3;
	s22 =	simm.s32 $0x14000  }
0x15: {  	s23 =	simm.s32 $0x3;
	[dreg:$0x6] =	wrdreg s7;
	s7 =	sor.u32 $0x1C05, s16  }
0x16: {  	s15 =	sadd.s32 $0x20, s10;
	s0 =	sadd.s32 $0xA3600, s0;
	[dreg:$0xb] =	wrdreg s25  }
0x17: {  	s16 =	simm.s32 $0x5;
	s21 =	sshrl.u32 s6, $0x3;
	[dreg:$0x7] =	wrdreg s15  }
0x18: {  	s25 =	simm.s32 $0x14300;
	[dreg:$0x8] =	wrdreg s0;
	s0 =	simm.s32 $0x0  }
.LBB2_1:
0x19: {  	s6 =	rddreg [dreg:$0x6]  }
0x1a: {  	s11 =	rddreg [dreg:$0xa]  }
0x1b: {  	[spmem:s11], [sflag:s7] =	dma.local [hbm:s6], $0x2800  }
0x1c: {  	_ =	swait.ge [sflag:s16], $0x2800  }
0x1d: {  	[sflag:s16] =	ssyncset.done $0x0  }
0x1e: {  	[sflag:s16] =	ssyncadd.s32 $0xFFFFD800  }
0x1f: {  	[spmem:s17], [sflag:s7] =	dma.local [hbm:s8], $0x800  }
0x20: {  	_ =	swait.ge [sflag:s16], $0x800  }
0x21: {  	[sflag:s16] =	ssyncset.done $0x0  }
0x22: {  	s14 =	rddreg [dreg:$0xb];
	[sflag:s16] =	ssyncadd.s32 $0xFFFFF800  }
0x23: {  	[spmem:s14], [sflag:s7] =	dma.local [hbm:s8], $0x800  }
0x24: {  	_ =	swait.ge [sflag:s16], $0x800  }
0x25: {  	[sflag:s16] =	ssyncset.done $0x0  }
0x26: {  	[sflag:s16] =	ssyncadd.s32 $0xFFFFF800  }
0x27: {  	[spmem:s19], [sflag:s7] =	dma.local [hbm:s8], $0x800  }
0x28: {  	_ =	swait.ge [sflag:s16], $0x800  }
0x29: {  	[sflag:s16] =	ssyncset.done $0x0  }
0x2a: {  	[sflag:s16] =	ssyncadd.s32 $0xFFFFF800  }
0x2b: {  	[spmem:s20], [sflag:s7] =	dma.local [hbm:s8], $0x800  }
0x2c: {  	_ =	swait.ge [sflag:s16], $0x800  }
0x2d: {  	[sflag:s16] =	ssyncset.done $0x0  }
0x2e: {  	[sflag:s16] =	ssyncadd.s32 $0xFFFFF800  }
0x2f: {  	[spmem:s21], [sflag:s7] =	dma.local [hbm:s8], $0x800  }
0x30: {  	_ =	swait.ge [sflag:s16], $0x800  }
0x31: {  	[sflag:s16] =	ssyncset.done $0x0  }
0x32: {  	[sflag:s16] =	ssyncadd.s32 $0xFFFFF800  }
0x33: {  	[bflag:$0x0] =	sbarrier.arrive $0xFFFF  }
0x34: {  	[tilespmem:s22], [sflag:$0x3] =	stream.linear.gather [hbm4b:s10+s5], $0x100, $0x38;
	[tilespmem:$0x1C300] =	vst v63  }
0x35: {  	_ =	swait.ge [sflag:s23], $0x100  }
0x36: {  	[sflag:s23] =	ssyncset.done $0x0  }
0x37: {  	[sflag:s23] =	ssyncadd.s32 $0xFFFFFF00  }
0x38: {  	[tilespmem:s25], [sflag:$0x1] =	stream.indirect.gather [spmem:s4], $0x40, s22, s24, $0xb8;
	[tilespmem:$0x1C300] =	vst v63  }
0x39: {  	v0 =	vld [tilespmem:$0x14080]  }
0x3a: {  	v1 =	vld [tilespmem:$0x14090]  }
0x3b: {  	v2 =	vld [tilespmem:$0x140A0]  }
0x3c: {  	v3 =	vld [tilespmem:$0x140B0]  }
0x3d: {  	v4 =	vld [tilespmem:$0x140C0]  }
0x3e: {  	[tilespmem:$0x14200] =	vst v0;
	v0 =	vld [tilespmem:$0x140D0]  }
0x3f: {  	[tilespmem:$0x14210] =	vst v1;
	v1 =	vld [tilespmem:$0x140E0]  }
0x40: {  	[tilespmem:$0x14220] =	vst v2;
	v2 =	vld [tilespmem:$0x140F0]  }
0x41: {  	[tilespmem:$0x14230] =	vst v3  }
0x42: {  	[tilespmem:$0x14240] =	vst v4  }
0x43: {  	[tilespmem:$0x14250] =	vst v0  }
0x44: {  	[tilespmem:$0x14260] =	vst v1  }
0x45: {  	s15 =	rddreg [dreg:$0x7];
	[tilespmem:$0x14270] =	vst v2  }
0x46: {  	[tilespmem:s26], [sflag:$0x4] =	stream.linear.gather [hbm4b:s15+s5], $0x100, $0x38;
	[tilespmem:$0x1C300] =	vst v63  }
0x47: {  	_ =	swait.ge [sflag:s28], $0x100  }
0x48: {  	[sflag:s28] =	ssyncset.done $0x0  }
0x49: {  	[sflag:s28] =	ssyncadd.s32 $0xFFFFFF00  }
0x4a: {  	[tilespmem:s29], [sflag:$0x2] =	stream.indirect.gather [spmem:s4], $0x40, s26, s24, $0xb8;
	[tilespmem:$0x1C300] =	vst v63  }
0x4b: {  	v0 =	vld [tilespmem:$0x141F0]  }
0x4c: {  	v1 =	vld [tilespmem:$0x141D0]  }
0x4d: {  	v2 =	vld [tilespmem:$0x141E0]  }
0x4e: {  	v3 =	vld [tilespmem:$0x141B0]  }
0x4f: {  	v4 =	vld [tilespmem:$0x141C0]  }
0x50: {  	v5 =	vld [tilespmem:$0x14180];
	[tilespmem:$0x142F0] =	vst v0  }
0x51: {  	v0 =	vld [tilespmem:$0x141A0];
	[tilespmem:$0x142D0] =	vst v1  }
0x52: {  	v1 =	vld [tilespmem:$0x14190];
	[tilespmem:$0x142E0] =	vst v2  }
0x53: {  	p0 =	por $0x1, $0x1;
	s6 =	simm.s32 $0x2;
	[tilespmem:$0x142B0] =	vst v3  }
0x54: {  	p1 =	por $0x1, $0x1;
	s11 =	smov.u32 s18;
	s6 =	simm.s32 @!p0 $0xFFFFFFB3;
	[tilespmem:$0x142C0] =	vst v4  }
0x55: {  	s11 =	smov.u32 @p1 s9;
	s6 =	sadd.s32 $0x0, s6;
	[tilespmem:$0x14280] =	vst v5  }
0x56: {  	p1 =	por $0x0, $0x0;
	s11 =	smul.u32 $0x5000, s11;
	s6 =	sshll.u32 s6, $0x8;
	[tilespmem:$0x142A0] =	vst v0  }
0x57: {  	s6 =	simm.s32 @p1 $0x4F00;
	[tilespmem:$0x14290] =	vst v1  }
0x58: {  	s6 =	sadd.s32 s6, s11;
	_ =	swait.ge [sflag:s30], $0x2000  }
0x59: {  	s6 =	sshrl.u32 s6, $0x3;
	[sflag:s30] =	ssyncset.done $0x0  }
0x5a: {  	s6 =	sadd.s32 s1, s6;
	[sflag:s30] =	ssyncadd.s32 $0xFFFFE000  }
0x5b: {  	[tilespmem:s22], [sflag:$0x3] =	stream.linear.gather [hbm4b:s6+s5], $0x100, $0x38;
	[tilespmem:$0x1C300] =	vst v63  }
0x5c: {  	_ = 	snop  }
0x5d: {  	[spmem:s3] =	stream.indirect.scatter.add.f32 [tilespmem:s25], [sflag:$0x5], $0x40, s2, s24, $0xb8;
	[tilespmem:$0x1C300] =	vst v63  }
0x5e: {  	_ =	swait.ge [sflag:s16], $0x2000  }
0x5f: {  	[sflag:s16] =	ssyncset.done $0x0  }
0x60: {  	[sflag:s16] =	ssyncadd.s32 $0xFFFFE000  }
0x61: {  	_ =	swait.ge [sflag:s23], $0x100  }
0x62: {  	[sflag:s23] =	ssyncset.done $0x0  }
0x63: {  	[sflag:s23] =	ssyncadd.s32 $0xFFFFFF00  }
0x64: {  	[tilespmem:s25], [sflag:$0x1] =	stream.indirect.gather [spmem:s4], $0x40, s22, s24, $0xb8;
	[tilespmem:$0x1C300] =	vst v63  }
0x65: {  	v0 =	vld [tilespmem:$0x14080]  }
0x66: {  	v5 =	vld [tilespmem:$0x140D0]  }
0x67: {  	v4 =	vld [tilespmem:$0x140F0]  }
0x68: {  	v3 =	vld [tilespmem:$0x140E0]  }
0x69: {  	v2 =	vld [tilespmem:$0x140A0]  }
0x6a: {  	v1 =	vld [tilespmem:$0x14090];
	[tilespmem:$0x14200] =	vst v0  }
0x6b: {  	s13 =	simm.s32 $0x2;
	s11 =	simm.s32 $0x0;
	s6 =	simm.s32 $0x0;
	v0 =	vld [tilespmem:$0x140B0];
	[tilespmem:$0x14250] =	vst v5  }
.LBB2_2:
0x6c: {  	v5 =	vld [tilespmem:$0x140C0];
	s14 =	sadd.s32 $0xFFFFFF65, s6;
	[tilespmem:$0x14270] =	vst v4  }
0x6d: {  	p2 =	slt.u32 s11, $0x26;
	p3 =	slt.u32 s14, $0xFFFFFFB1;
	s14 =	simm.s32 $0x3;
	[tilespmem:$0x14260] =	vst v3  }
0x6e: {  	s12 =	smov.u32 s18;
	s14 =	simm.s32 @!p2 $0xFFFFFFB4;
	[tilespmem:$0x14220] =	vst v2  }
0x6f: {  	s12 =	smov.u32 @p3 s9;
	s14 =	sadd.s32 s6, s14;
	[tilespmem:$0x14210] =	vst v1  }
0x70: {  	s12 =	smul.u32 $0x5000, s12;
	s14 =	sshll.u32 s14, $0x8;
	[tilespmem:$0x14230] =	vst v0  }
0x71: {  	s14 =	simm.s32 @p1 $0x4F00;
	[tilespmem:$0x14240] =	vst v5  }
0x72: {  	s12 =	sadd.s32 s14, s12;
	_ =	swait.ge [sflag:s31], $0x2000  }
0x73: {  	s12 =	sshrl.u32 s12, $0x3;
	[sflag:s31] =	ssyncset.done $0x0  }
0x74: {  	s15 =	smov.u32 s13;
	s12 =	sadd.s32 s1, s12;
	[sflag:s31] =	ssyncadd.s32 $0xFFFFE000  }
0x75: {  	[tilespmem:s26], [sflag:$0x4] =	stream.linear.gather [hbm4b:s12+s5], $0x100, $0x38;
	[tilespmem:$0x1C300] =	vst v63  }
0x76: {  	s6 =	smov.u32 s15;
	s15 =	rddreg [dreg:$0x5]  }
0x77: {  	[spmem:s3] =	stream.indirect.scatter.add.f32 [tilespmem:s29], [sflag:$0x5], $0x40, s15, s24, $0xb8;
	[tilespmem:$0x1C300] =	vst v63  }
0x78: {  	_ =	swait.ge [sflag:s16], $0x2000  }
0x79: {  	[sflag:s16] =	ssyncset.done $0x0  }
0x7a: {  	[sflag:s16] =	ssyncadd.s32 $0xFFFFE000  }
0x7b: {  	_ =	swait.ge [sflag:s28], $0x100  }
0x7c: {  	[sflag:s28] =	ssyncset.done $0x0  }
0x7d: {  	[sflag:s28] =	ssyncadd.s32 $0xFFFFFF00  }
0x7e: {  	[tilespmem:s29], [sflag:$0x2] =	stream.indirect.gather [spmem:s4], $0x40, s26, s24, $0xb8;
	[tilespmem:$0x1C300] =	vst v63  }
0x7f: {  	v0 =	vld [tilespmem:$0x141F0]  }
0x80: {  	v1 =	vld [tilespmem:$0x141D0]  }
0x81: {  	v2 =	vld [tilespmem:$0x141E0]  }
0x82: {  	v3 =	vld [tilespmem:$0x141B0]  }
0x83: {  	v4 =	vld [tilespmem:$0x141C0]  }
0x84: {  	v5 =	vld [tilespmem:$0x14180];
	[tilespmem:$0x142F0] =	vst v0  }
0x85: {  	v0 =	vld [tilespmem:$0x141A0];
	[tilespmem:$0x142D0] =	vst v1  }
0x86: {  	s11 =	sadd.s32 $0x1, s11;
	v1 =	vld [tilespmem:$0x14190];
	[tilespmem:$0x142E0] =	vst v2  }
0x87: {  	p1 =	slt.u32 s11, $0x27;
	s12 =	simm.s32 $0x2;
	s15 =	sadd.s32 $0xFFFFFF64, s6;
	[tilespmem:$0x142B0] =	vst v3  }
0x88: {  	s14 =	smov.u32 s18;
	s12 =	simm.s32 @!p1 $0xFFFFFFB3;
	p2 =	slt.u32 s15, $0xFFFFFFB1;
	[tilespmem:$0x142C0] =	vst v4  }
0x89: {  	s12 =	sadd.s32 s6, s12;
	s14 =	smov.u32 @p2 s9;
	[tilespmem:$0x14280] =	vst v5  }
0x8a: {  	p1 =	seq.s32 s11, $0x4E;
	s12 =	sshll.u32 s12, $0x8;
	s14 =	smul.u32 $0x5000, s14;
	[tilespmem:$0x142A0] =	vst v0  }
0x8b: {  	s12 =	simm.s32 @p1 $0x4F00;
	[tilespmem:$0x14290] =	vst v1  }
0x8c: {  	s12 =	sadd.s32 s12, s14;
	_ =	swait.ge [sflag:s30], $0x2000  }
0x8d: {  	s12 =	sshrl.u32 s12, $0x3;
	[sflag:s30] =	ssyncset.done $0x0  }
0x8e: {  	s12 =	sadd.s32 s1, s12;
	[sflag:s30] =	ssyncadd.s32 $0xFFFFE000  }
0x8f: {  	[tilespmem:s22], [sflag:$0x3] =	stream.linear.gather [hbm4b:s12+s5], $0x100, $0x38;
	[tilespmem:$0x1C300] =	vst v63  }
0x90: {  	_ = 	snop  }
0x91: {  	[spmem:s3] =	stream.indirect.scatter.add.f32 [tilespmem:s25], [sflag:$0x5], $0x40, s2, s24, $0xb8;
	[tilespmem:$0x1C300] =	vst v63  }
0x92: {  	_ =	swait.ge [sflag:s16], $0x2000  }
0x93: {  	[sflag:s16] =	ssyncset.done $0x0  }
0x94: {  	[sflag:s16] =	ssyncadd.s32 $0xFFFFE000  }
0x95: {  	_ =	swait.ge [sflag:s23], $0x100  }
0x96: {  	[sflag:s23] =	ssyncset.done $0x0  }
0x97: {  	[sflag:s23] =	ssyncadd.s32 $0xFFFFFF00  }
0x98: {  	[tilespmem:s25], [sflag:$0x1] =	stream.indirect.gather [spmem:s4], $0x40, s22, s24, $0xb8;
	[tilespmem:$0x1C300] =	vst v63  }
0x99: {  	v0 =	vld [tilespmem:$0x14080]  }
0x9a: {  	p0 =	sne.s32 s13, $0x9C;
	v5 =	vld [tilespmem:$0x140D0]  }
.Ltmp0:
0x9b: {  	v4 =	vld [tilespmem:$0x140F0];
	(pc) =	sbr.rel @p0 .LBB2_2-.Ltmp0, $4  }
0x9c: {  	v3 =	vld [tilespmem:$0x140E0]  }
0x9d: {  	v2 =	vld [tilespmem:$0x140A0]  }
0x9e: {  	v1 =	vld [tilespmem:$0x14090];
	[tilespmem:$0x14200] =	vst v0  }
0x9f: {  	s13 =	sadd.s32 $0x2, s13;
	v0 =	vld [tilespmem:$0x140B0];
	[tilespmem:$0x14250] =	vst v5  }
0xa0: {  	v5 =	vld [tilespmem:$0x140C0];
	[tilespmem:$0x14270] =	vst v4  }
0xa1: {  	s12 =	sadd.s32 $0xFFFFFF65, s6;
	p0 =	slt.u32 s11, $0x26;
	s11 =	simm.s32 $0x3;
	[tilespmem:$0x14260] =	vst v3  }
0xa2: {  	p2 =	slt.u32 s12, $0xFFFFFFB1;
	s11 =	simm.s32 @!p0 $0xFFFFFFB4;
	s12 =	smov.u32 s18;
	[tilespmem:$0x14220] =	vst v2  }
0xa3: {  	s12 =	smov.u32 @p2 s9;
	s11 =	sadd.s32 s6, s11;
	[tilespmem:$0x14210] =	vst v1  }
0xa4: {  	s12 =	smul.u32 $0x5000, s12;
	s6 =	sshll.u32 s11, $0x8;
	[tilespmem:$0x14230] =	vst v0  }
0xa5: {  	s6 =	simm.s32 @p1 $0x4F00;
	[tilespmem:$0x14240] =	vst v5  }
0xa6: {  	s6 =	sadd.s32 s6, s12;
	_ =	swait.ge [sflag:s31], $0x2000  }
0xa7: {  	s6 =	sshrl.u32 s6, $0x3;
	[sflag:s31] =	ssyncset.done $0x0  }
0xa8: {  	s6 =	sadd.s32 s1, s6;
	[sflag:s31] =	ssyncadd.s32 $0xFFFFE000  }
0xa9: {  	[tilespmem:s26], [sflag:$0x4] =	stream.linear.gather [hbm4b:s6+s5], $0x100, $0x38;
	[tilespmem:$0x1C300] =	vst v63  }
0xaa: {  	s13 =	rddreg [dreg:$0x5]  }
0xab: {  	[spmem:s3] =	stream.indirect.scatter.add.f32 [tilespmem:s29], [sflag:$0x5], $0x40, s13, s24, $0xb8;
	[tilespmem:$0x1C300] =	vst v63  }
0xac: {  	_ =	swait.ge [sflag:s16], $0x2000  }
0xad: {  	[sflag:s16] =	ssyncset.done $0x0  }
0xae: {  	[sflag:s16] =	ssyncadd.s32 $0xFFFFE000  }
0xaf: {  	_ =	swait.ge [sflag:s30], $0x2000  }
0xb0: {  	[sflag:s30] =	ssyncset.done $0x0  }
0xb1: {  	[sflag:s30] =	ssyncadd.s32 $0xFFFFE000  }
0xb2: {  	[spmem:s3] =	stream.indirect.scatter.add.f32 [tilespmem:s25], [sflag:$0x5], $0x40, s2, s24, $0xb8;
	[tilespmem:$0x1C300] =	vst v63  }
0xb3: {  	_ =	swait.ge [sflag:s16], $0x2000  }
0xb4: {  	[sflag:s16] =	ssyncset.done $0x0  }
0xb5: {  	[sflag:s16] =	ssyncadd.s32 $0xFFFFE000  }
0xb6: {  	_ =	swait.ge [sflag:s28], $0x100  }
0xb7: {  	[sflag:s28] =	ssyncset.done $0x0  }
0xb8: {  	[sflag:s28] =	ssyncadd.s32 $0xFFFFFF00  }
0xb9: {  	[bflag:$0x0] =	sbarrier.arrive $0xFFFF  }
0xba: {  	s14 =	rddreg [dreg:$0x8]  }
0xbb: {  	[hbm:s14], [sflag:s7] =	dma.local [spmem:s17], $0x2800  }
0xbc: {  	_ =	swait.ge [sflag:s16], $0x2800  }
0xbd: {  	s0 =	sadd.s32 $0x1, s0;
	s15 =	rddreg [dreg:$0x9]  }
0xbe: {  	p0 =	sne.s32 s0, s15  }
.Ltmp1:
0xbf: {  	_ = 	snop;
	(pc) =	sbr.rel @p0 .LBB2_1-.Ltmp1, $3  }
0xc0: {  	_ =	sdelay $0x1  }
0xc1: {  	[sflag:s16] =	ssyncset.done $0x0  }
0xc2: {  	[sflag:s16] =	ssyncadd.s32 $0xFFFFD800  }
0xc3: {  	_ =	sfence.sel $0x180000  }
0xc4: {  	[bflag:$0x0] =	sbarrier.arrive $0xFFFF  }
0xc5: {  	_ =	strace $0x9000004D  }
0xc6: {  	s0 =	stileid.u32;
	[bflag:$0x2] =	sbarrier.arrive $0xFFFF  }
0xc7: {  	p0 =	sne.s32 s0, $0x0;
	s0 =	rddreg [dreg:$0x4]  }
0xc8: {  	s0 =	sadd.s32 @!p0 $0x100000, s0  }
0xc9: {  	[sflag:s0] =	ssyncadd.tile.s32 @!p0 $0x1;
	_ =	shalt  }
.Lfunc_end2:
_tile_overlayer_lowered:
.L_overlay_start_2:
0xca: {  	(tag) =	ssettag $0x2  }
0xcb: {  	s0 =	rddreg [dreg:$0x0];
	s2 =	stileid.u32  }
0xcc: {  	s1 =	rddreg [dreg:$0x1];
	p0 =	sne.s32 s2, $0x0  }
0xcd: {  	s3 =	rddreg [dreg:$0x2];
	[bflag:$0x3] =	sbarrier.arrive $0xFFFF;
	s2 =	simm.s32 @!p0 $0x1C05  }
0xce: {  	[timem:s3], [sflag:s2] =	dma.local @!p0 [hbm:s0], s1  }
0xcf: {  	s0 =	simm.s32 @!p0 $0x5  }
0xd0: {  	_ =	swait.ge @!p0 [sflag:s0], s1  }
0xd1: {  	s1 =	ssub.s32 @!p0 $0x0, s1;
	[sflag:s0] =	ssyncset.done @!p0 $0x0  }
0xd2: {  	[sflag:s0] =	ssyncadd.s32 @!p0 s1  }
0xd3: {  	[bflag:$0x3] =	sbarrier.arrive $0xFFFF  }
0xd4: {  	_ =	shalt  }

// kernel: kernel.21.cloned.1.call-start
scs
__scs_entry_jumppad:
0x0: {  	(pc) =	sbr.rel $0x88, $3  }
0x1: {  	(tag) =	ssettag $0x0;
	lr =	simm.s32 $0x1  }
0x2: {  	[smem:$0x3F97] =	sst lr;
	_ =	strace $0xD0000000  }
0x3: {  	_ = 	snop  }
0x4: {  	_ = 	snop  }
0x5: {  	_ = 	snop  }
0x6: {  	_ = 	snop  }
0x7: {  	_ = 	snop  }
__scs_overlays_trampoline_lowered:
0x8: {  	[smem:$0x3FA6] =	sst s0  }
0x9: {  	[smem:$0x3FA7] =	sst s1  }
0xa: {  	[smem:$0x3FA8] =	sst s2  }
0xb: {  	[smem:$0x3FA9] =	sst s3  }
0xc: {  	[smem:$0x3FAA] =	sst s4  }
0xd: {  	[smem:$0x3FAB] =	sst s5  }
0xe: {  	[smem:$0x3FAC] =	sst s6  }
0xf: {  	[smem:$0x3FAD] =	sst s7  }
0x10: {  	[smem:$0x3FAE] =	sst s8  }
0x11: {  	[smem:$0x3FAF] =	sst s9;
	s0 =	simm.s32 @!p0 $0x0  }
0x12: {  	s1 =	sld [smem:$0x3F95];
	s0 =	simm.s32 @p0 $0x1  }
0x13: {  	[smem:$0x3FB0] =	sst s0;
	s0 =	simm.s32 @!p1 $0x0  }
0x14: {  	s2 =	sld [smem:$0x3F94];
	s0 =	simm.s32 @p1 $0x1  }
0x15: {  	[smem:$0x3FB1] =	sst s0;
	s0 =	simm.s32 @!p2 $0x0  }
0x16: {  	s3 =	sld [smem:$0x3FDB];
	s0 =	simm.s32 @p2 $0x1  }
0x17: {  	s4 =	simm.s32 $0x1BF5;
	[smem:$0x3FB3] =	sst s0  }
0x18: {  	s0 =	sld [smem:$0x3F96];
	_ =	swait.ge [sflag:s4], $0x0  }
0x19: {  	s7 =	sld [smem:$0x3F97]  }
0x1a: {  	s8 =	sadd.s32 $0xFFFFE003, lr  }
0x1b: {  	s9 =	sadd.s32 $0xFFFFFEF7, lr;
	s5 =	simm.s32 $0xFFFFFFFF;
	p2 =	slt.u32 s8, $0xFFFFF086  }
0x1c: {  	p1 =	slt.u32 s9, $0xF7A;
	s5 =	simm.s32 @!p2 $0x0  }
0x1d: {  	s5 =	simm.s32 @p1 $0x1;
	p0 =	seq.s32 s7, s2  }
0x1e: {  	s7 =	smul.u32 @!p0 $0xF7A, s2;
	p2 =	seq.s32 @!p0 s5, $0x0  }
0x1f: {  	s9 =	smul.u32 $0xF7A, s1;
	s8 =	simm.s32 @!p0 $0x1BF5;
	p2 =	por !p2, p0  }
0x20: {  	[sflag:s8] =	ssyncset.s32 @!p0 $0xFFFFF086;
	s6 =	sadd.s32 @!p0 s3, s7;
	s7 =	simm.s32 @!p0 $0x108  }
0x21: {  	s3 =	sadd.s32 s3, s9;
	s6 =	sadd.s32 @!p0 $0x88, s6;
	s7 =	simm.s32 @p2 $0x1082  }
0x22: {  	[simem:s7], [sflag:s8] =	dma.local @!p0 [hbm:s6], $0xF7A  }
0x23: {  	s9 =	sor.u32 $0xD0000000, s2;
	s6 =	simm.s32 $0x108;
	_ =	swait.ge @!p0 [sflag:s8], $0x0  }
0x24: {  	s3 =	sadd.s32 $0x88, s3;
	s6 =	simm.s32 @!p1 $0x1082;
	[sflag:s4] =	ssyncset.s32 $0xFFFFF086  }
0x25: {  	[simem:s6], [sflag:s4] =	dma.local [hbm:s3], $0xF7A  }
0x26: {  	[smem:$0x3F97] =	sst s1;
	(tag) =	ssettag s2;
	_ =	strace s9  }
0x27: {  	s1 =	sld [smem:$0x3FA7]  }
0x28: {  	s2 =	sld [smem:$0x3FA8]  }
0x29: {  	s4 =	sld [smem:$0x3FAA]  }
0x2a: {  	p0 =	seq.s32 s5, $0x0;
	s5 =	sld [smem:$0x3FAB]  }
0x2b: {  	s6 =	sld [smem:$0x3FAC]  }
0x2c: {  	s7 =	sld [smem:$0x3FAD]  }
0x2d: {  	s3 =	simm.s32 $0x108;
	s8 =	sld [smem:$0x3FAE]  }
0x2e: {  	s3 =	simm.s32 @!p0 $0x1082;
	s9 =	sld [smem:$0x3FAF]  }
0x2f: {  	lr =	sadd.s32 s0, s3;
	s0 =	sld [smem:$0x3FA6]  }
0x30: {  	s3 =	sld [smem:$0x3FA9]  }
0x31: {  	[smem:$0x3FB2] =	sst s10  }
0x32: {  	s10 =	sld [smem:$0x3FB0];
	_ =	sdelay $0x3  }
0x33: {  	p0 =	seq.s32 s10, $0x1;
	s10 =	sld [smem:$0x3FB2];
	_ =	sdelay $0x3  }
0x34: {  	[smem:$0x3FB2] =	sst s10  }
0x35: {  	s10 =	sld [smem:$0x3FB1];
	_ =	sdelay $0x3  }
0x36: {  	p1 =	seq.s32 s10, $0x1;
	s10 =	sld [smem:$0x3FB2];
	_ =	sdelay $0x3  }
0x37: {  	[smem:$0x3FB2] =	sst s10  }
0x38: {  	s10 =	sld [smem:$0x3FB3]  }
0x39: {  	_ = 	snop;
	(pc) =	sbr.ind lr, $3  }
0x3a: {  	_ = 	snop  }
0x3b: {  	_ = 	snop  }
0x3c: {  	p2 =	seq.s32 s10, $0x1;
	s10 =	sld [smem:$0x3FB2]  }
0x3d: {  	_ =	shalt  }
0x3e: {  	_ =	shalt  }
0x3f: {  	_ =	shalt  }
0x40: {  	_ =	shalt  }
0x41: {  	_ =	shalt  }
0x42: {  	_ =	shalt  }
0x43: {  	_ =	shalt  }
0x44: {  	_ =	shalt  }
0x45: {  	_ =	shalt  }
0x46: {  	_ =	shalt  }
0x47: {  	_ =	shalt  }
0x48: {  	_ =	shalt  }
0x49: {  	_ =	shalt  }
0x4a: {  	_ =	shalt  }
0x4b: {  	_ =	shalt  }
0x4c: {  	_ =	shalt  }
0x4d: {  	_ =	shalt  }
0x4e: {  	_ =	shalt  }
0x4f: {  	_ =	shalt  }
0x50: {  	_ =	shalt  }
0x51: {  	_ =	shalt  }
0x52: {  	_ =	shalt  }
0x53: {  	_ =	shalt  }
0x54: {  	_ =	shalt  }
0x55: {  	_ =	shalt  }
0x56: {  	_ =	shalt  }
0x57: {  	_ =	shalt  }
0x58: {  	_ =	shalt  }
0x59: {  	_ =	shalt  }
0x5a: {  	_ =	shalt  }
0x5b: {  	_ =	shalt  }
0x5c: {  	_ =	shalt  }
0x5d: {  	_ =	shalt  }
0x5e: {  	_ =	shalt  }
0x5f: {  	_ =	shalt  }
0x60: {  	_ =	shalt  }
0x61: {  	_ =	shalt  }
0x62: {  	_ =	shalt  }
0x63: {  	_ =	shalt  }
0x64: {  	_ =	shalt  }
0x65: {  	_ =	shalt  }
0x66: {  	_ =	shalt  }
0x67: {  	_ =	shalt  }
0x68: {  	_ =	shalt  }
0x69: {  	_ =	shalt  }
0x6a: {  	_ =	shalt  }
0x6b: {  	_ =	shalt  }
0x6c: {  	_ =	shalt  }
0x6d: {  	_ =	shalt  }
0x6e: {  	_ =	shalt  }
0x6f: {  	_ =	shalt  }
0x70: {  	_ =	shalt  }
0x71: {  	_ =	shalt  }
0x72: {  	_ =	shalt  }
0x73: {  	_ =	shalt  }
0x74: {  	_ =	shalt  }
0x75: {  	_ =	shalt  }
0x76: {  	_ =	shalt  }
0x77: {  	_ =	shalt  }
0x78: {  	_ =	shalt  }
0x79: {  	_ =	shalt  }
0x7a: {  	_ =	shalt  }
0x7b: {  	_ =	shalt  }
0x7c: {  	_ =	shalt  }
0x7d: {  	_ =	shalt  }
0x7e: {  	_ =	shalt  }
0x7f: {  	_ =	shalt  }
0x80: {  	_ =	shalt  }
0x81: {  	_ =	shalt  }
0x82: {  	_ =	shalt  }
0x83: {  	_ =	shalt  }
0x84: {  	_ =	shalt  }
0x85: {  	_ =	shalt  }
0x86: {  	_ =	shalt  }
0x87: {  	_ =	shalt  }
.Lfunc_end0:
.L_simem_size_0:
called_computation.3_lowered:
.L_overlay_start_0:
0x88: {  	s2 =	sld [smem:$0x3FD9]  }
0x89: {  	s3 =	sld [smem:$0x3FFE];
	_ =	sdelay $0x1  }
0x8a: {  	s1 =	srdreg.scid  }
0x8b: {  	s0 =	sand.u32 $0x1, s1  }
0x8c: {  	s17 =	sshll.u32 s0, $0xA;
	s2 =	sadd.s32 s3, s2  }
0x8d: {  	s2 =	sadd.s32 s2, s17  }
0x8e: {  	[smem:$0x3FBE] =	sst s2  }
0x8f: {  	_ = 	snop  }
0x90: {  	s2 =	sld [smem:$0x3FD0];
	(tm) =	ssettm $0x1  }
0x91: {  	s18 =	sld [smem:$0x3FFB];
	_ =	sdelay $0x3  }
0x92: {  	_ =	strace s18  }
0x93: {  	s3 =	sld [smem:$0x3FFC];
	_ =	sdelay $0x3  }
0x94: {  	_ =	strace s3  }
0x95: {  	s3 =	sld [smem:$0x3FFD];
	_ =	sdelay $0x3  }
0x96: {  	_ =	strace s3  }
0x97: {  	_ =	strace $0x8FFFFFFF  }
0x98: {  	s19 =	sld [smem:$0x3FDB];
	_ =	sdelay $0x1  }
0x99: {  	s4 =	simm.s32 $_scs_section_size  }
0x9a: {  	s5 =	simm.s32 $_size__tile_overlayer_lowered;
	s6 =	simm.s32 $_tile_overlayer_lowered  }
0x9b: {  	s22 =	simm.s32 $0x1BFF;
	s21 =	sshll.u32 s6, $0x1;
	s3 =	sadd.s32 s4, s19  }
0x9c: {  	s7 =	simm.s32 $0x0;
	s20 =	sshll.u32 s5, $0x1;
	s5 =	sadd.s32 s21, s3  }
0x9d: {  	[timem:s7], [sflag:s22] =	dma.local [hbm:s5], s20  }
0x9e: {  	_ =	swait.ge [sflag:s22], s20  }
0x9f: {  	s4 =	ssub.s32 $0x0, s20;
	[sflag:s22] =	ssyncset.done $0x0  }
0xa0: {  	[sflag:s22] =	ssyncadd.s32 s4;
	_ =	sdelay $0x1  }
0xa1: {  	s23 =	simm.s32 $0x1B8B  }
0xa2: {  	_ =	swait.ge [sflag:s23], $0x1  }
0xa3: {  	[sflag:s23] =	ssyncset.done $0x0  }
0xa4: {  	s25 =	simm.s32 $0x1B8E;
	s24 =	sld [smem:$0x3FFE];
	[sflag:s23] =	ssyncadd.s32 $0xFFFFFFFF  }
0xa5: {  	s26 =	simm.s32 $execute0_lowered;
	[smem:$0x3FD2] =	sst s25  }
0xa6: {  	s5 =	sshll.u32 s26, $0x1;
	_ =	strace $0x8000004F;
	[dreg:$0x1] =	wrdreg $0xFFFFFFFF  }
0xa7: {  	s28 =	simm.s32 $_size_execute0_lowered;
	s3 =	sadd.s32 s3, s5;
	[dreg:$0x0] =	wrdreg $0x0  }
0xa8: {  	s5 =	sshll.u32 s28, $0x1;
	[dreg:$0x2] =	wrdreg s3  }
0xa9: {  	[dreg:$0x3] =	wrdreg s5  }
0xaa: {  	[dreg:$0x4] =	wrdreg $0xC0  }
0xab: {  	_ =	task [dreg:s7], $0x5FFFF  }
0xac: {  	[dreg:$0x1] =	wrdreg $0xFFFFFFFF  }
0xad: {  	[dreg:$0x0] =	wrdreg $0x60  }
0xae: {  	[dreg:$0x2] =	wrdreg s24  }
0xaf: {  	[dreg:$0x3] =	wrdreg s2  }
0xb0: {  	[dreg:$0x4] =	wrdreg $0x0  }
0xb1: {  	[dreg:$0x5] =	wrdreg $0xA0000  }
0xb2: {  	[dreg:$0x6] =	wrdreg $0x9  }
0xb3: {  	_ =	task.clear_ibuf [dreg:s7], $0x7FFFF;
	_ =	strace $0x9000004F  }
0xb4: {  	s29 =	simm.s32 $0x9;
	_ =	strace $0x80000051  }
0xb5: {  	_ =	swait.ge [sflag:s29], $0x1  }
0xb6: {  	[sflag:s29] =	ssyncadd.s32 $0xFFFFFFFF  }
0xb7: {  	_ =	strace $0x90000051  }
0xb8: {  	_ =	sfence  }
0xb9: {  	s30 =	sld [smem:$0x0];
	_ =	sdelay $0x2  }
0xba: {  	s31 =	sshll.u32 s1, $0xD;
	s1 =	sshrl.u32 s1, $0x2  }
0xbb: {  	s3 =	sand.u32 $0x4000, s31;
	s1 =	sadd.s32 s1, s30  }
0xbc: {  	s0 =	sor.u32 s3, s0;
	s1 =	sshll.u32 s1, $0x11  }
0xbd: {  	s0 =	sor.u32 s1, s0  }
0xbe: {  	s0 =	sadd.s32 $0x8F2B, s0  }
0xbf: {  	[sflag:s0] =	ssyncadd.remote.s32 $0x1  }
0xc0: {  	_ =	sfence.sel $0xFFFF  }
0xc1: {  	[dreg:$0x0] =	wrdreg $0xFFFFFFFF;
	(pc) =	sbr.abs _section_cstart, $3  }
0xc2: {  	[dreg:$0x1] =	wrdreg $0xFFFFFFFF  }
0xc3: {  	_ =	task.clear_ibuf [dreg:s7], $0x2FFFF;
	_ =	strace $0x9FFFFFFF  }
0xc4: {  	(tm) =	ssettm $0x7FFFFFFF  }
0xc5: {  	_ =	shalt  }
tec
execute0_lowered:
.L_overlay_start_1:
0x0: {  	(tag) =	ssettag $0x1  }
0x1: {  	s0 =	rddreg [dreg:$0x0]  }
0x2: {  	s1 =	rddreg [dreg:$0x1]  }
0x3: {  	s2 =	srdreg.scid;
	s3 =	rddreg [dreg:$0x2]  }
0x4: {  	s14 =	stileid.u32;
	s4 =	rddreg [dreg:$0x3];
	s5 =	simm.s32 $0x0  }
0x5: {  	s26 =	simm.s32 $0x14280;
	s28 =	simm.s32 $0x4;
	s29 =	simm.s32 $0x18300  }
0x6: {  	s30 =	simm.s32 $0x1;
	s31 =	simm.s32 $0x2;
	s8 =	smul.u32 $0x14000, s14  }
0x7: {  	s2 =	sand.u32 $0x1, s2;
	[smem:$0x7FF] =	sst s5;
	s12 =	smul.u32 $0x50000, s14  }
0x8: {  	s10 =	sadd.s32 $0x53600, s0;
	s16 =	sshll.u32 s14, $0x6;
	s21 =	smul.u32 $0x1400, s14  }
0x9: {  	s6 =	smul.u32 $0x140000, s2;
	s2 =	ssub.s32 $0x2, s2;
	_ =	strace $0x80000050  }
0xa: {  	[dreg:$0x5] =	wrdreg s26;
	s26 =	simm.s32 $0x14100;
	s9 =	sshrl.u32 s2, $0x1  }
0xb: {  	s11 =	sadd.s32 s8, s4;
	s13 =	sadd.s32 s8, s3;
	s17 =	sshrl.u32 s12, $0x2  }
0xc: {  	s7 =	sadd.s32 s8, s6;
	s2 =	ssub.s32 s2, s9;
	s6 =	sshrl.u32 s6, $0x3  }
0xd: {  	s18 =	sadd.s32 s17, s3;
	s9 =	sshll.u32 s14, $0x1;
	s24 =	sshrl.u32 s11, $0x3  }
0xe: {  	s17 =	sshrl.u32 s13, $0x3;
	s7 =	sshrl.u32 s7, $0x3;
	s6 =	sadd.s32 s10, s6  }
0xf: {  	s22 =	sadd.s32 $0x4000, s18;
	s19 =	sadd.s32 $0x8000, s18;
	s20 =	sadd.s32 $0xC000, s18  }
0x10: {  	s23 =	smax.u32 s2, $0x1;
	[dreg:$0xa] =	wrdreg s24;
	s24 =	simm.s32 $0x80  }
0x11: {  	s2 =	simm.s32 $0x14200;
	s0 =	sadd.s32 s7, s0;
	s7 =	sadd.s32 s10, s7  }
0x12: {  	s8 =	sadd.s32 $0x27800, s6;
	s6 =	sadd.s32 $0x10000, s18;
	s10 =	sadd.s32 s1, s21  }
0x13: {  	s18 =	sshllo.u32 s14, $0x1;
	[dreg:$0x9] =	wrdreg s23;
	s25 =	sshrl.u32 s22, $0x3  }
0x14: {  	s19 =	sshrl.u32 s19, $0x3;
	s20 =	sshrl.u32 s20, $0x3;
	s22 =	simm.s32 $0x14000  }
0x15: {  	s23 =	simm.s32 $0x3;
	[dreg:$0x6] =	wrdreg s7;
	s7 =	sor.u32 $0x1C05, s16  }
0x16: {  	s15 =	sadd.s32 $0x20, s10;
	s0 =	sadd.s32 $0xA3600, s0;
	[dreg:$0xb] =	wrdreg s25  }
0x17: {  	s16 =	simm.s32 $0x5;
	s21 =	sshrl.u32 s6, $0x3;
	[dreg:$0x7] =	wrdreg s15  }
0x18: {  	s25 =	simm.s32 $0x14300;
	[dreg:$0x8] =	wrdreg s0;
	s0 =	simm.s32 $0x0  }
.LBB2_1:
0x19: {  	s6 =	rddreg [dreg:$0x6]  }
0x1a: {  	s11 =	rddreg [dreg:$0xa]  }
0x1b: {  	[spmem:s11], [sflag:s7] =	dma.local [hbm:s6], $0x2800  }
0x1c: {  	_ =	swait.ge [sflag:s16], $0x2800  }
0x1d: {  	[sflag:s16] =	ssyncset.done $0x0  }
0x1e: {  	[sflag:s16] =	ssyncadd.s32 $0xFFFFD800  }
0x1f: {  	[spmem:s17], [sflag:s7] =	dma.local [hbm:s8], $0x800  }
0x20: {  	_ =	swait.ge [sflag:s16], $0x800  }
0x21: {  	[sflag:s16] =	ssyncset.done $0x0  }
0x22: {  	s14 =	rddreg [dreg:$0xb];
	[sflag:s16] =	ssyncadd.s32 $0xFFFFF800  }
0x23: {  	[spmem:s14], [sflag:s7] =	dma.local [hbm:s8], $0x800  }
0x24: {  	_ =	swait.ge [sflag:s16], $0x800  }
0x25: {  	[sflag:s16] =	ssyncset.done $0x0  }
0x26: {  	[sflag:s16] =	ssyncadd.s32 $0xFFFFF800  }
0x27: {  	[spmem:s19], [sflag:s7] =	dma.local [hbm:s8], $0x800  }
0x28: {  	_ =	swait.ge [sflag:s16], $0x800  }
0x29: {  	[sflag:s16] =	ssyncset.done $0x0  }
0x2a: {  	[sflag:s16] =	ssyncadd.s32 $0xFFFFF800  }
0x2b: {  	[spmem:s20], [sflag:s7] =	dma.local [hbm:s8], $0x800  }
0x2c: {  	_ =	swait.ge [sflag:s16], $0x800  }
0x2d: {  	[sflag:s16] =	ssyncset.done $0x0  }
0x2e: {  	[sflag:s16] =	ssyncadd.s32 $0xFFFFF800  }
0x2f: {  	[spmem:s21], [sflag:s7] =	dma.local [hbm:s8], $0x800  }
0x30: {  	_ =	swait.ge [sflag:s16], $0x800  }
0x31: {  	[sflag:s16] =	ssyncset.done $0x0  }
0x32: {  	[sflag:s16] =	ssyncadd.s32 $0xFFFFF800  }
0x33: {  	[bflag:$0x0] =	sbarrier.arrive $0xFFFF  }
0x34: {  	[tilespmem:s22], [sflag:$0x3] =	stream.linear.gather [hbm4b:s10+s5], $0x100, $0x38;
	[tilespmem:$0x1C300] =	vst v63  }
0x35: {  	_ =	swait.ge [sflag:s23], $0x100  }
0x36: {  	[sflag:s23] =	ssyncset.done $0x0  }
0x37: {  	[sflag:s23] =	ssyncadd.s32 $0xFFFFFF00  }
0x38: {  	[tilespmem:s25], [sflag:$0x1] =	stream.indirect.gather [spmem:s4], $0x40, s22, s24, $0xb8;
	[tilespmem:$0x1C300] =	vst v63  }
0x39: {  	v0 =	vld [tilespmem:$0x14080]  }
0x3a: {  	v1 =	vld [tilespmem:$0x14090]  }
0x3b: {  	v2 =	vld [tilespmem:$0x140A0]  }
0x3c: {  	v3 =	vld [tilespmem:$0x140B0]  }
0x3d: {  	v4 =	vld [tilespmem:$0x140C0]  }
0x3e: {  	[tilespmem:$0x14200] =	vst v0;
	v0 =	vld [tilespmem:$0x140D0]  }
0x3f: {  	[tilespmem:$0x14210] =	vst v1;
	v1 =	vld [tilespmem:$0x140E0]  }
0x40: {  	[tilespmem:$0x14220] =	vst v2;
	v2 =	vld [tilespmem:$0x140F0]  }
0x41: {  	[tilespmem:$0x14230] =	vst v3  }
0x42: {  	[tilespmem:$0x14240] =	vst v4  }
0x43: {  	[tilespmem:$0x14250] =	vst v0  }
0x44: {  	[tilespmem:$0x14260] =	vst v1  }
0x45: {  	s15 =	rddreg [dreg:$0x7];
	[tilespmem:$0x14270] =	vst v2  }
0x46: {  	[tilespmem:s26], [sflag:$0x4] =	stream.linear.gather [hbm4b:s15+s5], $0x100, $0x38;
	[tilespmem:$0x1C300] =	vst v63  }
0x47: {  	_ =	swait.ge [sflag:s28], $0x100  }
0x48: {  	[sflag:s28] =	ssyncset.done $0x0  }
0x49: {  	[sflag:s28] =	ssyncadd.s32 $0xFFFFFF00  }
0x4a: {  	[tilespmem:s29], [sflag:$0x2] =	stream.indirect.gather [spmem:s4], $0x40, s26, s24, $0xb8;
	[tilespmem:$0x1C300] =	vst v63  }
0x4b: {  	v0 =	vld [tilespmem:$0x141F0]  }
0x4c: {  	v1 =	vld [tilespmem:$0x141D0]  }
0x4d: {  	v2 =	vld [tilespmem:$0x141E0]  }
0x4e: {  	v3 =	vld [tilespmem:$0x141B0]  }
0x4f: {  	v4 =	vld [tilespmem:$0x141C0]  }
0x50: {  	v5 =	vld [tilespmem:$0x14180];
	[tilespmem:$0x142F0] =	vst v0  }
0x51: {  	v0 =	vld [tilespmem:$0x141A0];
	[tilespmem:$0x142D0] =	vst v1  }
0x52: {  	v1 =	vld [tilespmem:$0x14190];
	[tilespmem:$0x142E0] =	vst v2  }
0x53: {  	p0 =	por $0x1, $0x1;
	s6 =	simm.s32 $0x2;
	[tilespmem:$0x142B0] =	vst v3  }
0x54: {  	p1 =	por $0x1, $0x1;
	s11 =	smov.u32 s18;
	s6 =	simm.s32 @!p0 $0xFFFFFFB3;
	[tilespmem:$0x142C0] =	vst v4  }
0x55: {  	s11 =	smov.u32 @p1 s9;
	s6 =	sadd.s32 $0x0, s6;
	[tilespmem:$0x14280] =	vst v5  }
0x56: {  	p1 =	por $0x0, $0x0;
	s11 =	smul.u32 $0x5000, s11;
	s6 =	sshll.u32 s6, $0x8;
	[tilespmem:$0x142A0] =	vst v0  }
0x57: {  	s6 =	simm.s32 @p1 $0x4F00;
	[tilespmem:$0x14290] =	vst v1  }
0x58: {  	s6 =	sadd.s32 s6, s11;
	_ =	swait.ge [sflag:s30], $0x2000  }
0x59: {  	s6 =	sshrl.u32 s6, $0x3;
	[sflag:s30] =	ssyncset.done $0x0  }
0x5a: {  	s6 =	sadd.s32 s1, s6;
	[sflag:s30] =	ssyncadd.s32 $0xFFFFE000  }
0x5b: {  	[tilespmem:s22], [sflag:$0x3] =	stream.linear.gather [hbm4b:s6+s5], $0x100, $0x38;
	[tilespmem:$0x1C300] =	vst v63  }
0x5c: {  	_ = 	snop  }
0x5d: {  	[spmem:s3] =	stream.indirect.scatter.add.f32 [tilespmem:s25], [sflag:$0x5], $0x40, s2, s24, $0xb8;
	[tilespmem:$0x1C300] =	vst v63  }
0x5e: {  	_ =	swait.ge [sflag:s16], $0x2000  }
0x5f: {  	[sflag:s16] =	ssyncset.done $0x0  }
0x60: {  	[sflag:s16] =	ssyncadd.s32 $0xFFFFE000  }
0x61: {  	_ =	swait.ge [sflag:s23], $0x100  }
0x62: {  	[sflag:s23] =	ssyncset.done $0x0  }
0x63: {  	[sflag:s23] =	ssyncadd.s32 $0xFFFFFF00  }
0x64: {  	[tilespmem:s25], [sflag:$0x1] =	stream.indirect.gather [spmem:s4], $0x40, s22, s24, $0xb8;
	[tilespmem:$0x1C300] =	vst v63  }
0x65: {  	v0 =	vld [tilespmem:$0x14080]  }
0x66: {  	v5 =	vld [tilespmem:$0x140D0]  }
0x67: {  	v4 =	vld [tilespmem:$0x140F0]  }
0x68: {  	v3 =	vld [tilespmem:$0x140E0]  }
0x69: {  	v2 =	vld [tilespmem:$0x140A0]  }
0x6a: {  	v1 =	vld [tilespmem:$0x14090];
	[tilespmem:$0x14200] =	vst v0  }
0x6b: {  	s13 =	simm.s32 $0x2;
	s11 =	simm.s32 $0x0;
	s6 =	simm.s32 $0x0;
	v0 =	vld [tilespmem:$0x140B0];
	[tilespmem:$0x14250] =	vst v5  }
.LBB2_2:
0x6c: {  	v5 =	vld [tilespmem:$0x140C0];
	s14 =	sadd.s32 $0xFFFFFF65, s6;
	[tilespmem:$0x14270] =	vst v4  }
0x6d: {  	p2 =	slt.u32 s11, $0x26;
	p3 =	slt.u32 s14, $0xFFFFFFB1;
	s14 =	simm.s32 $0x3;
	[tilespmem:$0x14260] =	vst v3  }
0x6e: {  	s12 =	smov.u32 s18;
	s14 =	simm.s32 @!p2 $0xFFFFFFB4;
	[tilespmem:$0x14220] =	vst v2  }
0x6f: {  	s12 =	smov.u32 @p3 s9;
	s14 =	sadd.s32 s6, s14;
	[tilespmem:$0x14210] =	vst v1  }
0x70: {  	s12 =	smul.u32 $0x5000, s12;
	s14 =	sshll.u32 s14, $0x8;
	[tilespmem:$0x14230] =	vst v0  }
0x71: {  	s14 =	simm.s32 @p1 $0x4F00;
	[tilespmem:$0x14240] =	vst v5  }
0x72: {  	s12 =	sadd.s32 s14, s12;
	_ =	swait.ge [sflag:s31], $0x2000  }
0x73: {  	s12 =	sshrl.u32 s12, $0x3;
	[sflag:s31] =	ssyncset.done $0x0  }
0x74: {  	s15 =	smov.u32 s13;
	s12 =	sadd.s32 s1, s12;
	[sflag:s31] =	ssyncadd.s32 $0xFFFFE000  }
0x75: {  	[tilespmem:s26], [sflag:$0x4] =	stream.linear.gather [hbm4b:s12+s5], $0x100, $0x38;
	[tilespmem:$0x1C300] =	vst v63  }
0x76: {  	s6 =	smov.u32 s15;
	s15 =	rddreg [dreg:$0x5]  }
0x77: {  	[spmem:s3] =	stream.indirect.scatter.add.f32 [tilespmem:s29], [sflag:$0x5], $0x40, s15, s24, $0xb8;
	[tilespmem:$0x1C300] =	vst v63  }
0x78: {  	_ =	swait.ge [sflag:s16], $0x2000  }
0x79: {  	[sflag:s16] =	ssyncset.done $0x0  }
0x7a: {  	[sflag:s16] =	ssyncadd.s32 $0xFFFFE000  }
0x7b: {  	_ =	swait.ge [sflag:s28], $0x100  }
0x7c: {  	[sflag:s28] =	ssyncset.done $0x0  }
0x7d: {  	[sflag:s28] =	ssyncadd.s32 $0xFFFFFF00  }
0x7e: {  	[tilespmem:s29], [sflag:$0x2] =	stream.indirect.gather [spmem:s4], $0x40, s26, s24, $0xb8;
	[tilespmem:$0x1C300] =	vst v63  }
0x7f: {  	v0 =	vld [tilespmem:$0x141F0]  }
0x80: {  	v1 =	vld [tilespmem:$0x141D0]  }
0x81: {  	v2 =	vld [tilespmem:$0x141E0]  }
0x82: {  	v3 =	vld [tilespmem:$0x141B0]  }
0x83: {  	v4 =	vld [tilespmem:$0x141C0]  }
0x84: {  	v5 =	vld [tilespmem:$0x14180];
	[tilespmem:$0x142F0] =	vst v0  }
0x85: {  	v0 =	vld [tilespmem:$0x141A0];
	[tilespmem:$0x142D0] =	vst v1  }
0x86: {  	s11 =	sadd.s32 $0x1, s11;
	v1 =	vld [tilespmem:$0x14190];
	[tilespmem:$0x142E0] =	vst v2  }
0x87: {  	p1 =	slt.u32 s11, $0x27;
	s12 =	simm.s32 $0x2;
	s15 =	sadd.s32 $0xFFFFFF64, s6;
	[tilespmem:$0x142B0] =	vst v3  }
0x88: {  	s14 =	smov.u32 s18;
	s12 =	simm.s32 @!p1 $0xFFFFFFB3;
	p2 =	slt.u32 s15, $0xFFFFFFB1;
	[tilespmem:$0x142C0] =	vst v4  }
0x89: {  	s12 =	sadd.s32 s6, s12;
	s14 =	smov.u32 @p2 s9;
	[tilespmem:$0x14280] =	vst v5  }
0x8a: {  	p1 =	seq.s32 s11, $0x4E;
	s12 =	sshll.u32 s12, $0x8;
	s14 =	smul.u32 $0x5000, s14;
	[tilespmem:$0x142A0] =	vst v0  }
0x8b: {  	s12 =	simm.s32 @p1 $0x4F00;
	[tilespmem:$0x14290] =	vst v1  }
0x8c: {  	s12 =	sadd.s32 s12, s14;
	_ =	swait.ge [sflag:s30], $0x2000  }
0x8d: {  	s12 =	sshrl.u32 s12, $0x3;
	[sflag:s30] =	ssyncset.done $0x0  }
0x8e: {  	s12 =	sadd.s32 s1, s12;
	[sflag:s30] =	ssyncadd.s32 $0xFFFFE000  }
0x8f: {  	[tilespmem:s22], [sflag:$0x3] =	stream.linear.gather [hbm4b:s12+s5], $0x100, $0x38;
	[tilespmem:$0x1C300] =	vst v63  }
0x90: {  	_ = 	snop  }
0x91: {  	[spmem:s3] =	stream.indirect.scatter.add.f32 [tilespmem:s25], [sflag:$0x5], $0x40, s2, s24, $0xb8;
	[tilespmem:$0x1C300] =	vst v63  }
0x92: {  	_ =	swait.ge [sflag:s16], $0x2000  }
0x93: {  	[sflag:s16] =	ssyncset.done $0x0  }
0x94: {  	[sflag:s16] =	ssyncadd.s32 $0xFFFFE000  }
0x95: {  	_ =	swait.ge [sflag:s23], $0x100  }
0x96: {  	[sflag:s23] =	ssyncset.done $0x0  }
0x97: {  	[sflag:s23] =	ssyncadd.s32 $0xFFFFFF00  }
0x98: {  	[tilespmem:s25], [sflag:$0x1] =	stream.indirect.gather [spmem:s4], $0x40, s22, s24, $0xb8;
	[tilespmem:$0x1C300] =	vst v63  }
0x99: {  	v0 =	vld [tilespmem:$0x14080]  }
0x9a: {  	p0 =	sne.s32 s13, $0x9C;
	v5 =	vld [tilespmem:$0x140D0]  }
.Ltmp0:
0x9b: {  	v4 =	vld [tilespmem:$0x140F0];
	(pc) =	sbr.rel @p0 .LBB2_2-.Ltmp0, $4  }
0x9c: {  	v3 =	vld [tilespmem:$0x140E0]  }
0x9d: {  	v2 =	vld [tilespmem:$0x140A0]  }
0x9e: {  	v1 =	vld [tilespmem:$0x14090];
	[tilespmem:$0x14200] =	vst v0  }
0x9f: {  	s13 =	sadd.s32 $0x2, s13;
	v0 =	vld [tilespmem:$0x140B0];
	[tilespmem:$0x14250] =	vst v5  }
0xa0: {  	v5 =	vld [tilespmem:$0x140C0];
	[tilespmem:$0x14270] =	vst v4  }
0xa1: {  	s12 =	sadd.s32 $0xFFFFFF65, s6;
	p0 =	slt.u32 s11, $0x26;
	s11 =	simm.s32 $0x3;
	[tilespmem:$0x14260] =	vst v3  }
0xa2: {  	p2 =	slt.u32 s12, $0xFFFFFFB1;
	s11 =	simm.s32 @!p0 $0xFFFFFFB4;
	s12 =	smov.u32 s18;
	[tilespmem:$0x14220] =	vst v2  }
0xa3: {  	s12 =	smov.u32 @p2 s9;
	s11 =	sadd.s32 s6, s11;
	[tilespmem:$0x14210] =	vst v1  }
0xa4: {  	s12 =	smul.u32 $0x5000, s12;
	s6 =	sshll.u32 s11, $0x8;
	[tilespmem:$0x14230] =	vst v0  }
0xa5: {  	s6 =	simm.s32 @p1 $0x4F00;
	[tilespmem:$0x14240] =	vst v5  }
0xa6: {  	s6 =	sadd.s32 s6, s12;
	_ =	swait.ge [sflag:s31], $0x2000  }
0xa7: {  	s6 =	sshrl.u32 s6, $0x3;
	[sflag:s31] =	ssyncset.done $0x0  }
0xa8: {  	s6 =	sadd.s32 s1, s6;
	[sflag:s31] =	ssyncadd.s32 $0xFFFFE000  }
0xa9: {  	[tilespmem:s26], [sflag:$0x4] =	stream.linear.gather [hbm4b:s6+s5], $0x100, $0x38;
	[tilespmem:$0x1C300] =	vst v63  }
0xaa: {  	s13 =	rddreg [dreg:$0x5]  }
0xab: {  	[spmem:s3] =	stream.indirect.scatter.add.f32 [tilespmem:s29], [sflag:$0x5], $0x40, s13, s24, $0xb8;
	[tilespmem:$0x1C300] =	vst v63  }
0xac: {  	_ =	swait.ge [sflag:s16], $0x2000  }
0xad: {  	[sflag:s16] =	ssyncset.done $0x0  }
0xae: {  	[sflag:s16] =	ssyncadd.s32 $0xFFFFE000  }
0xaf: {  	_ =	swait.ge [sflag:s30], $0x2000  }
0xb0: {  	[sflag:s30] =	ssyncset.done $0x0  }
0xb1: {  	[sflag:s30] =	ssyncadd.s32 $0xFFFFE000  }
0xb2: {  	[spmem:s3] =	stream.indirect.scatter.add.f32 [tilespmem:s25], [sflag:$0x5], $0x40, s2, s24, $0xb8;
	[tilespmem:$0x1C300] =	vst v63  }
0xb3: {  	_ =	swait.ge [sflag:s16], $0x2000  }
0xb4: {  	[sflag:s16] =	ssyncset.done $0x0  }
0xb5: {  	[sflag:s16] =	ssyncadd.s32 $0xFFFFE000  }
0xb6: {  	_ =	swait.ge [sflag:s28], $0x100  }
0xb7: {  	[sflag:s28] =	ssyncset.done $0x0  }
0xb8: {  	[sflag:s28] =	ssyncadd.s32 $0xFFFFFF00  }
0xb9: {  	[bflag:$0x0] =	sbarrier.arrive $0xFFFF  }
0xba: {  	s14 =	rddreg [dreg:$0x8]  }
0xbb: {  	[hbm:s14], [sflag:s7] =	dma.local [spmem:s17], $0x2800  }
0xbc: {  	_ =	swait.ge [sflag:s16], $0x2800  }
0xbd: {  	s0 =	sadd.s32 $0x1, s0;
	s15 =	rddreg [dreg:$0x9]  }
0xbe: {  	p0 =	sne.s32 s0, s15  }
.Ltmp1:
0xbf: {  	_ = 	snop;
	(pc) =	sbr.rel @p0 .LBB2_1-.Ltmp1, $3  }
0xc0: {  	_ =	sdelay $0x1  }
0xc1: {  	[sflag:s16] =	ssyncset.done $0x0  }
0xc2: {  	[sflag:s16] =	ssyncadd.s32 $0xFFFFD800  }
0xc3: {  	_ =	sfence.sel $0x180000  }
0xc4: {  	[bflag:$0x0] =	sbarrier.arrive $0xFFFF  }
0xc5: {  	_ =	strace $0x90000050  }
0xc6: {  	s0 =	stileid.u32;
	[bflag:$0x2] =	sbarrier.arrive $0xFFFF  }
0xc7: {  	p0 =	sne.s32 s0, $0x0;
	s0 =	rddreg [dreg:$0x4]  }
0xc8: {  	s0 =	sadd.s32 @!p0 $0x100000, s0  }
0xc9: {  	[sflag:s0] =	ssyncadd.tile.s32 @!p0 $0x1;
	_ =	shalt  }
.Lfunc_end2:
_tile_overlayer_lowered:
.L_overlay_start_2:
0xca: {  	(tag) =	ssettag $0x2  }
0xcb: {  	s0 =	rddreg [dreg:$0x0];
	s2 =	stileid.u32  }
0xcc: {  	s1 =	rddreg [dreg:$0x1];
	p0 =	sne.s32 s2, $0x0  }
0xcd: {  	s3 =	rddreg [dreg:$0x2];
	[bflag:$0x3] =	sbarrier.arrive $0xFFFF;
	s2 =	simm.s32 @!p0 $0x1C05  }
0xce: {  	[timem:s3], [sflag:s2] =	dma.local @!p0 [hbm:s0], s1  }
0xcf: {  	s0 =	simm.s32 @!p0 $0x5  }
0xd0: {  	_ =	swait.ge @!p0 [sflag:s0], s1  }
0xd1: {  	s1 =	ssub.s32 @!p0 $0x0, s1;
	[sflag:s0] =	ssyncset.done @!p0 $0x0  }
0xd2: {  	[sflag:s0] =	ssyncadd.s32 @!p0 s1  }
0xd3: {  	[bflag:$0x3] =	sbarrier.arrive $0xFFFF  }
0xd4: {  	_ =	shalt  }

// kernel: kernel.24.cloned.1.call-start
scs
__scs_entry_jumppad:
0x0: {  	(pc) =	sbr.rel $0x88, $3  }
0x1: {  	(tag) =	ssettag $0x0;
	lr =	simm.s32 $0x1  }
0x2: {  	[smem:$0x3F97] =	sst lr;
	_ =	strace $0xD0000000  }
0x3: {  	_ = 	snop  }
0x4: {  	_ = 	snop  }
0x5: {  	_ = 	snop  }
0x6: {  	_ = 	snop  }
0x7: {  	_ = 	snop  }
__scs_overlays_trampoline_lowered:
0x8: {  	[smem:$0x3FA6] =	sst s0  }
0x9: {  	[smem:$0x3FA7] =	sst s1  }
0xa: {  	[smem:$0x3FA8] =	sst s2  }
0xb: {  	[smem:$0x3FA9] =	sst s3  }
0xc: {  	[smem:$0x3FAA] =	sst s4  }
0xd: {  	[smem:$0x3FAB] =	sst s5  }
0xe: {  	[smem:$0x3FAC] =	sst s6  }
0xf: {  	[smem:$0x3FAD] =	sst s7  }
0x10: {  	[smem:$0x3FAE] =	sst s8  }
0x11: {  	[smem:$0x3FAF] =	sst s9;
	s0 =	simm.s32 @!p0 $0x0  }
0x12: {  	s1 =	sld [smem:$0x3F95];
	s0 =	simm.s32 @p0 $0x1  }
0x13: {  	[smem:$0x3FB0] =	sst s0;
	s0 =	simm.s32 @!p1 $0x0  }
0x14: {  	s2 =	sld [smem:$0x3F94];
	s0 =	simm.s32 @p1 $0x1  }
0x15: {  	[smem:$0x3FB1] =	sst s0;
	s0 =	simm.s32 @!p2 $0x0  }
0x16: {  	s3 =	sld [smem:$0x3FDB];
	s0 =	simm.s32 @p2 $0x1  }
0x17: {  	s4 =	simm.s32 $0x1BF5;
	[smem:$0x3FB3] =	sst s0  }
0x18: {  	s0 =	sld [smem:$0x3F96];
	_ =	swait.ge [sflag:s4], $0x0  }
0x19: {  	s7 =	sld [smem:$0x3F97]  }
0x1a: {  	s8 =	sadd.s32 $0xFFFFE003, lr  }
0x1b: {  	s9 =	sadd.s32 $0xFFFFFEF7, lr;
	s5 =	simm.s32 $0xFFFFFFFF;
	p2 =	slt.u32 s8, $0xFFFFF086  }
0x1c: {  	p1 =	slt.u32 s9, $0xF7A;
	s5 =	simm.s32 @!p2 $0x0  }
0x1d: {  	s5 =	simm.s32 @p1 $0x1;
	p0 =	seq.s32 s7, s2  }
0x1e: {  	s7 =	smul.u32 @!p0 $0xF7A, s2;
	p2 =	seq.s32 @!p0 s5, $0x0  }
0x1f: {  	s9 =	smul.u32 $0xF7A, s1;
	s8 =	simm.s32 @!p0 $0x1BF5;
	p2 =	por !p2, p0  }
0x20: {  	[sflag:s8] =	ssyncset.s32 @!p0 $0xFFFFF086;
	s6 =	sadd.s32 @!p0 s3, s7;
	s7 =	simm.s32 @!p0 $0x108  }
0x21: {  	s3 =	sadd.s32 s3, s9;
	s6 =	sadd.s32 @!p0 $0x88, s6;
	s7 =	simm.s32 @p2 $0x1082  }
0x22: {  	[simem:s7], [sflag:s8] =	dma.local @!p0 [hbm:s6], $0xF7A  }
0x23: {  	s9 =	sor.u32 $0xD0000000, s2;
	s6 =	simm.s32 $0x108;
	_ =	swait.ge @!p0 [sflag:s8], $0x0  }
0x24: {  	s3 =	sadd.s32 $0x88, s3;
	s6 =	simm.s32 @!p1 $0x1082;
	[sflag:s4] =	ssyncset.s32 $0xFFFFF086  }
0x25: {  	[simem:s6], [sflag:s4] =	dma.local [hbm:s3], $0xF7A  }
0x26: {  	[smem:$0x3F97] =	sst s1;
	(tag) =	ssettag s2;
	_ =	strace s9  }
0x27: {  	s1 =	sld [smem:$0x3FA7]  }
0x28: {  	s2 =	sld [smem:$0x3FA8]  }
0x29: {  	s4 =	sld [smem:$0x3FAA]  }
0x2a: {  	p0 =	seq.s32 s5, $0x0;
	s5 =	sld [smem:$0x3FAB]  }
0x2b: {  	s6 =	sld [smem:$0x3FAC]  }
0x2c: {  	s7 =	sld [smem:$0x3FAD]  }
0x2d: {  	s3 =	simm.s32 $0x108;
	s8 =	sld [smem:$0x3FAE]  }
0x2e: {  	s3 =	simm.s32 @!p0 $0x1082;
	s9 =	sld [smem:$0x3FAF]  }
0x2f: {  	lr =	sadd.s32 s0, s3;
	s0 =	sld [smem:$0x3FA6]  }
0x30: {  	s3 =	sld [smem:$0x3FA9]  }
0x31: {  	[smem:$0x3FB2] =	sst s10  }
0x32: {  	s10 =	sld [smem:$0x3FB0];
	_ =	sdelay $0x3  }
0x33: {  	p0 =	seq.s32 s10, $0x1;
	s10 =	sld [smem:$0x3FB2];
	_ =	sdelay $0x3  }
0x34: {  	[smem:$0x3FB2] =	sst s10  }
0x35: {  	s10 =	sld [smem:$0x3FB1];
	_ =	sdelay $0x3  }
0x36: {  	p1 =	seq.s32 s10, $0x1;
	s10 =	sld [smem:$0x3FB2];
	_ =	sdelay $0x3  }
0x37: {  	[smem:$0x3FB2] =	sst s10  }
0x38: {  	s10 =	sld [smem:$0x3FB3]  }
0x39: {  	_ = 	snop;
	(pc) =	sbr.ind lr, $3  }
0x3a: {  	_ = 	snop  }
0x3b: {  	_ = 	snop  }
0x3c: {  	p2 =	seq.s32 s10, $0x1;
	s10 =	sld [smem:$0x3FB2]  }
0x3d: {  	_ =	shalt  }
0x3e: {  	_ =	shalt  }
0x3f: {  	_ =	shalt  }
0x40: {  	_ =	shalt  }
0x41: {  	_ =	shalt  }
0x42: {  	_ =	shalt  }
0x43: {  	_ =	shalt  }
0x44: {  	_ =	shalt  }
0x45: {  	_ =	shalt  }
0x46: {  	_ =	shalt  }
0x47: {  	_ =	shalt  }
0x48: {  	_ =	shalt  }
0x49: {  	_ =	shalt  }
0x4a: {  	_ =	shalt  }
0x4b: {  	_ =	shalt  }
0x4c: {  	_ =	shalt  }
0x4d: {  	_ =	shalt  }
0x4e: {  	_ =	shalt  }
0x4f: {  	_ =	shalt  }
0x50: {  	_ =	shalt  }
0x51: {  	_ =	shalt  }
0x52: {  	_ =	shalt  }
0x53: {  	_ =	shalt  }
0x54: {  	_ =	shalt  }
0x55: {  	_ =	shalt  }
0x56: {  	_ =	shalt  }
0x57: {  	_ =	shalt  }
0x58: {  	_ =	shalt  }
0x59: {  	_ =	shalt  }
0x5a: {  	_ =	shalt  }
0x5b: {  	_ =	shalt  }
0x5c: {  	_ =	shalt  }
0x5d: {  	_ =	shalt  }
0x5e: {  	_ =	shalt  }
0x5f: {  	_ =	shalt  }
0x60: {  	_ =	shalt  }
0x61: {  	_ =	shalt  }
0x62: {  	_ =	shalt  }
0x63: {  	_ =	shalt  }
0x64: {  	_ =	shalt  }
0x65: {  	_ =	shalt  }
0x66: {  	_ =	shalt  }
0x67: {  	_ =	shalt  }
0x68: {  	_ =	shalt  }
0x69: {  	_ =	shalt  }
0x6a: {  	_ =	shalt  }
0x6b: {  	_ =	shalt  }
0x6c: {  	_ =	shalt  }
0x6d: {  	_ =	shalt  }
0x6e: {  	_ =	shalt  }
0x6f: {  	_ =	shalt  }
0x70: {  	_ =	shalt  }
0x71: {  	_ =	shalt  }
0x72: {  	_ =	shalt  }
0x73: {  	_ =	shalt  }
0x74: {  	_ =	shalt  }
0x75: {  	_ =	shalt  }
0x76: {  	_ =	shalt  }
0x77: {  	_ =	shalt  }
0x78: {  	_ =	shalt  }
0x79: {  	_ =	shalt  }
0x7a: {  	_ =	shalt  }
0x7b: {  	_ =	shalt  }
0x7c: {  	_ =	shalt  }
0x7d: {  	_ =	shalt  }
0x7e: {  	_ =	shalt  }
0x7f: {  	_ =	shalt  }
0x80: {  	_ =	shalt  }
0x81: {  	_ =	shalt  }
0x82: {  	_ =	shalt  }
0x83: {  	_ =	shalt  }
0x84: {  	_ =	shalt  }
0x85: {  	_ =	shalt  }
0x86: {  	_ =	shalt  }
0x87: {  	_ =	shalt  }
.Lfunc_end0:
.L_simem_size_0:
called_computation.4_lowered:
.L_overlay_start_0:
0x88: {  	s2 =	sld [smem:$0x3FD9]  }
0x89: {  	s3 =	sld [smem:$0x3FFE];
	_ =	sdelay $0x1  }
0x8a: {  	s1 =	srdreg.scid  }
0x8b: {  	s0 =	sand.u32 $0x1, s1  }
0x8c: {  	s17 =	sshll.u32 s0, $0xA;
	s2 =	sadd.s32 s3, s2  }
0x8d: {  	s2 =	sadd.s32 s2, s17  }
0x8e: {  	[smem:$0x3FBE] =	sst s2  }
0x8f: {  	_ = 	snop  }
0x90: {  	s2 =	sld [smem:$0x3FD0];
	(tm) =	ssettm $0x1  }
0x91: {  	s18 =	sld [smem:$0x3FFB];
	_ =	sdelay $0x3  }
0x92: {  	_ =	strace s18  }
0x93: {  	s3 =	sld [smem:$0x3FFC];
	_ =	sdelay $0x3  }
0x94: {  	_ =	strace s3  }
0x95: {  	s3 =	sld [smem:$0x3FFD];
	_ =	sdelay $0x3  }
0x96: {  	_ =	strace s3  }
0x97: {  	_ =	strace $0x8FFFFFFF  }
0x98: {  	s19 =	sld [smem:$0x3FDB];
	_ =	sdelay $0x1  }
0x99: {  	s4 =	simm.s32 $_scs_section_size  }
0x9a: {  	s5 =	simm.s32 $_size__tile_overlayer_lowered;
	s6 =	simm.s32 $_tile_overlayer_lowered  }
0x9b: {  	s22 =	simm.s32 $0x1BFF;
	s21 =	sshll.u32 s6, $0x1;
	s3 =	sadd.s32 s4, s19  }
0x9c: {  	s7 =	simm.s32 $0x0;
	s20 =	sshll.u32 s5, $0x1;
	s5 =	sadd.s32 s21, s3  }
0x9d: {  	[timem:s7], [sflag:s22] =	dma.local [hbm:s5], s20  }
0x9e: {  	_ =	swait.ge [sflag:s22], s20  }
0x9f: {  	s4 =	ssub.s32 $0x0, s20;
	[sflag:s22] =	ssyncset.done $0x0  }
0xa0: {  	[sflag:s22] =	ssyncadd.s32 s4;
	_ =	sdelay $0x1  }
0xa1: {  	s23 =	simm.s32 $0x1B8B  }
0xa2: {  	_ =	swait.ge [sflag:s23], $0x1  }
0xa3: {  	[sflag:s23] =	ssyncset.done $0x0  }
0xa4: {  	s25 =	simm.s32 $0x1B8E;
	s24 =	sld [smem:$0x3FFE];
	[sflag:s23] =	ssyncadd.s32 $0xFFFFFFFF  }
0xa5: {  	s26 =	simm.s32 $execute0_lowered;
	[smem:$0x3FD2] =	sst s25  }
0xa6: {  	s5 =	sshll.u32 s26, $0x1;
	_ =	strace $0x80000052;
	[dreg:$0x1] =	wrdreg $0xFFFFFFFF  }
0xa7: {  	s28 =	simm.s32 $_size_execute0_lowered;
	s3 =	sadd.s32 s3, s5;
	[dreg:$0x0] =	wrdreg $0x0  }
0xa8: {  	s5 =	sshll.u32 s28, $0x1;
	[dreg:$0x2] =	wrdreg s3  }
0xa9: {  	[dreg:$0x3] =	wrdreg s5  }
0xaa: {  	[dreg:$0x4] =	wrdreg $0xC0  }
0xab: {  	_ =	task [dreg:s7], $0x5FFFF  }
0xac: {  	[dreg:$0x1] =	wrdreg $0xFFFFFFFF  }
0xad: {  	[dreg:$0x0] =	wrdreg $0x60  }
0xae: {  	[dreg:$0x2] =	wrdreg s24  }
0xaf: {  	[dreg:$0x3] =	wrdreg s2  }
0xb0: {  	[dreg:$0x4] =	wrdreg $0x0  }
0xb1: {  	[dreg:$0x5] =	wrdreg $0xA0000  }
0xb2: {  	[dreg:$0x6] =	wrdreg $0x9  }
0xb3: {  	_ =	task.clear_ibuf [dreg:s7], $0x7FFFF;
	_ =	strace $0x90000052  }
0xb4: {  	s29 =	simm.s32 $0x9;
	_ =	strace $0x80000054  }
0xb5: {  	_ =	swait.ge [sflag:s29], $0x1  }
0xb6: {  	[sflag:s29] =	ssyncadd.s32 $0xFFFFFFFF  }
0xb7: {  	_ =	strace $0x90000054  }
0xb8: {  	_ =	sfence  }
0xb9: {  	s30 =	sld [smem:$0x0];
	_ =	sdelay $0x2  }
0xba: {  	s31 =	sshll.u32 s1, $0xD;
	s1 =	sshrl.u32 s1, $0x2  }
0xbb: {  	s3 =	sand.u32 $0x4000, s31;
	s1 =	sadd.s32 s1, s30  }
0xbc: {  	s0 =	sor.u32 s3, s0;
	s1 =	sshll.u32 s1, $0x11  }
0xbd: {  	s0 =	sor.u32 s1, s0  }
0xbe: {  	s0 =	sadd.s32 $0x8F2B, s0  }
0xbf: {  	[sflag:s0] =	ssyncadd.remote.s32 $0x1  }
0xc0: {  	_ =	sfence.sel $0xFFFF  }
0xc1: {  	[dreg:$0x0] =	wrdreg $0xFFFFFFFF;
	(pc) =	sbr.abs _section_cstart, $3  }
0xc2: {  	[dreg:$0x1] =	wrdreg $0xFFFFFFFF  }
0xc3: {  	_ =	task.clear_ibuf [dreg:s7], $0x2FFFF;
	_ =	strace $0x9FFFFFFF  }
0xc4: {  	(tm) =	ssettm $0x7FFFFFFF  }
0xc5: {  	_ =	shalt  }
tec
execute0_lowered:
.L_overlay_start_1:
0x0: {  	(tag) =	ssettag $0x1  }
0x1: {  	s0 =	rddreg [dreg:$0x0]  }
0x2: {  	s1 =	rddreg [dreg:$0x1]  }
0x3: {  	s2 =	srdreg.scid;
	s3 =	rddreg [dreg:$0x2]  }
0x4: {  	s14 =	stileid.u32;
	s4 =	rddreg [dreg:$0x3];
	s5 =	simm.s32 $0x0  }
0x5: {  	s26 =	simm.s32 $0x14280;
	s28 =	simm.s32 $0x4;
	s29 =	simm.s32 $0x18300  }
0x6: {  	s30 =	simm.s32 $0x1;
	s31 =	simm.s32 $0x2;
	s8 =	smul.u32 $0x14000, s14  }
0x7: {  	s2 =	sand.u32 $0x1, s2;
	[smem:$0x7FF] =	sst s5;
	s12 =	smul.u32 $0x50000, s14  }
0x8: {  	s10 =	sadd.s32 $0x53600, s0;
	s16 =	sshll.u32 s14, $0x6;
	s21 =	smul.u32 $0x1400, s14  }
0x9: {  	s6 =	smul.u32 $0x140000, s2;
	s2 =	ssub.s32 $0x2, s2;
	_ =	strace $0x80000053  }
0xa: {  	[dreg:$0x5] =	wrdreg s26;
	s26 =	simm.s32 $0x14100;
	s9 =	sshrl.u32 s2, $0x1  }
0xb: {  	s11 =	sadd.s32 s8, s4;
	s13 =	sadd.s32 s8, s3;
	s17 =	sshrl.u32 s12, $0x2  }
0xc: {  	s7 =	sadd.s32 s8, s6;
	s2 =	ssub.s32 s2, s9;
	s6 =	sshrl.u32 s6, $0x3  }
0xd: {  	s18 =	sadd.s32 s17, s3;
	s9 =	sshll.u32 s14, $0x1;
	s24 =	sshrl.u32 s11, $0x3  }
0xe: {  	s17 =	sshrl.u32 s13, $0x3;
	s7 =	sshrl.u32 s7, $0x3;
	s6 =	sadd.s32 s10, s6  }
0xf: {  	s22 =	sadd.s32 $0x4000, s18;
	s19 =	sadd.s32 $0x8000, s18;
	s20 =	sadd.s32 $0xC000, s18  }
0x10: {  	s23 =	smax.u32 s2, $0x1;
	[dreg:$0xa] =	wrdreg s24;
	s24 =	simm.s32 $0x80  }
0x11: {  	s2 =	simm.s32 $0x14200;
	s0 =	sadd.s32 s7, s0;
	s7 =	sadd.s32 s10, s7  }
0x12: {  	s8 =	sadd.s32 $0x27800, s6;
	s6 =	sadd.s32 $0x10000, s18;
	s10 =	sadd.s32 s1, s21  }
0x13: {  	s18 =	sshllo.u32 s14, $0x1;
	[dreg:$0x9] =	wrdreg s23;
	s25 =	sshrl.u32 s22, $0x3  }
0x14: {  	s19 =	sshrl.u32 s19, $0x3;
	s20 =	sshrl.u32 s20, $0x3;
	s22 =	simm.s32 $0x14000  }
0x15: {  	s23 =	simm.s32 $0x3;
	[dreg:$0x6] =	wrdreg s7;
	s7 =	sor.u32 $0x1C05, s16  }
0x16: {  	s15 =	sadd.s32 $0x20, s10;
	s0 =	sadd.s32 $0xA3600, s0;
	[dreg:$0xb] =	wrdreg s25  }
0x17: {  	s16 =	simm.s32 $0x5;
	s21 =	sshrl.u32 s6, $0x3;
	[dreg:$0x7] =	wrdreg s15  }
0x18: {  	s25 =	simm.s32 $0x14300;
	[dreg:$0x8] =	wrdreg s0;
	s0 =	simm.s32 $0x0  }
.LBB2_1:
0x19: {  	s6 =	rddreg [dreg:$0x6]  }
0x1a: {  	s11 =	rddreg [dreg:$0xa]  }
0x1b: {  	[spmem:s11], [sflag:s7] =	dma.local [hbm:s6], $0x2800  }
0x1c: {  	_ =	swait.ge [sflag:s16], $0x2800  }
0x1d: {  	[sflag:s16] =	ssyncset.done $0x0  }
0x1e: {  	[sflag:s16] =	ssyncadd.s32 $0xFFFFD800  }
0x1f: {  	[spmem:s17], [sflag:s7] =	dma.local [hbm:s8], $0x800  }
0x20: {  	_ =	swait.ge [sflag:s16], $0x800  }
0x21: {  	[sflag:s16] =	ssyncset.done $0x0  }
0x22: {  	s14 =	rddreg [dreg:$0xb];
	[sflag:s16] =	ssyncadd.s32 $0xFFFFF800  }
0x23: {  	[spmem:s14], [sflag:s7] =	dma.local [hbm:s8], $0x800  }
0x24: {  	_ =	swait.ge [sflag:s16], $0x800  }
0x25: {  	[sflag:s16] =	ssyncset.done $0x0  }
0x26: {  	[sflag:s16] =	ssyncadd.s32 $0xFFFFF800  }
0x27: {  	[spmem:s19], [sflag:s7] =	dma.local [hbm:s8], $0x800  }
0x28: {  	_ =	swait.ge [sflag:s16], $0x800  }
0x29: {  	[sflag:s16] =	ssyncset.done $0x0  }
0x2a: {  	[sflag:s16] =	ssyncadd.s32 $0xFFFFF800  }
0x2b: {  	[spmem:s20], [sflag:s7] =	dma.local [hbm:s8], $0x800  }
0x2c: {  	_ =	swait.ge [sflag:s16], $0x800  }
0x2d: {  	[sflag:s16] =	ssyncset.done $0x0  }
0x2e: {  	[sflag:s16] =	ssyncadd.s32 $0xFFFFF800  }
0x2f: {  	[spmem:s21], [sflag:s7] =	dma.local [hbm:s8], $0x800  }
0x30: {  	_ =	swait.ge [sflag:s16], $0x800  }
0x31: {  	[sflag:s16] =	ssyncset.done $0x0  }
0x32: {  	[sflag:s16] =	ssyncadd.s32 $0xFFFFF800  }
0x33: {  	[bflag:$0x0] =	sbarrier.arrive $0xFFFF  }
0x34: {  	[tilespmem:s22], [sflag:$0x3] =	stream.linear.gather [hbm4b:s10+s5], $0x100, $0x38;
	[tilespmem:$0x1C300] =	vst v63  }
0x35: {  	_ =	swait.ge [sflag:s23], $0x100  }
0x36: {  	[sflag:s23] =	ssyncset.done $0x0  }
0x37: {  	[sflag:s23] =	ssyncadd.s32 $0xFFFFFF00  }
0x38: {  	[tilespmem:s25], [sflag:$0x1] =	stream.indirect.gather [spmem:s4], $0x40, s22, s24, $0xb8;
	[tilespmem:$0x1C300] =	vst v63  }
0x39: {  	v0 =	vld [tilespmem:$0x14080]  }
0x3a: {  	v1 =	vld [tilespmem:$0x14090]  }
0x3b: {  	v2 =	vld [tilespmem:$0x140A0]  }
0x3c: {  	v3 =	vld [tilespmem:$0x140B0]  }
0x3d: {  	v4 =	vld [tilespmem:$0x140C0]  }
0x3e: {  	[tilespmem:$0x14200] =	vst v0;
	v0 =	vld [tilespmem:$0x140D0]  }
0x3f: {  	[tilespmem:$0x14210] =	vst v1;
	v1 =	vld [tilespmem:$0x140E0]  }
0x40: {  	[tilespmem:$0x14220] =	vst v2;
	v2 =	vld [tilespmem:$0x140F0]  }
0x41: {  	[tilespmem:$0x14230] =	vst v3  }
0x42: {  	[tilespmem:$0x14240] =	vst v4  }
0x43: {  	[tilespmem:$0x14250] =	vst v0  }
0x44: {  	[tilespmem:$0x14260] =	vst v1  }
0x45: {  	s15 =	rddreg [dreg:$0x7];
	[tilespmem:$0x14270] =	vst v2  }
0x46: {  	[tilespmem:s26], [sflag:$0x4] =	stream.linear.gather [hbm4b:s15+s5], $0x100, $0x38;
	[tilespmem:$0x1C300] =	vst v63  }
0x47: {  	_ =	swait.ge [sflag:s28], $0x100  }
0x48: {  	[sflag:s28] =	ssyncset.done $0x0  }
0x49: {  	[sflag:s28] =	ssyncadd.s32 $0xFFFFFF00  }
0x4a: {  	[tilespmem:s29], [sflag:$0x2] =	stream.indirect.gather [spmem:s4], $0x40, s26, s24, $0xb8;
	[tilespmem:$0x1C300] =	vst v63  }
0x4b: {  	v0 =	vld [tilespmem:$0x141F0]  }
0x4c: {  	v1 =	vld [tilespmem:$0x141D0]  }
0x4d: {  	v2 =	vld [tilespmem:$0x141E0]  }
0x4e: {  	v3 =	vld [tilespmem:$0x141B0]  }
0x4f: {  	v4 =	vld [tilespmem:$0x141C0]  }
0x50: {  	v5 =	vld [tilespmem:$0x14180];
	[tilespmem:$0x142F0] =	vst v0  }
0x51: {  	v0 =	vld [tilespmem:$0x141A0];
	[tilespmem:$0x142D0] =	vst v1  }
0x52: {  	v1 =	vld [tilespmem:$0x14190];
	[tilespmem:$0x142E0] =	vst v2  }
0x53: {  	p0 =	por $0x1, $0x1;
	s6 =	simm.s32 $0x2;
	[tilespmem:$0x142B0] =	vst v3  }
0x54: {  	p1 =	por $0x1, $0x1;
	s11 =	smov.u32 s18;
	s6 =	simm.s32 @!p0 $0xFFFFFFB3;
	[tilespmem:$0x142C0] =	vst v4  }
0x55: {  	s11 =	smov.u32 @p1 s9;
	s6 =	sadd.s32 $0x0, s6;
	[tilespmem:$0x14280] =	vst v5  }
0x56: {  	p1 =	por $0x0, $0x0;
	s11 =	smul.u32 $0x5000, s11;
	s6 =	sshll.u32 s6, $0x8;
	[tilespmem:$0x142A0] =	vst v0  }
0x57: {  	s6 =	simm.s32 @p1 $0x4F00;
	[tilespmem:$0x14290] =	vst v1  }
0x58: {  	s6 =	sadd.s32 s6, s11;
	_ =	swait.ge [sflag:s30], $0x2000  }
0x59: {  	s6 =	sshrl.u32 s6, $0x3;
	[sflag:s30] =	ssyncset.done $0x0  }
0x5a: {  	s6 =	sadd.s32 s1, s6;
	[sflag:s30] =	ssyncadd.s32 $0xFFFFE000  }
0x5b: {  	[tilespmem:s22], [sflag:$0x3] =	stream.linear.gather [hbm4b:s6+s5], $0x100, $0x38;
	[tilespmem:$0x1C300] =	vst v63  }
0x5c: {  	_ = 	snop  }
0x5d: {  	[spmem:s3] =	stream.indirect.scatter.add.f32 [tilespmem:s25], [sflag:$0x5], $0x40, s2, s24, $0xb8;
	[tilespmem:$0x1C300] =	vst v63  }
0x5e: {  	_ =	swait.ge [sflag:s16], $0x2000  }
0x5f: {  	[sflag:s16] =	ssyncset.done $0x0  }
0x60: {  	[sflag:s16] =	ssyncadd.s32 $0xFFFFE000  }
0x61: {  	_ =	swait.ge [sflag:s23], $0x100  }
0x62: {  	[sflag:s23] =	ssyncset.done $0x0  }
0x63: {  	[sflag:s23] =	ssyncadd.s32 $0xFFFFFF00  }
0x64: {  	[tilespmem:s25], [sflag:$0x1] =	stream.indirect.gather [spmem:s4], $0x40, s22, s24, $0xb8;
	[tilespmem:$0x1C300] =	vst v63  }
0x65: {  	v0 =	vld [tilespmem:$0x14080]  }
0x66: {  	v5 =	vld [tilespmem:$0x140D0]  }
0x67: {  	v4 =	vld [tilespmem:$0x140F0]  }
0x68: {  	v3 =	vld [tilespmem:$0x140E0]  }
0x69: {  	v2 =	vld [tilespmem:$0x140A0]  }
0x6a: {  	v1 =	vld [tilespmem:$0x14090];
	[tilespmem:$0x14200] =	vst v0  }
0x6b: {  	s13 =	simm.s32 $0x2;
	s11 =	simm.s32 $0x0;
	s6 =	simm.s32 $0x0;
	v0 =	vld [tilespmem:$0x140B0];
	[tilespmem:$0x14250] =	vst v5  }
.LBB2_2:
0x6c: {  	v5 =	vld [tilespmem:$0x140C0];
	s14 =	sadd.s32 $0xFFFFFF65, s6;
	[tilespmem:$0x14270] =	vst v4  }
0x6d: {  	p2 =	slt.u32 s11, $0x26;
	p3 =	slt.u32 s14, $0xFFFFFFB1;
	s14 =	simm.s32 $0x3;
	[tilespmem:$0x14260] =	vst v3  }
0x6e: {  	s12 =	smov.u32 s18;
	s14 =	simm.s32 @!p2 $0xFFFFFFB4;
	[tilespmem:$0x14220] =	vst v2  }
0x6f: {  	s12 =	smov.u32 @p3 s9;
	s14 =	sadd.s32 s6, s14;
	[tilespmem:$0x14210] =	vst v1  }
0x70: {  	s12 =	smul.u32 $0x5000, s12;
	s14 =	sshll.u32 s14, $0x8;
	[tilespmem:$0x14230] =	vst v0  }
0x71: {  	s14 =	simm.s32 @p1 $0x4F00;
	[tilespmem:$0x14240] =	vst v5  }
0x72: {  	s12 =	sadd.s32 s14, s12;
	_ =	swait.ge [sflag:s31], $0x2000  }
0x73: {  	s12 =	sshrl.u32 s12, $0x3;
	[sflag:s31] =	ssyncset.done $0x0  }
0x74: {  	s15 =	smov.u32 s13;
	s12 =	sadd.s32 s1, s12;
	[sflag:s31] =	ssyncadd.s32 $0xFFFFE000  }
0x75: {  	[tilespmem:s26], [sflag:$0x4] =	stream.linear.gather [hbm4b:s12+s5], $0x100, $0x38;
	[tilespmem:$0x1C300] =	vst v63  }
0x76: {  	s6 =	smov.u32 s15;
	s15 =	rddreg [dreg:$0x5]  }
0x77: {  	[spmem:s3] =	stream.indirect.scatter.add.f32 [tilespmem:s29], [sflag:$0x5], $0x40, s15, s24, $0xb8;
	[tilespmem:$0x1C300] =	vst v63  }
0x78: {  	_ =	swait.ge [sflag:s16], $0x2000  }
0x79: {  	[sflag:s16] =	ssyncset.done $0x0  }
0x7a: {  	[sflag:s16] =	ssyncadd.s32 $0xFFFFE000  }
0x7b: {  	_ =	swait.ge [sflag:s28], $0x100  }
0x7c: {  	[sflag:s28] =	ssyncset.done $0x0  }
0x7d: {  	[sflag:s28] =	ssyncadd.s32 $0xFFFFFF00  }
0x7e: {  	[tilespmem:s29], [sflag:$0x2] =	stream.indirect.gather [spmem:s4], $0x40, s26, s24, $0xb8;
	[tilespmem:$0x1C300] =	vst v63  }
0x7f: {  	v0 =	vld [tilespmem:$0x141F0]  }
0x80: {  	v1 =	vld [tilespmem:$0x141D0]  }
0x81: {  	v2 =	vld [tilespmem:$0x141E0]  }
0x82: {  	v3 =	vld [tilespmem:$0x141B0]  }
0x83: {  	v4 =	vld [tilespmem:$0x141C0]  }
0x84: {  	v5 =	vld [tilespmem:$0x14180];
	[tilespmem:$0x142F0] =	vst v0  }
0x85: {  	v0 =	vld [tilespmem:$0x141A0];
	[tilespmem:$0x142D0] =	vst v1  }
0x86: {  	s11 =	sadd.s32 $0x1, s11;
	v1 =	vld [tilespmem:$0x14190];
	[tilespmem:$0x142E0] =	vst v2  }
0x87: {  	p1 =	slt.u32 s11, $0x27;
	s12 =	simm.s32 $0x2;
	s15 =	sadd.s32 $0xFFFFFF64, s6;
	[tilespmem:$0x142B0] =	vst v3  }
0x88: {  	s14 =	smov.u32 s18;
	s12 =	simm.s32 @!p1 $0xFFFFFFB3;
	p2 =	slt.u32 s15, $0xFFFFFFB1;
	[tilespmem:$0x142C0] =	vst v4  }
0x89: {  	s12 =	sadd.s32 s6, s12;
	s14 =	smov.u32 @p2 s9;
	[tilespmem:$0x14280] =	vst v5  }
0x8a: {  	p1 =	seq.s32 s11, $0x4E;
	s12 =	sshll.u32 s12, $0x8;
	s14 =	smul.u32 $0x5000, s14;
	[tilespmem:$0x142A0] =	vst v0  }
0x8b: {  	s12 =	simm.s32 @p1 $0x4F00;
	[tilespmem:$0x14290] =	vst v1  }
0x8c: {  	s12 =	sadd.s32 s12, s14;
	_ =	swait.ge [sflag:s30], $0x2000  }
0x8d: {  	s12 =	sshrl.u32 s12, $0x3;
	[sflag:s30] =	ssyncset.done $0x0  }
0x8e: {  	s12 =	sadd.s32 s1, s12;
	[sflag:s30] =	ssyncadd.s32 $0xFFFFE000  }
0x8f: {  	[tilespmem:s22], [sflag:$0x3] =	stream.linear.gather [hbm4b:s12+s5], $0x100, $0x38;
	[tilespmem:$0x1C300] =	vst v63  }
0x90: {  	_ = 	snop  }
0x91: {  	[spmem:s3] =	stream.indirect.scatter.add.f32 [tilespmem:s25], [sflag:$0x5], $0x40, s2, s24, $0xb8;
	[tilespmem:$0x1C300] =	vst v63  }
0x92: {  	_ =	swait.ge [sflag:s16], $0x2000  }
0x93: {  	[sflag:s16] =	ssyncset.done $0x0  }
0x94: {  	[sflag:s16] =	ssyncadd.s32 $0xFFFFE000  }
0x95: {  	_ =	swait.ge [sflag:s23], $0x100  }
0x96: {  	[sflag:s23] =	ssyncset.done $0x0  }
0x97: {  	[sflag:s23] =	ssyncadd.s32 $0xFFFFFF00  }
0x98: {  	[tilespmem:s25], [sflag:$0x1] =	stream.indirect.gather [spmem:s4], $0x40, s22, s24, $0xb8;
	[tilespmem:$0x1C300] =	vst v63  }
0x99: {  	v0 =	vld [tilespmem:$0x14080]  }
0x9a: {  	p0 =	sne.s32 s13, $0x9C;
	v5 =	vld [tilespmem:$0x140D0]  }
.Ltmp0:
0x9b: {  	v4 =	vld [tilespmem:$0x140F0];
	(pc) =	sbr.rel @p0 .LBB2_2-.Ltmp0, $4  }
0x9c: {  	v3 =	vld [tilespmem:$0x140E0]  }
0x9d: {  	v2 =	vld [tilespmem:$0x140A0]  }
0x9e: {  	v1 =	vld [tilespmem:$0x14090];
	[tilespmem:$0x14200] =	vst v0  }
0x9f: {  	s13 =	sadd.s32 $0x2, s13;
	v0 =	vld [tilespmem:$0x140B0];
	[tilespmem:$0x14250] =	vst v5  }
0xa0: {  	v5 =	vld [tilespmem:$0x140C0];
	[tilespmem:$0x14270] =	vst v4  }
0xa1: {  	s12 =	sadd.s32 $0xFFFFFF65, s6;
	p0 =	slt.u32 s11, $0x26;
	s11 =	simm.s32 $0x3;
	[tilespmem:$0x14260] =	vst v3  }
0xa2: {  	p2 =	slt.u32 s12, $0xFFFFFFB1;
	s11 =	simm.s32 @!p0 $0xFFFFFFB4;
	s12 =	smov.u32 s18;
	[tilespmem:$0x14220] =	vst v2  }
0xa3: {  	s12 =	smov.u32 @p2 s9;
	s11 =	sadd.s32 s6, s11;
	[tilespmem:$0x14210] =	vst v1  }
0xa4: {  	s12 =	smul.u32 $0x5000, s12;
	s6 =	sshll.u32 s11, $0x8;
	[tilespmem:$0x14230] =	vst v0  }
0xa5: {  	s6 =	simm.s32 @p1 $0x4F00;
	[tilespmem:$0x14240] =	vst v5  }
0xa6: {  	s6 =	sadd.s32 s6, s12;
	_ =	swait.ge [sflag:s31], $0x2000  }
0xa7: {  	s6 =	sshrl.u32 s6, $0x3;
	[sflag:s31] =	ssyncset.done $0x0  }
0xa8: {  	s6 =	sadd.s32 s1, s6;
	[sflag:s31] =	ssyncadd.s32 $0xFFFFE000  }
0xa9: {  	[tilespmem:s26], [sflag:$0x4] =	stream.linear.gather [hbm4b:s6+s5], $0x100, $0x38;
	[tilespmem:$0x1C300] =	vst v63  }
0xaa: {  	s13 =	rddreg [dreg:$0x5]  }
0xab: {  	[spmem:s3] =	stream.indirect.scatter.add.f32 [tilespmem:s29], [sflag:$0x5], $0x40, s13, s24, $0xb8;
	[tilespmem:$0x1C300] =	vst v63  }
0xac: {  	_ =	swait.ge [sflag:s16], $0x2000  }
0xad: {  	[sflag:s16] =	ssyncset.done $0x0  }
0xae: {  	[sflag:s16] =	ssyncadd.s32 $0xFFFFE000  }
0xaf: {  	_ =	swait.ge [sflag:s30], $0x2000  }
0xb0: {  	[sflag:s30] =	ssyncset.done $0x0  }
0xb1: {  	[sflag:s30] =	ssyncadd.s32 $0xFFFFE000  }
0xb2: {  	[spmem:s3] =	stream.indirect.scatter.add.f32 [tilespmem:s25], [sflag:$0x5], $0x40, s2, s24, $0xb8;
	[tilespmem:$0x1C300] =	vst v63  }
0xb3: {  	_ =	swait.ge [sflag:s16], $0x2000  }
0xb4: {  	[sflag:s16] =	ssyncset.done $0x0  }
0xb5: {  	[sflag:s16] =	ssyncadd.s32 $0xFFFFE000  }
0xb6: {  	_ =	swait.ge [sflag:s28], $0x100  }
0xb7: {  	[sflag:s28] =	ssyncset.done $0x0  }
0xb8: {  	[sflag:s28] =	ssyncadd.s32 $0xFFFFFF00  }
0xb9: {  	[bflag:$0x0] =	sbarrier.arrive $0xFFFF  }
0xba: {  	s14 =	rddreg [dreg:$0x8]  }
0xbb: {  	[hbm:s14], [sflag:s7] =	dma.local [spmem:s17], $0x2800  }
0xbc: {  	_ =	swait.ge [sflag:s16], $0x2800  }
0xbd: {  	s0 =	sadd.s32 $0x1, s0;
	s15 =	rddreg [dreg:$0x9]  }
0xbe: {  	p0 =	sne.s32 s0, s15  }
.Ltmp1:
0xbf: {  	_ = 	snop;
	(pc) =	sbr.rel @p0 .LBB2_1-.Ltmp1, $3  }
0xc0: {  	_ =	sdelay $0x1  }
0xc1: {  	[sflag:s16] =	ssyncset.done $0x0  }
0xc2: {  	[sflag:s16] =	ssyncadd.s32 $0xFFFFD800  }
0xc3: {  	_ =	sfence.sel $0x180000  }
0xc4: {  	[bflag:$0x0] =	sbarrier.arrive $0xFFFF  }
0xc5: {  	_ =	strace $0x90000053  }
0xc6: {  	s0 =	stileid.u32;
	[bflag:$0x2] =	sbarrier.arrive $0xFFFF  }
0xc7: {  	p0 =	sne.s32 s0, $0x0;
	s0 =	rddreg [dreg:$0x4]  }
0xc8: {  	s0 =	sadd.s32 @!p0 $0x100000, s0  }
0xc9: {  	[sflag:s0] =	ssyncadd.tile.s32 @!p0 $0x1;
	_ =	shalt  }
.Lfunc_end2:
_tile_overlayer_lowered:
.L_overlay_start_2:
0xca: {  	(tag) =	ssettag $0x2  }
0xcb: {  	s0 =	rddreg [dreg:$0x0];
	s2 =	stileid.u32  }
0xcc: {  	s1 =	rddreg [dreg:$0x1];
	p0 =	sne.s32 s2, $0x0  }
0xcd: {  	s3 =	rddreg [dreg:$0x2];
	[bflag:$0x3] =	sbarrier.arrive $0xFFFF;
	s2 =	simm.s32 @!p0 $0x1C05  }
0xce: {  	[timem:s3], [sflag:s2] =	dma.local @!p0 [hbm:s0], s1  }
0xcf: {  	s0 =	simm.s32 @!p0 $0x5  }
0xd0: {  	_ =	swait.ge @!p0 [sflag:s0], s1  }
0xd1: {  	s1 =	ssub.s32 @!p0 $0x0, s1;
	[sflag:s0] =	ssyncset.done @!p0 $0x0  }
0xd2: {  	[sflag:s0] =	ssyncadd.s32 @!p0 s1  }
0xd3: {  	[bflag:$0x3] =	sbarrier.arrive $0xFFFF  }
0xd4: {  	_ =	shalt  }

</sc_bundles>
